<compile_context>
chip_gen: v7x
topology: tpu7x:2x2x1
jax: 0.10.2.dev20260603
libtpu: 0.0.44.dev20260713+nightly
codegen_flags: <defaults>
</compile_context>

<pallas_src>
import math

import jax
import jax.numpy as jnp
from jax import lax
from jax.experimental import pallas as pl
from jax.experimental.pallas import tpu as pltpu
from jax.experimental.pallas import tpu_sc as plsc

D_MODEL = 64
SCALE = math.sqrt(D_MODEL)
NC, NS = 2, 16
NW = NC * NS
CHUNK = 128
NBUF = 4
LOOKAHEAD = 2
L = 16


def _tformat_body(tt_hbm, tail_hbm, wide_hbm, in0, in1, tb0, tb1,
                  gs0, gs1, ss0, ss1):
    wid = lax.axis_index("s") * NC + lax.axis_index("c")
    vocab = tt_hbm.shape[1]
    nch = vocab // CHUNK
    tail = vocab - nch * CHUNK
    total = nch + (1 if tail else 0)
    per = total // NW
    extra = total - per * NW
    mine = per + jnp.where(wid < extra, 1, 0)
    ins, tbs, gss, sss = (in0, in1), (tb0, tb1), (gs0, gs1), (ss0, ss1)
    iota = lax.iota(jnp.int32, L)
    last = total - 1

    def c0_of(c):
        return jnp.where(c == last, vocab - CHUNK, c * CHUNK) if tail else c * CHUNK

    def start(k, b):
        c = k * NW + wid
        if tail:
            @pl.when(c == last)
            def _():
                pltpu.async_copy(tail_hbm, ins[b], gss[b])

            @pl.when(c != last)
            def _():
                pltpu.async_copy(
                    tt_hbm.at[:, pl.ds(c * CHUNK, CHUNK)], ins[b], gss[b])
        else:
            pltpu.async_copy(
                tt_hbm.at[:, pl.ds(c * CHUNK, CHUNK)], ins[b], gss[b])

    def drain(k, b):
        c = k * NW + wid
        c0 = c0_of(c)
        pltpu.make_async_copy(tail_hbm, ins[b], gss[b]).wait()
        src, tbuf = ins[b], tbs[b]

        @plsc.parallel_loop(0, D_MODEL, step=1, unroll=16)
        def _(f):
            fvec = (f + iota) & (D_MODEL - 1)
            for t in range(CHUNK // L):
                toks = t * L + iota
                vals = plsc.load_gather(src, [fvec, toks]) * SCALE
                plsc.store_scatter(tbuf, [toks >> 1, (toks & 1) * D_MODEL + fvec],
                                   vals)

        row0 = pl.multiple_of(c0 // 2, 8)
        pltpu.async_copy(
            tbuf, wide_hbm.at[pl.ds(row0, CHUNK // 2), :], sss[b])

    def wait_store(b):
        pltpu.make_async_copy(
            tbs[b], wide_hbm.at[pl.ds(0, CHUNK // 2), :], sss[b]).wait()

    @pl.when(mine > 0)
    def _():
        start(0, 0)

    def step(k, cur):
        for b in range(2):
            @pl.when(jnp.logical_and(lax.rem(k, 2) == b, k < mine))
            def _():
                @pl.when(k + 1 < mine)
                def _():
                    start(k + 1, 1 - b)

                @pl.when(k >= 2)
                def _():
                    wait_store(b)
                drain(k, b)
        return cur

    lax.fori_loop(0, per + 1, step, jnp.int32(0))

    for b in range(2):
        @pl.when(mine > b)
        def _():
            wait_store(b)


def _gather_body(xt_hbm, wide_hbm, out_hbm, idxs_v, cbuf,
                 hbufs, bufs, tbufs, gsems, ssems):
    wid = lax.axis_index("s") * NC + lax.axis_index("c")
    seq = xt_hbm.shape[0]
    base = wid * CHUNK
    iota = lax.iota(jnp.int32, L)

    pltpu.sync_copy(xt_hbm.at[:, pl.ds(base, CHUNK)], idxs_v)

    def start_gather(j, b):
        for t in range(CHUNK // L):
            v = idxs_v[j, pl.ds(t * L, L)]
            hbufs[b][pl.ds(t * L, L)] = lax.shift_right_logical(v, 1)
        pltpu.async_copy(wide_hbm.at[hbufs[b]], bufs[b], gsems[b])

    def wait_gather(b):
        pltpu.make_async_copy(wide_hbm.at[hbufs[b]], bufs[b], gsems[b]).wait()

    def start_scatter(j, b):
        pltpu.async_copy(tbufs[b], out_hbm.at[j, :, pl.ds(base, CHUNK)], ssems[b])

    def wait_scatter(j, b):
        pltpu.make_async_copy(
            tbufs[b], out_hbm.at[j, :, pl.ds(base, CHUNK)], ssems[b]).wait()

    def process(j, b):
        cbs = []
        for t in range(CHUNK // L):
            v = idxs_v[j, pl.ds(t * L, L)]
            cbs.append((v & 1) * D_MODEL)
        buf, tbuf = bufs[b], tbufs[b]

        @plsc.parallel_loop(0, D_MODEL, step=1, unroll=16)
        def _(f):
            fvec = (f + iota) & (D_MODEL - 1)
            for t in range(CHUNK // L):
                rows = t * L + iota
                vals = plsc.load_gather(buf, [rows, cbs[t] + fvec])
                plsc.store_scatter(tbuf, [fvec, rows], vals)

    for k in range(LOOKAHEAD):
        start_gather(k, k)

    def outer(o, cur):
        for b in range(NBUF):
            j = o * NBUF + b
            pb = (b + LOOKAHEAD) % NBUF
            jp = j + LOOKAHEAD

            @pl.when(jnp.logical_and(jp < seq, jp >= NBUF))
            def _():
                wait_scatter(jp - NBUF, pb)

            @pl.when(jp < seq)
            def _():
                start_gather(jp, pb)

            wait_gather(b)
            process(j, b)
            start_scatter(j, b)
        return cur

    lax.fori_loop(0, seq // NBUF, outer, jnp.int32(0))

    for b in range(NBUF):
        wait_scatter(seq - NBUF + b, b)


def kernel(x, table):
    n_batch, seq = x.shape
    vocab = table.shape[0]
    xt = x.astype(jnp.int32).T
    tt = table.T
    tail_t = table[vocab - CHUNK:].T
    mesh = plsc.VectorSubcoreMesh(core_axis_name="c", subcore_axis_name="s")
    params = pltpu.CompilerParams(needs_layout_passes=False)

    wide = pl.kernel(
        _tformat_body,
        out_type=jax.ShapeDtypeStruct((vocab // 2, 2 * D_MODEL), jnp.float32),
        mesh=mesh,
        compiler_params=params,
        scratch_types=[pltpu.VMEM((D_MODEL, CHUNK), jnp.float32)] * 2
                      + [pltpu.VMEM((CHUNK // 2, 2 * D_MODEL), jnp.float32)] * 2
                      + [pltpu.SemaphoreType.DMA] * 4,
    )(tt, tail_t)

    def body(xt_hbm, wide_hbm, out_hbm, idxs_v, cbuf,
             h0, h1, h2, h3, b0, b1, b2, b3, t0, t1, t2_, t3,
             g0, g1, g2, g3, s0, s1, s2, s3):
        _gather_body(xt_hbm, wide_hbm, out_hbm, idxs_v, cbuf,
                     (h0, h1, h2, h3), (b0, b1, b2, b3), (t0, t1, t2_, t3),
                     (g0, g1, g2, g3), (s0, s1, s2, s3))

    out_t = pl.kernel(
        body,
        out_type=jax.ShapeDtypeStruct((seq, D_MODEL, n_batch), jnp.float32),
        mesh=mesh,
        compiler_params=params,
        scratch_types=[
            pltpu.VMEM((seq, CHUNK), jnp.int32),
            pltpu.VMEM((CHUNK,), jnp.int32),
        ] + [pltpu.VMEM((CHUNK,), jnp.int32)] * NBUF
          + [pltpu.VMEM((CHUNK, 2 * D_MODEL), jnp.float32)] * NBUF
          + [pltpu.VMEM((D_MODEL, CHUNK), jnp.float32)] * NBUF
          + [pltpu.SemaphoreType.DMA] * (2 * NBUF),
    )(xt, wide)
    return out_t.transpose(2, 0, 1)

# --- scband reference (transcript-rebuilt; emitter-appended) ---
"""Pipeline reference for scband-input-embeddings-65214783423118 (READ-ONLY COPY).

The authoritative reference and input builder live on the scoring server;
editing this copy changes nothing except your own understanding.
"""

import jax, jax.numpy as jnp
import numpy as np
import math

D_MODEL = 64
VOCAB_SIZE = 1000000

def setup_inputs(seed: int = 0) -> dict:
    key = jax.random.key(seed)
    k1, k2 = jax.random.split(key)
    x = jax.random.randint(k1, (4096, 200), 0, VOCAB_SIZE, dtype=jnp.int64 if jax.config.jax_enable_x64 else jnp.int32)
    table = jax.random.normal(k2, (VOCAB_SIZE, D_MODEL), dtype=jnp.float32)
    return {"x": x, "table": table}

def reference(x, table):
    # embedding lookup then scale by sqrt(d_model)
    emb = jnp.take(table, x, axis=0)
    return emb * math.sqrt(D_MODEL)

if __name__ == "__main__":
    import jax
    _d = setup_inputs()
    print(jax.jit(kernel)(*tuple(_d.values())))

</pallas_src>

<mosaic_0001>
#map = affine_map<(d0, d1) -> (0, 0)>
module attributes {stable_mosaic.version = 14 : i64} {
  func.func @_tformat_body(%arg0: i32, %arg1: i32, %arg2: memref<64x1000000xf32, #tpu.memory_space<hbm>>, %arg3: memref<64x128xf32, #tpu.memory_space<hbm>>, %arg4: memref<500000x128xf32, #tpu.memory_space<hbm>>, %arg5: memref<64x128xf32, #tpu.memory_space<vmem>>, %arg6: memref<64x128xf32, #tpu.memory_space<vmem>>, %arg7: memref<64x128xf32, #tpu.memory_space<vmem>>, %arg8: memref<64x128xf32, #tpu.memory_space<vmem>>, %arg9: memref<!tpu.dma_semaphore, #tpu.memory_space<semaphore_mem>>, %arg10: memref<!tpu.dma_semaphore, #tpu.memory_space<semaphore_mem>>, %arg11: memref<!tpu.dma_semaphore, #tpu.memory_space<semaphore_mem>>, %arg12: memref<!tpu.dma_semaphore, #tpu.memory_space<semaphore_mem>>) attributes {dimension_semantics = [#tpu.dimension_semantics<core_parallel>, #tpu.dimension_semantics<subcore_parallel>], iteration_bounds = array<i64: 2, 16>, scalar_prefetch = 0 : i64, scratch_operands = 8 : i64, tpu.core_type = #tpu.core_type<sc_vector_subcore>, window_params = [{transform_indices = #map}, {transform_indices = #map}, {transform_indices = #map}]} {
    %mul3A = arith.constant 2 : i32
    %mul3A_0 = arith.muli %arg1, %mul3A : i32
    %add3A = arith.addi %mul3A_0, %arg0 : i32
    %lt3A = arith.constant 5 : i32
    %lt3A_1 = arith.cmpi slt, %add3A, %lt3A : i32
    %jit3A = arith.constant 1 : i32
    %jit3A_2 = arith.constant 0 : i32
    %select_n3A = arith.select %lt3A_1, %jit3A, %jit3A_2 : i32
    %add3A_3 = arith.constant 244 : i32
    %add3A_4 = arith.addi %add3A_3, %select_n3A : i32
    %iota3A = tpu.iota {dimensions = array<i32: 0>} : vector<16xi32>
    %gt3A = arith.constant 0 : i32
    %gt3A_5 = arith.cmpi sgt, %add3A_4, %gt3A : i32
    %convert_element_type3A = arith.extui %gt3A_5 : i1 to i32
    %cond3A = arith.constant 0 : i32
    %cond3A_6 = arith.cmpi ne, %convert_element_type3A, %cond3A : i32
    scf.if %cond3A_6 {
      %add3A_22 = arith.constant 0 : i32
      %add3A_23 = arith.addi %add3A_22, %add3A : i32
      %eq3A = arith.constant 7812 : i32
      %eq3A_24 = arith.cmpi eq, %add3A_23, %eq3A : i32
      %convert_element_type3A_25 = arith.extui %eq3A_24 : i1 to i32
      %cond3A_26 = arith.constant 0 : i32
      %cond3A_27 = arith.cmpi ne, %convert_element_type3A_25, %cond3A_26 : i32
      scf.if %cond3A_27 {
        tpu.enqueue_dma source(%arg3 : memref<64x128xf32, #tpu.memory_space<hbm>>) target(%arg5 : memref<64x128xf32, #tpu.memory_space<vmem>>) target_semaphore(%arg9 : memref<!tpu.dma_semaphore, #tpu.memory_space<semaphore_mem>>)
      } else {
      }
      %ne3A = arith.constant 7812 : i32
      %ne3A_28 = arith.cmpi ne, %add3A_23, %ne3A : i32
      %convert_element_type3A_29 = arith.extui %ne3A_28 : i1 to i32
      %cond3A_30 = arith.constant 0 : i32
      %cond3A_31 = arith.cmpi ne, %convert_element_type3A_29, %cond3A_30 : i32
      scf.if %cond3A_31 {
        %mul3A_32 = arith.constant 128 : i32
        %mul3A_33 = arith.muli %add3A_23, %mul3A_32 : i32
        %dma_start3A = arith.constant 0 : i32
        %dma_start3A_34 = tpu.memref_slice %arg2[%dma_start3A, %mul3A_33] : memref<64x1000000xf32, #tpu.memory_space<hbm>> -> memref<64x128xf32, #tpu.memory_space<hbm>>
        %dma_start3A_35 = arith.constant 0 : i32
        %dma_start3A_36 = tpu.memref_slice %arg2[%dma_start3A_35, %mul3A_33] : memref<64x1000000xf32, #tpu.memory_space<hbm>> -> memref<64x128xf32, #tpu.memory_space<hbm>>
        tpu.enqueue_dma source(%dma_start3A_36 : memref<64x128xf32, #tpu.memory_space<hbm>>) target(%arg5 : memref<64x128xf32, #tpu.memory_space<vmem>>) target_semaphore(%arg9 : memref<!tpu.dma_semaphore, #tpu.memory_space<semaphore_mem>>)
      } else {
      }
    } else {
    }
    %scan3A = arith.constant 0 : i32
    %scan3A_7 = arith.constant 0 : i32
    %scan3A_8 = arith.constant 245 : i32
    %scan3A_9 = arith.addi %scan3A_7, %scan3A_8 : i32
    %scan3A_10 = arith.constant 1 : i32
    scf.for %scan3A_22 = %scan3A_7 to %scan3A_9 step %scan3A_10  : i32 {
      %rem3A = arith.constant 2 : i32
      %rem3A_23 = arith.remsi %scan3A_22, %rem3A : i32
      %eq3A = arith.constant 0 : i32
      %eq3A_24 = arith.cmpi eq, %rem3A_23, %eq3A : i32
      %lt3A_25 = arith.cmpi slt, %scan3A_22, %add3A_4 : i32
      %and3A = arith.andi %eq3A_24, %lt3A_25 : i1
      %convert_element_type3A_26 = arith.extui %and3A : i1 to i32
      %cond3A_27 = arith.constant 0 : i32
      %cond3A_28 = arith.cmpi ne, %convert_element_type3A_26, %cond3A_27 : i32
      scf.if %cond3A_28 {
        %add3A_38 = arith.constant 1 : i32
        %add3A_39 = arith.addi %scan3A_22, %add3A_38 : i32
        %lt3A_40 = arith.cmpi slt, %add3A_39, %add3A_4 : i32
        %convert_element_type3A_41 = arith.extui %lt3A_40 : i1 to i32
        %cond3A_42 = arith.constant 0 : i32
        %cond3A_43 = arith.cmpi ne, %convert_element_type3A_41, %cond3A_42 : i32
        scf.if %cond3A_43 {
          %add3A_82 = arith.constant 1 : i32
          %add3A_83 = arith.addi %scan3A_22, %add3A_82 : i32
          %mul3A_84 = arith.constant 32 : i32
          %mul3A_85 = arith.muli %add3A_83, %mul3A_84 : i32
          %add3A_86 = arith.addi %mul3A_85, %add3A : i32
          %eq3A_87 = arith.constant 7812 : i32
          %eq3A_88 = arith.cmpi eq, %add3A_86, %eq3A_87 : i32
          %convert_element_type3A_89 = arith.extui %eq3A_88 : i1 to i32
          %cond3A_90 = arith.constant 0 : i32
          %cond3A_91 = arith.cmpi ne, %convert_element_type3A_89, %cond3A_90 : i32
          scf.if %cond3A_91 {
            tpu.enqueue_dma source(%arg3 : memref<64x128xf32, #tpu.memory_space<hbm>>) target(%arg6 : memref<64x128xf32, #tpu.memory_space<vmem>>) target_semaphore(%arg10 : memref<!tpu.dma_semaphore, #tpu.memory_space<semaphore_mem>>)
          } else {
          }
          %ne3A_92 = arith.constant 7812 : i32
          %ne3A_93 = arith.cmpi ne, %add3A_86, %ne3A_92 : i32
          %convert_element_type3A_94 = arith.extui %ne3A_93 : i1 to i32
          %cond3A_95 = arith.constant 0 : i32
          %cond3A_96 = arith.cmpi ne, %convert_element_type3A_94, %cond3A_95 : i32
          scf.if %cond3A_96 {
            %mul3A_97 = arith.constant 128 : i32
            %mul3A_98 = arith.muli %add3A_86, %mul3A_97 : i32
            %dma_start3A_99 = arith.constant 0 : i32
            %dma_start3A_100 = tpu.memref_slice %arg2[%dma_start3A_99, %mul3A_98] : memref<64x1000000xf32, #tpu.memory_space<hbm>> -> memref<64x128xf32, #tpu.memory_space<hbm>>
            %dma_start3A_101 = arith.constant 0 : i32
            %dma_start3A_102 = tpu.memref_slice %arg2[%dma_start3A_101, %mul3A_98] : memref<64x1000000xf32, #tpu.memory_space<hbm>> -> memref<64x128xf32, #tpu.memory_space<hbm>>
            tpu.enqueue_dma source(%dma_start3A_102 : memref<64x128xf32, #tpu.memory_space<hbm>>) target(%arg6 : memref<64x128xf32, #tpu.memory_space<vmem>>) target_semaphore(%arg10 : memref<!tpu.dma_semaphore, #tpu.memory_space<semaphore_mem>>)
          } else {
          }
        } else {
        }
        %ge3A = arith.constant 2 : i32
        %ge3A_44 = arith.cmpi sge, %scan3A_22, %ge3A : i32
        %convert_element_type3A_45 = arith.extui %ge3A_44 : i1 to i32
        %cond3A_46 = arith.constant 0 : i32
        %cond3A_47 = arith.cmpi ne, %convert_element_type3A_45, %cond3A_46 : i32
        scf.if %cond3A_47 {
          %dma_wait3A = arith.constant 0 : i32
          %dma_wait3A_82 = arith.constant 0 : i32
          %dma_wait3A_83 = tpu.memref_slice %arg4[%dma_wait3A, %dma_wait3A_82] : memref<500000x128xf32, #tpu.memory_space<hbm>> -> memref<64x128xf32, #tpu.memory_space<hbm>>
          %dma_wait3A_84 = arith.constant 0 : i32
          %dma_wait3A_85 = arith.constant 0 : i32
          %dma_wait3A_86 = tpu.memref_slice %arg4[%dma_wait3A_84, %dma_wait3A_85] : memref<500000x128xf32, #tpu.memory_space<hbm>> -> memref<64x128xf32, #tpu.memory_space<hbm>>
          tpu.wait_dma2 semaphore(%arg11 : memref<!tpu.dma_semaphore, #tpu.memory_space<semaphore_mem>>) src(%arg7 : memref<64x128xf32, #tpu.memory_space<vmem>>) dst(%dma_wait3A_86 : memref<64x128xf32, #tpu.memory_space<hbm>>)
        } else {
        }
        %mul3A_48 = arith.constant 32 : i32
        %mul3A_49 = arith.muli %scan3A_22, %mul3A_48 : i32
        %add3A_50 = arith.addi %mul3A_49, %add3A : i32
        %eq3A_51 = arith.constant 7812 : i32
        %eq3A_52 = arith.cmpi eq, %add3A_50, %eq3A_51 : i32
        %mul3A_53 = arith.constant 128 : i32
        %mul3A_54 = arith.muli %add3A_50, %mul3A_53 : i32
        %jit3A_55 = arith.constant 999872 : i32
        %select_n3A_56 = arith.select %eq3A_52, %jit3A_55, %mul3A_54 : i32
        tpu.wait_dma2 semaphore(%arg9 : memref<!tpu.dma_semaphore, #tpu.memory_space<semaphore_mem>>) src(%arg3 : memref<64x128xf32, #tpu.memory_space<hbm>>) dst(%arg5 : memref<64x128xf32, #tpu.memory_space<vmem>>)
        %parallel_loop3A = arith.constant 0 : i32
        %parallel_loop3A_57 = arith.constant 64 : i32
        %parallel_loop3A_58 = arith.constant 1 : i32
        scf.for %parallel_loop3A_82 = %parallel_loop3A to %parallel_loop3A_57 step %parallel_loop3A_58  : i32 {
          %parallel_loop3A_83 = vector.broadcast %parallel_loop3A_82 : i32 to vector<16xi32>
          %parallel_loop3A_84 = arith.addi %parallel_loop3A_83, %iota3A : vector<16xi32>
          %parallel_loop3A_85 = arith.constant 63 : i32
          %parallel_loop3A_86 = vector.broadcast %parallel_loop3A_85 : i32 to vector<16xi32>
          %parallel_loop3A_87 = arith.andi %parallel_loop3A_84, %parallel_loop3A_86 : vector<16xi32>
          %parallel_loop3A_88 = arith.constant 0 : i32
          %parallel_loop3A_89 = vector.broadcast %parallel_loop3A_88 : i32 to vector<16xi32>
          %parallel_loop3A_90 = arith.addi %parallel_loop3A_89, %iota3A : vector<16xi32>
          %parallel_loop3A_91 = tpu.vector_load_idx %arg5[%parallel_loop3A_87, %parallel_loop3A_90] : memref<64x128xf32, #tpu.memory_space<vmem>>[vector<16xi32>, vector<16xi32>], vector<16xf32>,
          %parallel_loop3A_92 = arith.constant 8.000000e+00 : f32
          %parallel_loop3A_93 = vector.broadcast %parallel_loop3A_92 : f32 to vector<16xf32>
          %parallel_loop3A_94 = arith.mulf %parallel_loop3A_91, %parallel_loop3A_93 : vector<16xf32>
          %parallel_loop3A_95 = arith.constant 1 : i32
          %parallel_loop3A_96 = vector.broadcast %parallel_loop3A_95 : i32 to vector<16xi32>
          %parallel_loop3A_97 = arith.shrsi %parallel_loop3A_90, %parallel_loop3A_96 : vector<16xi32>
          %parallel_loop3A_98 = arith.constant 1 : i32
          %parallel_loop3A_99 = vector.broadcast %parallel_loop3A_98 : i32 to vector<16xi32>
          %parallel_loop3A_100 = arith.andi %parallel_loop3A_90, %parallel_loop3A_99 : vector<16xi32>
          %parallel_loop3A_101 = arith.constant 64 : i32
          %parallel_loop3A_102 = vector.broadcast %parallel_loop3A_101 : i32 to vector<16xi32>
          %parallel_loop3A_103 = arith.muli %parallel_loop3A_100, %parallel_loop3A_102 : vector<16xi32>
          %parallel_loop3A_104 = arith.addi %parallel_loop3A_103, %parallel_loop3A_87 : vector<16xi32>
          tpu.vector_store_idx %arg7[%parallel_loop3A_97, %parallel_loop3A_104], %parallel_loop3A_94 : memref<64x128xf32, #tpu.memory_space<vmem>>[vector<16xi32>, vector<16xi32>], vector<16xf32>,
          %parallel_loop3A_105 = arith.constant 16 : i32
          %parallel_loop3A_106 = vector.broadcast %parallel_loop3A_105 : i32 to vector<16xi32>
          %parallel_loop3A_107 = arith.addi %parallel_loop3A_106, %iota3A : vector<16xi32>
          %parallel_loop3A_108 = tpu.vector_load_idx %arg5[%parallel_loop3A_87, %parallel_loop3A_107] : memref<64x128xf32, #tpu.memory_space<vmem>>[vector<16xi32>, vector<16xi32>], vector<16xf32>,
          %parallel_loop3A_109 = arith.constant 8.000000e+00 : f32
          %parallel_loop3A_110 = vector.broadcast %parallel_loop3A_109 : f32 to vector<16xf32>
          %parallel_loop3A_111 = arith.mulf %parallel_loop3A_108, %parallel_loop3A_110 : vector<16xf32>
          %parallel_loop3A_112 = arith.constant 1 : i32
          %parallel_loop3A_113 = vector.broadcast %parallel_loop3A_112 : i32 to vector<16xi32>
          %parallel_loop3A_114 = arith.shrsi %parallel_loop3A_107, %parallel_loop3A_113 : vector<16xi32>
          %parallel_loop3A_115 = arith.constant 1 : i32
          %parallel_loop3A_116 = vector.broadcast %parallel_loop3A_115 : i32 to vector<16xi32>
          %parallel_loop3A_117 = arith.andi %parallel_loop3A_107, %parallel_loop3A_116 : vector<16xi32>
          %parallel_loop3A_118 = arith.constant 64 : i32
          %parallel_loop3A_119 = vector.broadcast %parallel_loop3A_118 : i32 to vector<16xi32>
          %parallel_loop3A_120 = arith.muli %parallel_loop3A_117, %parallel_loop3A_119 : vector<16xi32>
          %parallel_loop3A_121 = arith.addi %parallel_loop3A_120, %parallel_loop3A_87 : vector<16xi32>
          tpu.vector_store_idx %arg7[%parallel_loop3A_114, %parallel_loop3A_121], %parallel_loop3A_111 : memref<64x128xf32, #tpu.memory_space<vmem>>[vector<16xi32>, vector<16xi32>], vector<16xf32>,
          %parallel_loop3A_122 = arith.constant 32 : i32
          %parallel_loop3A_123 = vector.broadcast %parallel_loop3A_122 : i32 to vector<16xi32>
          %parallel_loop3A_124 = arith.addi %parallel_loop3A_123, %iota3A : vector<16xi32>
          %parallel_loop3A_125 = tpu.vector_load_idx %arg5[%parallel_loop3A_87, %parallel_loop3A_124] : memref<64x128xf32, #tpu.memory_space<vmem>>[vector<16xi32>, vector<16xi32>], vector<16xf32>,
          %parallel_loop3A_126 = arith.constant 8.000000e+00 : f32
          %parallel_loop3A_127 = vector.broadcast %parallel_loop3A_126 : f32 to vector<16xf32>
          %parallel_loop3A_128 = arith.mulf %parallel_loop3A_125, %parallel_loop3A_127 : vector<16xf32>
          %parallel_loop3A_129 = arith.constant 1 : i32
          %parallel_loop3A_130 = vector.broadcast %parallel_loop3A_129 : i32 to vector<16xi32>
          %parallel_loop3A_131 = arith.shrsi %parallel_loop3A_124, %parallel_loop3A_130 : vector<16xi32>
          %parallel_loop3A_132 = arith.constant 1 : i32
          %parallel_loop3A_133 = vector.broadcast %parallel_loop3A_132 : i32 to vector<16xi32>
          %parallel_loop3A_134 = arith.andi %parallel_loop3A_124, %parallel_loop3A_133 : vector<16xi32>
          %parallel_loop3A_135 = arith.constant 64 : i32
          %parallel_loop3A_136 = vector.broadcast %parallel_loop3A_135 : i32 to vector<16xi32>
          %parallel_loop3A_137 = arith.muli %parallel_loop3A_134, %parallel_loop3A_136 : vector<16xi32>
          %parallel_loop3A_138 = arith.addi %parallel_loop3A_137, %parallel_loop3A_87 : vector<16xi32>
          tpu.vector_store_idx %arg7[%parallel_loop3A_131, %parallel_loop3A_138], %parallel_loop3A_128 : memref<64x128xf32, #tpu.memory_space<vmem>>[vector<16xi32>, vector<16xi32>], vector<16xf32>,
          %parallel_loop3A_139 = arith.constant 48 : i32
          %parallel_loop3A_140 = vector.broadcast %parallel_loop3A_139 : i32 to vector<16xi32>
          %parallel_loop3A_141 = arith.addi %parallel_loop3A_140, %iota3A : vector<16xi32>
          %parallel_loop3A_142 = tpu.vector_load_idx %arg5[%parallel_loop3A_87, %parallel_loop3A_141] : memref<64x128xf32, #tpu.memory_space<vmem>>[vector<16xi32>, vector<16xi32>], vector<16xf32>,
          %parallel_loop3A_143 = arith.constant 8.000000e+00 : f32
          %parallel_loop3A_144 = vector.broadcast %parallel_loop3A_143 : f32 to vector<16xf32>
          %parallel_loop3A_145 = arith.mulf %parallel_loop3A_142, %parallel_loop3A_144 : vector<16xf32>
          %parallel_loop3A_146 = arith.constant 1 : i32
          %parallel_loop3A_147 = vector.broadcast %parallel_loop3A_146 : i32 to vector<16xi32>
          %parallel_loop3A_148 = arith.shrsi %parallel_loop3A_141, %parallel_loop3A_147 : vector<16xi32>
          %parallel_loop3A_149 = arith.constant 1 : i32
          %parallel_loop3A_150 = vector.broadcast %parallel_loop3A_149 : i32 to vector<16xi32>
          %parallel_loop3A_151 = arith.andi %parallel_loop3A_141, %parallel_loop3A_150 : vector<16xi32>
          %parallel_loop3A_152 = arith.constant 64 : i32
          %parallel_loop3A_153 = vector.broadcast %parallel_loop3A_152 : i32 to vector<16xi32>
          %parallel_loop3A_154 = arith.muli %parallel_loop3A_151, %parallel_loop3A_153 : vector<16xi32>
          %parallel_loop3A_155 = arith.addi %parallel_loop3A_154, %parallel_loop3A_87 : vector<16xi32>
          tpu.vector_store_idx %arg7[%parallel_loop3A_148, %parallel_loop3A_155], %parallel_loop3A_145 : memref<64x128xf32, #tpu.memory_space<vmem>>[vector<16xi32>, vector<16xi32>], vector<16xf32>,
          %parallel_loop3A_156 = arith.constant 64 : i32
          %parallel_loop3A_157 = vector.broadcast %parallel_loop3A_156 : i32 to vector<16xi32>
          %parallel_loop3A_158 = arith.addi %parallel_loop3A_157, %iota3A : vector<16xi32>
          %parallel_loop3A_159 = tpu.vector_load_idx %arg5[%parallel_loop3A_87, %parallel_loop3A_158] : memref<64x128xf32, #tpu.memory_space<vmem>>[vector<16xi32>, vector<16xi32>], vector<16xf32>,
          %parallel_loop3A_160 = arith.constant 8.000000e+00 : f32
          %parallel_loop3A_161 = vector.broadcast %parallel_loop3A_160 : f32 to vector<16xf32>
          %parallel_loop3A_162 = arith.mulf %parallel_loop3A_159, %parallel_loop3A_161 : vector<16xf32>
          %parallel_loop3A_163 = arith.constant 1 : i32
          %parallel_loop3A_164 = vector.broadcast %parallel_loop3A_163 : i32 to vector<16xi32>
          %parallel_loop3A_165 = arith.shrsi %parallel_loop3A_158, %parallel_loop3A_164 : vector<16xi32>
          %parallel_loop3A_166 = arith.constant 1 : i32
          %parallel_loop3A_167 = vector.broadcast %parallel_loop3A_166 : i32 to vector<16xi32>
          %parallel_loop3A_168 = arith.andi %parallel_loop3A_158, %parallel_loop3A_167 : vector<16xi32>
          %parallel_loop3A_169 = arith.constant 64 : i32
          %parallel_loop3A_170 = vector.broadcast %parallel_loop3A_169 : i32 to vector<16xi32>
          %parallel_loop3A_171 = arith.muli %parallel_loop3A_168, %parallel_loop3A_170 : vector<16xi32>
          %parallel_loop3A_172 = arith.addi %parallel_loop3A_171, %parallel_loop3A_87 : vector<16xi32>
          tpu.vector_store_idx %arg7[%parallel_loop3A_165, %parallel_loop3A_172], %parallel_loop3A_162 : memref<64x128xf32, #tpu.memory_space<vmem>>[vector<16xi32>, vector<16xi32>], vector<16xf32>,
          %parallel_loop3A_173 = arith.constant 80 : i32
          %parallel_loop3A_174 = vector.broadcast %parallel_loop3A_173 : i32 to vector<16xi32>
          %parallel_loop3A_175 = arith.addi %parallel_loop3A_174, %iota3A : vector<16xi32>
          %parallel_loop3A_176 = tpu.vector_load_idx %arg5[%parallel_loop3A_87, %parallel_loop3A_175] : memref<64x128xf32, #tpu.memory_space<vmem>>[vector<16xi32>, vector<16xi32>], vector<16xf32>,
          %parallel_loop3A_177 = arith.constant 8.000000e+00 : f32
          %parallel_loop3A_178 = vector.broadcast %parallel_loop3A_177 : f32 to vector<16xf32>
          %parallel_loop3A_179 = arith.mulf %parallel_loop3A_176, %parallel_loop3A_178 : vector<16xf32>
          %parallel_loop3A_180 = arith.constant 1 : i32
          %parallel_loop3A_181 = vector.broadcast %parallel_loop3A_180 : i32 to vector<16xi32>
          %parallel_loop3A_182 = arith.shrsi %parallel_loop3A_175, %parallel_loop3A_181 : vector<16xi32>
          %parallel_loop3A_183 = arith.constant 1 : i32
          %parallel_loop3A_184 = vector.broadcast %parallel_loop3A_183 : i32 to vector<16xi32>
          %parallel_loop3A_185 = arith.andi %parallel_loop3A_175, %parallel_loop3A_184 : vector<16xi32>
          %parallel_loop3A_186 = arith.constant 64 : i32
          %parallel_loop3A_187 = vector.broadcast %parallel_loop3A_186 : i32 to vector<16xi32>
          %parallel_loop3A_188 = arith.muli %parallel_loop3A_185, %parallel_loop3A_187 : vector<16xi32>
          %parallel_loop3A_189 = arith.addi %parallel_loop3A_188, %parallel_loop3A_87 : vector<16xi32>
          tpu.vector_store_idx %arg7[%parallel_loop3A_182, %parallel_loop3A_189], %parallel_loop3A_179 : memref<64x128xf32, #tpu.memory_space<vmem>>[vector<16xi32>, vector<16xi32>], vector<16xf32>,
          %parallel_loop3A_190 = arith.constant 96 : i32
          %parallel_loop3A_191 = vector.broadcast %parallel_loop3A_190 : i32 to vector<16xi32>
          %parallel_loop3A_192 = arith.addi %parallel_loop3A_191, %iota3A : vector<16xi32>
          %parallel_loop3A_193 = tpu.vector_load_idx %arg5[%parallel_loop3A_87, %parallel_loop3A_192] : memref<64x128xf32, #tpu.memory_space<vmem>>[vector<16xi32>, vector<16xi32>], vector<16xf32>,
          %parallel_loop3A_194 = arith.constant 8.000000e+00 : f32
          %parallel_loop3A_195 = vector.broadcast %parallel_loop3A_194 : f32 to vector<16xf32>
          %parallel_loop3A_196 = arith.mulf %parallel_loop3A_193, %parallel_loop3A_195 : vector<16xf32>
          %parallel_loop3A_197 = arith.constant 1 : i32
          %parallel_loop3A_198 = vector.broadcast %parallel_loop3A_197 : i32 to vector<16xi32>
          %parallel_loop3A_199 = arith.shrsi %parallel_loop3A_192, %parallel_loop3A_198 : vector<16xi32>
          %parallel_loop3A_200 = arith.constant 1 : i32
          %parallel_loop3A_201 = vector.broadcast %parallel_loop3A_200 : i32 to vector<16xi32>
          %parallel_loop3A_202 = arith.andi %parallel_loop3A_192, %parallel_loop3A_201 : vector<16xi32>
          %parallel_loop3A_203 = arith.constant 64 : i32
          %parallel_loop3A_204 = vector.broadcast %parallel_loop3A_203 : i32 to vector<16xi32>
          %parallel_loop3A_205 = arith.muli %parallel_loop3A_202, %parallel_loop3A_204 : vector<16xi32>
          %parallel_loop3A_206 = arith.addi %parallel_loop3A_205, %parallel_loop3A_87 : vector<16xi32>
          tpu.vector_store_idx %arg7[%parallel_loop3A_199, %parallel_loop3A_206], %parallel_loop3A_196 : memref<64x128xf32, #tpu.memory_space<vmem>>[vector<16xi32>, vector<16xi32>], vector<16xf32>,
          %parallel_loop3A_207 = arith.constant 112 : i32
          %parallel_loop3A_208 = vector.broadcast %parallel_loop3A_207 : i32 to vector<16xi32>
          %parallel_loop3A_209 = arith.addi %parallel_loop3A_208, %iota3A : vector<16xi32>
          %parallel_loop3A_210 = tpu.vector_load_idx %arg5[%parallel_loop3A_87, %parallel_loop3A_209] : memref<64x128xf32, #tpu.memory_space<vmem>>[vector<16xi32>, vector<16xi32>], vector<16xf32>,
          %parallel_loop3A_211 = arith.constant 8.000000e+00 : f32
          %parallel_loop3A_212 = vector.broadcast %parallel_loop3A_211 : f32 to vector<16xf32>
          %parallel_loop3A_213 = arith.mulf %parallel_loop3A_210, %parallel_loop3A_212 : vector<16xf32>
          %parallel_loop3A_214 = arith.constant 1 : i32
          %parallel_loop3A_215 = vector.broadcast %parallel_loop3A_214 : i32 to vector<16xi32>
          %parallel_loop3A_216 = arith.shrsi %parallel_loop3A_209, %parallel_loop3A_215 : vector<16xi32>
          %parallel_loop3A_217 = arith.constant 1 : i32
          %parallel_loop3A_218 = vector.broadcast %parallel_loop3A_217 : i32 to vector<16xi32>
          %parallel_loop3A_219 = arith.andi %parallel_loop3A_209, %parallel_loop3A_218 : vector<16xi32>
          %parallel_loop3A_220 = arith.constant 64 : i32
          %parallel_loop3A_221 = vector.broadcast %parallel_loop3A_220 : i32 to vector<16xi32>
          %parallel_loop3A_222 = arith.muli %parallel_loop3A_219, %parallel_loop3A_221 : vector<16xi32>
          %parallel_loop3A_223 = arith.addi %parallel_loop3A_222, %parallel_loop3A_87 : vector<16xi32>
          tpu.vector_store_idx %arg7[%parallel_loop3A_216, %parallel_loop3A_223], %parallel_loop3A_213 : memref<64x128xf32, #tpu.memory_space<vmem>>[vector<16xi32>, vector<16xi32>], vector<16xf32>,
        } {sc.loop_unroll_factor = 16 : i64, sc.parallel_access}
        %jit3A_59 = arith.constant 2 : i32
        %div3A = arith.divsi %select_n3A_56, %jit3A_59 : i32
        %sign3A = arith.constant 0 : i32
        %sign3A_60 = arith.cmpi sgt, %select_n3A_56, %sign3A : i32
        %sign3A_61 = arith.extui %sign3A_60 : i1 to i32
        %sign3A_62 = arith.constant 0 : i32
        %sign3A_63 = arith.cmpi slt, %select_n3A_56, %sign3A_62 : i32
        %sign3A_64 = arith.extui %sign3A_63 : i1 to i32
        %sign3A_65 = arith.subi %sign3A_61, %sign3A_64 : i32
        %sign3A_66 = arith.constant 0 : i32
        %sign3A_67 = arith.cmpi sgt, %jit3A_59, %sign3A_66 : i32
        %sign3A_68 = arith.extui %sign3A_67 : i1 to i32
        %sign3A_69 = arith.constant 0 : i32
        %sign3A_70 = arith.cmpi slt, %jit3A_59, %sign3A_69 : i32
        %sign3A_71 = arith.extui %sign3A_70 : i1 to i32
        %sign3A_72 = arith.subi %sign3A_68, %sign3A_71 : i32
        %ne3A = arith.cmpi ne, %sign3A_65, %sign3A_72 : i32
        %rem3A_73 = arith.remsi %select_n3A_56, %jit3A_59 : i32
        %ne3A_74 = arith.constant 0 : i32
        %ne3A_75 = arith.cmpi ne, %rem3A_73, %ne3A_74 : i32
        %and3A_76 = arith.andi %ne3A, %ne3A_75 : i1
        %sub3A = arith.constant 1 : i32
        %sub3A_77 = arith.subi %div3A, %sub3A : i32
        %select_n3A_78 = arith.select %and3A_76, %sub3A_77, %div3A : i32
        %multiple_of3A = tpu.assume_multiple %select_n3A_78, 8 : i32
        %dma_start3A = arith.constant 0 : i32
        %dma_start3A_79 = tpu.memref_slice %arg4[%multiple_of3A, %dma_start3A] : memref<500000x128xf32, #tpu.memory_space<hbm>> -> memref<64x128xf32, #tpu.memory_space<hbm>>
        %dma_start3A_80 = arith.constant 0 : i32
        %dma_start3A_81 = tpu.memref_slice %arg4[%multiple_of3A, %dma_start3A_80] : memref<500000x128xf32, #tpu.memory_space<hbm>> -> memref<64x128xf32, #tpu.memory_space<hbm>>
        tpu.enqueue_dma source(%arg7 : memref<64x128xf32, #tpu.memory_space<vmem>>) target(%dma_start3A_81 : memref<64x128xf32, #tpu.memory_space<hbm>>) target_semaphore(%arg11 : memref<!tpu.dma_semaphore, #tpu.memory_space<semaphore_mem>>)
      } else {
      }
      %rem3A_29 = arith.constant 2 : i32
      %rem3A_30 = arith.remsi %scan3A_22, %rem3A_29 : i32
      %eq3A_31 = arith.constant 1 : i32
      %eq3A_32 = arith.cmpi eq, %rem3A_30, %eq3A_31 : i32
      %lt3A_33 = arith.cmpi slt, %scan3A_22, %add3A_4 : i32
      %and3A_34 = arith.andi %eq3A_32, %lt3A_33 : i1
      %convert_element_type3A_35 = arith.extui %and3A_34 : i1 to i32
      %cond3A_36 = arith.constant 0 : i32
      %cond3A_37 = arith.cmpi ne, %convert_element_type3A_35, %cond3A_36 : i32
      scf.if %cond3A_37 {
        %add3A_38 = arith.constant 1 : i32
        %add3A_39 = arith.addi %scan3A_22, %add3A_38 : i32
        %lt3A_40 = arith.cmpi slt, %add3A_39, %add3A_4 : i32
        %convert_element_type3A_41 = arith.extui %lt3A_40 : i1 to i32
        %cond3A_42 = arith.constant 0 : i32
        %cond3A_43 = arith.cmpi ne, %convert_element_type3A_41, %cond3A_42 : i32
        scf.if %cond3A_43 {
          %add3A_82 = arith.constant 1 : i32
          %add3A_83 = arith.addi %scan3A_22, %add3A_82 : i32
          %mul3A_84 = arith.constant 32 : i32
          %mul3A_85 = arith.muli %add3A_83, %mul3A_84 : i32
          %add3A_86 = arith.addi %mul3A_85, %add3A : i32
          %eq3A_87 = arith.constant 7812 : i32
          %eq3A_88 = arith.cmpi eq, %add3A_86, %eq3A_87 : i32
          %convert_element_type3A_89 = arith.extui %eq3A_88 : i1 to i32
          %cond3A_90 = arith.constant 0 : i32
          %cond3A_91 = arith.cmpi ne, %convert_element_type3A_89, %cond3A_90 : i32
          scf.if %cond3A_91 {
            tpu.enqueue_dma source(%arg3 : memref<64x128xf32, #tpu.memory_space<hbm>>) target(%arg5 : memref<64x128xf32, #tpu.memory_space<vmem>>) target_semaphore(%arg9 : memref<!tpu.dma_semaphore, #tpu.memory_space<semaphore_mem>>)
          } else {
          }
          %ne3A_92 = arith.constant 7812 : i32
          %ne3A_93 = arith.cmpi ne, %add3A_86, %ne3A_92 : i32
          %convert_element_type3A_94 = arith.extui %ne3A_93 : i1 to i32
          %cond3A_95 = arith.constant 0 : i32
          %cond3A_96 = arith.cmpi ne, %convert_element_type3A_94, %cond3A_95 : i32
          scf.if %cond3A_96 {
            %mul3A_97 = arith.constant 128 : i32
            %mul3A_98 = arith.muli %add3A_86, %mul3A_97 : i32
            %dma_start3A_99 = arith.constant 0 : i32
            %dma_start3A_100 = tpu.memref_slice %arg2[%dma_start3A_99, %mul3A_98] : memref<64x1000000xf32, #tpu.memory_space<hbm>> -> memref<64x128xf32, #tpu.memory_space<hbm>>
            %dma_start3A_101 = arith.constant 0 : i32
            %dma_start3A_102 = tpu.memref_slice %arg2[%dma_start3A_101, %mul3A_98] : memref<64x1000000xf32, #tpu.memory_space<hbm>> -> memref<64x128xf32, #tpu.memory_space<hbm>>
            tpu.enqueue_dma source(%dma_start3A_102 : memref<64x128xf32, #tpu.memory_space<hbm>>) target(%arg5 : memref<64x128xf32, #tpu.memory_space<vmem>>) target_semaphore(%arg9 : memref<!tpu.dma_semaphore, #tpu.memory_space<semaphore_mem>>)
          } else {
          }
        } else {
        }
        %ge3A = arith.constant 2 : i32
        %ge3A_44 = arith.cmpi sge, %scan3A_22, %ge3A : i32
        %convert_element_type3A_45 = arith.extui %ge3A_44 : i1 to i32
        %cond3A_46 = arith.constant 0 : i32
        %cond3A_47 = arith.cmpi ne, %convert_element_type3A_45, %cond3A_46 : i32
        scf.if %cond3A_47 {
          %dma_wait3A = arith.constant 0 : i32
          %dma_wait3A_82 = arith.constant 0 : i32
          %dma_wait3A_83 = tpu.memref_slice %arg4[%dma_wait3A, %dma_wait3A_82] : memref<500000x128xf32, #tpu.memory_space<hbm>> -> memref<64x128xf32, #tpu.memory_space<hbm>>
          %dma_wait3A_84 = arith.constant 0 : i32
          %dma_wait3A_85 = arith.constant 0 : i32
          %dma_wait3A_86 = tpu.memref_slice %arg4[%dma_wait3A_84, %dma_wait3A_85] : memref<500000x128xf32, #tpu.memory_space<hbm>> -> memref<64x128xf32, #tpu.memory_space<hbm>>
          tpu.wait_dma2 semaphore(%arg12 : memref<!tpu.dma_semaphore, #tpu.memory_space<semaphore_mem>>) src(%arg8 : memref<64x128xf32, #tpu.memory_space<vmem>>) dst(%dma_wait3A_86 : memref<64x128xf32, #tpu.memory_space<hbm>>)
        } else {
        }
        %mul3A_48 = arith.constant 32 : i32
        %mul3A_49 = arith.muli %scan3A_22, %mul3A_48 : i32
        %add3A_50 = arith.addi %mul3A_49, %add3A : i32
        %eq3A_51 = arith.constant 7812 : i32
        %eq3A_52 = arith.cmpi eq, %add3A_50, %eq3A_51 : i32
        %mul3A_53 = arith.constant 128 : i32
        %mul3A_54 = arith.muli %add3A_50, %mul3A_53 : i32
        %jit3A_55 = arith.constant 999872 : i32
        %select_n3A_56 = arith.select %eq3A_52, %jit3A_55, %mul3A_54 : i32
        tpu.wait_dma2 semaphore(%arg10 : memref<!tpu.dma_semaphore, #tpu.memory_space<semaphore_mem>>) src(%arg3 : memref<64x128xf32, #tpu.memory_space<hbm>>) dst(%arg6 : memref<64x128xf32, #tpu.memory_space<vmem>>)
        %parallel_loop3A = arith.constant 0 : i32
        %parallel_loop3A_57 = arith.constant 64 : i32
        %parallel_loop3A_58 = arith.constant 1 : i32
        scf.for %parallel_loop3A_82 = %parallel_loop3A to %parallel_loop3A_57 step %parallel_loop3A_58  : i32 {
          %parallel_loop3A_83 = vector.broadcast %parallel_loop3A_82 : i32 to vector<16xi32>
          %parallel_loop3A_84 = arith.addi %parallel_loop3A_83, %iota3A : vector<16xi32>
          %parallel_loop3A_85 = arith.constant 63 : i32
          %parallel_loop3A_86 = vector.broadcast %parallel_loop3A_85 : i32 to vector<16xi32>
          %parallel_loop3A_87 = arith.andi %parallel_loop3A_84, %parallel_loop3A_86 : vector<16xi32>
          %parallel_loop3A_88 = arith.constant 0 : i32
          %parallel_loop3A_89 = vector.broadcast %parallel_loop3A_88 : i32 to vector<16xi32>
          %parallel_loop3A_90 = arith.addi %parallel_loop3A_89, %iota3A : vector<16xi32>
          %parallel_loop3A_91 = tpu.vector_load_idx %arg6[%parallel_loop3A_87, %parallel_loop3A_90] : memref<64x128xf32, #tpu.memory_space<vmem>>[vector<16xi32>, vector<16xi32>], vector<16xf32>,
          %parallel_loop3A_92 = arith.constant 8.000000e+00 : f32
          %parallel_loop3A_93 = vector.broadcast %parallel_loop3A_92 : f32 to vector<16xf32>
          %parallel_loop3A_94 = arith.mulf %parallel_loop3A_91, %parallel_loop3A_93 : vector<16xf32>
          %parallel_loop3A_95 = arith.constant 1 : i32
          %parallel_loop3A_96 = vector.broadcast %parallel_loop3A_95 : i32 to vector<16xi32>
          %parallel_loop3A_97 = arith.shrsi %parallel_loop3A_90, %parallel_loop3A_96 : vector<16xi32>
          %parallel_loop3A_98 = arith.constant 1 : i32
          %parallel_loop3A_99 = vector.broadcast %parallel_loop3A_98 : i32 to vector<16xi32>
          %parallel_loop3A_100 = arith.andi %parallel_loop3A_90, %parallel_loop3A_99 : vector<16xi32>
          %parallel_loop3A_101 = arith.constant 64 : i32
          %parallel_loop3A_102 = vector.broadcast %parallel_loop3A_101 : i32 to vector<16xi32>
          %parallel_loop3A_103 = arith.muli %parallel_loop3A_100, %parallel_loop3A_102 : vector<16xi32>
          %parallel_loop3A_104 = arith.addi %parallel_loop3A_103, %parallel_loop3A_87 : vector<16xi32>
          tpu.vector_store_idx %arg8[%parallel_loop3A_97, %parallel_loop3A_104], %parallel_loop3A_94 : memref<64x128xf32, #tpu.memory_space<vmem>>[vector<16xi32>, vector<16xi32>], vector<16xf32>,
          %parallel_loop3A_105 = arith.constant 16 : i32
          %parallel_loop3A_106 = vector.broadcast %parallel_loop3A_105 : i32 to vector<16xi32>
          %parallel_loop3A_107 = arith.addi %parallel_loop3A_106, %iota3A : vector<16xi32>
          %parallel_loop3A_108 = tpu.vector_load_idx %arg6[%parallel_loop3A_87, %parallel_loop3A_107] : memref<64x128xf32, #tpu.memory_space<vmem>>[vector<16xi32>, vector<16xi32>], vector<16xf32>,
          %parallel_loop3A_109 = arith.constant 8.000000e+00 : f32
          %parallel_loop3A_110 = vector.broadcast %parallel_loop3A_109 : f32 to vector<16xf32>
          %parallel_loop3A_111 = arith.mulf %parallel_loop3A_108, %parallel_loop3A_110 : vector<16xf32>
          %parallel_loop3A_112 = arith.constant 1 : i32
          %parallel_loop3A_113 = vector.broadcast %parallel_loop3A_112 : i32 to vector<16xi32>
          %parallel_loop3A_114 = arith.shrsi %parallel_loop3A_107, %parallel_loop3A_113 : vector<16xi32>
          %parallel_loop3A_115 = arith.constant 1 : i32
          %parallel_loop3A_116 = vector.broadcast %parallel_loop3A_115 : i32 to vector<16xi32>
          %parallel_loop3A_117 = arith.andi %parallel_loop3A_107, %parallel_loop3A_116 : vector<16xi32>
          %parallel_loop3A_118 = arith.constant 64 : i32
          %parallel_loop3A_119 = vector.broadcast %parallel_loop3A_118 : i32 to vector<16xi32>
          %parallel_loop3A_120 = arith.muli %parallel_loop3A_117, %parallel_loop3A_119 : vector<16xi32>
          %parallel_loop3A_121 = arith.addi %parallel_loop3A_120, %parallel_loop3A_87 : vector<16xi32>
          tpu.vector_store_idx %arg8[%parallel_loop3A_114, %parallel_loop3A_121], %parallel_loop3A_111 : memref<64x128xf32, #tpu.memory_space<vmem>>[vector<16xi32>, vector<16xi32>], vector<16xf32>,
          %parallel_loop3A_122 = arith.constant 32 : i32
          %parallel_loop3A_123 = vector.broadcast %parallel_loop3A_122 : i32 to vector<16xi32>
          %parallel_loop3A_124 = arith.addi %parallel_loop3A_123, %iota3A : vector<16xi32>
          %parallel_loop3A_125 = tpu.vector_load_idx %arg6[%parallel_loop3A_87, %parallel_loop3A_124] : memref<64x128xf32, #tpu.memory_space<vmem>>[vector<16xi32>, vector<16xi32>], vector<16xf32>,
          %parallel_loop3A_126 = arith.constant 8.000000e+00 : f32
          %parallel_loop3A_127 = vector.broadcast %parallel_loop3A_126 : f32 to vector<16xf32>
          %parallel_loop3A_128 = arith.mulf %parallel_loop3A_125, %parallel_loop3A_127 : vector<16xf32>
          %parallel_loop3A_129 = arith.constant 1 : i32
          %parallel_loop3A_130 = vector.broadcast %parallel_loop3A_129 : i32 to vector<16xi32>
          %parallel_loop3A_131 = arith.shrsi %parallel_loop3A_124, %parallel_loop3A_130 : vector<16xi32>
          %parallel_loop3A_132 = arith.constant 1 : i32
          %parallel_loop3A_133 = vector.broadcast %parallel_loop3A_132 : i32 to vector<16xi32>
          %parallel_loop3A_134 = arith.andi %parallel_loop3A_124, %parallel_loop3A_133 : vector<16xi32>
          %parallel_loop3A_135 = arith.constant 64 : i32
          %parallel_loop3A_136 = vector.broadcast %parallel_loop3A_135 : i32 to vector<16xi32>
          %parallel_loop3A_137 = arith.muli %parallel_loop3A_134, %parallel_loop3A_136 : vector<16xi32>
          %parallel_loop3A_138 = arith.addi %parallel_loop3A_137, %parallel_loop3A_87 : vector<16xi32>
          tpu.vector_store_idx %arg8[%parallel_loop3A_131, %parallel_loop3A_138], %parallel_loop3A_128 : memref<64x128xf32, #tpu.memory_space<vmem>>[vector<16xi32>, vector<16xi32>], vector<16xf32>,
          %parallel_loop3A_139 = arith.constant 48 : i32
          %parallel_loop3A_140 = vector.broadcast %parallel_loop3A_139 : i32 to vector<16xi32>
          %parallel_loop3A_141 = arith.addi %parallel_loop3A_140, %iota3A : vector<16xi32>
          %parallel_loop3A_142 = tpu.vector_load_idx %arg6[%parallel_loop3A_87, %parallel_loop3A_141] : memref<64x128xf32, #tpu.memory_space<vmem>>[vector<16xi32>, vector<16xi32>], vector<16xf32>,
          %parallel_loop3A_143 = arith.constant 8.000000e+00 : f32
          %parallel_loop3A_144 = vector.broadcast %parallel_loop3A_143 : f32 to vector<16xf32>
          %parallel_loop3A_145 = arith.mulf %parallel_loop3A_142, %parallel_loop3A_144 : vector<16xf32>
          %parallel_loop3A_146 = arith.constant 1 : i32
          %parallel_loop3A_147 = vector.broadcast %parallel_loop3A_146 : i32 to vector<16xi32>
          %parallel_loop3A_148 = arith.shrsi %parallel_loop3A_141, %parallel_loop3A_147 : vector<16xi32>
          %parallel_loop3A_149 = arith.constant 1 : i32
          %parallel_loop3A_150 = vector.broadcast %parallel_loop3A_149 : i32 to vector<16xi32>
          %parallel_loop3A_151 = arith.andi %parallel_loop3A_141, %parallel_loop3A_150 : vector<16xi32>
          %parallel_loop3A_152 = arith.constant 64 : i32
          %parallel_loop3A_153 = vector.broadcast %parallel_loop3A_152 : i32 to vector<16xi32>
          %parallel_loop3A_154 = arith.muli %parallel_loop3A_151, %parallel_loop3A_153 : vector<16xi32>
          %parallel_loop3A_155 = arith.addi %parallel_loop3A_154, %parallel_loop3A_87 : vector<16xi32>
          tpu.vector_store_idx %arg8[%parallel_loop3A_148, %parallel_loop3A_155], %parallel_loop3A_145 : memref<64x128xf32, #tpu.memory_space<vmem>>[vector<16xi32>, vector<16xi32>], vector<16xf32>,
          %parallel_loop3A_156 = arith.constant 64 : i32
          %parallel_loop3A_157 = vector.broadcast %parallel_loop3A_156 : i32 to vector<16xi32>
          %parallel_loop3A_158 = arith.addi %parallel_loop3A_157, %iota3A : vector<16xi32>
          %parallel_loop3A_159 = tpu.vector_load_idx %arg6[%parallel_loop3A_87, %parallel_loop3A_158] : memref<64x128xf32, #tpu.memory_space<vmem>>[vector<16xi32>, vector<16xi32>], vector<16xf32>,
          %parallel_loop3A_160 = arith.constant 8.000000e+00 : f32
          %parallel_loop3A_161 = vector.broadcast %parallel_loop3A_160 : f32 to vector<16xf32>
          %parallel_loop3A_162 = arith.mulf %parallel_loop3A_159, %parallel_loop3A_161 : vector<16xf32>
          %parallel_loop3A_163 = arith.constant 1 : i32
          %parallel_loop3A_164 = vector.broadcast %parallel_loop3A_163 : i32 to vector<16xi32>
          %parallel_loop3A_165 = arith.shrsi %parallel_loop3A_158, %parallel_loop3A_164 : vector<16xi32>
          %parallel_loop3A_166 = arith.constant 1 : i32
          %parallel_loop3A_167 = vector.broadcast %parallel_loop3A_166 : i32 to vector<16xi32>
          %parallel_loop3A_168 = arith.andi %parallel_loop3A_158, %parallel_loop3A_167 : vector<16xi32>
          %parallel_loop3A_169 = arith.constant 64 : i32
          %parallel_loop3A_170 = vector.broadcast %parallel_loop3A_169 : i32 to vector<16xi32>
          %parallel_loop3A_171 = arith.muli %parallel_loop3A_168, %parallel_loop3A_170 : vector<16xi32>
          %parallel_loop3A_172 = arith.addi %parallel_loop3A_171, %parallel_loop3A_87 : vector<16xi32>
          tpu.vector_store_idx %arg8[%parallel_loop3A_165, %parallel_loop3A_172], %parallel_loop3A_162 : memref<64x128xf32, #tpu.memory_space<vmem>>[vector<16xi32>, vector<16xi32>], vector<16xf32>,
          %parallel_loop3A_173 = arith.constant 80 : i32
          %parallel_loop3A_174 = vector.broadcast %parallel_loop3A_173 : i32 to vector<16xi32>
          %parallel_loop3A_175 = arith.addi %parallel_loop3A_174, %iota3A : vector<16xi32>
          %parallel_loop3A_176 = tpu.vector_load_idx %arg6[%parallel_loop3A_87, %parallel_loop3A_175] : memref<64x128xf32, #tpu.memory_space<vmem>>[vector<16xi32>, vector<16xi32>], vector<16xf32>,
          %parallel_loop3A_177 = arith.constant 8.000000e+00 : f32
          %parallel_loop3A_178 = vector.broadcast %parallel_loop3A_177 : f32 to vector<16xf32>
          %parallel_loop3A_179 = arith.mulf %parallel_loop3A_176, %parallel_loop3A_178 : vector<16xf32>
          %parallel_loop3A_180 = arith.constant 1 : i32
          %parallel_loop3A_181 = vector.broadcast %parallel_loop3A_180 : i32 to vector<16xi32>
          %parallel_loop3A_182 = arith.shrsi %parallel_loop3A_175, %parallel_loop3A_181 : vector<16xi32>
          %parallel_loop3A_183 = arith.constant 1 : i32
          %parallel_loop3A_184 = vector.broadcast %parallel_loop3A_183 : i32 to vector<16xi32>
          %parallel_loop3A_185 = arith.andi %parallel_loop3A_175, %parallel_loop3A_184 : vector<16xi32>
          %parallel_loop3A_186 = arith.constant 64 : i32
          %parallel_loop3A_187 = vector.broadcast %parallel_loop3A_186 : i32 to vector<16xi32>
          %parallel_loop3A_188 = arith.muli %parallel_loop3A_185, %parallel_loop3A_187 : vector<16xi32>
          %parallel_loop3A_189 = arith.addi %parallel_loop3A_188, %parallel_loop3A_87 : vector<16xi32>
          tpu.vector_store_idx %arg8[%parallel_loop3A_182, %parallel_loop3A_189], %parallel_loop3A_179 : memref<64x128xf32, #tpu.memory_space<vmem>>[vector<16xi32>, vector<16xi32>], vector<16xf32>,
          %parallel_loop3A_190 = arith.constant 96 : i32
          %parallel_loop3A_191 = vector.broadcast %parallel_loop3A_190 : i32 to vector<16xi32>
          %parallel_loop3A_192 = arith.addi %parallel_loop3A_191, %iota3A : vector<16xi32>
          %parallel_loop3A_193 = tpu.vector_load_idx %arg6[%parallel_loop3A_87, %parallel_loop3A_192] : memref<64x128xf32, #tpu.memory_space<vmem>>[vector<16xi32>, vector<16xi32>], vector<16xf32>,
          %parallel_loop3A_194 = arith.constant 8.000000e+00 : f32
          %parallel_loop3A_195 = vector.broadcast %parallel_loop3A_194 : f32 to vector<16xf32>
          %parallel_loop3A_196 = arith.mulf %parallel_loop3A_193, %parallel_loop3A_195 : vector<16xf32>
          %parallel_loop3A_197 = arith.constant 1 : i32
          %parallel_loop3A_198 = vector.broadcast %parallel_loop3A_197 : i32 to vector<16xi32>
          %parallel_loop3A_199 = arith.shrsi %parallel_loop3A_192, %parallel_loop3A_198 : vector<16xi32>
          %parallel_loop3A_200 = arith.constant 1 : i32
          %parallel_loop3A_201 = vector.broadcast %parallel_loop3A_200 : i32 to vector<16xi32>
          %parallel_loop3A_202 = arith.andi %parallel_loop3A_192, %parallel_loop3A_201 : vector<16xi32>
          %parallel_loop3A_203 = arith.constant 64 : i32
          %parallel_loop3A_204 = vector.broadcast %parallel_loop3A_203 : i32 to vector<16xi32>
          %parallel_loop3A_205 = arith.muli %parallel_loop3A_202, %parallel_loop3A_204 : vector<16xi32>
          %parallel_loop3A_206 = arith.addi %parallel_loop3A_205, %parallel_loop3A_87 : vector<16xi32>
          tpu.vector_store_idx %arg8[%parallel_loop3A_199, %parallel_loop3A_206], %parallel_loop3A_196 : memref<64x128xf32, #tpu.memory_space<vmem>>[vector<16xi32>, vector<16xi32>], vector<16xf32>,
          %parallel_loop3A_207 = arith.constant 112 : i32
          %parallel_loop3A_208 = vector.broadcast %parallel_loop3A_207 : i32 to vector<16xi32>
          %parallel_loop3A_209 = arith.addi %parallel_loop3A_208, %iota3A : vector<16xi32>
          %parallel_loop3A_210 = tpu.vector_load_idx %arg6[%parallel_loop3A_87, %parallel_loop3A_209] : memref<64x128xf32, #tpu.memory_space<vmem>>[vector<16xi32>, vector<16xi32>], vector<16xf32>,
          %parallel_loop3A_211 = arith.constant 8.000000e+00 : f32
          %parallel_loop3A_212 = vector.broadcast %parallel_loop3A_211 : f32 to vector<16xf32>
          %parallel_loop3A_213 = arith.mulf %parallel_loop3A_210, %parallel_loop3A_212 : vector<16xf32>
          %parallel_loop3A_214 = arith.constant 1 : i32
          %parallel_loop3A_215 = vector.broadcast %parallel_loop3A_214 : i32 to vector<16xi32>
          %parallel_loop3A_216 = arith.shrsi %parallel_loop3A_209, %parallel_loop3A_215 : vector<16xi32>
          %parallel_loop3A_217 = arith.constant 1 : i32
          %parallel_loop3A_218 = vector.broadcast %parallel_loop3A_217 : i32 to vector<16xi32>
          %parallel_loop3A_219 = arith.andi %parallel_loop3A_209, %parallel_loop3A_218 : vector<16xi32>
          %parallel_loop3A_220 = arith.constant 64 : i32
          %parallel_loop3A_221 = vector.broadcast %parallel_loop3A_220 : i32 to vector<16xi32>
          %parallel_loop3A_222 = arith.muli %parallel_loop3A_219, %parallel_loop3A_221 : vector<16xi32>
          %parallel_loop3A_223 = arith.addi %parallel_loop3A_222, %parallel_loop3A_87 : vector<16xi32>
          tpu.vector_store_idx %arg8[%parallel_loop3A_216, %parallel_loop3A_223], %parallel_loop3A_213 : memref<64x128xf32, #tpu.memory_space<vmem>>[vector<16xi32>, vector<16xi32>], vector<16xf32>,
        } {sc.loop_unroll_factor = 16 : i64, sc.parallel_access}
        %jit3A_59 = arith.constant 2 : i32
        %div3A = arith.divsi %select_n3A_56, %jit3A_59 : i32
        %sign3A = arith.constant 0 : i32
        %sign3A_60 = arith.cmpi sgt, %select_n3A_56, %sign3A : i32
        %sign3A_61 = arith.extui %sign3A_60 : i1 to i32
        %sign3A_62 = arith.constant 0 : i32
        %sign3A_63 = arith.cmpi slt, %select_n3A_56, %sign3A_62 : i32
        %sign3A_64 = arith.extui %sign3A_63 : i1 to i32
        %sign3A_65 = arith.subi %sign3A_61, %sign3A_64 : i32
        %sign3A_66 = arith.constant 0 : i32
        %sign3A_67 = arith.cmpi sgt, %jit3A_59, %sign3A_66 : i32
        %sign3A_68 = arith.extui %sign3A_67 : i1 to i32
        %sign3A_69 = arith.constant 0 : i32
        %sign3A_70 = arith.cmpi slt, %jit3A_59, %sign3A_69 : i32
        %sign3A_71 = arith.extui %sign3A_70 : i1 to i32
        %sign3A_72 = arith.subi %sign3A_68, %sign3A_71 : i32
        %ne3A = arith.cmpi ne, %sign3A_65, %sign3A_72 : i32
        %rem3A_73 = arith.remsi %select_n3A_56, %jit3A_59 : i32
        %ne3A_74 = arith.constant 0 : i32
        %ne3A_75 = arith.cmpi ne, %rem3A_73, %ne3A_74 : i32
        %and3A_76 = arith.andi %ne3A, %ne3A_75 : i1
        %sub3A = arith.constant 1 : i32
        %sub3A_77 = arith.subi %div3A, %sub3A : i32
        %select_n3A_78 = arith.select %and3A_76, %sub3A_77, %div3A : i32
        %multiple_of3A = tpu.assume_multiple %select_n3A_78, 8 : i32
        %dma_start3A = arith.constant 0 : i32
        %dma_start3A_79 = tpu.memref_slice %arg4[%multiple_of3A, %dma_start3A] : memref<500000x128xf32, #tpu.memory_space<hbm>> -> memref<64x128xf32, #tpu.memory_space<hbm>>
        %dma_start3A_80 = arith.constant 0 : i32
        %dma_start3A_81 = tpu.memref_slice %arg4[%multiple_of3A, %dma_start3A_80] : memref<500000x128xf32, #tpu.memory_space<hbm>> -> memref<64x128xf32, #tpu.memory_space<hbm>>
        tpu.enqueue_dma source(%arg8 : memref<64x128xf32, #tpu.memory_space<vmem>>) target(%dma_start3A_81 : memref<64x128xf32, #tpu.memory_space<hbm>>) target_semaphore(%arg12 : memref<!tpu.dma_semaphore, #tpu.memory_space<semaphore_mem>>)
      } else {
      }
    }
    %scan3A_11 = arith.constant 245 : i32
    %gt3A_12 = arith.constant 0 : i32
    %gt3A_13 = arith.cmpi sgt, %add3A_4, %gt3A_12 : i32
    %convert_element_type3A_14 = arith.extui %gt3A_13 : i1 to i32
    %cond3A_15 = arith.constant 0 : i32
    %cond3A_16 = arith.cmpi ne, %convert_element_type3A_14, %cond3A_15 : i32
    scf.if %cond3A_16 {
      %dma_wait3A = arith.constant 0 : i32
      %dma_wait3A_22 = arith.constant 0 : i32
      %dma_wait3A_23 = tpu.memref_slice %arg4[%dma_wait3A, %dma_wait3A_22] : memref<500000x128xf32, #tpu.memory_space<hbm>> -> memref<64x128xf32, #tpu.memory_space<hbm>>
      %dma_wait3A_24 = arith.constant 0 : i32
      %dma_wait3A_25 = arith.constant 0 : i32
      %dma_wait3A_26 = tpu.memref_slice %arg4[%dma_wait3A_24, %dma_wait3A_25] : memref<500000x128xf32, #tpu.memory_space<hbm>> -> memref<64x128xf32, #tpu.memory_space<hbm>>
      tpu.wait_dma2 semaphore(%arg11 : memref<!tpu.dma_semaphore, #tpu.memory_space<semaphore_mem>>) src(%arg7 : memref<64x128xf32, #tpu.memory_space<vmem>>) dst(%dma_wait3A_26 : memref<64x128xf32, #tpu.memory_space<hbm>>)
    } else {
    }
    %gt3A_17 = arith.constant 1 : i32
    %gt3A_18 = arith.cmpi sgt, %add3A_4, %gt3A_17 : i32
    %convert_element_type3A_19 = arith.extui %gt3A_18 : i1 to i32
    %cond3A_20 = arith.constant 0 : i32
    %cond3A_21 = arith.cmpi ne, %convert_element_type3A_19, %cond3A_20 : i32
    scf.if %cond3A_21 {
      %dma_wait3A = arith.constant 0 : i32
      %dma_wait3A_22 = arith.constant 0 : i32
      %dma_wait3A_23 = tpu.memref_slice %arg4[%dma_wait3A, %dma_wait3A_22] : memref<500000x128xf32, #tpu.memory_space<hbm>> -> memref<64x128xf32, #tpu.memory_space<hbm>>
      %dma_wait3A_24 = arith.constant 0 : i32
      %dma_wait3A_25 = arith.constant 0 : i32
      %dma_wait3A_26 = tpu.memref_slice %arg4[%dma_wait3A_24, %dma_wait3A_25] : memref<500000x128xf32, #tpu.memory_space<hbm>> -> memref<64x128xf32, #tpu.memory_space<hbm>>
      tpu.wait_dma2 semaphore(%arg12 : memref<!tpu.dma_semaphore, #tpu.memory_space<semaphore_mem>>) src(%arg8 : memref<64x128xf32, #tpu.memory_space<vmem>>) dst(%dma_wait3A_26 : memref<64x128xf32, #tpu.memory_space<hbm>>)
    } else {
    }
    return
  }
}

#map = affine_map<(d0, d1) -> (0, 0)>
#map1 = affine_map<(d0, d1) -> (0, 0, 0)>
module attributes {stable_mosaic.version = 14 : i64} {
  func.func @body(%arg0: i32, %arg1: i32, %arg2: memref<200x4096xi32, #tpu.memory_space<hbm>>, %arg3: memref<500000x128xf32, #tpu.memory_space<hbm>>, %arg4: memref<200x64x4096xf32, #tpu.memory_space<hbm>>, %arg5: memref<200x128xi32, #tpu.memory_space<vmem>>, %arg6: memref<128xi32, #tpu.memory_space<vmem>>, %arg7: memref<128xi32, #tpu.memory_space<vmem>>, %arg8: memref<128xi32, #tpu.memory_space<vmem>>, %arg9: memref<128xi32, #tpu.memory_space<vmem>>, %arg10: memref<128xi32, #tpu.memory_space<vmem>>, %arg11: memref<128x128xf32, #tpu.memory_space<vmem>>, %arg12: memref<128x128xf32, #tpu.memory_space<vmem>>, %arg13: memref<128x128xf32, #tpu.memory_space<vmem>>, %arg14: memref<128x128xf32, #tpu.memory_space<vmem>>, %arg15: memref<64x128xf32, #tpu.memory_space<vmem>>, %arg16: memref<64x128xf32, #tpu.memory_space<vmem>>, %arg17: memref<64x128xf32, #tpu.memory_space<vmem>>, %arg18: memref<64x128xf32, #tpu.memory_space<vmem>>, %arg19: memref<!tpu.dma_semaphore, #tpu.memory_space<semaphore_mem>>, %arg20: memref<!tpu.dma_semaphore, #tpu.memory_space<semaphore_mem>>, %arg21: memref<!tpu.dma_semaphore, #tpu.memory_space<semaphore_mem>>, %arg22: memref<!tpu.dma_semaphore, #tpu.memory_space<semaphore_mem>>, %arg23: memref<!tpu.dma_semaphore, #tpu.memory_space<semaphore_mem>>, %arg24: memref<!tpu.dma_semaphore, #tpu.memory_space<semaphore_mem>>, %arg25: memref<!tpu.dma_semaphore, #tpu.memory_space<semaphore_mem>>, %arg26: memref<!tpu.dma_semaphore, #tpu.memory_space<semaphore_mem>>) attributes {dimension_semantics = [#tpu.dimension_semantics<core_parallel>, #tpu.dimension_semantics<subcore_parallel>], iteration_bounds = array<i64: 2, 16>, scalar_prefetch = 0 : i64, scratch_operands = 22 : i64, tpu.core_type = #tpu.core_type<sc_vector_subcore>, window_params = [{transform_indices = #map}, {transform_indices = #map}, {transform_indices = #map1}]} {
    %mul3A = arith.constant 2 : i32
    %mul3A_0 = arith.muli %arg1, %mul3A : i32
    %add3A = arith.addi %mul3A_0, %arg0 : i32
    %mul3A_1 = arith.constant 128 : i32
    %mul3A_2 = arith.muli %add3A, %mul3A_1 : i32
    %iota3A = tpu.iota {dimensions = array<i32: 0>} : vector<16xi32>
    "tpu.region"() ({
      %run_scoped3A = tpu.sem_alloc : memref<!tpu.dma_semaphore, #tpu.memory_space<semaphore_mem>>
      %dma_start3A_181 = arith.constant 0 : i32
      %dma_start3A_182 = tpu.memref_slice %arg2[%dma_start3A_181, %mul3A_2] : memref<200x4096xi32, #tpu.memory_space<hbm>> -> memref<200x128xi32, #tpu.memory_space<hbm>>
      %dma_start3A_183 = arith.constant 0 : i32
      %dma_start3A_184 = tpu.memref_slice %arg2[%dma_start3A_183, %mul3A_2] : memref<200x4096xi32, #tpu.memory_space<hbm>> -> memref<200x128xi32, #tpu.memory_space<hbm>>
      tpu.enqueue_dma source(%dma_start3A_184 : memref<200x128xi32, #tpu.memory_space<hbm>>) target(%arg5 : memref<200x128xi32, #tpu.memory_space<vmem>>) target_semaphore(%run_scoped3A : memref<!tpu.dma_semaphore, #tpu.memory_space<semaphore_mem>>)
      %dma_wait3A_185 = arith.constant 0 : i32
      %dma_wait3A_186 = tpu.memref_slice %arg2[%dma_wait3A_185, %mul3A_2] : memref<200x4096xi32, #tpu.memory_space<hbm>> -> memref<200x128xi32, #tpu.memory_space<hbm>>
      %dma_wait3A_187 = arith.constant 0 : i32
      %dma_wait3A_188 = tpu.memref_slice %arg2[%dma_wait3A_187, %mul3A_2] : memref<200x4096xi32, #tpu.memory_space<hbm>> -> memref<200x128xi32, #tpu.memory_space<hbm>>
      tpu.wait_dma2 semaphore(%run_scoped3A : memref<!tpu.dma_semaphore, #tpu.memory_space<semaphore_mem>>) src(%dma_wait3A_188 : memref<200x128xi32, #tpu.memory_space<hbm>>) dst(%arg5 : memref<200x128xi32, #tpu.memory_space<vmem>>)
      tpu.yield
    }) : () -> ()
    %get3A = arith.constant 0 : i32
    %get3A_3 = arith.index_cast %get3A : i32 to index
    %get3A_4 = arith.constant 0 : index
    %get3A_5 = tpu.vector_load %arg5[%get3A_3, %get3A_4] {strides = array<i32>} : memref<200x128xi32, #tpu.memory_space<vmem>>, vector<16xi32>,
    %shift_right_logical3A = arith.constant 1 : i32
    %shift_right_logical3A_6 = vector.broadcast %shift_right_logical3A : i32 to vector<16xi32>
    %shift_right_logical3A_7 = arith.shrui %get3A_5, %shift_right_logical3A_6 : vector<16xi32>
    %swap3A = arith.constant 0 : index
    %swap3A_8 = tpu.vector_load %arg7[%swap3A] {strides = array<i32>} : memref<128xi32, #tpu.memory_space<vmem>>, vector<16xi32>,
    tpu.vector_store %arg7[%swap3A], %shift_right_logical3A_7 {strides = array<i32>} : memref<128xi32, #tpu.memory_space<vmem>>, vector<16xi32>,
    %get3A_9 = arith.constant 0 : i32
    %get3A_10 = arith.index_cast %get3A_9 : i32 to index
    %get3A_11 = arith.constant 16 : index
    %get3A_12 = tpu.vector_load %arg5[%get3A_10, %get3A_11] {strides = array<i32>} : memref<200x128xi32, #tpu.memory_space<vmem>>, vector<16xi32>,
    %shift_right_logical3A_13 = arith.constant 1 : i32
    %shift_right_logical3A_14 = vector.broadcast %shift_right_logical3A_13 : i32 to vector<16xi32>
    %shift_right_logical3A_15 = arith.shrui %get3A_12, %shift_right_logical3A_14 : vector<16xi32>
    %swap3A_16 = arith.constant 16 : index
    %swap3A_17 = tpu.vector_load %arg7[%swap3A_16] {strides = array<i32>} : memref<128xi32, #tpu.memory_space<vmem>>, vector<16xi32>,
    tpu.vector_store %arg7[%swap3A_16], %shift_right_logical3A_15 {strides = array<i32>} : memref<128xi32, #tpu.memory_space<vmem>>, vector<16xi32>,
    %get3A_18 = arith.constant 0 : i32
    %get3A_19 = arith.index_cast %get3A_18 : i32 to index
    %get3A_20 = arith.constant 32 : index
    %get3A_21 = tpu.vector_load %arg5[%get3A_19, %get3A_20] {strides = array<i32>} : memref<200x128xi32, #tpu.memory_space<vmem>>, vector<16xi32>,
    %shift_right_logical3A_22 = arith.constant 1 : i32
    %shift_right_logical3A_23 = vector.broadcast %shift_right_logical3A_22 : i32 to vector<16xi32>
    %shift_right_logical3A_24 = arith.shrui %get3A_21, %shift_right_logical3A_23 : vector<16xi32>
    %swap3A_25 = arith.constant 32 : index
    %swap3A_26 = tpu.vector_load %arg7[%swap3A_25] {strides = array<i32>} : memref<128xi32, #tpu.memory_space<vmem>>, vector<16xi32>,
    tpu.vector_store %arg7[%swap3A_25], %shift_right_logical3A_24 {strides = array<i32>} : memref<128xi32, #tpu.memory_space<vmem>>, vector<16xi32>,
    %get3A_27 = arith.constant 0 : i32
    %get3A_28 = arith.index_cast %get3A_27 : i32 to index
    %get3A_29 = arith.constant 48 : index
    %get3A_30 = tpu.vector_load %arg5[%get3A_28, %get3A_29] {strides = array<i32>} : memref<200x128xi32, #tpu.memory_space<vmem>>, vector<16xi32>,
    %shift_right_logical3A_31 = arith.constant 1 : i32
    %shift_right_logical3A_32 = vector.broadcast %shift_right_logical3A_31 : i32 to vector<16xi32>
    %shift_right_logical3A_33 = arith.shrui %get3A_30, %shift_right_logical3A_32 : vector<16xi32>
    %swap3A_34 = arith.constant 48 : index
    %swap3A_35 = tpu.vector_load %arg7[%swap3A_34] {strides = array<i32>} : memref<128xi32, #tpu.memory_space<vmem>>, vector<16xi32>,
    tpu.vector_store %arg7[%swap3A_34], %shift_right_logical3A_33 {strides = array<i32>} : memref<128xi32, #tpu.memory_space<vmem>>, vector<16xi32>,
    %get3A_36 = arith.constant 0 : i32
    %get3A_37 = arith.index_cast %get3A_36 : i32 to index
    %get3A_38 = arith.constant 64 : index
    %get3A_39 = tpu.vector_load %arg5[%get3A_37, %get3A_38] {strides = array<i32>} : memref<200x128xi32, #tpu.memory_space<vmem>>, vector<16xi32>,
    %shift_right_logical3A_40 = arith.constant 1 : i32
    %shift_right_logical3A_41 = vector.broadcast %shift_right_logical3A_40 : i32 to vector<16xi32>
    %shift_right_logical3A_42 = arith.shrui %get3A_39, %shift_right_logical3A_41 : vector<16xi32>
    %swap3A_43 = arith.constant 64 : index
    %swap3A_44 = tpu.vector_load %arg7[%swap3A_43] {strides = array<i32>} : memref<128xi32, #tpu.memory_space<vmem>>, vector<16xi32>,
    tpu.vector_store %arg7[%swap3A_43], %shift_right_logical3A_42 {strides = array<i32>} : memref<128xi32, #tpu.memory_space<vmem>>, vector<16xi32>,
    %get3A_45 = arith.constant 0 : i32
    %get3A_46 = arith.index_cast %get3A_45 : i32 to index
    %get3A_47 = arith.constant 80 : index
    %get3A_48 = tpu.vector_load %arg5[%get3A_46, %get3A_47] {strides = array<i32>} : memref<200x128xi32, #tpu.memory_space<vmem>>, vector<16xi32>,
    %shift_right_logical3A_49 = arith.constant 1 : i32
    %shift_right_logical3A_50 = vector.broadcast %shift_right_logical3A_49 : i32 to vector<16xi32>
    %shift_right_logical3A_51 = arith.shrui %get3A_48, %shift_right_logical3A_50 : vector<16xi32>
    %swap3A_52 = arith.constant 80 : index
    %swap3A_53 = tpu.vector_load %arg7[%swap3A_52] {strides = array<i32>} : memref<128xi32, #tpu.memory_space<vmem>>, vector<16xi32>,
    tpu.vector_store %arg7[%swap3A_52], %shift_right_logical3A_51 {strides = array<i32>} : memref<128xi32, #tpu.memory_space<vmem>>, vector<16xi32>,
    %get3A_54 = arith.constant 0 : i32
    %get3A_55 = arith.index_cast %get3A_54 : i32 to index
    %get3A_56 = arith.constant 96 : index
    %get3A_57 = tpu.vector_load %arg5[%get3A_55, %get3A_56] {strides = array<i32>} : memref<200x128xi32, #tpu.memory_space<vmem>>, vector<16xi32>,
    %shift_right_logical3A_58 = arith.constant 1 : i32
    %shift_right_logical3A_59 = vector.broadcast %shift_right_logical3A_58 : i32 to vector<16xi32>
    %shift_right_logical3A_60 = arith.shrui %get3A_57, %shift_right_logical3A_59 : vector<16xi32>
    %swap3A_61 = arith.constant 96 : index
    %swap3A_62 = tpu.vector_load %arg7[%swap3A_61] {strides = array<i32>} : memref<128xi32, #tpu.memory_space<vmem>>, vector<16xi32>,
    tpu.vector_store %arg7[%swap3A_61], %shift_right_logical3A_60 {strides = array<i32>} : memref<128xi32, #tpu.memory_space<vmem>>, vector<16xi32>,
    %get3A_63 = arith.constant 0 : i32
    %get3A_64 = arith.index_cast %get3A_63 : i32 to index
    %get3A_65 = arith.constant 112 : index
    %get3A_66 = tpu.vector_load %arg5[%get3A_64, %get3A_65] {strides = array<i32>} : memref<200x128xi32, #tpu.memory_space<vmem>>, vector<16xi32>,
    %shift_right_logical3A_67 = arith.constant 1 : i32
    %shift_right_logical3A_68 = vector.broadcast %shift_right_logical3A_67 : i32 to vector<16xi32>
    %shift_right_logical3A_69 = arith.shrui %get3A_66, %shift_right_logical3A_68 : vector<16xi32>
    %swap3A_70 = arith.constant 112 : index
    %swap3A_71 = tpu.vector_load %arg7[%swap3A_70] {strides = array<i32>} : memref<128xi32, #tpu.memory_space<vmem>>, vector<16xi32>,
    tpu.vector_store %arg7[%swap3A_70], %shift_right_logical3A_69 {strides = array<i32>} : memref<128xi32, #tpu.memory_space<vmem>>, vector<16xi32>,
    %dma_start3A = arith.constant 0 : i32
    %dma_start3A_72 = arith.constant 0 : i32
    %dma_start3A_73 = tpu.memref_slice %arg3[%dma_start3A, %dma_start3A_72] : memref<500000x128xf32, #tpu.memory_space<hbm>> -> memref<500000x128xf32, #tpu.memory_space<hbm>>
    tpu.enqueue_indirect_dma source(%dma_start3A_73 : memref<500000x128xf32, #tpu.memory_space<hbm>>) target(%arg11 : memref<128x128xf32, #tpu.memory_space<vmem>>) offsets(%arg7 : memref<128xi32, #tpu.memory_space<vmem>>) semaphore(%arg19 : memref<!tpu.dma_semaphore, #tpu.memory_space<semaphore_mem>>)
    %get3A_74 = arith.constant 1 : i32
    %get3A_75 = arith.index_cast %get3A_74 : i32 to index
    %get3A_76 = arith.constant 0 : index
    %get3A_77 = tpu.vector_load %arg5[%get3A_75, %get3A_76] {strides = array<i32>} : memref<200x128xi32, #tpu.memory_space<vmem>>, vector<16xi32>,
    %shift_right_logical3A_78 = arith.constant 1 : i32
    %shift_right_logical3A_79 = vector.broadcast %shift_right_logical3A_78 : i32 to vector<16xi32>
    %shift_right_logical3A_80 = arith.shrui %get3A_77, %shift_right_logical3A_79 : vector<16xi32>
    %swap3A_81 = arith.constant 0 : index
    %swap3A_82 = tpu.vector_load %arg8[%swap3A_81] {strides = array<i32>} : memref<128xi32, #tpu.memory_space<vmem>>, vector<16xi32>,
    tpu.vector_store %arg8[%swap3A_81], %shift_right_logical3A_80 {strides = array<i32>} : memref<128xi32, #tpu.memory_space<vmem>>, vector<16xi32>,
    %get3A_83 = arith.constant 1 : i32
    %get3A_84 = arith.index_cast %get3A_83 : i32 to index
    %get3A_85 = arith.constant 16 : index
    %get3A_86 = tpu.vector_load %arg5[%get3A_84, %get3A_85] {strides = array<i32>} : memref<200x128xi32, #tpu.memory_space<vmem>>, vector<16xi32>,
    %shift_right_logical3A_87 = arith.constant 1 : i32
    %shift_right_logical3A_88 = vector.broadcast %shift_right_logical3A_87 : i32 to vector<16xi32>
    %shift_right_logical3A_89 = arith.shrui %get3A_86, %shift_right_logical3A_88 : vector<16xi32>
    %swap3A_90 = arith.constant 16 : index
    %swap3A_91 = tpu.vector_load %arg8[%swap3A_90] {strides = array<i32>} : memref<128xi32, #tpu.memory_space<vmem>>, vector<16xi32>,
    tpu.vector_store %arg8[%swap3A_90], %shift_right_logical3A_89 {strides = array<i32>} : memref<128xi32, #tpu.memory_space<vmem>>, vector<16xi32>,
    %get3A_92 = arith.constant 1 : i32
    %get3A_93 = arith.index_cast %get3A_92 : i32 to index
    %get3A_94 = arith.constant 32 : index
    %get3A_95 = tpu.vector_load %arg5[%get3A_93, %get3A_94] {strides = array<i32>} : memref<200x128xi32, #tpu.memory_space<vmem>>, vector<16xi32>,
    %shift_right_logical3A_96 = arith.constant 1 : i32
    %shift_right_logical3A_97 = vector.broadcast %shift_right_logical3A_96 : i32 to vector<16xi32>
    %shift_right_logical3A_98 = arith.shrui %get3A_95, %shift_right_logical3A_97 : vector<16xi32>
    %swap3A_99 = arith.constant 32 : index
    %swap3A_100 = tpu.vector_load %arg8[%swap3A_99] {strides = array<i32>} : memref<128xi32, #tpu.memory_space<vmem>>, vector<16xi32>,
    tpu.vector_store %arg8[%swap3A_99], %shift_right_logical3A_98 {strides = array<i32>} : memref<128xi32, #tpu.memory_space<vmem>>, vector<16xi32>,
    %get3A_101 = arith.constant 1 : i32
    %get3A_102 = arith.index_cast %get3A_101 : i32 to index
    %get3A_103 = arith.constant 48 : index
    %get3A_104 = tpu.vector_load %arg5[%get3A_102, %get3A_103] {strides = array<i32>} : memref<200x128xi32, #tpu.memory_space<vmem>>, vector<16xi32>,
    %shift_right_logical3A_105 = arith.constant 1 : i32
    %shift_right_logical3A_106 = vector.broadcast %shift_right_logical3A_105 : i32 to vector<16xi32>
    %shift_right_logical3A_107 = arith.shrui %get3A_104, %shift_right_logical3A_106 : vector<16xi32>
    %swap3A_108 = arith.constant 48 : index
    %swap3A_109 = tpu.vector_load %arg8[%swap3A_108] {strides = array<i32>} : memref<128xi32, #tpu.memory_space<vmem>>, vector<16xi32>,
    tpu.vector_store %arg8[%swap3A_108], %shift_right_logical3A_107 {strides = array<i32>} : memref<128xi32, #tpu.memory_space<vmem>>, vector<16xi32>,
    %get3A_110 = arith.constant 1 : i32
    %get3A_111 = arith.index_cast %get3A_110 : i32 to index
    %get3A_112 = arith.constant 64 : index
    %get3A_113 = tpu.vector_load %arg5[%get3A_111, %get3A_112] {strides = array<i32>} : memref<200x128xi32, #tpu.memory_space<vmem>>, vector<16xi32>,
    %shift_right_logical3A_114 = arith.constant 1 : i32
    %shift_right_logical3A_115 = vector.broadcast %shift_right_logical3A_114 : i32 to vector<16xi32>
    %shift_right_logical3A_116 = arith.shrui %get3A_113, %shift_right_logical3A_115 : vector<16xi32>
    %swap3A_117 = arith.constant 64 : index
    %swap3A_118 = tpu.vector_load %arg8[%swap3A_117] {strides = array<i32>} : memref<128xi32, #tpu.memory_space<vmem>>, vector<16xi32>,
    tpu.vector_store %arg8[%swap3A_117], %shift_right_logical3A_116 {strides = array<i32>} : memref<128xi32, #tpu.memory_space<vmem>>, vector<16xi32>,
    %get3A_119 = arith.constant 1 : i32
    %get3A_120 = arith.index_cast %get3A_119 : i32 to index
    %get3A_121 = arith.constant 80 : index
    %get3A_122 = tpu.vector_load %arg5[%get3A_120, %get3A_121] {strides = array<i32>} : memref<200x128xi32, #tpu.memory_space<vmem>>, vector<16xi32>,
    %shift_right_logical3A_123 = arith.constant 1 : i32
    %shift_right_logical3A_124 = vector.broadcast %shift_right_logical3A_123 : i32 to vector<16xi32>
    %shift_right_logical3A_125 = arith.shrui %get3A_122, %shift_right_logical3A_124 : vector<16xi32>
    %swap3A_126 = arith.constant 80 : index
    %swap3A_127 = tpu.vector_load %arg8[%swap3A_126] {strides = array<i32>} : memref<128xi32, #tpu.memory_space<vmem>>, vector<16xi32>,
    tpu.vector_store %arg8[%swap3A_126], %shift_right_logical3A_125 {strides = array<i32>} : memref<128xi32, #tpu.memory_space<vmem>>, vector<16xi32>,
    %get3A_128 = arith.constant 1 : i32
    %get3A_129 = arith.index_cast %get3A_128 : i32 to index
    %get3A_130 = arith.constant 96 : index
    %get3A_131 = tpu.vector_load %arg5[%get3A_129, %get3A_130] {strides = array<i32>} : memref<200x128xi32, #tpu.memory_space<vmem>>, vector<16xi32>,
    %shift_right_logical3A_132 = arith.constant 1 : i32
    %shift_right_logical3A_133 = vector.broadcast %shift_right_logical3A_132 : i32 to vector<16xi32>
    %shift_right_logical3A_134 = arith.shrui %get3A_131, %shift_right_logical3A_133 : vector<16xi32>
    %swap3A_135 = arith.constant 96 : index
    %swap3A_136 = tpu.vector_load %arg8[%swap3A_135] {strides = array<i32>} : memref<128xi32, #tpu.memory_space<vmem>>, vector<16xi32>,
    tpu.vector_store %arg8[%swap3A_135], %shift_right_logical3A_134 {strides = array<i32>} : memref<128xi32, #tpu.memory_space<vmem>>, vector<16xi32>,
    %get3A_137 = arith.constant 1 : i32
    %get3A_138 = arith.index_cast %get3A_137 : i32 to index
    %get3A_139 = arith.constant 112 : index
    %get3A_140 = tpu.vector_load %arg5[%get3A_138, %get3A_139] {strides = array<i32>} : memref<200x128xi32, #tpu.memory_space<vmem>>, vector<16xi32>,
    %shift_right_logical3A_141 = arith.constant 1 : i32
    %shift_right_logical3A_142 = vector.broadcast %shift_right_logical3A_141 : i32 to vector<16xi32>
    %shift_right_logical3A_143 = arith.shrui %get3A_140, %shift_right_logical3A_142 : vector<16xi32>
    %swap3A_144 = arith.constant 112 : index
    %swap3A_145 = tpu.vector_load %arg8[%swap3A_144] {strides = array<i32>} : memref<128xi32, #tpu.memory_space<vmem>>, vector<16xi32>,
    tpu.vector_store %arg8[%swap3A_144], %shift_right_logical3A_143 {strides = array<i32>} : memref<128xi32, #tpu.memory_space<vmem>>, vector<16xi32>,
    %dma_start3A_146 = arith.constant 0 : i32
    %dma_start3A_147 = arith.constant 0 : i32
    %dma_start3A_148 = tpu.memref_slice %arg3[%dma_start3A_146, %dma_start3A_147] : memref<500000x128xf32, #tpu.memory_space<hbm>> -> memref<500000x128xf32, #tpu.memory_space<hbm>>
    tpu.enqueue_indirect_dma source(%dma_start3A_148 : memref<500000x128xf32, #tpu.memory_space<hbm>>) target(%arg12 : memref<128x128xf32, #tpu.memory_space<vmem>>) offsets(%arg8 : memref<128xi32, #tpu.memory_space<vmem>>) semaphore(%arg20 : memref<!tpu.dma_semaphore, #tpu.memory_space<semaphore_mem>>)
    %scan3A = arith.constant 0 : i32
    %scan3A_149 = arith.constant 0 : i32
    %scan3A_150 = arith.constant 50 : i32
    %scan3A_151 = arith.addi %scan3A_149, %scan3A_150 : i32
    %scan3A_152 = arith.constant 1 : i32
    scf.for %scan3A_181 = %scan3A_149 to %scan3A_151 step %scan3A_152  : i32 {
      %mul3A_182 = arith.constant 4 : i32
      %mul3A_183 = arith.muli %scan3A_181, %mul3A_182 : i32
      %add3A_184 = arith.constant 0 : i32
      %add3A_185 = arith.addi %mul3A_183, %add3A_184 : i32
      %add3A_186 = arith.constant 2 : i32
      %add3A_187 = arith.addi %add3A_185, %add3A_186 : i32
      %lt3A = arith.constant 200 : i32
      %lt3A_188 = arith.cmpi slt, %add3A_187, %lt3A : i32
      %ge3A = arith.constant 4 : i32
      %ge3A_189 = arith.cmpi sge, %add3A_187, %ge3A : i32
      %and3A = arith.andi %lt3A_188, %ge3A_189 : i1
      %convert_element_type3A = arith.extui %and3A : i1 to i32
      %cond3A = arith.constant 0 : i32
      %cond3A_190 = arith.cmpi ne, %convert_element_type3A, %cond3A : i32
      scf.if %cond3A_190 {
        %sub3A = arith.constant 4 : i32
        %sub3A_588 = arith.subi %add3A_187, %sub3A : i32
        %dma_wait3A_589 = arith.constant 0 : i32
        %dma_wait3A_590 = tpu.memref_slice %arg4[%sub3A_588, %dma_wait3A_589, %mul3A_2] : memref<200x64x4096xf32, #tpu.memory_space<hbm>> -> memref<1x64x128xf32, #tpu.memory_space<hbm>>
        %dma_wait3A_591 = tpu.memref_squeeze %dma_wait3A_590 : memref<1x64x128xf32, #tpu.memory_space<hbm>> -> memref<64x128xf32, #tpu.memory_space<hbm>>
        %dma_wait3A_592 = arith.constant 0 : i32
        %dma_wait3A_593 = tpu.memref_slice %arg4[%sub3A_588, %dma_wait3A_592, %mul3A_2] : memref<200x64x4096xf32, #tpu.memory_space<hbm>> -> memref<1x64x128xf32, #tpu.memory_space<hbm>>
        %dma_wait3A_594 = tpu.memref_squeeze %dma_wait3A_593 : memref<1x64x128xf32, #tpu.memory_space<hbm>> -> memref<64x128xf32, #tpu.memory_space<hbm>>
        tpu.wait_dma2 semaphore(%arg25 : memref<!tpu.dma_semaphore, #tpu.memory_space<semaphore_mem>>) src(%arg17 : memref<64x128xf32, #tpu.memory_space<vmem>>) dst(%dma_wait3A_594 : memref<64x128xf32, #tpu.memory_space<hbm>>)
      } else {
      }
      %lt3A_191 = arith.constant 200 : i32
      %lt3A_192 = arith.cmpi slt, %add3A_187, %lt3A_191 : i32
      %convert_element_type3A_193 = arith.extui %lt3A_192 : i1 to i32
      %cond3A_194 = arith.constant 0 : i32
      %cond3A_195 = arith.cmpi ne, %convert_element_type3A_193, %cond3A_194 : i32
      scf.if %cond3A_195 {
        %get3A_588 = arith.index_cast %add3A_187 : i32 to index
        %get3A_589 = arith.constant 0 : index
        %get3A_590 = tpu.vector_load %arg5[%get3A_588, %get3A_589] {strides = array<i32>} : memref<200x128xi32, #tpu.memory_space<vmem>>, vector<16xi32>,
        %shift_right_logical3A_591 = arith.constant 1 : i32
        %shift_right_logical3A_592 = vector.broadcast %shift_right_logical3A_591 : i32 to vector<16xi32>
        %shift_right_logical3A_593 = arith.shrui %get3A_590, %shift_right_logical3A_592 : vector<16xi32>
        %swap3A_594 = arith.constant 0 : index
        %swap3A_595 = tpu.vector_load %arg9[%swap3A_594] {strides = array<i32>} : memref<128xi32, #tpu.memory_space<vmem>>, vector<16xi32>,
        tpu.vector_store %arg9[%swap3A_594], %shift_right_logical3A_593 {strides = array<i32>} : memref<128xi32, #tpu.memory_space<vmem>>, vector<16xi32>,
        %get3A_596 = arith.index_cast %add3A_187 : i32 to index
        %get3A_597 = arith.constant 16 : index
        %get3A_598 = tpu.vector_load %arg5[%get3A_596, %get3A_597] {strides = array<i32>} : memref<200x128xi32, #tpu.memory_space<vmem>>, vector<16xi32>,
        %shift_right_logical3A_599 = arith.constant 1 : i32
        %shift_right_logical3A_600 = vector.broadcast %shift_right_logical3A_599 : i32 to vector<16xi32>
        %shift_right_logical3A_601 = arith.shrui %get3A_598, %shift_right_logical3A_600 : vector<16xi32>
        %swap3A_602 = arith.constant 16 : index
        %swap3A_603 = tpu.vector_load %arg9[%swap3A_602] {strides = array<i32>} : memref<128xi32, #tpu.memory_space<vmem>>, vector<16xi32>,
        tpu.vector_store %arg9[%swap3A_602], %shift_right_logical3A_601 {strides = array<i32>} : memref<128xi32, #tpu.memory_space<vmem>>, vector<16xi32>,
        %get3A_604 = arith.index_cast %add3A_187 : i32 to index
        %get3A_605 = arith.constant 32 : index
        %get3A_606 = tpu.vector_load %arg5[%get3A_604, %get3A_605] {strides = array<i32>} : memref<200x128xi32, #tpu.memory_space<vmem>>, vector<16xi32>,
        %shift_right_logical3A_607 = arith.constant 1 : i32
        %shift_right_logical3A_608 = vector.broadcast %shift_right_logical3A_607 : i32 to vector<16xi32>
        %shift_right_logical3A_609 = arith.shrui %get3A_606, %shift_right_logical3A_608 : vector<16xi32>
        %swap3A_610 = arith.constant 32 : index
        %swap3A_611 = tpu.vector_load %arg9[%swap3A_610] {strides = array<i32>} : memref<128xi32, #tpu.memory_space<vmem>>, vector<16xi32>,
        tpu.vector_store %arg9[%swap3A_610], %shift_right_logical3A_609 {strides = array<i32>} : memref<128xi32, #tpu.memory_space<vmem>>, vector<16xi32>,
        %get3A_612 = arith.index_cast %add3A_187 : i32 to index
        %get3A_613 = arith.constant 48 : index
        %get3A_614 = tpu.vector_load %arg5[%get3A_612, %get3A_613] {strides = array<i32>} : memref<200x128xi32, #tpu.memory_space<vmem>>, vector<16xi32>,
        %shift_right_logical3A_615 = arith.constant 1 : i32
        %shift_right_logical3A_616 = vector.broadcast %shift_right_logical3A_615 : i32 to vector<16xi32>
        %shift_right_logical3A_617 = arith.shrui %get3A_614, %shift_right_logical3A_616 : vector<16xi32>
        %swap3A_618 = arith.constant 48 : index
        %swap3A_619 = tpu.vector_load %arg9[%swap3A_618] {strides = array<i32>} : memref<128xi32, #tpu.memory_space<vmem>>, vector<16xi32>,
        tpu.vector_store %arg9[%swap3A_618], %shift_right_logical3A_617 {strides = array<i32>} : memref<128xi32, #tpu.memory_space<vmem>>, vector<16xi32>,
        %get3A_620 = arith.index_cast %add3A_187 : i32 to index
        %get3A_621 = arith.constant 64 : index
        %get3A_622 = tpu.vector_load %arg5[%get3A_620, %get3A_621] {strides = array<i32>} : memref<200x128xi32, #tpu.memory_space<vmem>>, vector<16xi32>,
        %shift_right_logical3A_623 = arith.constant 1 : i32
        %shift_right_logical3A_624 = vector.broadcast %shift_right_logical3A_623 : i32 to vector<16xi32>
        %shift_right_logical3A_625 = arith.shrui %get3A_622, %shift_right_logical3A_624 : vector<16xi32>
        %swap3A_626 = arith.constant 64 : index
        %swap3A_627 = tpu.vector_load %arg9[%swap3A_626] {strides = array<i32>} : memref<128xi32, #tpu.memory_space<vmem>>, vector<16xi32>,
        tpu.vector_store %arg9[%swap3A_626], %shift_right_logical3A_625 {strides = array<i32>} : memref<128xi32, #tpu.memory_space<vmem>>, vector<16xi32>,
        %get3A_628 = arith.index_cast %add3A_187 : i32 to index
        %get3A_629 = arith.constant 80 : index
        %get3A_630 = tpu.vector_load %arg5[%get3A_628, %get3A_629] {strides = array<i32>} : memref<200x128xi32, #tpu.memory_space<vmem>>, vector<16xi32>,
        %shift_right_logical3A_631 = arith.constant 1 : i32
        %shift_right_logical3A_632 = vector.broadcast %shift_right_logical3A_631 : i32 to vector<16xi32>
        %shift_right_logical3A_633 = arith.shrui %get3A_630, %shift_right_logical3A_632 : vector<16xi32>
        %swap3A_634 = arith.constant 80 : index
        %swap3A_635 = tpu.vector_load %arg9[%swap3A_634] {strides = array<i32>} : memref<128xi32, #tpu.memory_space<vmem>>, vector<16xi32>,
        tpu.vector_store %arg9[%swap3A_634], %shift_right_logical3A_633 {strides = array<i32>} : memref<128xi32, #tpu.memory_space<vmem>>, vector<16xi32>,
        %get3A_636 = arith.index_cast %add3A_187 : i32 to index
        %get3A_637 = arith.constant 96 : index
        %get3A_638 = tpu.vector_load %arg5[%get3A_636, %get3A_637] {strides = array<i32>} : memref<200x128xi32, #tpu.memory_space<vmem>>, vector<16xi32>,
        %shift_right_logical3A_639 = arith.constant 1 : i32
        %shift_right_logical3A_640 = vector.broadcast %shift_right_logical3A_639 : i32 to vector<16xi32>
        %shift_right_logical3A_641 = arith.shrui %get3A_638, %shift_right_logical3A_640 : vector<16xi32>
        %swap3A_642 = arith.constant 96 : index
        %swap3A_643 = tpu.vector_load %arg9[%swap3A_642] {strides = array<i32>} : memref<128xi32, #tpu.memory_space<vmem>>, vector<16xi32>,
        tpu.vector_store %arg9[%swap3A_642], %shift_right_logical3A_641 {strides = array<i32>} : memref<128xi32, #tpu.memory_space<vmem>>, vector<16xi32>,
        %get3A_644 = arith.index_cast %add3A_187 : i32 to index
        %get3A_645 = arith.constant 112 : index
        %get3A_646 = tpu.vector_load %arg5[%get3A_644, %get3A_645] {strides = array<i32>} : memref<200x128xi32, #tpu.memory_space<vmem>>, vector<16xi32>,
        %shift_right_logical3A_647 = arith.constant 1 : i32
        %shift_right_logical3A_648 = vector.broadcast %shift_right_logical3A_647 : i32 to vector<16xi32>
        %shift_right_logical3A_649 = arith.shrui %get3A_646, %shift_right_logical3A_648 : vector<16xi32>
        %swap3A_650 = arith.constant 112 : index
        %swap3A_651 = tpu.vector_load %arg9[%swap3A_650] {strides = array<i32>} : memref<128xi32, #tpu.memory_space<vmem>>, vector<16xi32>,
        tpu.vector_store %arg9[%swap3A_650], %shift_right_logical3A_649 {strides = array<i32>} : memref<128xi32, #tpu.memory_space<vmem>>, vector<16xi32>,
        %dma_start3A_652 = arith.constant 0 : i32
        %dma_start3A_653 = arith.constant 0 : i32
        %dma_start3A_654 = tpu.memref_slice %arg3[%dma_start3A_652, %dma_start3A_653] : memref<500000x128xf32, #tpu.memory_space<hbm>> -> memref<500000x128xf32, #tpu.memory_space<hbm>>
        tpu.enqueue_indirect_dma source(%dma_start3A_654 : memref<500000x128xf32, #tpu.memory_space<hbm>>) target(%arg13 : memref<128x128xf32, #tpu.memory_space<vmem>>) offsets(%arg9 : memref<128xi32, #tpu.memory_space<vmem>>) semaphore(%arg21 : memref<!tpu.dma_semaphore, #tpu.memory_space<semaphore_mem>>)
      } else {
      }
      %dma_wait3A_196 = arith.constant 0 : i32
      %dma_wait3A_197 = arith.constant 0 : i32
      %dma_wait3A_198 = tpu.memref_slice %arg3[%dma_wait3A_196, %dma_wait3A_197] : memref<500000x128xf32, #tpu.memory_space<hbm>> -> memref<500000x128xf32, #tpu.memory_space<hbm>>
      tpu.wait_indirect_dma semaphore(%arg19 : memref<!tpu.dma_semaphore, #tpu.memory_space<semaphore_mem>>) src(%dma_wait3A_198 : memref<500000x128xf32, #tpu.memory_space<hbm>>) dst(%arg11 : memref<128x128xf32, #tpu.memory_space<vmem>>)
      %get3A_199 = arith.index_cast %add3A_185 : i32 to index
      %get3A_200 = arith.constant 0 : index
      %get3A_201 = tpu.vector_load %arg5[%get3A_199, %get3A_200] {strides = array<i32>} : memref<200x128xi32, #tpu.memory_space<vmem>>, vector<16xi32>,
      %and3A_202 = arith.constant 1 : i32
      %and3A_203 = vector.broadcast %and3A_202 : i32 to vector<16xi32>
      %and3A_204 = arith.andi %get3A_201, %and3A_203 : vector<16xi32>
      %mul3A_205 = arith.constant 64 : i32
      %mul3A_206 = vector.broadcast %mul3A_205 : i32 to vector<16xi32>
      %mul3A_207 = arith.muli %and3A_204, %mul3A_206 : vector<16xi32>
      %get3A_208 = arith.index_cast %add3A_185 : i32 to index
      %get3A_209 = arith.constant 16 : index
      %get3A_210 = tpu.vector_load %arg5[%get3A_208, %get3A_209] {strides = array<i32>} : memref<200x128xi32, #tpu.memory_space<vmem>>, vector<16xi32>,
      %and3A_211 = arith.constant 1 : i32
      %and3A_212 = vector.broadcast %and3A_211 : i32 to vector<16xi32>
      %and3A_213 = arith.andi %get3A_210, %and3A_212 : vector<16xi32>
      %mul3A_214 = arith.constant 64 : i32
      %mul3A_215 = vector.broadcast %mul3A_214 : i32 to vector<16xi32>
      %mul3A_216 = arith.muli %and3A_213, %mul3A_215 : vector<16xi32>
      %get3A_217 = arith.index_cast %add3A_185 : i32 to index
      %get3A_218 = arith.constant 32 : index
      %get3A_219 = tpu.vector_load %arg5[%get3A_217, %get3A_218] {strides = array<i32>} : memref<200x128xi32, #tpu.memory_space<vmem>>, vector<16xi32>,
      %and3A_220 = arith.constant 1 : i32
      %and3A_221 = vector.broadcast %and3A_220 : i32 to vector<16xi32>
      %and3A_222 = arith.andi %get3A_219, %and3A_221 : vector<16xi32>
      %mul3A_223 = arith.constant 64 : i32
      %mul3A_224 = vector.broadcast %mul3A_223 : i32 to vector<16xi32>
      %mul3A_225 = arith.muli %and3A_222, %mul3A_224 : vector<16xi32>
      %get3A_226 = arith.index_cast %add3A_185 : i32 to index
      %get3A_227 = arith.constant 48 : index
      %get3A_228 = tpu.vector_load %arg5[%get3A_226, %get3A_227] {strides = array<i32>} : memref<200x128xi32, #tpu.memory_space<vmem>>, vector<16xi32>,
      %and3A_229 = arith.constant 1 : i32
      %and3A_230 = vector.broadcast %and3A_229 : i32 to vector<16xi32>
      %and3A_231 = arith.andi %get3A_228, %and3A_230 : vector<16xi32>
      %mul3A_232 = arith.constant 64 : i32
      %mul3A_233 = vector.broadcast %mul3A_232 : i32 to vector<16xi32>
      %mul3A_234 = arith.muli %and3A_231, %mul3A_233 : vector<16xi32>
      %get3A_235 = arith.index_cast %add3A_185 : i32 to index
      %get3A_236 = arith.constant 64 : index
      %get3A_237 = tpu.vector_load %arg5[%get3A_235, %get3A_236] {strides = array<i32>} : memref<200x128xi32, #tpu.memory_space<vmem>>, vector<16xi32>,
      %and3A_238 = arith.constant 1 : i32
      %and3A_239 = vector.broadcast %and3A_238 : i32 to vector<16xi32>
      %and3A_240 = arith.andi %get3A_237, %and3A_239 : vector<16xi32>
      %mul3A_241 = arith.constant 64 : i32
      %mul3A_242 = vector.broadcast %mul3A_241 : i32 to vector<16xi32>
      %mul3A_243 = arith.muli %and3A_240, %mul3A_242 : vector<16xi32>
      %get3A_244 = arith.index_cast %add3A_185 : i32 to index
      %get3A_245 = arith.constant 80 : index
      %get3A_246 = tpu.vector_load %arg5[%get3A_244, %get3A_245] {strides = array<i32>} : memref<200x128xi32, #tpu.memory_space<vmem>>, vector<16xi32>,
      %and3A_247 = arith.constant 1 : i32
      %and3A_248 = vector.broadcast %and3A_247 : i32 to vector<16xi32>
      %and3A_249 = arith.andi %get3A_246, %and3A_248 : vector<16xi32>
      %mul3A_250 = arith.constant 64 : i32
      %mul3A_251 = vector.broadcast %mul3A_250 : i32 to vector<16xi32>
      %mul3A_252 = arith.muli %and3A_249, %mul3A_251 : vector<16xi32>
      %get3A_253 = arith.index_cast %add3A_185 : i32 to index
      %get3A_254 = arith.constant 96 : index
      %get3A_255 = tpu.vector_load %arg5[%get3A_253, %get3A_254] {strides = array<i32>} : memref<200x128xi32, #tpu.memory_space<vmem>>, vector<16xi32>,
      %and3A_256 = arith.constant 1 : i32
      %and3A_257 = vector.broadcast %and3A_256 : i32 to vector<16xi32>
      %and3A_258 = arith.andi %get3A_255, %and3A_257 : vector<16xi32>
      %mul3A_259 = arith.constant 64 : i32
      %mul3A_260 = vector.broadcast %mul3A_259 : i32 to vector<16xi32>
      %mul3A_261 = arith.muli %and3A_258, %mul3A_260 : vector<16xi32>
      %get3A_262 = arith.index_cast %add3A_185 : i32 to index
      %get3A_263 = arith.constant 112 : index
      %get3A_264 = tpu.vector_load %arg5[%get3A_262, %get3A_263] {strides = array<i32>} : memref<200x128xi32, #tpu.memory_space<vmem>>, vector<16xi32>,
      %and3A_265 = arith.constant 1 : i32
      %and3A_266 = vector.broadcast %and3A_265 : i32 to vector<16xi32>
      %and3A_267 = arith.andi %get3A_264, %and3A_266 : vector<16xi32>
      %mul3A_268 = arith.constant 64 : i32
      %mul3A_269 = vector.broadcast %mul3A_268 : i32 to vector<16xi32>
      %mul3A_270 = arith.muli %and3A_267, %mul3A_269 : vector<16xi32>
      %parallel_loop3A = arith.constant 0 : i32
      %parallel_loop3A_271 = arith.constant 64 : i32
      %parallel_loop3A_272 = arith.constant 1 : i32
      scf.for %parallel_loop3A_588 = %parallel_loop3A to %parallel_loop3A_271 step %parallel_loop3A_272  : i32 {
        %parallel_loop3A_589 = vector.broadcast %parallel_loop3A_588 : i32 to vector<16xi32>
        %parallel_loop3A_590 = arith.addi %parallel_loop3A_589, %iota3A : vector<16xi32>
        %parallel_loop3A_591 = arith.constant 63 : i32
        %parallel_loop3A_592 = vector.broadcast %parallel_loop3A_591 : i32 to vector<16xi32>
        %parallel_loop3A_593 = arith.andi %parallel_loop3A_590, %parallel_loop3A_592 : vector<16xi32>
        %parallel_loop3A_594 = arith.constant 0 : i32
        %parallel_loop3A_595 = vector.broadcast %parallel_loop3A_594 : i32 to vector<16xi32>
        %parallel_loop3A_596 = arith.addi %parallel_loop3A_595, %iota3A : vector<16xi32>
        %parallel_loop3A_597 = arith.addi %mul3A_207, %parallel_loop3A_593 : vector<16xi32>
        %parallel_loop3A_598 = tpu.vector_load_idx %arg11[%parallel_loop3A_596, %parallel_loop3A_597] : memref<128x128xf32, #tpu.memory_space<vmem>>[vector<16xi32>, vector<16xi32>], vector<16xf32>,
        tpu.vector_store_idx %arg15[%parallel_loop3A_593, %parallel_loop3A_596], %parallel_loop3A_598 : memref<64x128xf32, #tpu.memory_space<vmem>>[vector<16xi32>, vector<16xi32>], vector<16xf32>,
        %parallel_loop3A_599 = arith.constant 16 : i32
        %parallel_loop3A_600 = vector.broadcast %parallel_loop3A_599 : i32 to vector<16xi32>
        %parallel_loop3A_601 = arith.addi %parallel_loop3A_600, %iota3A : vector<16xi32>
        %parallel_loop3A_602 = arith.addi %mul3A_216, %parallel_loop3A_593 : vector<16xi32>
        %parallel_loop3A_603 = tpu.vector_load_idx %arg11[%parallel_loop3A_601, %parallel_loop3A_602] : memref<128x128xf32, #tpu.memory_space<vmem>>[vector<16xi32>, vector<16xi32>], vector<16xf32>,
        tpu.vector_store_idx %arg15[%parallel_loop3A_593, %parallel_loop3A_601], %parallel_loop3A_603 : memref<64x128xf32, #tpu.memory_space<vmem>>[vector<16xi32>, vector<16xi32>], vector<16xf32>,
        %parallel_loop3A_604 = arith.constant 32 : i32
        %parallel_loop3A_605 = vector.broadcast %parallel_loop3A_604 : i32 to vector<16xi32>
        %parallel_loop3A_606 = arith.addi %parallel_loop3A_605, %iota3A : vector<16xi32>
        %parallel_loop3A_607 = arith.addi %mul3A_225, %parallel_loop3A_593 : vector<16xi32>
        %parallel_loop3A_608 = tpu.vector_load_idx %arg11[%parallel_loop3A_606, %parallel_loop3A_607] : memref<128x128xf32, #tpu.memory_space<vmem>>[vector<16xi32>, vector<16xi32>], vector<16xf32>,
        tpu.vector_store_idx %arg15[%parallel_loop3A_593, %parallel_loop3A_606], %parallel_loop3A_608 : memref<64x128xf32, #tpu.memory_space<vmem>>[vector<16xi32>, vector<16xi32>], vector<16xf32>,
        %parallel_loop3A_609 = arith.constant 48 : i32
        %parallel_loop3A_610 = vector.broadcast %parallel_loop3A_609 : i32 to vector<16xi32>
        %parallel_loop3A_611 = arith.addi %parallel_loop3A_610, %iota3A : vector<16xi32>
        %parallel_loop3A_612 = arith.addi %mul3A_234, %parallel_loop3A_593 : vector<16xi32>
        %parallel_loop3A_613 = tpu.vector_load_idx %arg11[%parallel_loop3A_611, %parallel_loop3A_612] : memref<128x128xf32, #tpu.memory_space<vmem>>[vector<16xi32>, vector<16xi32>], vector<16xf32>,
        tpu.vector_store_idx %arg15[%parallel_loop3A_593, %parallel_loop3A_611], %parallel_loop3A_613 : memref<64x128xf32, #tpu.memory_space<vmem>>[vector<16xi32>, vector<16xi32>], vector<16xf32>,
        %parallel_loop3A_614 = arith.constant 64 : i32
        %parallel_loop3A_615 = vector.broadcast %parallel_loop3A_614 : i32 to vector<16xi32>
        %parallel_loop3A_616 = arith.addi %parallel_loop3A_615, %iota3A : vector<16xi32>
        %parallel_loop3A_617 = arith.addi %mul3A_243, %parallel_loop3A_593 : vector<16xi32>
        %parallel_loop3A_618 = tpu.vector_load_idx %arg11[%parallel_loop3A_616, %parallel_loop3A_617] : memref<128x128xf32, #tpu.memory_space<vmem>>[vector<16xi32>, vector<16xi32>], vector<16xf32>,
        tpu.vector_store_idx %arg15[%parallel_loop3A_593, %parallel_loop3A_616], %parallel_loop3A_618 : memref<64x128xf32, #tpu.memory_space<vmem>>[vector<16xi32>, vector<16xi32>], vector<16xf32>,
        %parallel_loop3A_619 = arith.constant 80 : i32
        %parallel_loop3A_620 = vector.broadcast %parallel_loop3A_619 : i32 to vector<16xi32>
        %parallel_loop3A_621 = arith.addi %parallel_loop3A_620, %iota3A : vector<16xi32>
        %parallel_loop3A_622 = arith.addi %mul3A_252, %parallel_loop3A_593 : vector<16xi32>
        %parallel_loop3A_623 = tpu.vector_load_idx %arg11[%parallel_loop3A_621, %parallel_loop3A_622] : memref<128x128xf32, #tpu.memory_space<vmem>>[vector<16xi32>, vector<16xi32>], vector<16xf32>,
        tpu.vector_store_idx %arg15[%parallel_loop3A_593, %parallel_loop3A_621], %parallel_loop3A_623 : memref<64x128xf32, #tpu.memory_space<vmem>>[vector<16xi32>, vector<16xi32>], vector<16xf32>,
        %parallel_loop3A_624 = arith.constant 96 : i32
        %parallel_loop3A_625 = vector.broadcast %parallel_loop3A_624 : i32 to vector<16xi32>
        %parallel_loop3A_626 = arith.addi %parallel_loop3A_625, %iota3A : vector<16xi32>
        %parallel_loop3A_627 = arith.addi %mul3A_261, %parallel_loop3A_593 : vector<16xi32>
        %parallel_loop3A_628 = tpu.vector_load_idx %arg11[%parallel_loop3A_626, %parallel_loop3A_627] : memref<128x128xf32, #tpu.memory_space<vmem>>[vector<16xi32>, vector<16xi32>], vector<16xf32>,
        tpu.vector_store_idx %arg15[%parallel_loop3A_593, %parallel_loop3A_626], %parallel_loop3A_628 : memref<64x128xf32, #tpu.memory_space<vmem>>[vector<16xi32>, vector<16xi32>], vector<16xf32>,
        %parallel_loop3A_629 = arith.constant 112 : i32
        %parallel_loop3A_630 = vector.broadcast %parallel_loop3A_629 : i32 to vector<16xi32>
        %parallel_loop3A_631 = arith.addi %parallel_loop3A_630, %iota3A : vector<16xi32>
        %parallel_loop3A_632 = arith.addi %mul3A_270, %parallel_loop3A_593 : vector<16xi32>
        %parallel_loop3A_633 = tpu.vector_load_idx %arg11[%parallel_loop3A_631, %parallel_loop3A_632] : memref<128x128xf32, #tpu.memory_space<vmem>>[vector<16xi32>, vector<16xi32>], vector<16xf32>,
        tpu.vector_store_idx %arg15[%parallel_loop3A_593, %parallel_loop3A_631], %parallel_loop3A_633 : memref<64x128xf32, #tpu.memory_space<vmem>>[vector<16xi32>, vector<16xi32>], vector<16xf32>,
      } {sc.loop_unroll_factor = 16 : i64, sc.parallel_access}
      %dma_start3A_273 = arith.constant 0 : i32
      %dma_start3A_274 = tpu.memref_slice %arg4[%add3A_185, %dma_start3A_273, %mul3A_2] : memref<200x64x4096xf32, #tpu.memory_space<hbm>> -> memref<1x64x128xf32, #tpu.memory_space<hbm>>
      %dma_start3A_275 = tpu.memref_squeeze %dma_start3A_274 : memref<1x64x128xf32, #tpu.memory_space<hbm>> -> memref<64x128xf32, #tpu.memory_space<hbm>>
      %dma_start3A_276 = arith.constant 0 : i32
      %dma_start3A_277 = tpu.memref_slice %arg4[%add3A_185, %dma_start3A_276, %mul3A_2] : memref<200x64x4096xf32, #tpu.memory_space<hbm>> -> memref<1x64x128xf32, #tpu.memory_space<hbm>>
      %dma_start3A_278 = tpu.memref_squeeze %dma_start3A_277 : memref<1x64x128xf32, #tpu.memory_space<hbm>> -> memref<64x128xf32, #tpu.memory_space<hbm>>
      tpu.enqueue_dma source(%arg15 : memref<64x128xf32, #tpu.memory_space<vmem>>) target(%dma_start3A_278 : memref<64x128xf32, #tpu.memory_space<hbm>>) target_semaphore(%arg23 : memref<!tpu.dma_semaphore, #tpu.memory_space<semaphore_mem>>)
      %mul3A_279 = arith.constant 4 : i32
      %mul3A_280 = arith.muli %scan3A_181, %mul3A_279 : i32
      %add3A_281 = arith.constant 1 : i32
      %add3A_282 = arith.addi %mul3A_280, %add3A_281 : i32
      %add3A_283 = arith.constant 2 : i32
      %add3A_284 = arith.addi %add3A_282, %add3A_283 : i32
      %lt3A_285 = arith.constant 200 : i32
      %lt3A_286 = arith.cmpi slt, %add3A_284, %lt3A_285 : i32
      %ge3A_287 = arith.constant 4 : i32
      %ge3A_288 = arith.cmpi sge, %add3A_284, %ge3A_287 : i32
      %and3A_289 = arith.andi %lt3A_286, %ge3A_288 : i1
      %convert_element_type3A_290 = arith.extui %and3A_289 : i1 to i32
      %cond3A_291 = arith.constant 0 : i32
      %cond3A_292 = arith.cmpi ne, %convert_element_type3A_290, %cond3A_291 : i32
      scf.if %cond3A_292 {
        %sub3A = arith.constant 4 : i32
        %sub3A_588 = arith.subi %add3A_284, %sub3A : i32
        %dma_wait3A_589 = arith.constant 0 : i32
        %dma_wait3A_590 = tpu.memref_slice %arg4[%sub3A_588, %dma_wait3A_589, %mul3A_2] : memref<200x64x4096xf32, #tpu.memory_space<hbm>> -> memref<1x64x128xf32, #tpu.memory_space<hbm>>
        %dma_wait3A_591 = tpu.memref_squeeze %dma_wait3A_590 : memref<1x64x128xf32, #tpu.memory_space<hbm>> -> memref<64x128xf32, #tpu.memory_space<hbm>>
        %dma_wait3A_592 = arith.constant 0 : i32
        %dma_wait3A_593 = tpu.memref_slice %arg4[%sub3A_588, %dma_wait3A_592, %mul3A_2] : memref<200x64x4096xf32, #tpu.memory_space<hbm>> -> memref<1x64x128xf32, #tpu.memory_space<hbm>>
        %dma_wait3A_594 = tpu.memref_squeeze %dma_wait3A_593 : memref<1x64x128xf32, #tpu.memory_space<hbm>> -> memref<64x128xf32, #tpu.memory_space<hbm>>
        tpu.wait_dma2 semaphore(%arg26 : memref<!tpu.dma_semaphore, #tpu.memory_space<semaphore_mem>>) src(%arg18 : memref<64x128xf32, #tpu.memory_space<vmem>>) dst(%dma_wait3A_594 : memref<64x128xf32, #tpu.memory_space<hbm>>)
      } else {
      }
      %lt3A_293 = arith.constant 200 : i32
      %lt3A_294 = arith.cmpi slt, %add3A_284, %lt3A_293 : i32
      %convert_element_type3A_295 = arith.extui %lt3A_294 : i1 to i32
      %cond3A_296 = arith.constant 0 : i32
      %cond3A_297 = arith.cmpi ne, %convert_element_type3A_295, %cond3A_296 : i32
      scf.if %cond3A_297 {
        %get3A_588 = arith.index_cast %add3A_284 : i32 to index
        %get3A_589 = arith.constant 0 : index
        %get3A_590 = tpu.vector_load %arg5[%get3A_588, %get3A_589] {strides = array<i32>} : memref<200x128xi32, #tpu.memory_space<vmem>>, vector<16xi32>,
        %shift_right_logical3A_591 = arith.constant 1 : i32
        %shift_right_logical3A_592 = vector.broadcast %shift_right_logical3A_591 : i32 to vector<16xi32>
        %shift_right_logical3A_593 = arith.shrui %get3A_590, %shift_right_logical3A_592 : vector<16xi32>
        %swap3A_594 = arith.constant 0 : index
        %swap3A_595 = tpu.vector_load %arg10[%swap3A_594] {strides = array<i32>} : memref<128xi32, #tpu.memory_space<vmem>>, vector<16xi32>,
        tpu.vector_store %arg10[%swap3A_594], %shift_right_logical3A_593 {strides = array<i32>} : memref<128xi32, #tpu.memory_space<vmem>>, vector<16xi32>,
        %get3A_596 = arith.index_cast %add3A_284 : i32 to index
        %get3A_597 = arith.constant 16 : index
        %get3A_598 = tpu.vector_load %arg5[%get3A_596, %get3A_597] {strides = array<i32>} : memref<200x128xi32, #tpu.memory_space<vmem>>, vector<16xi32>,
        %shift_right_logical3A_599 = arith.constant 1 : i32
        %shift_right_logical3A_600 = vector.broadcast %shift_right_logical3A_599 : i32 to vector<16xi32>
        %shift_right_logical3A_601 = arith.shrui %get3A_598, %shift_right_logical3A_600 : vector<16xi32>
        %swap3A_602 = arith.constant 16 : index
        %swap3A_603 = tpu.vector_load %arg10[%swap3A_602] {strides = array<i32>} : memref<128xi32, #tpu.memory_space<vmem>>, vector<16xi32>,
        tpu.vector_store %arg10[%swap3A_602], %shift_right_logical3A_601 {strides = array<i32>} : memref<128xi32, #tpu.memory_space<vmem>>, vector<16xi32>,
        %get3A_604 = arith.index_cast %add3A_284 : i32 to index
        %get3A_605 = arith.constant 32 : index
        %get3A_606 = tpu.vector_load %arg5[%get3A_604, %get3A_605] {strides = array<i32>} : memref<200x128xi32, #tpu.memory_space<vmem>>, vector<16xi32>,
        %shift_right_logical3A_607 = arith.constant 1 : i32
        %shift_right_logical3A_608 = vector.broadcast %shift_right_logical3A_607 : i32 to vector<16xi32>
        %shift_right_logical3A_609 = arith.shrui %get3A_606, %shift_right_logical3A_608 : vector<16xi32>
        %swap3A_610 = arith.constant 32 : index
        %swap3A_611 = tpu.vector_load %arg10[%swap3A_610] {strides = array<i32>} : memref<128xi32, #tpu.memory_space<vmem>>, vector<16xi32>,
        tpu.vector_store %arg10[%swap3A_610], %shift_right_logical3A_609 {strides = array<i32>} : memref<128xi32, #tpu.memory_space<vmem>>, vector<16xi32>,
        %get3A_612 = arith.index_cast %add3A_284 : i32 to index
        %get3A_613 = arith.constant 48 : index
        %get3A_614 = tpu.vector_load %arg5[%get3A_612, %get3A_613] {strides = array<i32>} : memref<200x128xi32, #tpu.memory_space<vmem>>, vector<16xi32>,
        %shift_right_logical3A_615 = arith.constant 1 : i32
        %shift_right_logical3A_616 = vector.broadcast %shift_right_logical3A_615 : i32 to vector<16xi32>
        %shift_right_logical3A_617 = arith.shrui %get3A_614, %shift_right_logical3A_616 : vector<16xi32>
        %swap3A_618 = arith.constant 48 : index
        %swap3A_619 = tpu.vector_load %arg10[%swap3A_618] {strides = array<i32>} : memref<128xi32, #tpu.memory_space<vmem>>, vector<16xi32>,
        tpu.vector_store %arg10[%swap3A_618], %shift_right_logical3A_617 {strides = array<i32>} : memref<128xi32, #tpu.memory_space<vmem>>, vector<16xi32>,
        %get3A_620 = arith.index_cast %add3A_284 : i32 to index
        %get3A_621 = arith.constant 64 : index
        %get3A_622 = tpu.vector_load %arg5[%get3A_620, %get3A_621] {strides = array<i32>} : memref<200x128xi32, #tpu.memory_space<vmem>>, vector<16xi32>,
        %shift_right_logical3A_623 = arith.constant 1 : i32
        %shift_right_logical3A_624 = vector.broadcast %shift_right_logical3A_623 : i32 to vector<16xi32>
        %shift_right_logical3A_625 = arith.shrui %get3A_622, %shift_right_logical3A_624 : vector<16xi32>
        %swap3A_626 = arith.constant 64 : index
        %swap3A_627 = tpu.vector_load %arg10[%swap3A_626] {strides = array<i32>} : memref<128xi32, #tpu.memory_space<vmem>>, vector<16xi32>,
        tpu.vector_store %arg10[%swap3A_626], %shift_right_logical3A_625 {strides = array<i32>} : memref<128xi32, #tpu.memory_space<vmem>>, vector<16xi32>,
        %get3A_628 = arith.index_cast %add3A_284 : i32 to index
        %get3A_629 = arith.constant 80 : index
        %get3A_630 = tpu.vector_load %arg5[%get3A_628, %get3A_629] {strides = array<i32>} : memref<200x128xi32, #tpu.memory_space<vmem>>, vector<16xi32>,
        %shift_right_logical3A_631 = arith.constant 1 : i32
        %shift_right_logical3A_632 = vector.broadcast %shift_right_logical3A_631 : i32 to vector<16xi32>
        %shift_right_logical3A_633 = arith.shrui %get3A_630, %shift_right_logical3A_632 : vector<16xi32>
        %swap3A_634 = arith.constant 80 : index
        %swap3A_635 = tpu.vector_load %arg10[%swap3A_634] {strides = array<i32>} : memref<128xi32, #tpu.memory_space<vmem>>, vector<16xi32>,
        tpu.vector_store %arg10[%swap3A_634], %shift_right_logical3A_633 {strides = array<i32>} : memref<128xi32, #tpu.memory_space<vmem>>, vector<16xi32>,
        %get3A_636 = arith.index_cast %add3A_284 : i32 to index
        %get3A_637 = arith.constant 96 : index
        %get3A_638 = tpu.vector_load %arg5[%get3A_636, %get3A_637] {strides = array<i32>} : memref<200x128xi32, #tpu.memory_space<vmem>>, vector<16xi32>,
        %shift_right_logical3A_639 = arith.constant 1 : i32
        %shift_right_logical3A_640 = vector.broadcast %shift_right_logical3A_639 : i32 to vector<16xi32>
        %shift_right_logical3A_641 = arith.shrui %get3A_638, %shift_right_logical3A_640 : vector<16xi32>
        %swap3A_642 = arith.constant 96 : index
        %swap3A_643 = tpu.vector_load %arg10[%swap3A_642] {strides = array<i32>} : memref<128xi32, #tpu.memory_space<vmem>>, vector<16xi32>,
        tpu.vector_store %arg10[%swap3A_642], %shift_right_logical3A_641 {strides = array<i32>} : memref<128xi32, #tpu.memory_space<vmem>>, vector<16xi32>,
        %get3A_644 = arith.index_cast %add3A_284 : i32 to index
        %get3A_645 = arith.constant 112 : index
        %get3A_646 = tpu.vector_load %arg5[%get3A_644, %get3A_645] {strides = array<i32>} : memref<200x128xi32, #tpu.memory_space<vmem>>, vector<16xi32>,
        %shift_right_logical3A_647 = arith.constant 1 : i32
        %shift_right_logical3A_648 = vector.broadcast %shift_right_logical3A_647 : i32 to vector<16xi32>
        %shift_right_logical3A_649 = arith.shrui %get3A_646, %shift_right_logical3A_648 : vector<16xi32>
        %swap3A_650 = arith.constant 112 : index
        %swap3A_651 = tpu.vector_load %arg10[%swap3A_650] {strides = array<i32>} : memref<128xi32, #tpu.memory_space<vmem>>, vector<16xi32>,
        tpu.vector_store %arg10[%swap3A_650], %shift_right_logical3A_649 {strides = array<i32>} : memref<128xi32, #tpu.memory_space<vmem>>, vector<16xi32>,
        %dma_start3A_652 = arith.constant 0 : i32
        %dma_start3A_653 = arith.constant 0 : i32
        %dma_start3A_654 = tpu.memref_slice %arg3[%dma_start3A_652, %dma_start3A_653] : memref<500000x128xf32, #tpu.memory_space<hbm>> -> memref<500000x128xf32, #tpu.memory_space<hbm>>
        tpu.enqueue_indirect_dma source(%dma_start3A_654 : memref<500000x128xf32, #tpu.memory_space<hbm>>) target(%arg14 : memref<128x128xf32, #tpu.memory_space<vmem>>) offsets(%arg10 : memref<128xi32, #tpu.memory_space<vmem>>) semaphore(%arg22 : memref<!tpu.dma_semaphore, #tpu.memory_space<semaphore_mem>>)
      } else {
      }
      %dma_wait3A_298 = arith.constant 0 : i32
      %dma_wait3A_299 = arith.constant 0 : i32
      %dma_wait3A_300 = tpu.memref_slice %arg3[%dma_wait3A_298, %dma_wait3A_299] : memref<500000x128xf32, #tpu.memory_space<hbm>> -> memref<500000x128xf32, #tpu.memory_space<hbm>>
      tpu.wait_indirect_dma semaphore(%arg20 : memref<!tpu.dma_semaphore, #tpu.memory_space<semaphore_mem>>) src(%dma_wait3A_300 : memref<500000x128xf32, #tpu.memory_space<hbm>>) dst(%arg12 : memref<128x128xf32, #tpu.memory_space<vmem>>)
      %get3A_301 = arith.index_cast %add3A_282 : i32 to index
      %get3A_302 = arith.constant 0 : index
      %get3A_303 = tpu.vector_load %arg5[%get3A_301, %get3A_302] {strides = array<i32>} : memref<200x128xi32, #tpu.memory_space<vmem>>, vector<16xi32>,
      %and3A_304 = arith.constant 1 : i32
      %and3A_305 = vector.broadcast %and3A_304 : i32 to vector<16xi32>
      %and3A_306 = arith.andi %get3A_303, %and3A_305 : vector<16xi32>
      %mul3A_307 = arith.constant 64 : i32
      %mul3A_308 = vector.broadcast %mul3A_307 : i32 to vector<16xi32>
      %mul3A_309 = arith.muli %and3A_306, %mul3A_308 : vector<16xi32>
      %get3A_310 = arith.index_cast %add3A_282 : i32 to index
      %get3A_311 = arith.constant 16 : index
      %get3A_312 = tpu.vector_load %arg5[%get3A_310, %get3A_311] {strides = array<i32>} : memref<200x128xi32, #tpu.memory_space<vmem>>, vector<16xi32>,
      %and3A_313 = arith.constant 1 : i32
      %and3A_314 = vector.broadcast %and3A_313 : i32 to vector<16xi32>
      %and3A_315 = arith.andi %get3A_312, %and3A_314 : vector<16xi32>
      %mul3A_316 = arith.constant 64 : i32
      %mul3A_317 = vector.broadcast %mul3A_316 : i32 to vector<16xi32>
      %mul3A_318 = arith.muli %and3A_315, %mul3A_317 : vector<16xi32>
      %get3A_319 = arith.index_cast %add3A_282 : i32 to index
      %get3A_320 = arith.constant 32 : index
      %get3A_321 = tpu.vector_load %arg5[%get3A_319, %get3A_320] {strides = array<i32>} : memref<200x128xi32, #tpu.memory_space<vmem>>, vector<16xi32>,
      %and3A_322 = arith.constant 1 : i32
      %and3A_323 = vector.broadcast %and3A_322 : i32 to vector<16xi32>
      %and3A_324 = arith.andi %get3A_321, %and3A_323 : vector<16xi32>
      %mul3A_325 = arith.constant 64 : i32
      %mul3A_326 = vector.broadcast %mul3A_325 : i32 to vector<16xi32>
      %mul3A_327 = arith.muli %and3A_324, %mul3A_326 : vector<16xi32>
      %get3A_328 = arith.index_cast %add3A_282 : i32 to index
      %get3A_329 = arith.constant 48 : index
      %get3A_330 = tpu.vector_load %arg5[%get3A_328, %get3A_329] {strides = array<i32>} : memref<200x128xi32, #tpu.memory_space<vmem>>, vector<16xi32>,
      %and3A_331 = arith.constant 1 : i32
      %and3A_332 = vector.broadcast %and3A_331 : i32 to vector<16xi32>
      %and3A_333 = arith.andi %get3A_330, %and3A_332 : vector<16xi32>
      %mul3A_334 = arith.constant 64 : i32
      %mul3A_335 = vector.broadcast %mul3A_334 : i32 to vector<16xi32>
      %mul3A_336 = arith.muli %and3A_333, %mul3A_335 : vector<16xi32>
      %get3A_337 = arith.index_cast %add3A_282 : i32 to index
      %get3A_338 = arith.constant 64 : index
      %get3A_339 = tpu.vector_load %arg5[%get3A_337, %get3A_338] {strides = array<i32>} : memref<200x128xi32, #tpu.memory_space<vmem>>, vector<16xi32>,
      %and3A_340 = arith.constant 1 : i32
      %and3A_341 = vector.broadcast %and3A_340 : i32 to vector<16xi32>
      %and3A_342 = arith.andi %get3A_339, %and3A_341 : vector<16xi32>
      %mul3A_343 = arith.constant 64 : i32
      %mul3A_344 = vector.broadcast %mul3A_343 : i32 to vector<16xi32>
      %mul3A_345 = arith.muli %and3A_342, %mul3A_344 : vector<16xi32>
      %get3A_346 = arith.index_cast %add3A_282 : i32 to index
      %get3A_347 = arith.constant 80 : index
      %get3A_348 = tpu.vector_load %arg5[%get3A_346, %get3A_347] {strides = array<i32>} : memref<200x128xi32, #tpu.memory_space<vmem>>, vector<16xi32>,
      %and3A_349 = arith.constant 1 : i32
      %and3A_350 = vector.broadcast %and3A_349 : i32 to vector<16xi32>
      %and3A_351 = arith.andi %get3A_348, %and3A_350 : vector<16xi32>
      %mul3A_352 = arith.constant 64 : i32
      %mul3A_353 = vector.broadcast %mul3A_352 : i32 to vector<16xi32>
      %mul3A_354 = arith.muli %and3A_351, %mul3A_353 : vector<16xi32>
      %get3A_355 = arith.index_cast %add3A_282 : i32 to index
      %get3A_356 = arith.constant 96 : index
      %get3A_357 = tpu.vector_load %arg5[%get3A_355, %get3A_356] {strides = array<i32>} : memref<200x128xi32, #tpu.memory_space<vmem>>, vector<16xi32>,
      %and3A_358 = arith.constant 1 : i32
      %and3A_359 = vector.broadcast %and3A_358 : i32 to vector<16xi32>
      %and3A_360 = arith.andi %get3A_357, %and3A_359 : vector<16xi32>
      %mul3A_361 = arith.constant 64 : i32
      %mul3A_362 = vector.broadcast %mul3A_361 : i32 to vector<16xi32>
      %mul3A_363 = arith.muli %and3A_360, %mul3A_362 : vector<16xi32>
      %get3A_364 = arith.index_cast %add3A_282 : i32 to index
      %get3A_365 = arith.constant 112 : index
      %get3A_366 = tpu.vector_load %arg5[%get3A_364, %get3A_365] {strides = array<i32>} : memref<200x128xi32, #tpu.memory_space<vmem>>, vector<16xi32>,
      %and3A_367 = arith.constant 1 : i32
      %and3A_368 = vector.broadcast %and3A_367 : i32 to vector<16xi32>
      %and3A_369 = arith.andi %get3A_366, %and3A_368 : vector<16xi32>
      %mul3A_370 = arith.constant 64 : i32
      %mul3A_371 = vector.broadcast %mul3A_370 : i32 to vector<16xi32>
      %mul3A_372 = arith.muli %and3A_369, %mul3A_371 : vector<16xi32>
      %parallel_loop3A_373 = arith.constant 0 : i32
      %parallel_loop3A_374 = arith.constant 64 : i32
      %parallel_loop3A_375 = arith.constant 1 : i32
      scf.for %parallel_loop3A_588 = %parallel_loop3A_373 to %parallel_loop3A_374 step %parallel_loop3A_375  : i32 {
        %parallel_loop3A_589 = vector.broadcast %parallel_loop3A_588 : i32 to vector<16xi32>
        %parallel_loop3A_590 = arith.addi %parallel_loop3A_589, %iota3A : vector<16xi32>
        %parallel_loop3A_591 = arith.constant 63 : i32
        %parallel_loop3A_592 = vector.broadcast %parallel_loop3A_591 : i32 to vector<16xi32>
        %parallel_loop3A_593 = arith.andi %parallel_loop3A_590, %parallel_loop3A_592 : vector<16xi32>
        %parallel_loop3A_594 = arith.constant 0 : i32
        %parallel_loop3A_595 = vector.broadcast %parallel_loop3A_594 : i32 to vector<16xi32>
        %parallel_loop3A_596 = arith.addi %parallel_loop3A_595, %iota3A : vector<16xi32>
        %parallel_loop3A_597 = arith.addi %mul3A_309, %parallel_loop3A_593 : vector<16xi32>
        %parallel_loop3A_598 = tpu.vector_load_idx %arg12[%parallel_loop3A_596, %parallel_loop3A_597] : memref<128x128xf32, #tpu.memory_space<vmem>>[vector<16xi32>, vector<16xi32>], vector<16xf32>,
        tpu.vector_store_idx %arg16[%parallel_loop3A_593, %parallel_loop3A_596], %parallel_loop3A_598 : memref<64x128xf32, #tpu.memory_space<vmem>>[vector<16xi32>, vector<16xi32>], vector<16xf32>,
        %parallel_loop3A_599 = arith.constant 16 : i32
        %parallel_loop3A_600 = vector.broadcast %parallel_loop3A_599 : i32 to vector<16xi32>
        %parallel_loop3A_601 = arith.addi %parallel_loop3A_600, %iota3A : vector<16xi32>
        %parallel_loop3A_602 = arith.addi %mul3A_318, %parallel_loop3A_593 : vector<16xi32>
        %parallel_loop3A_603 = tpu.vector_load_idx %arg12[%parallel_loop3A_601, %parallel_loop3A_602] : memref<128x128xf32, #tpu.memory_space<vmem>>[vector<16xi32>, vector<16xi32>], vector<16xf32>,
        tpu.vector_store_idx %arg16[%parallel_loop3A_593, %parallel_loop3A_601], %parallel_loop3A_603 : memref<64x128xf32, #tpu.memory_space<vmem>>[vector<16xi32>, vector<16xi32>], vector<16xf32>,
        %parallel_loop3A_604 = arith.constant 32 : i32
        %parallel_loop3A_605 = vector.broadcast %parallel_loop3A_604 : i32 to vector<16xi32>
        %parallel_loop3A_606 = arith.addi %parallel_loop3A_605, %iota3A : vector<16xi32>
        %parallel_loop3A_607 = arith.addi %mul3A_327, %parallel_loop3A_593 : vector<16xi32>
        %parallel_loop3A_608 = tpu.vector_load_idx %arg12[%parallel_loop3A_606, %parallel_loop3A_607] : memref<128x128xf32, #tpu.memory_space<vmem>>[vector<16xi32>, vector<16xi32>], vector<16xf32>,
        tpu.vector_store_idx %arg16[%parallel_loop3A_593, %parallel_loop3A_606], %parallel_loop3A_608 : memref<64x128xf32, #tpu.memory_space<vmem>>[vector<16xi32>, vector<16xi32>], vector<16xf32>,
        %parallel_loop3A_609 = arith.constant 48 : i32
        %parallel_loop3A_610 = vector.broadcast %parallel_loop3A_609 : i32 to vector<16xi32>
        %parallel_loop3A_611 = arith.addi %parallel_loop3A_610, %iota3A : vector<16xi32>
        %parallel_loop3A_612 = arith.addi %mul3A_336, %parallel_loop3A_593 : vector<16xi32>
        %parallel_loop3A_613 = tpu.vector_load_idx %arg12[%parallel_loop3A_611, %parallel_loop3A_612] : memref<128x128xf32, #tpu.memory_space<vmem>>[vector<16xi32>, vector<16xi32>], vector<16xf32>,
        tpu.vector_store_idx %arg16[%parallel_loop3A_593, %parallel_loop3A_611], %parallel_loop3A_613 : memref<64x128xf32, #tpu.memory_space<vmem>>[vector<16xi32>, vector<16xi32>], vector<16xf32>,
        %parallel_loop3A_614 = arith.constant 64 : i32
        %parallel_loop3A_615 = vector.broadcast %parallel_loop3A_614 : i32 to vector<16xi32>
        %parallel_loop3A_616 = arith.addi %parallel_loop3A_615, %iota3A : vector<16xi32>
        %parallel_loop3A_617 = arith.addi %mul3A_345, %parallel_loop3A_593 : vector<16xi32>
        %parallel_loop3A_618 = tpu.vector_load_idx %arg12[%parallel_loop3A_616, %parallel_loop3A_617] : memref<128x128xf32, #tpu.memory_space<vmem>>[vector<16xi32>, vector<16xi32>], vector<16xf32>,
        tpu.vector_store_idx %arg16[%parallel_loop3A_593, %parallel_loop3A_616], %parallel_loop3A_618 : memref<64x128xf32, #tpu.memory_space<vmem>>[vector<16xi32>, vector<16xi32>], vector<16xf32>,
        %parallel_loop3A_619 = arith.constant 80 : i32
        %parallel_loop3A_620 = vector.broadcast %parallel_loop3A_619 : i32 to vector<16xi32>
        %parallel_loop3A_621 = arith.addi %parallel_loop3A_620, %iota3A : vector<16xi32>
        %parallel_loop3A_622 = arith.addi %mul3A_354, %parallel_loop3A_593 : vector<16xi32>
        %parallel_loop3A_623 = tpu.vector_load_idx %arg12[%parallel_loop3A_621, %parallel_loop3A_622] : memref<128x128xf32, #tpu.memory_space<vmem>>[vector<16xi32>, vector<16xi32>], vector<16xf32>,
        tpu.vector_store_idx %arg16[%parallel_loop3A_593, %parallel_loop3A_621], %parallel_loop3A_623 : memref<64x128xf32, #tpu.memory_space<vmem>>[vector<16xi32>, vector<16xi32>], vector<16xf32>,
        %parallel_loop3A_624 = arith.constant 96 : i32
        %parallel_loop3A_625 = vector.broadcast %parallel_loop3A_624 : i32 to vector<16xi32>
        %parallel_loop3A_626 = arith.addi %parallel_loop3A_625, %iota3A : vector<16xi32>
        %parallel_loop3A_627 = arith.addi %mul3A_363, %parallel_loop3A_593 : vector<16xi32>
        %parallel_loop3A_628 = tpu.vector_load_idx %arg12[%parallel_loop3A_626, %parallel_loop3A_627] : memref<128x128xf32, #tpu.memory_space<vmem>>[vector<16xi32>, vector<16xi32>], vector<16xf32>,
        tpu.vector_store_idx %arg16[%parallel_loop3A_593, %parallel_loop3A_626], %parallel_loop3A_628 : memref<64x128xf32, #tpu.memory_space<vmem>>[vector<16xi32>, vector<16xi32>], vector<16xf32>,
        %parallel_loop3A_629 = arith.constant 112 : i32
        %parallel_loop3A_630 = vector.broadcast %parallel_loop3A_629 : i32 to vector<16xi32>
        %parallel_loop3A_631 = arith.addi %parallel_loop3A_630, %iota3A : vector<16xi32>
        %parallel_loop3A_632 = arith.addi %mul3A_372, %parallel_loop3A_593 : vector<16xi32>
        %parallel_loop3A_633 = tpu.vector_load_idx %arg12[%parallel_loop3A_631, %parallel_loop3A_632] : memref<128x128xf32, #tpu.memory_space<vmem>>[vector<16xi32>, vector<16xi32>], vector<16xf32>,
        tpu.vector_store_idx %arg16[%parallel_loop3A_593, %parallel_loop3A_631], %parallel_loop3A_633 : memref<64x128xf32, #tpu.memory_space<vmem>>[vector<16xi32>, vector<16xi32>], vector<16xf32>,
      } {sc.loop_unroll_factor = 16 : i64, sc.parallel_access}
      %dma_start3A_376 = arith.constant 0 : i32
      %dma_start3A_377 = tpu.memref_slice %arg4[%add3A_282, %dma_start3A_376, %mul3A_2] : memref<200x64x4096xf32, #tpu.memory_space<hbm>> -> memref<1x64x128xf32, #tpu.memory_space<hbm>>
      %dma_start3A_378 = tpu.memref_squeeze %dma_start3A_377 : memref<1x64x128xf32, #tpu.memory_space<hbm>> -> memref<64x128xf32, #tpu.memory_space<hbm>>
      %dma_start3A_379 = arith.constant 0 : i32
      %dma_start3A_380 = tpu.memref_slice %arg4[%add3A_282, %dma_start3A_379, %mul3A_2] : memref<200x64x4096xf32, #tpu.memory_space<hbm>> -> memref<1x64x128xf32, #tpu.memory_space<hbm>>
      %dma_start3A_381 = tpu.memref_squeeze %dma_start3A_380 : memref<1x64x128xf32, #tpu.memory_space<hbm>> -> memref<64x128xf32, #tpu.memory_space<hbm>>
      tpu.enqueue_dma source(%arg16 : memref<64x128xf32, #tpu.memory_space<vmem>>) target(%dma_start3A_381 : memref<64x128xf32, #tpu.memory_space<hbm>>) target_semaphore(%arg24 : memref<!tpu.dma_semaphore, #tpu.memory_space<semaphore_mem>>)
      %mul3A_382 = arith.constant 4 : i32
      %mul3A_383 = arith.muli %scan3A_181, %mul3A_382 : i32
      %add3A_384 = arith.constant 2 : i32
      %add3A_385 = arith.addi %mul3A_383, %add3A_384 : i32
      %add3A_386 = arith.constant 2 : i32
      %add3A_387 = arith.addi %add3A_385, %add3A_386 : i32
      %lt3A_388 = arith.constant 200 : i32
      %lt3A_389 = arith.cmpi slt, %add3A_387, %lt3A_388 : i32
      %ge3A_390 = arith.constant 4 : i32
      %ge3A_391 = arith.cmpi sge, %add3A_387, %ge3A_390 : i32
      %and3A_392 = arith.andi %lt3A_389, %ge3A_391 : i1
      %convert_element_type3A_393 = arith.extui %and3A_392 : i1 to i32
      %cond3A_394 = arith.constant 0 : i32
      %cond3A_395 = arith.cmpi ne, %convert_element_type3A_393, %cond3A_394 : i32
      scf.if %cond3A_395 {
        %sub3A = arith.constant 4 : i32
        %sub3A_588 = arith.subi %add3A_387, %sub3A : i32
        %dma_wait3A_589 = arith.constant 0 : i32
        %dma_wait3A_590 = tpu.memref_slice %arg4[%sub3A_588, %dma_wait3A_589, %mul3A_2] : memref<200x64x4096xf32, #tpu.memory_space<hbm>> -> memref<1x64x128xf32, #tpu.memory_space<hbm>>
        %dma_wait3A_591 = tpu.memref_squeeze %dma_wait3A_590 : memref<1x64x128xf32, #tpu.memory_space<hbm>> -> memref<64x128xf32, #tpu.memory_space<hbm>>
        %dma_wait3A_592 = arith.constant 0 : i32
        %dma_wait3A_593 = tpu.memref_slice %arg4[%sub3A_588, %dma_wait3A_592, %mul3A_2] : memref<200x64x4096xf32, #tpu.memory_space<hbm>> -> memref<1x64x128xf32, #tpu.memory_space<hbm>>
        %dma_wait3A_594 = tpu.memref_squeeze %dma_wait3A_593 : memref<1x64x128xf32, #tpu.memory_space<hbm>> -> memref<64x128xf32, #tpu.memory_space<hbm>>
        tpu.wait_dma2 semaphore(%arg23 : memref<!tpu.dma_semaphore, #tpu.memory_space<semaphore_mem>>) src(%arg15 : memref<64x128xf32, #tpu.memory_space<vmem>>) dst(%dma_wait3A_594 : memref<64x128xf32, #tpu.memory_space<hbm>>)
      } else {
      }
      %lt3A_396 = arith.constant 200 : i32
      %lt3A_397 = arith.cmpi slt, %add3A_387, %lt3A_396 : i32
      %convert_element_type3A_398 = arith.extui %lt3A_397 : i1 to i32
      %cond3A_399 = arith.constant 0 : i32
      %cond3A_400 = arith.cmpi ne, %convert_element_type3A_398, %cond3A_399 : i32
      scf.if %cond3A_400 {
        %get3A_588 = arith.index_cast %add3A_387 : i32 to index
        %get3A_589 = arith.constant 0 : index
        %get3A_590 = tpu.vector_load %arg5[%get3A_588, %get3A_589] {strides = array<i32>} : memref<200x128xi32, #tpu.memory_space<vmem>>, vector<16xi32>,
        %shift_right_logical3A_591 = arith.constant 1 : i32
        %shift_right_logical3A_592 = vector.broadcast %shift_right_logical3A_591 : i32 to vector<16xi32>
        %shift_right_logical3A_593 = arith.shrui %get3A_590, %shift_right_logical3A_592 : vector<16xi32>
        %swap3A_594 = arith.constant 0 : index
        %swap3A_595 = tpu.vector_load %arg7[%swap3A_594] {strides = array<i32>} : memref<128xi32, #tpu.memory_space<vmem>>, vector<16xi32>,
        tpu.vector_store %arg7[%swap3A_594], %shift_right_logical3A_593 {strides = array<i32>} : memref<128xi32, #tpu.memory_space<vmem>>, vector<16xi32>,
        %get3A_596 = arith.index_cast %add3A_387 : i32 to index
        %get3A_597 = arith.constant 16 : index
        %get3A_598 = tpu.vector_load %arg5[%get3A_596, %get3A_597] {strides = array<i32>} : memref<200x128xi32, #tpu.memory_space<vmem>>, vector<16xi32>,
        %shift_right_logical3A_599 = arith.constant 1 : i32
        %shift_right_logical3A_600 = vector.broadcast %shift_right_logical3A_599 : i32 to vector<16xi32>
        %shift_right_logical3A_601 = arith.shrui %get3A_598, %shift_right_logical3A_600 : vector<16xi32>
        %swap3A_602 = arith.constant 16 : index
        %swap3A_603 = tpu.vector_load %arg7[%swap3A_602] {strides = array<i32>} : memref<128xi32, #tpu.memory_space<vmem>>, vector<16xi32>,
        tpu.vector_store %arg7[%swap3A_602], %shift_right_logical3A_601 {strides = array<i32>} : memref<128xi32, #tpu.memory_space<vmem>>, vector<16xi32>,
        %get3A_604 = arith.index_cast %add3A_387 : i32 to index
        %get3A_605 = arith.constant 32 : index
        %get3A_606 = tpu.vector_load %arg5[%get3A_604, %get3A_605] {strides = array<i32>} : memref<200x128xi32, #tpu.memory_space<vmem>>, vector<16xi32>,
        %shift_right_logical3A_607 = arith.constant 1 : i32
        %shift_right_logical3A_608 = vector.broadcast %shift_right_logical3A_607 : i32 to vector<16xi32>
        %shift_right_logical3A_609 = arith.shrui %get3A_606, %shift_right_logical3A_608 : vector<16xi32>
        %swap3A_610 = arith.constant 32 : index
        %swap3A_611 = tpu.vector_load %arg7[%swap3A_610] {strides = array<i32>} : memref<128xi32, #tpu.memory_space<vmem>>, vector<16xi32>,
        tpu.vector_store %arg7[%swap3A_610], %shift_right_logical3A_609 {strides = array<i32>} : memref<128xi32, #tpu.memory_space<vmem>>, vector<16xi32>,
        %get3A_612 = arith.index_cast %add3A_387 : i32 to index
        %get3A_613 = arith.constant 48 : index
        %get3A_614 = tpu.vector_load %arg5[%get3A_612, %get3A_613] {strides = array<i32>} : memref<200x128xi32, #tpu.memory_space<vmem>>, vector<16xi32>,
        %shift_right_logical3A_615 = arith.constant 1 : i32
        %shift_right_logical3A_616 = vector.broadcast %shift_right_logical3A_615 : i32 to vector<16xi32>
        %shift_right_logical3A_617 = arith.shrui %get3A_614, %shift_right_logical3A_616 : vector<16xi32>
        %swap3A_618 = arith.constant 48 : index
        %swap3A_619 = tpu.vector_load %arg7[%swap3A_618] {strides = array<i32>} : memref<128xi32, #tpu.memory_space<vmem>>, vector<16xi32>,
        tpu.vector_store %arg7[%swap3A_618], %shift_right_logical3A_617 {strides = array<i32>} : memref<128xi32, #tpu.memory_space<vmem>>, vector<16xi32>,
        %get3A_620 = arith.index_cast %add3A_387 : i32 to index
        %get3A_621 = arith.constant 64 : index
        %get3A_622 = tpu.vector_load %arg5[%get3A_620, %get3A_621] {strides = array<i32>} : memref<200x128xi32, #tpu.memory_space<vmem>>, vector<16xi32>,
        %shift_right_logical3A_623 = arith.constant 1 : i32
        %shift_right_logical3A_624 = vector.broadcast %shift_right_logical3A_623 : i32 to vector<16xi32>
        %shift_right_logical3A_625 = arith.shrui %get3A_622, %shift_right_logical3A_624 : vector<16xi32>
        %swap3A_626 = arith.constant 64 : index
        %swap3A_627 = tpu.vector_load %arg7[%swap3A_626] {strides = array<i32>} : memref<128xi32, #tpu.memory_space<vmem>>, vector<16xi32>,
        tpu.vector_store %arg7[%swap3A_626], %shift_right_logical3A_625 {strides = array<i32>} : memref<128xi32, #tpu.memory_space<vmem>>, vector<16xi32>,
        %get3A_628 = arith.index_cast %add3A_387 : i32 to index
        %get3A_629 = arith.constant 80 : index
        %get3A_630 = tpu.vector_load %arg5[%get3A_628, %get3A_629] {strides = array<i32>} : memref<200x128xi32, #tpu.memory_space<vmem>>, vector<16xi32>,
        %shift_right_logical3A_631 = arith.constant 1 : i32
        %shift_right_logical3A_632 = vector.broadcast %shift_right_logical3A_631 : i32 to vector<16xi32>
        %shift_right_logical3A_633 = arith.shrui %get3A_630, %shift_right_logical3A_632 : vector<16xi32>
        %swap3A_634 = arith.constant 80 : index
        %swap3A_635 = tpu.vector_load %arg7[%swap3A_634] {strides = array<i32>} : memref<128xi32, #tpu.memory_space<vmem>>, vector<16xi32>,
        tpu.vector_store %arg7[%swap3A_634], %shift_right_logical3A_633 {strides = array<i32>} : memref<128xi32, #tpu.memory_space<vmem>>, vector<16xi32>,
        %get3A_636 = arith.index_cast %add3A_387 : i32 to index
        %get3A_637 = arith.constant 96 : index
        %get3A_638 = tpu.vector_load %arg5[%get3A_636, %get3A_637] {strides = array<i32>} : memref<200x128xi32, #tpu.memory_space<vmem>>, vector<16xi32>,
        %shift_right_logical3A_639 = arith.constant 1 : i32
        %shift_right_logical3A_640 = vector.broadcast %shift_right_logical3A_639 : i32 to vector<16xi32>
        %shift_right_logical3A_641 = arith.shrui %get3A_638, %shift_right_logical3A_640 : vector<16xi32>
        %swap3A_642 = arith.constant 96 : index
        %swap3A_643 = tpu.vector_load %arg7[%swap3A_642] {strides = array<i32>} : memref<128xi32, #tpu.memory_space<vmem>>, vector<16xi32>,
        tpu.vector_store %arg7[%swap3A_642], %shift_right_logical3A_641 {strides = array<i32>} : memref<128xi32, #tpu.memory_space<vmem>>, vector<16xi32>,
        %get3A_644 = arith.index_cast %add3A_387 : i32 to index
        %get3A_645 = arith.constant 112 : index
        %get3A_646 = tpu.vector_load %arg5[%get3A_644, %get3A_645] {strides = array<i32>} : memref<200x128xi32, #tpu.memory_space<vmem>>, vector<16xi32>,
        %shift_right_logical3A_647 = arith.constant 1 : i32
        %shift_right_logical3A_648 = vector.broadcast %shift_right_logical3A_647 : i32 to vector<16xi32>
        %shift_right_logical3A_649 = arith.shrui %get3A_646, %shift_right_logical3A_648 : vector<16xi32>
        %swap3A_650 = arith.constant 112 : index
        %swap3A_651 = tpu.vector_load %arg7[%swap3A_650] {strides = array<i32>} : memref<128xi32, #tpu.memory_space<vmem>>, vector<16xi32>,
        tpu.vector_store %arg7[%swap3A_650], %shift_right_logical3A_649 {strides = array<i32>} : memref<128xi32, #tpu.memory_space<vmem>>, vector<16xi32>,
        %dma_start3A_652 = arith.constant 0 : i32
        %dma_start3A_653 = arith.constant 0 : i32
        %dma_start3A_654 = tpu.memref_slice %arg3[%dma_start3A_652, %dma_start3A_653] : memref<500000x128xf32, #tpu.memory_space<hbm>> -> memref<500000x128xf32, #tpu.memory_space<hbm>>
        tpu.enqueue_indirect_dma source(%dma_start3A_654 : memref<500000x128xf32, #tpu.memory_space<hbm>>) target(%arg11 : memref<128x128xf32, #tpu.memory_space<vmem>>) offsets(%arg7 : memref<128xi32, #tpu.memory_space<vmem>>) semaphore(%arg19 : memref<!tpu.dma_semaphore, #tpu.memory_space<semaphore_mem>>)
      } else {
      }
      %dma_wait3A_401 = arith.constant 0 : i32
      %dma_wait3A_402 = arith.constant 0 : i32
      %dma_wait3A_403 = tpu.memref_slice %arg3[%dma_wait3A_401, %dma_wait3A_402] : memref<500000x128xf32, #tpu.memory_space<hbm>> -> memref<500000x128xf32, #tpu.memory_space<hbm>>
      tpu.wait_indirect_dma semaphore(%arg21 : memref<!tpu.dma_semaphore, #tpu.memory_space<semaphore_mem>>) src(%dma_wait3A_403 : memref<500000x128xf32, #tpu.memory_space<hbm>>) dst(%arg13 : memref<128x128xf32, #tpu.memory_space<vmem>>)
      %get3A_404 = arith.index_cast %add3A_385 : i32 to index
      %get3A_405 = arith.constant 0 : index
      %get3A_406 = tpu.vector_load %arg5[%get3A_404, %get3A_405] {strides = array<i32>} : memref<200x128xi32, #tpu.memory_space<vmem>>, vector<16xi32>,
      %and3A_407 = arith.constant 1 : i32
      %and3A_408 = vector.broadcast %and3A_407 : i32 to vector<16xi32>
      %and3A_409 = arith.andi %get3A_406, %and3A_408 : vector<16xi32>
      %mul3A_410 = arith.constant 64 : i32
      %mul3A_411 = vector.broadcast %mul3A_410 : i32 to vector<16xi32>
      %mul3A_412 = arith.muli %and3A_409, %mul3A_411 : vector<16xi32>
      %get3A_413 = arith.index_cast %add3A_385 : i32 to index
      %get3A_414 = arith.constant 16 : index
      %get3A_415 = tpu.vector_load %arg5[%get3A_413, %get3A_414] {strides = array<i32>} : memref<200x128xi32, #tpu.memory_space<vmem>>, vector<16xi32>,
      %and3A_416 = arith.constant 1 : i32
      %and3A_417 = vector.broadcast %and3A_416 : i32 to vector<16xi32>
      %and3A_418 = arith.andi %get3A_415, %and3A_417 : vector<16xi32>
      %mul3A_419 = arith.constant 64 : i32
      %mul3A_420 = vector.broadcast %mul3A_419 : i32 to vector<16xi32>
      %mul3A_421 = arith.muli %and3A_418, %mul3A_420 : vector<16xi32>
      %get3A_422 = arith.index_cast %add3A_385 : i32 to index
      %get3A_423 = arith.constant 32 : index
      %get3A_424 = tpu.vector_load %arg5[%get3A_422, %get3A_423] {strides = array<i32>} : memref<200x128xi32, #tpu.memory_space<vmem>>, vector<16xi32>,
      %and3A_425 = arith.constant 1 : i32
      %and3A_426 = vector.broadcast %and3A_425 : i32 to vector<16xi32>
      %and3A_427 = arith.andi %get3A_424, %and3A_426 : vector<16xi32>
      %mul3A_428 = arith.constant 64 : i32
      %mul3A_429 = vector.broadcast %mul3A_428 : i32 to vector<16xi32>
      %mul3A_430 = arith.muli %and3A_427, %mul3A_429 : vector<16xi32>
      %get3A_431 = arith.index_cast %add3A_385 : i32 to index
      %get3A_432 = arith.constant 48 : index
      %get3A_433 = tpu.vector_load %arg5[%get3A_431, %get3A_432] {strides = array<i32>} : memref<200x128xi32, #tpu.memory_space<vmem>>, vector<16xi32>,
      %and3A_434 = arith.constant 1 : i32
      %and3A_435 = vector.broadcast %and3A_434 : i32 to vector<16xi32>
      %and3A_436 = arith.andi %get3A_433, %and3A_435 : vector<16xi32>
      %mul3A_437 = arith.constant 64 : i32
      %mul3A_438 = vector.broadcast %mul3A_437 : i32 to vector<16xi32>
      %mul3A_439 = arith.muli %and3A_436, %mul3A_438 : vector<16xi32>
      %get3A_440 = arith.index_cast %add3A_385 : i32 to index
      %get3A_441 = arith.constant 64 : index
      %get3A_442 = tpu.vector_load %arg5[%get3A_440, %get3A_441] {strides = array<i32>} : memref<200x128xi32, #tpu.memory_space<vmem>>, vector<16xi32>,
      %and3A_443 = arith.constant 1 : i32
      %and3A_444 = vector.broadcast %and3A_443 : i32 to vector<16xi32>
      %and3A_445 = arith.andi %get3A_442, %and3A_444 : vector<16xi32>
      %mul3A_446 = arith.constant 64 : i32
      %mul3A_447 = vector.broadcast %mul3A_446 : i32 to vector<16xi32>
      %mul3A_448 = arith.muli %and3A_445, %mul3A_447 : vector<16xi32>
      %get3A_449 = arith.index_cast %add3A_385 : i32 to index
      %get3A_450 = arith.constant 80 : index
      %get3A_451 = tpu.vector_load %arg5[%get3A_449, %get3A_450] {strides = array<i32>} : memref<200x128xi32, #tpu.memory_space<vmem>>, vector<16xi32>,
      %and3A_452 = arith.constant 1 : i32
      %and3A_453 = vector.broadcast %and3A_452 : i32 to vector<16xi32>
      %and3A_454 = arith.andi %get3A_451, %and3A_453 : vector<16xi32>
      %mul3A_455 = arith.constant 64 : i32
      %mul3A_456 = vector.broadcast %mul3A_455 : i32 to vector<16xi32>
      %mul3A_457 = arith.muli %and3A_454, %mul3A_456 : vector<16xi32>
      %get3A_458 = arith.index_cast %add3A_385 : i32 to index
      %get3A_459 = arith.constant 96 : index
      %get3A_460 = tpu.vector_load %arg5[%get3A_458, %get3A_459] {strides = array<i32>} : memref<200x128xi32, #tpu.memory_space<vmem>>, vector<16xi32>,
      %and3A_461 = arith.constant 1 : i32
      %and3A_462 = vector.broadcast %and3A_461 : i32 to vector<16xi32>
      %and3A_463 = arith.andi %get3A_460, %and3A_462 : vector<16xi32>
      %mul3A_464 = arith.constant 64 : i32
      %mul3A_465 = vector.broadcast %mul3A_464 : i32 to vector<16xi32>
      %mul3A_466 = arith.muli %and3A_463, %mul3A_465 : vector<16xi32>
      %get3A_467 = arith.index_cast %add3A_385 : i32 to index
      %get3A_468 = arith.constant 112 : index
      %get3A_469 = tpu.vector_load %arg5[%get3A_467, %get3A_468] {strides = array<i32>} : memref<200x128xi32, #tpu.memory_space<vmem>>, vector<16xi32>,
      %and3A_470 = arith.constant 1 : i32
      %and3A_471 = vector.broadcast %and3A_470 : i32 to vector<16xi32>
      %and3A_472 = arith.andi %get3A_469, %and3A_471 : vector<16xi32>
      %mul3A_473 = arith.constant 64 : i32
      %mul3A_474 = vector.broadcast %mul3A_473 : i32 to vector<16xi32>
      %mul3A_475 = arith.muli %and3A_472, %mul3A_474 : vector<16xi32>
      %parallel_loop3A_476 = arith.constant 0 : i32
      %parallel_loop3A_477 = arith.constant 64 : i32
      %parallel_loop3A_478 = arith.constant 1 : i32
      scf.for %parallel_loop3A_588 = %parallel_loop3A_476 to %parallel_loop3A_477 step %parallel_loop3A_478  : i32 {
        %parallel_loop3A_589 = vector.broadcast %parallel_loop3A_588 : i32 to vector<16xi32>
        %parallel_loop3A_590 = arith.addi %parallel_loop3A_589, %iota3A : vector<16xi32>
        %parallel_loop3A_591 = arith.constant 63 : i32
        %parallel_loop3A_592 = vector.broadcast %parallel_loop3A_591 : i32 to vector<16xi32>
        %parallel_loop3A_593 = arith.andi %parallel_loop3A_590, %parallel_loop3A_592 : vector<16xi32>
        %parallel_loop3A_594 = arith.constant 0 : i32
        %parallel_loop3A_595 = vector.broadcast %parallel_loop3A_594 : i32 to vector<16xi32>
        %parallel_loop3A_596 = arith.addi %parallel_loop3A_595, %iota3A : vector<16xi32>
        %parallel_loop3A_597 = arith.addi %mul3A_412, %parallel_loop3A_593 : vector<16xi32>
        %parallel_loop3A_598 = tpu.vector_load_idx %arg13[%parallel_loop3A_596, %parallel_loop3A_597] : memref<128x128xf32, #tpu.memory_space<vmem>>[vector<16xi32>, vector<16xi32>], vector<16xf32>,
        tpu.vector_store_idx %arg17[%parallel_loop3A_593, %parallel_loop3A_596], %parallel_loop3A_598 : memref<64x128xf32, #tpu.memory_space<vmem>>[vector<16xi32>, vector<16xi32>], vector<16xf32>,
        %parallel_loop3A_599 = arith.constant 16 : i32
        %parallel_loop3A_600 = vector.broadcast %parallel_loop3A_599 : i32 to vector<16xi32>
        %parallel_loop3A_601 = arith.addi %parallel_loop3A_600, %iota3A : vector<16xi32>
        %parallel_loop3A_602 = arith.addi %mul3A_421, %parallel_loop3A_593 : vector<16xi32>
        %parallel_loop3A_603 = tpu.vector_load_idx %arg13[%parallel_loop3A_601, %parallel_loop3A_602] : memref<128x128xf32, #tpu.memory_space<vmem>>[vector<16xi32>, vector<16xi32>], vector<16xf32>,
        tpu.vector_store_idx %arg17[%parallel_loop3A_593, %parallel_loop3A_601], %parallel_loop3A_603 : memref<64x128xf32, #tpu.memory_space<vmem>>[vector<16xi32>, vector<16xi32>], vector<16xf32>,
        %parallel_loop3A_604 = arith.constant 32 : i32
        %parallel_loop3A_605 = vector.broadcast %parallel_loop3A_604 : i32 to vector<16xi32>
        %parallel_loop3A_606 = arith.addi %parallel_loop3A_605, %iota3A : vector<16xi32>
        %parallel_loop3A_607 = arith.addi %mul3A_430, %parallel_loop3A_593 : vector<16xi32>
        %parallel_loop3A_608 = tpu.vector_load_idx %arg13[%parallel_loop3A_606, %parallel_loop3A_607] : memref<128x128xf32, #tpu.memory_space<vmem>>[vector<16xi32>, vector<16xi32>], vector<16xf32>,
        tpu.vector_store_idx %arg17[%parallel_loop3A_593, %parallel_loop3A_606], %parallel_loop3A_608 : memref<64x128xf32, #tpu.memory_space<vmem>>[vector<16xi32>, vector<16xi32>], vector<16xf32>,
        %parallel_loop3A_609 = arith.constant 48 : i32
        %parallel_loop3A_610 = vector.broadcast %parallel_loop3A_609 : i32 to vector<16xi32>
        %parallel_loop3A_611 = arith.addi %parallel_loop3A_610, %iota3A : vector<16xi32>
        %parallel_loop3A_612 = arith.addi %mul3A_439, %parallel_loop3A_593 : vector<16xi32>
        %parallel_loop3A_613 = tpu.vector_load_idx %arg13[%parallel_loop3A_611, %parallel_loop3A_612] : memref<128x128xf32, #tpu.memory_space<vmem>>[vector<16xi32>, vector<16xi32>], vector<16xf32>,
        tpu.vector_store_idx %arg17[%parallel_loop3A_593, %parallel_loop3A_611], %parallel_loop3A_613 : memref<64x128xf32, #tpu.memory_space<vmem>>[vector<16xi32>, vector<16xi32>], vector<16xf32>,
        %parallel_loop3A_614 = arith.constant 64 : i32
        %parallel_loop3A_615 = vector.broadcast %parallel_loop3A_614 : i32 to vector<16xi32>
        %parallel_loop3A_616 = arith.addi %parallel_loop3A_615, %iota3A : vector<16xi32>
        %parallel_loop3A_617 = arith.addi %mul3A_448, %parallel_loop3A_593 : vector<16xi32>
        %parallel_loop3A_618 = tpu.vector_load_idx %arg13[%parallel_loop3A_616, %parallel_loop3A_617] : memref<128x128xf32, #tpu.memory_space<vmem>>[vector<16xi32>, vector<16xi32>], vector<16xf32>,
        tpu.vector_store_idx %arg17[%parallel_loop3A_593, %parallel_loop3A_616], %parallel_loop3A_618 : memref<64x128xf32, #tpu.memory_space<vmem>>[vector<16xi32>, vector<16xi32>], vector<16xf32>,
        %parallel_loop3A_619 = arith.constant 80 : i32
        %parallel_loop3A_620 = vector.broadcast %parallel_loop3A_619 : i32 to vector<16xi32>
        %parallel_loop3A_621 = arith.addi %parallel_loop3A_620, %iota3A : vector<16xi32>
        %parallel_loop3A_622 = arith.addi %mul3A_457, %parallel_loop3A_593 : vector<16xi32>
        %parallel_loop3A_623 = tpu.vector_load_idx %arg13[%parallel_loop3A_621, %parallel_loop3A_622] : memref<128x128xf32, #tpu.memory_space<vmem>>[vector<16xi32>, vector<16xi32>], vector<16xf32>,
        tpu.vector_store_idx %arg17[%parallel_loop3A_593, %parallel_loop3A_621], %parallel_loop3A_623 : memref<64x128xf32, #tpu.memory_space<vmem>>[vector<16xi32>, vector<16xi32>], vector<16xf32>,
        %parallel_loop3A_624 = arith.constant 96 : i32
        %parallel_loop3A_625 = vector.broadcast %parallel_loop3A_624 : i32 to vector<16xi32>
        %parallel_loop3A_626 = arith.addi %parallel_loop3A_625, %iota3A : vector<16xi32>
        %parallel_loop3A_627 = arith.addi %mul3A_466, %parallel_loop3A_593 : vector<16xi32>
        %parallel_loop3A_628 = tpu.vector_load_idx %arg13[%parallel_loop3A_626, %parallel_loop3A_627] : memref<128x128xf32, #tpu.memory_space<vmem>>[vector<16xi32>, vector<16xi32>], vector<16xf32>,
        tpu.vector_store_idx %arg17[%parallel_loop3A_593, %parallel_loop3A_626], %parallel_loop3A_628 : memref<64x128xf32, #tpu.memory_space<vmem>>[vector<16xi32>, vector<16xi32>], vector<16xf32>,
        %parallel_loop3A_629 = arith.constant 112 : i32
        %parallel_loop3A_630 = vector.broadcast %parallel_loop3A_629 : i32 to vector<16xi32>
        %parallel_loop3A_631 = arith.addi %parallel_loop3A_630, %iota3A : vector<16xi32>
        %parallel_loop3A_632 = arith.addi %mul3A_475, %parallel_loop3A_593 : vector<16xi32>
        %parallel_loop3A_633 = tpu.vector_load_idx %arg13[%parallel_loop3A_631, %parallel_loop3A_632] : memref<128x128xf32, #tpu.memory_space<vmem>>[vector<16xi32>, vector<16xi32>], vector<16xf32>,
        tpu.vector_store_idx %arg17[%parallel_loop3A_593, %parallel_loop3A_631], %parallel_loop3A_633 : memref<64x128xf32, #tpu.memory_space<vmem>>[vector<16xi32>, vector<16xi32>], vector<16xf32>,
      } {sc.loop_unroll_factor = 16 : i64, sc.parallel_access}
      %dma_start3A_479 = arith.constant 0 : i32
      %dma_start3A_480 = tpu.memref_slice %arg4[%add3A_385, %dma_start3A_479, %mul3A_2] : memref<200x64x4096xf32, #tpu.memory_space<hbm>> -> memref<1x64x128xf32, #tpu.memory_space<hbm>>
      %dma_start3A_481 = tpu.memref_squeeze %dma_start3A_480 : memref<1x64x128xf32, #tpu.memory_space<hbm>> -> memref<64x128xf32, #tpu.memory_space<hbm>>
      %dma_start3A_482 = arith.constant 0 : i32
      %dma_start3A_483 = tpu.memref_slice %arg4[%add3A_385, %dma_start3A_482, %mul3A_2] : memref<200x64x4096xf32, #tpu.memory_space<hbm>> -> memref<1x64x128xf32, #tpu.memory_space<hbm>>
      %dma_start3A_484 = tpu.memref_squeeze %dma_start3A_483 : memref<1x64x128xf32, #tpu.memory_space<hbm>> -> memref<64x128xf32, #tpu.memory_space<hbm>>
      tpu.enqueue_dma source(%arg17 : memref<64x128xf32, #tpu.memory_space<vmem>>) target(%dma_start3A_484 : memref<64x128xf32, #tpu.memory_space<hbm>>) target_semaphore(%arg25 : memref<!tpu.dma_semaphore, #tpu.memory_space<semaphore_mem>>)
      %mul3A_485 = arith.constant 4 : i32
      %mul3A_486 = arith.muli %scan3A_181, %mul3A_485 : i32
      %add3A_487 = arith.constant 3 : i32
      %add3A_488 = arith.addi %mul3A_486, %add3A_487 : i32
      %add3A_489 = arith.constant 2 : i32
      %add3A_490 = arith.addi %add3A_488, %add3A_489 : i32
      %lt3A_491 = arith.constant 200 : i32
      %lt3A_492 = arith.cmpi slt, %add3A_490, %lt3A_491 : i32
      %ge3A_493 = arith.constant 4 : i32
      %ge3A_494 = arith.cmpi sge, %add3A_490, %ge3A_493 : i32
      %and3A_495 = arith.andi %lt3A_492, %ge3A_494 : i1
      %convert_element_type3A_496 = arith.extui %and3A_495 : i1 to i32
      %cond3A_497 = arith.constant 0 : i32
      %cond3A_498 = arith.cmpi ne, %convert_element_type3A_496, %cond3A_497 : i32
      scf.if %cond3A_498 {
        %sub3A = arith.constant 4 : i32
        %sub3A_588 = arith.subi %add3A_490, %sub3A : i32
        %dma_wait3A_589 = arith.constant 0 : i32
        %dma_wait3A_590 = tpu.memref_slice %arg4[%sub3A_588, %dma_wait3A_589, %mul3A_2] : memref<200x64x4096xf32, #tpu.memory_space<hbm>> -> memref<1x64x128xf32, #tpu.memory_space<hbm>>
        %dma_wait3A_591 = tpu.memref_squeeze %dma_wait3A_590 : memref<1x64x128xf32, #tpu.memory_space<hbm>> -> memref<64x128xf32, #tpu.memory_space<hbm>>
        %dma_wait3A_592 = arith.constant 0 : i32
        %dma_wait3A_593 = tpu.memref_slice %arg4[%sub3A_588, %dma_wait3A_592, %mul3A_2] : memref<200x64x4096xf32, #tpu.memory_space<hbm>> -> memref<1x64x128xf32, #tpu.memory_space<hbm>>
        %dma_wait3A_594 = tpu.memref_squeeze %dma_wait3A_593 : memref<1x64x128xf32, #tpu.memory_space<hbm>> -> memref<64x128xf32, #tpu.memory_space<hbm>>
        tpu.wait_dma2 semaphore(%arg24 : memref<!tpu.dma_semaphore, #tpu.memory_space<semaphore_mem>>) src(%arg16 : memref<64x128xf32, #tpu.memory_space<vmem>>) dst(%dma_wait3A_594 : memref<64x128xf32, #tpu.memory_space<hbm>>)
      } else {
      }
      %lt3A_499 = arith.constant 200 : i32
      %lt3A_500 = arith.cmpi slt, %add3A_490, %lt3A_499 : i32
      %convert_element_type3A_501 = arith.extui %lt3A_500 : i1 to i32
      %cond3A_502 = arith.constant 0 : i32
      %cond3A_503 = arith.cmpi ne, %convert_element_type3A_501, %cond3A_502 : i32
      scf.if %cond3A_503 {
        %get3A_588 = arith.index_cast %add3A_490 : i32 to index
        %get3A_589 = arith.constant 0 : index
        %get3A_590 = tpu.vector_load %arg5[%get3A_588, %get3A_589] {strides = array<i32>} : memref<200x128xi32, #tpu.memory_space<vmem>>, vector<16xi32>,
        %shift_right_logical3A_591 = arith.constant 1 : i32
        %shift_right_logical3A_592 = vector.broadcast %shift_right_logical3A_591 : i32 to vector<16xi32>
        %shift_right_logical3A_593 = arith.shrui %get3A_590, %shift_right_logical3A_592 : vector<16xi32>
        %swap3A_594 = arith.constant 0 : index
        %swap3A_595 = tpu.vector_load %arg8[%swap3A_594] {strides = array<i32>} : memref<128xi32, #tpu.memory_space<vmem>>, vector<16xi32>,
        tpu.vector_store %arg8[%swap3A_594], %shift_right_logical3A_593 {strides = array<i32>} : memref<128xi32, #tpu.memory_space<vmem>>, vector<16xi32>,
        %get3A_596 = arith.index_cast %add3A_490 : i32 to index
        %get3A_597 = arith.constant 16 : index
        %get3A_598 = tpu.vector_load %arg5[%get3A_596, %get3A_597] {strides = array<i32>} : memref<200x128xi32, #tpu.memory_space<vmem>>, vector<16xi32>,
        %shift_right_logical3A_599 = arith.constant 1 : i32
        %shift_right_logical3A_600 = vector.broadcast %shift_right_logical3A_599 : i32 to vector<16xi32>
        %shift_right_logical3A_601 = arith.shrui %get3A_598, %shift_right_logical3A_600 : vector<16xi32>
        %swap3A_602 = arith.constant 16 : index
        %swap3A_603 = tpu.vector_load %arg8[%swap3A_602] {strides = array<i32>} : memref<128xi32, #tpu.memory_space<vmem>>, vector<16xi32>,
        tpu.vector_store %arg8[%swap3A_602], %shift_right_logical3A_601 {strides = array<i32>} : memref<128xi32, #tpu.memory_space<vmem>>, vector<16xi32>,
        %get3A_604 = arith.index_cast %add3A_490 : i32 to index
        %get3A_605 = arith.constant 32 : index
        %get3A_606 = tpu.vector_load %arg5[%get3A_604, %get3A_605] {strides = array<i32>} : memref<200x128xi32, #tpu.memory_space<vmem>>, vector<16xi32>,
        %shift_right_logical3A_607 = arith.constant 1 : i32
        %shift_right_logical3A_608 = vector.broadcast %shift_right_logical3A_607 : i32 to vector<16xi32>
        %shift_right_logical3A_609 = arith.shrui %get3A_606, %shift_right_logical3A_608 : vector<16xi32>
        %swap3A_610 = arith.constant 32 : index
        %swap3A_611 = tpu.vector_load %arg8[%swap3A_610] {strides = array<i32>} : memref<128xi32, #tpu.memory_space<vmem>>, vector<16xi32>,
        tpu.vector_store %arg8[%swap3A_610], %shift_right_logical3A_609 {strides = array<i32>} : memref<128xi32, #tpu.memory_space<vmem>>, vector<16xi32>,
        %get3A_612 = arith.index_cast %add3A_490 : i32 to index
        %get3A_613 = arith.constant 48 : index
        %get3A_614 = tpu.vector_load %arg5[%get3A_612, %get3A_613] {strides = array<i32>} : memref<200x128xi32, #tpu.memory_space<vmem>>, vector<16xi32>,
        %shift_right_logical3A_615 = arith.constant 1 : i32
        %shift_right_logical3A_616 = vector.broadcast %shift_right_logical3A_615 : i32 to vector<16xi32>
        %shift_right_logical3A_617 = arith.shrui %get3A_614, %shift_right_logical3A_616 : vector<16xi32>
        %swap3A_618 = arith.constant 48 : index
        %swap3A_619 = tpu.vector_load %arg8[%swap3A_618] {strides = array<i32>} : memref<128xi32, #tpu.memory_space<vmem>>, vector<16xi32>,
        tpu.vector_store %arg8[%swap3A_618], %shift_right_logical3A_617 {strides = array<i32>} : memref<128xi32, #tpu.memory_space<vmem>>, vector<16xi32>,
        %get3A_620 = arith.index_cast %add3A_490 : i32 to index
        %get3A_621 = arith.constant 64 : index
        %get3A_622 = tpu.vector_load %arg5[%get3A_620, %get3A_621] {strides = array<i32>} : memref<200x128xi32, #tpu.memory_space<vmem>>, vector<16xi32>,
        %shift_right_logical3A_623 = arith.constant 1 : i32
        %shift_right_logical3A_624 = vector.broadcast %shift_right_logical3A_623 : i32 to vector<16xi32>
        %shift_right_logical3A_625 = arith.shrui %get3A_622, %shift_right_logical3A_624 : vector<16xi32>
        %swap3A_626 = arith.constant 64 : index
        %swap3A_627 = tpu.vector_load %arg8[%swap3A_626] {strides = array<i32>} : memref<128xi32, #tpu.memory_space<vmem>>, vector<16xi32>,
        tpu.vector_store %arg8[%swap3A_626], %shift_right_logical3A_625 {strides = array<i32>} : memref<128xi32, #tpu.memory_space<vmem>>, vector<16xi32>,
        %get3A_628 = arith.index_cast %add3A_490 : i32 to index
        %get3A_629 = arith.constant 80 : index
        %get3A_630 = tpu.vector_load %arg5[%get3A_628, %get3A_629] {strides = array<i32>} : memref<200x128xi32, #tpu.memory_space<vmem>>, vector<16xi32>,
        %shift_right_logical3A_631 = arith.constant 1 : i32
        %shift_right_logical3A_632 = vector.broadcast %shift_right_logical3A_631 : i32 to vector<16xi32>
        %shift_right_logical3A_633 = arith.shrui %get3A_630, %shift_right_logical3A_632 : vector<16xi32>
        %swap3A_634 = arith.constant 80 : index
        %swap3A_635 = tpu.vector_load %arg8[%swap3A_634] {strides = array<i32>} : memref<128xi32, #tpu.memory_space<vmem>>, vector<16xi32>,
        tpu.vector_store %arg8[%swap3A_634], %shift_right_logical3A_633 {strides = array<i32>} : memref<128xi32, #tpu.memory_space<vmem>>, vector<16xi32>,
        %get3A_636 = arith.index_cast %add3A_490 : i32 to index
        %get3A_637 = arith.constant 96 : index
        %get3A_638 = tpu.vector_load %arg5[%get3A_636, %get3A_637] {strides = array<i32>} : memref<200x128xi32, #tpu.memory_space<vmem>>, vector<16xi32>,
        %shift_right_logical3A_639 = arith.constant 1 : i32
        %shift_right_logical3A_640 = vector.broadcast %shift_right_logical3A_639 : i32 to vector<16xi32>
        %shift_right_logical3A_641 = arith.shrui %get3A_638, %shift_right_logical3A_640 : vector<16xi32>
        %swap3A_642 = arith.constant 96 : index
        %swap3A_643 = tpu.vector_load %arg8[%swap3A_642] {strides = array<i32>} : memref<128xi32, #tpu.memory_space<vmem>>, vector<16xi32>,
        tpu.vector_store %arg8[%swap3A_642], %shift_right_logical3A_641 {strides = array<i32>} : memref<128xi32, #tpu.memory_space<vmem>>, vector<16xi32>,
        %get3A_644 = arith.index_cast %add3A_490 : i32 to index
        %get3A_645 = arith.constant 112 : index
        %get3A_646 = tpu.vector_load %arg5[%get3A_644, %get3A_645] {strides = array<i32>} : memref<200x128xi32, #tpu.memory_space<vmem>>, vector<16xi32>,
        %shift_right_logical3A_647 = arith.constant 1 : i32
        %shift_right_logical3A_648 = vector.broadcast %shift_right_logical3A_647 : i32 to vector<16xi32>
        %shift_right_logical3A_649 = arith.shrui %get3A_646, %shift_right_logical3A_648 : vector<16xi32>
        %swap3A_650 = arith.constant 112 : index
        %swap3A_651 = tpu.vector_load %arg8[%swap3A_650] {strides = array<i32>} : memref<128xi32, #tpu.memory_space<vmem>>, vector<16xi32>,
        tpu.vector_store %arg8[%swap3A_650], %shift_right_logical3A_649 {strides = array<i32>} : memref<128xi32, #tpu.memory_space<vmem>>, vector<16xi32>,
        %dma_start3A_652 = arith.constant 0 : i32
        %dma_start3A_653 = arith.constant 0 : i32
        %dma_start3A_654 = tpu.memref_slice %arg3[%dma_start3A_652, %dma_start3A_653] : memref<500000x128xf32, #tpu.memory_space<hbm>> -> memref<500000x128xf32, #tpu.memory_space<hbm>>
        tpu.enqueue_indirect_dma source(%dma_start3A_654 : memref<500000x128xf32, #tpu.memory_space<hbm>>) target(%arg12 : memref<128x128xf32, #tpu.memory_space<vmem>>) offsets(%arg8 : memref<128xi32, #tpu.memory_space<vmem>>) semaphore(%arg20 : memref<!tpu.dma_semaphore, #tpu.memory_space<semaphore_mem>>)
      } else {
      }
      %dma_wait3A_504 = arith.constant 0 : i32
      %dma_wait3A_505 = arith.constant 0 : i32
      %dma_wait3A_506 = tpu.memref_slice %arg3[%dma_wait3A_504, %dma_wait3A_505] : memref<500000x128xf32, #tpu.memory_space<hbm>> -> memref<500000x128xf32, #tpu.memory_space<hbm>>
      tpu.wait_indirect_dma semaphore(%arg22 : memref<!tpu.dma_semaphore, #tpu.memory_space<semaphore_mem>>) src(%dma_wait3A_506 : memref<500000x128xf32, #tpu.memory_space<hbm>>) dst(%arg14 : memref<128x128xf32, #tpu.memory_space<vmem>>)
      %get3A_507 = arith.index_cast %add3A_488 : i32 to index
      %get3A_508 = arith.constant 0 : index
      %get3A_509 = tpu.vector_load %arg5[%get3A_507, %get3A_508] {strides = array<i32>} : memref<200x128xi32, #tpu.memory_space<vmem>>, vector<16xi32>,
      %and3A_510 = arith.constant 1 : i32
      %and3A_511 = vector.broadcast %and3A_510 : i32 to vector<16xi32>
      %and3A_512 = arith.andi %get3A_509, %and3A_511 : vector<16xi32>
      %mul3A_513 = arith.constant 64 : i32
      %mul3A_514 = vector.broadcast %mul3A_513 : i32 to vector<16xi32>
      %mul3A_515 = arith.muli %and3A_512, %mul3A_514 : vector<16xi32>
      %get3A_516 = arith.index_cast %add3A_488 : i32 to index
      %get3A_517 = arith.constant 16 : index
      %get3A_518 = tpu.vector_load %arg5[%get3A_516, %get3A_517] {strides = array<i32>} : memref<200x128xi32, #tpu.memory_space<vmem>>, vector<16xi32>,
      %and3A_519 = arith.constant 1 : i32
      %and3A_520 = vector.broadcast %and3A_519 : i32 to vector<16xi32>
      %and3A_521 = arith.andi %get3A_518, %and3A_520 : vector<16xi32>
      %mul3A_522 = arith.constant 64 : i32
      %mul3A_523 = vector.broadcast %mul3A_522 : i32 to vector<16xi32>
      %mul3A_524 = arith.muli %and3A_521, %mul3A_523 : vector<16xi32>
      %get3A_525 = arith.index_cast %add3A_488 : i32 to index
      %get3A_526 = arith.constant 32 : index
      %get3A_527 = tpu.vector_load %arg5[%get3A_525, %get3A_526] {strides = array<i32>} : memref<200x128xi32, #tpu.memory_space<vmem>>, vector<16xi32>,
      %and3A_528 = arith.constant 1 : i32
      %and3A_529 = vector.broadcast %and3A_528 : i32 to vector<16xi32>
      %and3A_530 = arith.andi %get3A_527, %and3A_529 : vector<16xi32>
      %mul3A_531 = arith.constant 64 : i32
      %mul3A_532 = vector.broadcast %mul3A_531 : i32 to vector<16xi32>
      %mul3A_533 = arith.muli %and3A_530, %mul3A_532 : vector<16xi32>
      %get3A_534 = arith.index_cast %add3A_488 : i32 to index
      %get3A_535 = arith.constant 48 : index
      %get3A_536 = tpu.vector_load %arg5[%get3A_534, %get3A_535] {strides = array<i32>} : memref<200x128xi32, #tpu.memory_space<vmem>>, vector<16xi32>,
      %and3A_537 = arith.constant 1 : i32
      %and3A_538 = vector.broadcast %and3A_537 : i32 to vector<16xi32>
      %and3A_539 = arith.andi %get3A_536, %and3A_538 : vector<16xi32>
      %mul3A_540 = arith.constant 64 : i32
      %mul3A_541 = vector.broadcast %mul3A_540 : i32 to vector<16xi32>
      %mul3A_542 = arith.muli %and3A_539, %mul3A_541 : vector<16xi32>
      %get3A_543 = arith.index_cast %add3A_488 : i32 to index
      %get3A_544 = arith.constant 64 : index
      %get3A_545 = tpu.vector_load %arg5[%get3A_543, %get3A_544] {strides = array<i32>} : memref<200x128xi32, #tpu.memory_space<vmem>>, vector<16xi32>,
      %and3A_546 = arith.constant 1 : i32
      %and3A_547 = vector.broadcast %and3A_546 : i32 to vector<16xi32>
      %and3A_548 = arith.andi %get3A_545, %and3A_547 : vector<16xi32>
      %mul3A_549 = arith.constant 64 : i32
      %mul3A_550 = vector.broadcast %mul3A_549 : i32 to vector<16xi32>
      %mul3A_551 = arith.muli %and3A_548, %mul3A_550 : vector<16xi32>
      %get3A_552 = arith.index_cast %add3A_488 : i32 to index
      %get3A_553 = arith.constant 80 : index
      %get3A_554 = tpu.vector_load %arg5[%get3A_552, %get3A_553] {strides = array<i32>} : memref<200x128xi32, #tpu.memory_space<vmem>>, vector<16xi32>,
      %and3A_555 = arith.constant 1 : i32
      %and3A_556 = vector.broadcast %and3A_555 : i32 to vector<16xi32>
      %and3A_557 = arith.andi %get3A_554, %and3A_556 : vector<16xi32>
      %mul3A_558 = arith.constant 64 : i32
      %mul3A_559 = vector.broadcast %mul3A_558 : i32 to vector<16xi32>
      %mul3A_560 = arith.muli %and3A_557, %mul3A_559 : vector<16xi32>
      %get3A_561 = arith.index_cast %add3A_488 : i32 to index
      %get3A_562 = arith.constant 96 : index
      %get3A_563 = tpu.vector_load %arg5[%get3A_561, %get3A_562] {strides = array<i32>} : memref<200x128xi32, #tpu.memory_space<vmem>>, vector<16xi32>,
      %and3A_564 = arith.constant 1 : i32
      %and3A_565 = vector.broadcast %and3A_564 : i32 to vector<16xi32>
      %and3A_566 = arith.andi %get3A_563, %and3A_565 : vector<16xi32>
      %mul3A_567 = arith.constant 64 : i32
      %mul3A_568 = vector.broadcast %mul3A_567 : i32 to vector<16xi32>
      %mul3A_569 = arith.muli %and3A_566, %mul3A_568 : vector<16xi32>
      %get3A_570 = arith.index_cast %add3A_488 : i32 to index
      %get3A_571 = arith.constant 112 : index
      %get3A_572 = tpu.vector_load %arg5[%get3A_570, %get3A_571] {strides = array<i32>} : memref<200x128xi32, #tpu.memory_space<vmem>>, vector<16xi32>,
      %and3A_573 = arith.constant 1 : i32
      %and3A_574 = vector.broadcast %and3A_573 : i32 to vector<16xi32>
      %and3A_575 = arith.andi %get3A_572, %and3A_574 : vector<16xi32>
      %mul3A_576 = arith.constant 64 : i32
      %mul3A_577 = vector.broadcast %mul3A_576 : i32 to vector<16xi32>
      %mul3A_578 = arith.muli %and3A_575, %mul3A_577 : vector<16xi32>
      %parallel_loop3A_579 = arith.constant 0 : i32
      %parallel_loop3A_580 = arith.constant 64 : i32
      %parallel_loop3A_581 = arith.constant 1 : i32
      scf.for %parallel_loop3A_588 = %parallel_loop3A_579 to %parallel_loop3A_580 step %parallel_loop3A_581  : i32 {
        %parallel_loop3A_589 = vector.broadcast %parallel_loop3A_588 : i32 to vector<16xi32>
        %parallel_loop3A_590 = arith.addi %parallel_loop3A_589, %iota3A : vector<16xi32>
        %parallel_loop3A_591 = arith.constant 63 : i32
        %parallel_loop3A_592 = vector.broadcast %parallel_loop3A_591 : i32 to vector<16xi32>
        %parallel_loop3A_593 = arith.andi %parallel_loop3A_590, %parallel_loop3A_592 : vector<16xi32>
        %parallel_loop3A_594 = arith.constant 0 : i32
        %parallel_loop3A_595 = vector.broadcast %parallel_loop3A_594 : i32 to vector<16xi32>
        %parallel_loop3A_596 = arith.addi %parallel_loop3A_595, %iota3A : vector<16xi32>
        %parallel_loop3A_597 = arith.addi %mul3A_515, %parallel_loop3A_593 : vector<16xi32>
        %parallel_loop3A_598 = tpu.vector_load_idx %arg14[%parallel_loop3A_596, %parallel_loop3A_597] : memref<128x128xf32, #tpu.memory_space<vmem>>[vector<16xi32>, vector<16xi32>], vector<16xf32>,
        tpu.vector_store_idx %arg18[%parallel_loop3A_593, %parallel_loop3A_596], %parallel_loop3A_598 : memref<64x128xf32, #tpu.memory_space<vmem>>[vector<16xi32>, vector<16xi32>], vector<16xf32>,
        %parallel_loop3A_599 = arith.constant 16 : i32
        %parallel_loop3A_600 = vector.broadcast %parallel_loop3A_599 : i32 to vector<16xi32>
        %parallel_loop3A_601 = arith.addi %parallel_loop3A_600, %iota3A : vector<16xi32>
        %parallel_loop3A_602 = arith.addi %mul3A_524, %parallel_loop3A_593 : vector<16xi32>
        %parallel_loop3A_603 = tpu.vector_load_idx %arg14[%parallel_loop3A_601, %parallel_loop3A_602] : memref<128x128xf32, #tpu.memory_space<vmem>>[vector<16xi32>, vector<16xi32>], vector<16xf32>,
        tpu.vector_store_idx %arg18[%parallel_loop3A_593, %parallel_loop3A_601], %parallel_loop3A_603 : memref<64x128xf32, #tpu.memory_space<vmem>>[vector<16xi32>, vector<16xi32>], vector<16xf32>,
        %parallel_loop3A_604 = arith.constant 32 : i32
        %parallel_loop3A_605 = vector.broadcast %parallel_loop3A_604 : i32 to vector<16xi32>
        %parallel_loop3A_606 = arith.addi %parallel_loop3A_605, %iota3A : vector<16xi32>
        %parallel_loop3A_607 = arith.addi %mul3A_533, %parallel_loop3A_593 : vector<16xi32>
        %parallel_loop3A_608 = tpu.vector_load_idx %arg14[%parallel_loop3A_606, %parallel_loop3A_607] : memref<128x128xf32, #tpu.memory_space<vmem>>[vector<16xi32>, vector<16xi32>], vector<16xf32>,
        tpu.vector_store_idx %arg18[%parallel_loop3A_593, %parallel_loop3A_606], %parallel_loop3A_608 : memref<64x128xf32, #tpu.memory_space<vmem>>[vector<16xi32>, vector<16xi32>], vector<16xf32>,
        %parallel_loop3A_609 = arith.constant 48 : i32
        %parallel_loop3A_610 = vector.broadcast %parallel_loop3A_609 : i32 to vector<16xi32>
        %parallel_loop3A_611 = arith.addi %parallel_loop3A_610, %iota3A : vector<16xi32>
        %parallel_loop3A_612 = arith.addi %mul3A_542, %parallel_loop3A_593 : vector<16xi32>
        %parallel_loop3A_613 = tpu.vector_load_idx %arg14[%parallel_loop3A_611, %parallel_loop3A_612] : memref<128x128xf32, #tpu.memory_space<vmem>>[vector<16xi32>, vector<16xi32>], vector<16xf32>,
        tpu.vector_store_idx %arg18[%parallel_loop3A_593, %parallel_loop3A_611], %parallel_loop3A_613 : memref<64x128xf32, #tpu.memory_space<vmem>>[vector<16xi32>, vector<16xi32>], vector<16xf32>,
        %parallel_loop3A_614 = arith.constant 64 : i32
        %parallel_loop3A_615 = vector.broadcast %parallel_loop3A_614 : i32 to vector<16xi32>
        %parallel_loop3A_616 = arith.addi %parallel_loop3A_615, %iota3A : vector<16xi32>
        %parallel_loop3A_617 = arith.addi %mul3A_551, %parallel_loop3A_593 : vector<16xi32>
        %parallel_loop3A_618 = tpu.vector_load_idx %arg14[%parallel_loop3A_616, %parallel_loop3A_617] : memref<128x128xf32, #tpu.memory_space<vmem>>[vector<16xi32>, vector<16xi32>], vector<16xf32>,
        tpu.vector_store_idx %arg18[%parallel_loop3A_593, %parallel_loop3A_616], %parallel_loop3A_618 : memref<64x128xf32, #tpu.memory_space<vmem>>[vector<16xi32>, vector<16xi32>], vector<16xf32>,
        %parallel_loop3A_619 = arith.constant 80 : i32
        %parallel_loop3A_620 = vector.broadcast %parallel_loop3A_619 : i32 to vector<16xi32>
        %parallel_loop3A_621 = arith.addi %parallel_loop3A_620, %iota3A : vector<16xi32>
        %parallel_loop3A_622 = arith.addi %mul3A_560, %parallel_loop3A_593 : vector<16xi32>
        %parallel_loop3A_623 = tpu.vector_load_idx %arg14[%parallel_loop3A_621, %parallel_loop3A_622] : memref<128x128xf32, #tpu.memory_space<vmem>>[vector<16xi32>, vector<16xi32>], vector<16xf32>,
        tpu.vector_store_idx %arg18[%parallel_loop3A_593, %parallel_loop3A_621], %parallel_loop3A_623 : memref<64x128xf32, #tpu.memory_space<vmem>>[vector<16xi32>, vector<16xi32>], vector<16xf32>,
        %parallel_loop3A_624 = arith.constant 96 : i32
        %parallel_loop3A_625 = vector.broadcast %parallel_loop3A_624 : i32 to vector<16xi32>
        %parallel_loop3A_626 = arith.addi %parallel_loop3A_625, %iota3A : vector<16xi32>
        %parallel_loop3A_627 = arith.addi %mul3A_569, %parallel_loop3A_593 : vector<16xi32>
        %parallel_loop3A_628 = tpu.vector_load_idx %arg14[%parallel_loop3A_626, %parallel_loop3A_627] : memref<128x128xf32, #tpu.memory_space<vmem>>[vector<16xi32>, vector<16xi32>], vector<16xf32>,
        tpu.vector_store_idx %arg18[%parallel_loop3A_593, %parallel_loop3A_626], %parallel_loop3A_628 : memref<64x128xf32, #tpu.memory_space<vmem>>[vector<16xi32>, vector<16xi32>], vector<16xf32>,
        %parallel_loop3A_629 = arith.constant 112 : i32
        %parallel_loop3A_630 = vector.broadcast %parallel_loop3A_629 : i32 to vector<16xi32>
        %parallel_loop3A_631 = arith.addi %parallel_loop3A_630, %iota3A : vector<16xi32>
        %parallel_loop3A_632 = arith.addi %mul3A_578, %parallel_loop3A_593 : vector<16xi32>
        %parallel_loop3A_633 = tpu.vector_load_idx %arg14[%parallel_loop3A_631, %parallel_loop3A_632] : memref<128x128xf32, #tpu.memory_space<vmem>>[vector<16xi32>, vector<16xi32>], vector<16xf32>,
        tpu.vector_store_idx %arg18[%parallel_loop3A_593, %parallel_loop3A_631], %parallel_loop3A_633 : memref<64x128xf32, #tpu.memory_space<vmem>>[vector<16xi32>, vector<16xi32>], vector<16xf32>,
      } {sc.loop_unroll_factor = 16 : i64, sc.parallel_access}
      %dma_start3A_582 = arith.constant 0 : i32
      %dma_start3A_583 = tpu.memref_slice %arg4[%add3A_488, %dma_start3A_582, %mul3A_2] : memref<200x64x4096xf32, #tpu.memory_space<hbm>> -> memref<1x64x128xf32, #tpu.memory_space<hbm>>
      %dma_start3A_584 = tpu.memref_squeeze %dma_start3A_583 : memref<1x64x128xf32, #tpu.memory_space<hbm>> -> memref<64x128xf32, #tpu.memory_space<hbm>>
      %dma_start3A_585 = arith.constant 0 : i32
      %dma_start3A_586 = tpu.memref_slice %arg4[%add3A_488, %dma_start3A_585, %mul3A_2] : memref<200x64x4096xf32, #tpu.memory_space<hbm>> -> memref<1x64x128xf32, #tpu.memory_space<hbm>>
      %dma_start3A_587 = tpu.memref_squeeze %dma_start3A_586 : memref<1x64x128xf32, #tpu.memory_space<hbm>> -> memref<64x128xf32, #tpu.memory_space<hbm>>
      tpu.enqueue_dma source(%arg18 : memref<64x128xf32, #tpu.memory_space<vmem>>) target(%dma_start3A_587 : memref<64x128xf32, #tpu.memory_space<hbm>>) target_semaphore(%arg26 : memref<!tpu.dma_semaphore, #tpu.memory_space<semaphore_mem>>)
    }
    %scan3A_153 = arith.constant 50 : i32
    %dma_wait3A = arith.constant 196 : i32
    %dma_wait3A_154 = arith.constant 0 : i32
    %dma_wait3A_155 = tpu.memref_slice %arg4[%dma_wait3A, %dma_wait3A_154, %mul3A_2] : memref<200x64x4096xf32, #tpu.memory_space<hbm>> -> memref<1x64x128xf32, #tpu.memory_space<hbm>>
    %dma_wait3A_156 = tpu.memref_squeeze %dma_wait3A_155 : memref<1x64x128xf32, #tpu.memory_space<hbm>> -> memref<64x128xf32, #tpu.memory_space<hbm>>
    %dma_wait3A_157 = arith.constant 0 : i32
    %dma_wait3A_158 = tpu.memref_slice %arg4[%dma_wait3A, %dma_wait3A_157, %mul3A_2] : memref<200x64x4096xf32, #tpu.memory_space<hbm>> -> memref<1x64x128xf32, #tpu.memory_space<hbm>>
    %dma_wait3A_159 = tpu.memref_squeeze %dma_wait3A_158 : memref<1x64x128xf32, #tpu.memory_space<hbm>> -> memref<64x128xf32, #tpu.memory_space<hbm>>
    tpu.wait_dma2 semaphore(%arg23 : memref<!tpu.dma_semaphore, #tpu.memory_space<semaphore_mem>>) src(%arg15 : memref<64x128xf32, #tpu.memory_space<vmem>>) dst(%dma_wait3A_159 : memref<64x128xf32, #tpu.memory_space<hbm>>)
    %dma_wait3A_160 = arith.constant 197 : i32
    %dma_wait3A_161 = arith.constant 0 : i32
    %dma_wait3A_162 = tpu.memref_slice %arg4[%dma_wait3A_160, %dma_wait3A_161, %mul3A_2] : memref<200x64x4096xf32, #tpu.memory_space<hbm>> -> memref<1x64x128xf32, #tpu.memory_space<hbm>>
    %dma_wait3A_163 = tpu.memref_squeeze %dma_wait3A_162 : memref<1x64x128xf32, #tpu.memory_space<hbm>> -> memref<64x128xf32, #tpu.memory_space<hbm>>
    %dma_wait3A_164 = arith.constant 0 : i32
    %dma_wait3A_165 = tpu.memref_slice %arg4[%dma_wait3A_160, %dma_wait3A_164, %mul3A_2] : memref<200x64x4096xf32, #tpu.memory_space<hbm>> -> memref<1x64x128xf32, #tpu.memory_space<hbm>>
    %dma_wait3A_166 = tpu.memref_squeeze %dma_wait3A_165 : memref<1x64x128xf32, #tpu.memory_space<hbm>> -> memref<64x128xf32, #tpu.memory_space<hbm>>
    tpu.wait_dma2 semaphore(%arg24 : memref<!tpu.dma_semaphore, #tpu.memory_space<semaphore_mem>>) src(%arg16 : memref<64x128xf32, #tpu.memory_space<vmem>>) dst(%dma_wait3A_166 : memref<64x128xf32, #tpu.memory_space<hbm>>)
    %dma_wait3A_167 = arith.constant 198 : i32
    %dma_wait3A_168 = arith.constant 0 : i32
    %dma_wait3A_169 = tpu.memref_slice %arg4[%dma_wait3A_167, %dma_wait3A_168, %mul3A_2] : memref<200x64x4096xf32, #tpu.memory_space<hbm>> -> memref<1x64x128xf32, #tpu.memory_space<hbm>>
    %dma_wait3A_170 = tpu.memref_squeeze %dma_wait3A_169 : memref<1x64x128xf32, #tpu.memory_space<hbm>> -> memref<64x128xf32, #tpu.memory_space<hbm>>
    %dma_wait3A_171 = arith.constant 0 : i32
    %dma_wait3A_172 = tpu.memref_slice %arg4[%dma_wait3A_167, %dma_wait3A_171, %mul3A_2] : memref<200x64x4096xf32, #tpu.memory_space<hbm>> -> memref<1x64x128xf32, #tpu.memory_space<hbm>>
    %dma_wait3A_173 = tpu.memref_squeeze %dma_wait3A_172 : memref<1x64x128xf32, #tpu.memory_space<hbm>> -> memref<64x128xf32, #tpu.memory_space<hbm>>
    tpu.wait_dma2 semaphore(%arg25 : memref<!tpu.dma_semaphore, #tpu.memory_space<semaphore_mem>>) src(%arg17 : memref<64x128xf32, #tpu.memory_space<vmem>>) dst(%dma_wait3A_173 : memref<64x128xf32, #tpu.memory_space<hbm>>)
    %dma_wait3A_174 = arith.constant 199 : i32
    %dma_wait3A_175 = arith.constant 0 : i32
    %dma_wait3A_176 = tpu.memref_slice %arg4[%dma_wait3A_174, %dma_wait3A_175, %mul3A_2] : memref<200x64x4096xf32, #tpu.memory_space<hbm>> -> memref<1x64x128xf32, #tpu.memory_space<hbm>>
    %dma_wait3A_177 = tpu.memref_squeeze %dma_wait3A_176 : memref<1x64x128xf32, #tpu.memory_space<hbm>> -> memref<64x128xf32, #tpu.memory_space<hbm>>
    %dma_wait3A_178 = arith.constant 0 : i32
    %dma_wait3A_179 = tpu.memref_slice %arg4[%dma_wait3A_174, %dma_wait3A_178, %mul3A_2] : memref<200x64x4096xf32, #tpu.memory_space<hbm>> -> memref<1x64x128xf32, #tpu.memory_space<hbm>>
    %dma_wait3A_180 = tpu.memref_squeeze %dma_wait3A_179 : memref<1x64x128xf32, #tpu.memory_space<hbm>> -> memref<64x128xf32, #tpu.memory_space<hbm>>
    tpu.wait_dma2 semaphore(%arg26 : memref<!tpu.dma_semaphore, #tpu.memory_space<semaphore_mem>>) src(%arg18 : memref<64x128xf32, #tpu.memory_space<vmem>>) dst(%dma_wait3A_180 : memref<64x128xf32, #tpu.memory_space<hbm>>)
    return
  }
}

</mosaic_0001>

<sc_bundles>
// kernel: kernel.4.cloned.1.call-start
scs
__scs_entry_jumppad:
0x0: {  	(pc) =	sbr.rel $0x88, $3  }
0x1: {  	(tag) =	ssettag $0x0;
	lr =	simm.s32 $0x1  }
0x2: {  	[smem:$0x3F9F] =	sst lr;
	_ =	strace $0xD0000000  }
0x3: {  	_ = 	snop  }
0x4: {  	_ = 	snop  }
0x5: {  	_ = 	snop  }
0x6: {  	_ = 	snop  }
0x7: {  	_ = 	snop  }
__scs_overlays_trampoline_lowered:
0x8: {  	[smem:$0x3FAE] =	sst s0  }
0x9: {  	[smem:$0x3FAF] =	sst s1  }
0xa: {  	[smem:$0x3FB0] =	sst s2  }
0xb: {  	[smem:$0x3FB1] =	sst s3  }
0xc: {  	[smem:$0x3FB2] =	sst s4  }
0xd: {  	[smem:$0x3FB3] =	sst s5  }
0xe: {  	[smem:$0x3FB4] =	sst s6  }
0xf: {  	[smem:$0x3FB5] =	sst s7  }
0x10: {  	[smem:$0x3FB6] =	sst s8  }
0x11: {  	[smem:$0x3FB7] =	sst s9;
	s0 =	simm.s32 @!p0 $0x0  }
0x12: {  	s1 =	sld [smem:$0x3F9D];
	s0 =	simm.s32 @p0 $0x1  }
0x13: {  	[smem:$0x3FB8] =	sst s0;
	s0 =	simm.s32 @!p1 $0x0  }
0x14: {  	s2 =	sld [smem:$0x3F9C];
	s0 =	simm.s32 @p1 $0x1  }
0x15: {  	[smem:$0x3FB9] =	sst s0;
	s0 =	simm.s32 @!p2 $0x0  }
0x16: {  	s3 =	sld [smem:$0x3FDB];
	s0 =	simm.s32 @p2 $0x1  }
0x17: {  	s4 =	simm.s32 $0x1BF5;
	[smem:$0x3FBB] =	sst s0  }
0x18: {  	s0 =	sld [smem:$0x3F9E];
	_ =	swait.ge [sflag:s4], $0x0  }
0x19: {  	s7 =	sld [smem:$0x3F9F]  }
0x1a: {  	s8 =	sadd.s32 $0xFFFFE003, lr  }
0x1b: {  	s9 =	sadd.s32 $0xFFFFFEF7, lr;
	s5 =	simm.s32 $0xFFFFFFFF;
	p2 =	slt.u32 s8, $0xFFFFF086  }
0x1c: {  	p1 =	slt.u32 s9, $0xF7A;
	s5 =	simm.s32 @!p2 $0x0  }
0x1d: {  	s5 =	simm.s32 @p1 $0x1;
	p0 =	seq.s32 s7, s2  }
0x1e: {  	s7 =	smul.u32 @!p0 $0xF7A, s2;
	p2 =	seq.s32 @!p0 s5, $0x0  }
0x1f: {  	s9 =	smul.u32 $0xF7A, s1;
	s8 =	simm.s32 @!p0 $0x1BF5;
	p2 =	por !p2, p0  }
0x20: {  	[sflag:s8] =	ssyncset.s32 @!p0 $0xFFFFF086;
	s6 =	sadd.s32 @!p0 s3, s7;
	s7 =	simm.s32 @!p0 $0x108  }
0x21: {  	s3 =	sadd.s32 s3, s9;
	s6 =	sadd.s32 @!p0 $0x88, s6;
	s7 =	simm.s32 @p2 $0x1082  }
0x22: {  	[simem:s7], [sflag:s8] =	dma.local @!p0 [hbm:s6], $0xF7A  }
0x23: {  	s9 =	sor.u32 $0xD0000000, s2;
	s6 =	simm.s32 $0x108;
	_ =	swait.ge @!p0 [sflag:s8], $0x0  }
0x24: {  	s3 =	sadd.s32 $0x88, s3;
	s6 =	simm.s32 @!p1 $0x1082;
	[sflag:s4] =	ssyncset.s32 $0xFFFFF086  }
0x25: {  	[simem:s6], [sflag:s4] =	dma.local [hbm:s3], $0xF7A  }
0x26: {  	[smem:$0x3F9F] =	sst s1;
	(tag) =	ssettag s2;
	_ =	strace s9  }
0x27: {  	s1 =	sld [smem:$0x3FAF]  }
0x28: {  	s2 =	sld [smem:$0x3FB0]  }
0x29: {  	s4 =	sld [smem:$0x3FB2]  }
0x2a: {  	p0 =	seq.s32 s5, $0x0;
	s5 =	sld [smem:$0x3FB3]  }
0x2b: {  	s6 =	sld [smem:$0x3FB4]  }
0x2c: {  	s7 =	sld [smem:$0x3FB5]  }
0x2d: {  	s3 =	simm.s32 $0x108;
	s8 =	sld [smem:$0x3FB6]  }
0x2e: {  	s3 =	simm.s32 @!p0 $0x1082;
	s9 =	sld [smem:$0x3FB7]  }
0x2f: {  	lr =	sadd.s32 s0, s3;
	s0 =	sld [smem:$0x3FAE]  }
0x30: {  	s3 =	sld [smem:$0x3FB1]  }
0x31: {  	[smem:$0x3FBA] =	sst s10  }
0x32: {  	s10 =	sld [smem:$0x3FB8];
	_ =	sdelay $0x3  }
0x33: {  	p0 =	seq.s32 s10, $0x1;
	s10 =	sld [smem:$0x3FBA];
	_ =	sdelay $0x3  }
0x34: {  	[smem:$0x3FBA] =	sst s10  }
0x35: {  	s10 =	sld [smem:$0x3FB9];
	_ =	sdelay $0x3  }
0x36: {  	p1 =	seq.s32 s10, $0x1;
	s10 =	sld [smem:$0x3FBA];
	_ =	sdelay $0x3  }
0x37: {  	[smem:$0x3FBA] =	sst s10  }
0x38: {  	s10 =	sld [smem:$0x3FBB]  }
0x39: {  	_ = 	snop;
	(pc) =	sbr.ind lr, $3  }
0x3a: {  	_ = 	snop  }
0x3b: {  	_ = 	snop  }
0x3c: {  	p2 =	seq.s32 s10, $0x1;
	s10 =	sld [smem:$0x3FBA]  }
0x3d: {  	_ =	shalt  }
0x3e: {  	_ =	shalt  }
0x3f: {  	_ =	shalt  }
0x40: {  	_ =	shalt  }
0x41: {  	_ =	shalt  }
0x42: {  	_ =	shalt  }
0x43: {  	_ =	shalt  }
0x44: {  	_ =	shalt  }
0x45: {  	_ =	shalt  }
0x46: {  	_ =	shalt  }
0x47: {  	_ =	shalt  }
0x48: {  	_ =	shalt  }
0x49: {  	_ =	shalt  }
0x4a: {  	_ =	shalt  }
0x4b: {  	_ =	shalt  }
0x4c: {  	_ =	shalt  }
0x4d: {  	_ =	shalt  }
0x4e: {  	_ =	shalt  }
0x4f: {  	_ =	shalt  }
0x50: {  	_ =	shalt  }
0x51: {  	_ =	shalt  }
0x52: {  	_ =	shalt  }
0x53: {  	_ =	shalt  }
0x54: {  	_ =	shalt  }
0x55: {  	_ =	shalt  }
0x56: {  	_ =	shalt  }
0x57: {  	_ =	shalt  }
0x58: {  	_ =	shalt  }
0x59: {  	_ =	shalt  }
0x5a: {  	_ =	shalt  }
0x5b: {  	_ =	shalt  }
0x5c: {  	_ =	shalt  }
0x5d: {  	_ =	shalt  }
0x5e: {  	_ =	shalt  }
0x5f: {  	_ =	shalt  }
0x60: {  	_ =	shalt  }
0x61: {  	_ =	shalt  }
0x62: {  	_ =	shalt  }
0x63: {  	_ =	shalt  }
0x64: {  	_ =	shalt  }
0x65: {  	_ =	shalt  }
0x66: {  	_ =	shalt  }
0x67: {  	_ =	shalt  }
0x68: {  	_ =	shalt  }
0x69: {  	_ =	shalt  }
0x6a: {  	_ =	shalt  }
0x6b: {  	_ =	shalt  }
0x6c: {  	_ =	shalt  }
0x6d: {  	_ =	shalt  }
0x6e: {  	_ =	shalt  }
0x6f: {  	_ =	shalt  }
0x70: {  	_ =	shalt  }
0x71: {  	_ =	shalt  }
0x72: {  	_ =	shalt  }
0x73: {  	_ =	shalt  }
0x74: {  	_ =	shalt  }
0x75: {  	_ =	shalt  }
0x76: {  	_ =	shalt  }
0x77: {  	_ =	shalt  }
0x78: {  	_ =	shalt  }
0x79: {  	_ =	shalt  }
0x7a: {  	_ =	shalt  }
0x7b: {  	_ =	shalt  }
0x7c: {  	_ =	shalt  }
0x7d: {  	_ =	shalt  }
0x7e: {  	_ =	shalt  }
0x7f: {  	_ =	shalt  }
0x80: {  	_ =	shalt  }
0x81: {  	_ =	shalt  }
0x82: {  	_ =	shalt  }
0x83: {  	_ =	shalt  }
0x84: {  	_ =	shalt  }
0x85: {  	_ =	shalt  }
0x86: {  	_ =	shalt  }
0x87: {  	_ =	shalt  }
.Lfunc_end0:
.L_simem_size_0:
called_computation_lowered:
.L_overlay_start_0:
0x88: {  	s2 =	sld [smem:$0x3FD9]  }
0x89: {  	s3 =	sld [smem:$0x3FFE];
	_ =	sdelay $0x1  }
0x8a: {  	s1 =	srdreg.scid  }
0x8b: {  	s0 =	sand.u32 $0x1, s1  }
0x8c: {  	s17 =	sshll.u32 s0, $0xA;
	s2 =	sadd.s32 s3, s2  }
0x8d: {  	s2 =	sadd.s32 s2, s17  }
0x8e: {  	[smem:$0x3FC6] =	sst s2  }
0x8f: {  	_ = 	snop  }
0x90: {  	s2 =	sld [smem:$0x3FC8]  }
0x91: {  	s18 =	sld [smem:$0x3FD0];
	(tm) =	ssettm $0x1  }
0x92: {  	s4 =	sld [smem:$0x3FFB];
	_ =	sdelay $0x3  }
0x93: {  	_ =	strace s4  }
0x94: {  	s4 =	sld [smem:$0x3FFC];
	_ =	sdelay $0x3  }
0x95: {  	_ =	strace s4  }
0x96: {  	s4 =	sld [smem:$0x3FFD];
	_ =	sdelay $0x3  }
0x97: {  	_ =	strace s4  }
0x98: {  	_ =	strace $0x8FFFFFFF  }
0x99: {  	s19 =	sld [smem:$0x3FDB];
	_ =	sdelay $0x1  }
0x9a: {  	s5 =	simm.s32 $_scs_section_size  }
0x9b: {  	s6 =	simm.s32 $_size__tile_overlayer_lowered;
	s7 =	simm.s32 $_tile_overlayer_lowered  }
0x9c: {  	s22 =	simm.s32 $0x1BFF;
	s21 =	sshll.u32 s7, $0x1;
	s4 =	sadd.s32 s5, s19  }
0x9d: {  	s8 =	simm.s32 $0x0;
	s20 =	sshll.u32 s6, $0x1;
	s6 =	sadd.s32 s21, s4  }
0x9e: {  	[timem:s8], [sflag:s22] =	dma.local [hbm:s6], s20  }
0x9f: {  	_ =	swait.ge [sflag:s22], s20  }
0xa0: {  	s5 =	ssub.s32 $0x0, s20;
	[sflag:s22] =	ssyncset.done $0x0  }
0xa1: {  	[sflag:s22] =	ssyncadd.s32 s5;
	_ =	sdelay $0x1  }
0xa2: {  	s23 =	simm.s32 $0x1B8B  }
0xa3: {  	_ =	swait.ge [sflag:s23], $0x1  }
0xa4: {  	[sflag:s23] =	ssyncset.done $0x0  }
0xa5: {  	s25 =	simm.s32 $0x1B8E;
	s24 =	sld [smem:$0x3FFE];
	[sflag:s23] =	ssyncadd.s32 $0xFFFFFFFF  }
0xa6: {  	s26 =	simm.s32 $execute0_lowered;
	[smem:$0x3FD2] =	sst s25  }
0xa7: {  	s6 =	sshll.u32 s26, $0x1;
	_ =	strace $0x80000046;
	[dreg:$0x1] =	wrdreg $0xFFFFFFFF  }
0xa8: {  	s28 =	simm.s32 $_size_execute0_lowered;
	s4 =	sadd.s32 s4, s6;
	[dreg:$0x0] =	wrdreg $0x0  }
0xa9: {  	s6 =	sshll.u32 s28, $0x1;
	[dreg:$0x2] =	wrdreg s4  }
0xaa: {  	[dreg:$0x3] =	wrdreg s6  }
0xab: {  	[dreg:$0x4] =	wrdreg $0xC0  }
0xac: {  	_ =	task [dreg:s8], $0x5FFFF  }
0xad: {  	[dreg:$0x1] =	wrdreg $0xFFFFFFFF  }
0xae: {  	[dreg:$0x0] =	wrdreg $0x60  }
0xaf: {  	[dreg:$0x2] =	wrdreg s2  }
0xb0: {  	[dreg:$0x3] =	wrdreg s18  }
0xb1: {  	[dreg:$0x4] =	wrdreg s24  }
0xb2: {  	[dreg:$0x5] =	wrdreg $0x9  }
0xb3: {  	_ =	task.clear_ibuf [dreg:s8], $0x6FFFF;
	_ =	strace $0x90000046  }
0xb4: {  	s29 =	simm.s32 $0x9;
	_ =	strace $0x80000048  }
0xb5: {  	_ =	swait.ge [sflag:s29], $0x1  }
0xb6: {  	[sflag:s29] =	ssyncadd.s32 $0xFFFFFFFF  }
0xb7: {  	_ =	strace $0x90000048  }
0xb8: {  	_ =	sfence  }
0xb9: {  	s30 =	sld [smem:$0x0];
	_ =	sdelay $0x2  }
0xba: {  	s31 =	sshll.u32 s1, $0xD;
	s1 =	sshrl.u32 s1, $0x2  }
0xbb: {  	s3 =	sand.u32 $0x4000, s31;
	s1 =	sadd.s32 s1, s30  }
0xbc: {  	s0 =	sor.u32 s3, s0;
	s1 =	sshll.u32 s1, $0x11  }
0xbd: {  	s0 =	sor.u32 s1, s0  }
0xbe: {  	s0 =	sadd.s32 $0x8F2B, s0  }
0xbf: {  	[sflag:s0] =	ssyncadd.remote.s32 $0x1  }
0xc0: {  	_ =	sfence.sel $0xFFFF  }
0xc1: {  	[dreg:$0x0] =	wrdreg $0xFFFFFFFF;
	(pc) =	sbr.abs _section_cstart, $3  }
0xc2: {  	[dreg:$0x1] =	wrdreg $0xFFFFFFFF  }
0xc3: {  	_ =	task.clear_ibuf [dreg:s8], $0x2FFFF;
	_ =	strace $0x9FFFFFFF  }
0xc4: {  	(tm) =	ssettm $0x7FFFFFFF  }
0xc5: {  	_ =	shalt  }
tec
execute0_lowered:
.L_overlay_start_1:
0x0: {  	(tag) =	ssettag $0x1  }
0x1: {  	s1 =	rddreg [dreg:$0x0]  }
0x2: {  	s2 =	rddreg [dreg:$0x1]  }
0x3: {  	s5 =	rddreg [dreg:$0x2]  }
0x4: {  	s3 =	srdreg.scid;
	s0 =	rddreg [dreg:$0x3]  }
0x5: {  	s4 =	simm.s32 $0x0;
	s11 =	simm.s32 $0x400;
	s12 =	simm.s32 $0x7A1400  }
0x6: {  	v0 =	vlaneseq.u32;
	s13 =	simm.s32 $0x1;
	s14 =	simm.s32 $0x4000;
	s15 =	simm.s32 $0x2  }
0x7: {  	s16 =	simm.s32 $0x2000;
	s17 =	simm.s32 $0x6000;
	s18 =	simm.s32 $0x3;
	v1 =	vmul.u32 $0x41, v0;
	v2 =	vmul.u32 $0x80, v0;
	v3 =	vor.u32 $0x10, v0  }
0x8: {  	s19 =	simm.s32 $0x4;
	s20 =	simm.s32 $0x0;
	s6 =	sand.u32 $0x1, s3;
	v5 =	vor.u32 $0x20, v0;
	v7 =	vor.u32 $0x30, v0;
	v9 =	vor.u32 $0x40, v0  }
0x9: {  	[smem:$0x7FF] =	sst s4;
	s3 =	stileid.u32;
	s5 =	sadd.s32 $0x800, s5;
	v11 =	vor.u32 $0x50, v0;
	v12 =	vmul.u32 $0x40, v0;
	v14 =	vor.u32 $0x60, v0  }
.Ltmp0:
0xa: {  	v16 =	vor.u32 $0x70, v0;
	s7 =	ssub.s32 $0x2, s6;
	s9 =	sshll.u32 s3, $0x1;
	v4 =	vor.u32 $0x400, v1;
	v6 =	vor.u32 $0x800, v1;
	(pc) =	sbr.rel .LBB2_1-.Ltmp0, $4  }
0xb: {  	_ =	strace $0x80000047;
	s8 =	sshrl.u32 s7, $0x1;
	s6 =	sor.u32 s6, s9;
	v8 =	vor.u32 $0xC00, v1;
	v10 =	vor.u32 $0x1000, v1;
	v13 =	vor.u32 $0x1400, v1  }
0xc: {  	v15 =	vor.u32 $0x1800, v1;
	v17 =	vor.u32 $0x1C00, v1;
	v18 =	vor.u32 $0x400, v12;
	s10 =	ssub.s32 s7, s8;
	p0 =	slt.u32 s6, $0x5;
	s7 =	simm.s32 $0xF5  }
0xd: {  	v19 =	vor.u32 $0x800, v12;
	v20 =	vor.u32 $0xC00, v12;
	v21 =	vor.u32 $0x1000, v12;
	s31 =	sshll.u32 s6, $0x7;
	s9 =	sshll.u32 s6, $0xA;
	s7 =	simm.s32 @!p0 $0xF4  }
0xe: {  	v22 =	vor.u32 $0x1400, v12;
	v23 =	vor.u32 $0x1800, v12;
	v24 =	vor.u32 $0x1C00, v12;
	s8 =	sadd.s32 s1, s31;
	s9 =	sadd.s32 s5, s9;
	s10 =	smax.u32 s10, $0x1  }
.LBB2_11:
0xf: {  	s20 =	sadd.s32 $0x1, s20  }
0x10: {  	_ =	swait.ge [sflag:s18], $0x2000;
	p0 =	sne.s32 s20, s10  }
.Ltmp1:
0x11: {  	[sflag:s18] =	ssyncset.done $0x0;
	(pc) =	sbr.rel @!p0 .LBB2_12-.Ltmp1, $4  }
0x12: {  	[sflag:s18] =	ssyncadd.s32 $0xFFFFE000  }
0x13: {  	_ =	swait.ge [sflag:s19], $0x2000  }
0x14: {  	[sflag:s19] =	ssyncset.done $0x0  }
0x15: {  	[sflag:s19] =	ssyncadd.s32 $0xFFFFE000  }
.LBB2_1:
.Ltmp2:
0x16: {  	(pc) =	sbr.rel .LBB2_2-.Ltmp2, $3  }
0x17: {  	_ =	sdelay $0x1  }
0x18: {  	[tilespmem:s4], [sflag:$0x1] =	stream.strided.gather [hbm4b:s8+s11], $0x2000, s12, s11, $0x38;
	[tilespmem:$0x8000] =	vst v63  }
0x19: {  	s21 =	simm.s32 $0x0  }
.LBB2_10:
0x1a: {  	p0 =	sne.s32 s22, $0xF5  }
.Ltmp3:
0x1b: {  	_ = 	snop;
	(pc) =	sbr.rel @!p0 .LBB2_11-.Ltmp3, $2  }
0x1c: {  	_ =	sdelay $0x2  }
0x1d: {  	s21 =	smov.u32 s22  }
.LBB2_2:
0x1e: {  	s22 =	sand.u32 $0x1, s21;
	p0 =	sge.u32 s21, s7  }
0x1f: {  	p1 =	sne.s32 @!p0 s22, $0x0  }
0x20: {  	p1 =	por p0, p1  }
.Ltmp4:
0x21: {  	_ = 	snop;
	(pc) =	sbr.rel @p1 .LBB2_6-.Ltmp4, $1  }
0x22: {  	_ =	sdelay $0x3  }
0x23: {  	s23 =	sor.u32 $0x1, s21  }
0x24: {  	p1 =	sge.u32 s23, s7  }
0x25: {  	s23 =	sshll.u32 @!p1 s23, $0xC;
	s24 =	simm.s32 @!p1 $0x400  }
0x26: {  	s25 =	simm.s32 @!p1 $0x7A1400;
	s26 =	simm.s32 @!p1 $0x2000;
	s23 =	sadd.s32 @!p1 s23, s8  }
0x27: {  	[tilespmem:s26], [sflag:$0x2] =	stream.strided.gather @!p1 [hbm4b:s23+s24], $0x2000, s25, s24, $0x38;
	[tilespmem:$0x8000] =	vst v63  }
0x28: {  	p1 =	slt.u32 s21, $0x2  }
0x29: {  	s23 =	simm.s32 @!p1 $0x3  }
0x2a: {  	_ =	swait.ge @!p1 [sflag:s23], $0x2000  }
0x2b: {  	[sflag:s23] =	ssyncset.done @!p1 $0x0  }
0x2c: {  	[sflag:s23] =	ssyncadd.s32 @!p1 $0xFFFFE000  }
0x2d: {  	_ =	swait.ge [sflag:s13], $0x2000  }
0x2e: {  	[sflag:s13] =	ssyncset.done $0x0  }
0x2f: {  	s23 =	simm.s32 $0x0;
	[sflag:s13] =	ssyncadd.s32 $0xFFFFE000  }
.LBB2_4:
0x30: {  	v25 =	vmov s23  }
0x31: {  	v25 =	vshll.u32 v25, $0x7  }
0x32: {  	v25 =	vor.u32 v2, v25  }
0x33: {  	v26 =	vor.u32 v0, v25;
	_ =	sdelay $0x4  }
0x34: {  	v26 =	vld.idx.msk [tilespmem:v26+s4+$0x0], $0xffff;
	_ =	sdelay $0x1  }
0x35: {  	v27 =	vor.u32 s23, v1  }
0x36: {  	v28 =	vor.u32 v3, v25;
	_ =	sdelay $0x1  }
0x37: {  	v26 =	vmul.f32 $8.000000000e+00, v26;
	_ =	sdelay $0x1  }
0x38: {  	s24 =	sadd.s32 $0x1, s23;
	[tilespmem:v27+s14+$0x0] =	vst.idx.msk $0xffff, v26  }
0x39: {  	v26 =	vadd.s32 s24, v0;
	v27 =	vld.idx.msk [tilespmem:v28+s4+$0x0], $0xffff  }
0x3a: {  	v29 =	vand.u32 $0x3F, v26  }
0x3b: {  	v60 =	vor.u32 s23, v4;
	v26 =	vshll.u32 v29, $0x7  }
0x3c: {  	v32 =	vor.u32 v0, v26  }
0x3d: {  	s30 =	sadd.s32 $0x2, s23  }
0x3e: {  	v30 =	vadd.s32 s30, v0;
	v31 =	vor.u32 v5, v25;
	v27 =	vmul.f32 $8.000000000e+00, v27  }
0x3f: {  	v30 =	vand.u32 $0x3F, v30  }
0x40: {  	[tilespmem:v60+s14+$0x0] =	vst.idx.msk $0xffff, v27;
	v27 =	vshll.u32 v30, $0x7  }
0x41: {  	v61 =	vld.idx.msk [tilespmem:v32+s4+$0x0], $0xffff;
	v62 =	vor.u32 v0, v27;
	_ =	sdelay $0x1  }
0x42: {  	v35 =	vor.u32 v12, v29;
	v28 =	vld.idx.msk [tilespmem:v31+s4+$0x0], $0xffff  }
0x43: {  	v36 =	vor.u32 v3, v26  }
0x44: {  	v33 =	vor.u32 s23, v6  }
0x45: {  	v31 =	vmul.f32 $8.000000000e+00, v61;
	v32 =	vld.idx.msk [tilespmem:v62+s4+$0x0], $0xffff  }
0x46: {  	s31 =	sadd.s32 $0x3, s23;
	v34 =	vor.u32 v7, v25  }
0x47: {  	v45 =	vadd.s32 s31, v0;
	v63 =	vor.u32 v12, v30;
	v28 =	vmul.f32 $8.000000000e+00, v28;
	[tilespmem:v35+s14+$0x0] =	vst.idx.msk $0xffff, v31  }
0x48: {  	v43 =	vor.u32 v3, v27;
	v31 =	vand.u32 $0x3F, v45;
	v42 =	vld.idx.msk [tilespmem:v36+s4+$0x0], $0xffff  }
0x49: {  	[tilespmem:v33+s14+$0x0] =	vst.idx.msk $0xffff, v28;
	v33 =	vshll.u32 v31, $0x7  }
0x4a: {  	v38 =	vor.u32 v18, v29;
	v48 =	vor.u32 v0, v33;
	v32 =	vmul.f32 $8.000000000e+00, v32  }
0x4b: {  	v39 =	vor.u32 v5, v26;
	v28 =	vld.idx.msk [tilespmem:v34+s4+$0x0], $0xffff  }
0x4c: {  	[tilespmem:v63+s14+$0x0] =	vst.idx.msk $0xffff, v32  }
0x4d: {  	v44 =	vor.u32 s23, v8;
	v46 =	vmul.f32 $8.000000000e+00, v42;
	v47 =	vld.idx.msk [tilespmem:v43+s4+$0x0], $0xffff  }
0x4e: {  	v37 =	vor.u32 v9, v25  }
0x4f: {  	v49 =	vor.u32 v18, v30;
	v35 =	vld.idx.msk [tilespmem:v48+s4+$0x0], $0xffff;
	[tilespmem:v38+s14+$0x0] =	vst.idx.msk $0xffff, v46  }
0x50: {  	v51 =	vor.u32 v5, v27;
	v28 =	vmul.f32 $8.000000000e+00, v28;
	v50 =	vld.idx.msk [tilespmem:v39+s4+$0x0], $0xffff  }
0x51: {  	v54 =	vor.u32 v12, v31  }
0x52: {  	v40 =	vor.u32 v19, v29;
	v57 =	vor.u32 v3, v33;
	[tilespmem:v44+s14+$0x0] =	vst.idx.msk $0xffff, v28;
	v34 =	vmul.f32 $8.000000000e+00, v47  }
0x53: {  	s25 =	sadd.s32 $0x4, s23;
	v41 =	vor.u32 v7, v26;
	v28 =	vld.idx.msk [tilespmem:v37+s4+$0x0], $0xffff  }
0x54: {  	v42 =	vadd.s32 s25, v0;
	v35 =	vmul.f32 $8.000000000e+00, v35;
	[tilespmem:v49+s14+$0x0] =	vst.idx.msk $0xffff, v34  }
0x55: {  	v52 =	vor.u32 s23, v10;
	v32 =	vand.u32 $0x3F, v42;
	v55 =	vmul.f32 $8.000000000e+00, v50;
	v56 =	vld.idx.msk [tilespmem:v51+s4+$0x0], $0xffff  }
0x56: {  	v53 =	vor.u32 v11, v25;
	v38 =	vshll.u32 v32, $0x7;
	[tilespmem:v54+s14+$0x0] =	vst.idx.msk $0xffff, v35  }
0x57: {  	v58 =	vor.u32 v19, v30;
	v45 =	vor.u32 v0, v38;
	v48 =	vld.idx.msk [tilespmem:v57+s4+$0x0], $0xffff;
	[tilespmem:v40+s14+$0x0] =	vst.idx.msk $0xffff, v55  }
0x58: {  	v60 =	vor.u32 v7, v27;
	v28 =	vmul.f32 $8.000000000e+00, v28;
	v59 =	vld.idx.msk [tilespmem:v41+s4+$0x0], $0xffff  }
0x59: {  	v61 =	vor.u32 s23, v13;
	v43 =	vor.u32 v18, v31  }
0x5a: {  	v63 =	vor.u32 v20, v29;
	v44 =	vor.u32 v5, v33;
	[tilespmem:v52+s14+$0x0] =	vst.idx.msk $0xffff, v28;
	v47 =	vmul.f32 $8.000000000e+00, v56  }
0x5b: {  	s26 =	sadd.s32 $0x5, s23;
	s28 =	sadd.s32 $0x6, s23;
	v62 =	vor.u32 v14, v25;
	v25 =	vor.u32 v16, v25;
	v49 =	vor.u32 v9, v26;
	v28 =	vld.idx.msk [tilespmem:v53+s4+$0x0], $0xffff  }
0x5c: {  	v54 =	vadd.s32 s28, v0;
	v45 =	vld.idx.msk [tilespmem:v45+s4+$0x0], $0xffff;
	v53 =	vadd.s32 s26, v0;
	v36 =	vmul.f32 $8.000000000e+00, v48;
	[tilespmem:v58+s14+$0x0] =	vst.idx.msk $0xffff, v47  }
0x5d: {  	v35 =	vand.u32 $0x3F, v54;
	v34 =	vand.u32 $0x3F, v53;
	v50 =	vmul.f32 $8.000000000e+00, v59;
	v51 =	vld.idx.msk [tilespmem:v60+s4+$0x0], $0xffff  }
0x5e: {  	v54 =	vor.u32 v7, v33;
	v39 =	vshll.u32 v35, $0x7;
	v40 =	vshll.u32 v34, $0x7;
	[tilespmem:v43+s14+$0x0] =	vst.idx.msk $0xffff, v36  }
0x5f: {  	v52 =	vor.u32 v20, v30;
	v56 =	vor.u32 v0, v40;
	v43 =	vld.idx.msk [tilespmem:v44+s4+$0x0], $0xffff;
	[tilespmem:v63+s14+$0x0] =	vst.idx.msk $0xffff, v50  }
0x60: {  	v55 =	vor.u32 v9, v27;
	v57 =	vor.u32 v0, v39;
	v28 =	vmul.f32 $8.000000000e+00, v28;
	v37 =	vld.idx.msk [tilespmem:v49+s4+$0x0], $0xffff  }
0x61: {  	v53 =	vor.u32 v11, v27;
	v45 =	vmul.f32 $8.000000000e+00, v45;
	v60 =	vor.u32 v12, v32  }
0x62: {  	s29 =	sadd.s32 $0x7, s23;
	v48 =	vor.u32 v21, v29;
	v50 =	vor.u32 v19, v31;
	[tilespmem:v61+s14+$0x0] =	vst.idx.msk $0xffff, v28;
	v42 =	vmul.f32 $8.000000000e+00, v51  }
0x63: {  	v59 =	vor.u32 v11, v26;
	v63 =	vor.u32 v3, v40;
	v46 =	vld.idx.msk [tilespmem:v62+s4+$0x0], $0xffff;
	v62 =	vadd.s32 s29, v0  }
0x64: {  	v47 =	vor.u32 s23, v15;
	v36 =	vand.u32 $0x3F, v62;
	v51 =	vor.u32 v3, v38;
	[tilespmem:v52+s14+$0x0] =	vst.idx.msk $0xffff, v42;
	v52 =	vld.idx.msk [tilespmem:v56+s4+$0x0], $0xffff  }
0x65: {  	v44 =	vld.idx.msk [tilespmem:v57+s4+$0x0], $0xffff;
	v43 =	vmul.f32 $8.000000000e+00, v43;
	v58 =	vmul.f32 $8.000000000e+00, v37;
	v37 =	vshll.u32 v36, $0x7  }
0x66: {  	v61 =	vor.u32 v12, v34;
	[tilespmem:v60+s14+$0x0] =	vst.idx.msk $0xffff, v45;
	v57 =	vor.u32 v0, v37  }
0x67: {  	v49 =	vor.u32 v21, v30;
	[tilespmem:v50+s14+$0x0] =	vst.idx.msk $0xffff, v43;
	v41 =	vld.idx.msk [tilespmem:v55+s4+$0x0], $0xffff;
	v55 =	vor.u32 v12, v35  }
0x68: {  	v42 =	vor.u32 v3, v39;
	v46 =	vmul.f32 $8.000000000e+00, v46;
	[tilespmem:v48+s14+$0x0] =	vst.idx.msk $0xffff, v58;
	v58 =	vld.idx.msk [tilespmem:v54+s4+$0x0], $0xffff  }
0x69: {  	v62 =	vor.u32 v22, v29;
	v45 =	vor.u32 v20, v31;
	v43 =	vld.idx.msk [tilespmem:v51+s4+$0x0], $0xffff;
	v56 =	vmul.f32 $8.000000000e+00, v52  }
0x6a: {  	v60 =	vor.u32 v5, v38;
	[tilespmem:v47+s14+$0x0] =	vst.idx.msk $0xffff, v46;
	v48 =	vld.idx.msk [tilespmem:v59+s4+$0x0], $0xffff;
	v59 =	vmul.f32 $8.000000000e+00, v44  }
0x6b: {  	v54 =	vor.u32 v22, v30;
	v51 =	vor.u32 v18, v32;
	v50 =	vld.idx.msk [tilespmem:v57+s4+$0x0], $0xffff;
	[tilespmem:v61+s14+$0x0] =	vst.idx.msk $0xffff, v56  }
0x6c: {  	v47 =	vor.u32 v7, v40;
	v41 =	vmul.f32 $8.000000000e+00, v41;
	[tilespmem:v55+s14+$0x0] =	vst.idx.msk $0xffff, v59;
	v28 =	vld.idx.msk [tilespmem:v63+s4+$0x0], $0xffff  }
0x6d: {  	v55 =	vor.u32 v18, v34;
	v57 =	vor.u32 v21, v31;
	v61 =	vor.u32 v9, v33;
	v42 =	vld.idx.msk [tilespmem:v42+s4+$0x0], $0xffff  }
0x6e: {  	[tilespmem:v49+s14+$0x0] =	vst.idx.msk $0xffff, v41;
	v63 =	vor.u32 v14, v26;
	v43 =	vmul.f32 $8.000000000e+00, v43;
	v41 =	vld.idx.msk [tilespmem:v25+s4+$0x0], $0xffff  }
0x6f: {  	v56 =	vor.u32 v18, v35;
	v25 =	vmul.f32 $8.000000000e+00, v58;
	v49 =	vor.u32 v5, v40;
	v44 =	vld.idx.msk [tilespmem:v53+s4+$0x0], $0xffff  }
0x70: {  	v48 =	vmul.f32 $8.000000000e+00, v48;
	[tilespmem:v51+s14+$0x0] =	vst.idx.msk $0xffff, v43;
	v43 =	vor.u32 v5, v39;
	v51 =	vor.u32 v12, v36  }
0x71: {  	[tilespmem:v45+s14+$0x0] =	vst.idx.msk $0xffff, v25;
	v45 =	vor.u32 v3, v37;
	v25 =	vld.idx.msk [tilespmem:v60+s4+$0x0], $0xffff;
	v28 =	vmul.f32 $8.000000000e+00, v28  }
0x72: {  	[tilespmem:v62+s14+$0x0] =	vst.idx.msk $0xffff, v48;
	v62 =	vor.u32 v14, v27;
	v60 =	vld.idx.msk [tilespmem:v61+s4+$0x0], $0xffff;
	v42 =	vmul.f32 $8.000000000e+00, v42  }
0x73: {  	v61 =	vor.u32 v19, v32;
	v48 =	vld.idx.msk [tilespmem:v63+s4+$0x0], $0xffff;
	v63 =	vmul.f32 $8.000000000e+00, v50;
	[tilespmem:v55+s14+$0x0] =	vst.idx.msk $0xffff, v28  }
0x74: {  	v58 =	vor.u32 v7, v38;
	v44 =	vmul.f32 $8.000000000e+00, v44;
	[tilespmem:v56+s14+$0x0] =	vst.idx.msk $0xffff, v42;
	v49 =	vld.idx.msk [tilespmem:v49+s4+$0x0], $0xffff  }
0x75: {  	v46 =	vor.u32 v20, v34;
	v59 =	vor.u32 v11, v33;
	v43 =	vld.idx.msk [tilespmem:v43+s4+$0x0], $0xffff;
	[tilespmem:v51+s14+$0x0] =	vst.idx.msk $0xffff, v63  }
0x76: {  	v28 =	vor.u32 v19, v34;
	[tilespmem:v54+s14+$0x0] =	vst.idx.msk $0xffff, v44;
	v25 =	vmul.f32 $8.000000000e+00, v25;
	v44 =	vld.idx.msk [tilespmem:v45+s4+$0x0], $0xffff  }
0x77: {  	s30 =	sadd.s32 $0x8, s23;
	v52 =	vor.u32 v7, v39;
	v63 =	vor.u32 v19, v35;
	v45 =	vld.idx.msk [tilespmem:v62+s4+$0x0], $0xffff;
	v62 =	vmul.f32 $8.000000000e+00, v60  }
0x78: {  	v53 =	vor.u32 v16, v26;
	v54 =	vor.u32 v18, v36;
	[tilespmem:v61+s14+$0x0] =	vst.idx.msk $0xffff, v25;
	v25 =	vadd.s32 s30, v0  }
0x79: {  	v61 =	vor.u32 v5, v37;
	[tilespmem:v57+s14+$0x0] =	vst.idx.msk $0xffff, v62;
	v60 =	vld.idx.msk [tilespmem:v58+s4+$0x0], $0xffff;
	v25 =	vand.u32 $0x3F, v25;
	v49 =	vmul.f32 $8.000000000e+00, v49  }
0x7a: {  	v42 =	vor.u32 v23, v29;
	v55 =	vld.idx.msk [tilespmem:v59+s4+$0x0], $0xffff;
	v43 =	vmul.f32 $8.000000000e+00, v43;
	v26 =	vshll.u32 v25, $0x7  }
0x7b: {  	v56 =	vor.u32 v20, v32;
	v62 =	vmul.f32 $8.000000000e+00, v44;
	v44 =	vor.u32 v0, v26;
	[tilespmem:v28+s14+$0x0] =	vst.idx.msk $0xffff, v49  }
0x7c: {  	[tilespmem:v63+s14+$0x0] =	vst.idx.msk $0xffff, v43;
	v63 =	vmul.f32 $8.000000000e+00, v48;
	v48 =	vor.u32 v22, v31;
	v47 =	vld.idx.msk [tilespmem:v47+s4+$0x0], $0xffff  }
0x7d: {  	v57 =	vor.u32 v9, v38;
	v49 =	vor.u32 v23, v30;
	v51 =	vld.idx.msk [tilespmem:v52+s4+$0x0], $0xffff;
	[tilespmem:v54+s14+$0x0] =	vst.idx.msk $0xffff, v62  }
0x7e: {  	v27 =	vor.u32 v16, v27;
	v45 =	vmul.f32 $8.000000000e+00, v45;
	v58 =	vmul.f32 $8.000000000e+00, v60;
	v50 =	vld.idx.msk [tilespmem:v61+s4+$0x0], $0xffff  }
0x7f: {  	[tilespmem:v42+s14+$0x0] =	vst.idx.msk $0xffff, v63;
	v60 =	vor.u32 v9, v40;
	v61 =	vor.u32 v20, v35;
	v59 =	vmul.f32 $8.000000000e+00, v55  }
0x80: {  	v62 =	vor.u32 v9, v39;
	v63 =	vor.u32 v19, v36;
	[tilespmem:v56+s14+$0x0] =	vst.idx.msk $0xffff, v58;
	v44 =	vld.idx.msk [tilespmem:v44+s4+$0x0], $0xffff  }
0x81: {  	[tilespmem:v48+s14+$0x0] =	vst.idx.msk $0xffff, v59;
	v47 =	vmul.f32 $8.000000000e+00, v47  }
0x82: {  	v56 =	vld.idx.msk [tilespmem:v57+s4+$0x0], $0xffff;
	v59 =	vor.u32 v12, v25;
	[tilespmem:v49+s14+$0x0] =	vst.idx.msk $0xffff, v45;
	v58 =	vmul.f32 $8.000000000e+00, v51  }
0x83: {  	v57 =	vor.u32 v7, v37;
	v51 =	vld.idx.msk [tilespmem:v27+s4+$0x0], $0xffff;
	v27 =	vmul.f32 $8.000000000e+00, v50;
	[tilespmem:v46+s14+$0x0] =	vst.idx.msk $0xffff, v47  }
0x84: {  	v42 =	vor.u32 v21, v32;
	[tilespmem:v61+s14+$0x0] =	vst.idx.msk $0xffff, v58;
	v46 =	vor.u32 v3, v26;
	v43 =	vld.idx.msk [tilespmem:v60+s4+$0x0], $0xffff  }
0x85: {  	v47 =	vor.u32 v14, v33;
	v50 =	vld.idx.msk [tilespmem:v62+s4+$0x0], $0xffff;
	[tilespmem:v63+s14+$0x0] =	vst.idx.msk $0xffff, v27;
	v27 =	vmul.f32 $8.000000000e+00, v44  }
0x86: {  	s31 =	sadd.s32 $0x9, s23;
	v45 =	vor.u32 v11, v38;
	v61 =	vor.u32 v21, v34  }
0x87: {  	v54 =	vor.u32 v11, v40;
	v55 =	vor.u32 v21, v35;
	[tilespmem:v59+s14+$0x0] =	vst.idx.msk $0xffff, v27;
	v27 =	vadd.s32 s31, v0  }
0x88: {  	v62 =	vor.u32 v11, v39;
	v60 =	vmul.f32 $8.000000000e+00, v56;
	v49 =	vld.idx.msk [tilespmem:v57+s4+$0x0], $0xffff;
	v27 =	vand.u32 $0x3F, v27  }
0x89: {  	v63 =	vor.u32 v20, v36;
	v28 =	vshll.u32 v27, $0x7;
	v46 =	vld.idx.msk [tilespmem:v46+s4+$0x0], $0xffff;
	v43 =	vmul.f32 $8.000000000e+00, v43  }
0x8a: {  	[tilespmem:v42+s14+$0x0] =	vst.idx.msk $0xffff, v60;
	v47 =	vld.idx.msk [tilespmem:v47+s4+$0x0], $0xffff;
	v60 =	vmul.f32 $8.000000000e+00, v50;
	v50 =	vor.u32 v0, v28  }
0x8b: {  	v44 =	vor.u32 v18, v25;
	v57 =	vor.u32 v9, v37;
	v45 =	vld.idx.msk [tilespmem:v45+s4+$0x0], $0xffff;
	[tilespmem:v61+s14+$0x0] =	vst.idx.msk $0xffff, v43  }
0x8c: {  	v52 =	vor.u32 v23, v31;
	[tilespmem:v55+s14+$0x0] =	vst.idx.msk $0xffff, v60;
	v54 =	vld.idx.msk [tilespmem:v54+s4+$0x0], $0xffff  }
0x8d: {  	v58 =	vor.u32 v22, v35;
	v61 =	vmul.f32 $8.000000000e+00, v49;
	v49 =	vor.u32 v5, v26;
	v48 =	vld.idx.msk [tilespmem:v62+s4+$0x0], $0xffff  }
0x8e: {  	v42 =	vor.u32 v22, v32;
	v60 =	vor.u32 v14, v38;
	v62 =	vmul.f32 $8.000000000e+00, v46  }
0x8f: {  	[tilespmem:v63+s14+$0x0] =	vst.idx.msk $0xffff, v61;
	v63 =	vmul.f32 $8.000000000e+00, v47;
	v61 =	vor.u32 v22, v34;
	v43 =	vld.idx.msk [tilespmem:v50+s4+$0x0], $0xffff  }
0x90: {  	v56 =	vld.idx.msk [tilespmem:v57+s4+$0x0], $0xffff;
	[tilespmem:v44+s14+$0x0] =	vst.idx.msk $0xffff, v62;
	v62 =	vmul.f32 $8.000000000e+00, v45;
	v45 =	vor.u32 v14, v39  }
0x91: {  	v57 =	vor.u32 v14, v40;
	[tilespmem:v52+s14+$0x0] =	vst.idx.msk $0xffff, v63;
	v63 =	vmul.f32 $8.000000000e+00, v54;
	v54 =	vor.u32 v12, v27  }
0x92: {  	v50 =	vor.u32 v21, v36;
	v49 =	vld.idx.msk [tilespmem:v49+s4+$0x0], $0xffff;
	v59 =	vmul.f32 $8.000000000e+00, v48;
	v48 =	vor.u32 v3, v28  }
0x93: {  	v53 =	vld.idx.msk [tilespmem:v53+s4+$0x0], $0xffff;
	v52 =	vor.u32 v11, v37;
	[tilespmem:v42+s14+$0x0] =	vst.idx.msk $0xffff, v62  }
0x94: {  	v44 =	vor.u32 v19, v25;
	v46 =	vld.idx.msk [tilespmem:v60+s4+$0x0], $0xffff;
	[tilespmem:v58+s14+$0x0] =	vst.idx.msk $0xffff, v59;
	v43 =	vmul.f32 $8.000000000e+00, v43  }
0x95: {  	[tilespmem:v61+s14+$0x0] =	vst.idx.msk $0xffff, v63;
	v60 =	vmul.f32 $8.000000000e+00, v56;
	v61 =	vor.u32 v7, v26;
	v45 =	vld.idx.msk [tilespmem:v45+s4+$0x0], $0xffff  }
0x96: {  	v33 =	vor.u32 v16, v33;
	v56 =	vor.u32 v23, v32;
	v62 =	vld.idx.msk [tilespmem:v57+s4+$0x0], $0xffff;
	[tilespmem:v54+s14+$0x0] =	vst.idx.msk $0xffff, v43  }
0x97: {  	v58 =	vor.u32 v23, v35;
	[tilespmem:v50+s14+$0x0] =	vst.idx.msk $0xffff, v60;
	v63 =	vmul.f32 $8.000000000e+00, v49;
	v59 =	vld.idx.msk [tilespmem:v48+s4+$0x0], $0xffff  }
0x98: {  	v30 =	vor.u32 v24, v30;
	v31 =	vor.u32 v24, v31;
	v57 =	vor.u32 v23, v34;
	v50 =	vld.idx.msk [tilespmem:v52+s4+$0x0], $0xffff  }
0x99: {  	v38 =	vor.u32 v16, v38;
	v54 =	vor.u32 v18, v27;
	[tilespmem:v44+s14+$0x0] =	vst.idx.msk $0xffff, v63;
	v46 =	vmul.f32 $8.000000000e+00, v46  }
0x9a: {  	v60 =	vor.u32 v22, v36;
	v63 =	vor.u32 v5, v28;
	v61 =	vld.idx.msk [tilespmem:v61+s4+$0x0], $0xffff;
	v45 =	vmul.f32 $8.000000000e+00, v45  }
0x9b: {  	v41 =	vmul.f32 $8.000000000e+00, v41;
	v39 =	vor.u32 v16, v39;
	v33 =	vld.idx.msk [tilespmem:v33+s4+$0x0], $0xffff;
	v42 =	vmul.f32 $8.000000000e+00, v62;
	[tilespmem:v56+s14+$0x0] =	vst.idx.msk $0xffff, v46  }
0x9c: {  	v62 =	vor.u32 v14, v37;
	v46 =	vor.u32 v20, v25;
	[tilespmem:v58+s14+$0x0] =	vst.idx.msk $0xffff, v45;
	v58 =	vmul.f32 $8.000000000e+00, v59  }
0x9d: {  	s26 =	sadd.s32 $0xB, s23;
	v47 =	vor.u32 v20, v27;
	[tilespmem:v57+s14+$0x0] =	vst.idx.msk $0xffff, v42;
	v56 =	vmul.f32 $8.000000000e+00, v50;
	v57 =	vor.u32 v9, v26  }
0x9e: {  	v55 =	vadd.s32 s26, v0;
	v40 =	vor.u32 v16, v40;
	v43 =	vmul.f32 $8.000000000e+00, v51;
	v38 =	vld.idx.msk [tilespmem:v38+s4+$0x0], $0xffff;
	[tilespmem:v54+s14+$0x0] =	vst.idx.msk $0xffff, v58  }
0x9f: {  	v32 =	vor.u32 v24, v32;
	[tilespmem:v60+s14+$0x0] =	vst.idx.msk $0xffff, v56;
	v59 =	vmul.f32 $8.000000000e+00, v61;
	v60 =	vor.u32 s23, v17;
	v63 =	vld.idx.msk [tilespmem:v63+s4+$0x0], $0xffff  }
0xa0: {  	v34 =	vor.u32 v24, v34;
	v52 =	vor.u32 v23, v36;
	[tilespmem:v30+s14+$0x0] =	vst.idx.msk $0xffff, v43;
	v39 =	vld.idx.msk [tilespmem:v39+s4+$0x0], $0xffff  }
0xa1: {  	v33 =	vmul.f32 $8.000000000e+00, v33;
	v30 =	vand.u32 $0x3F, v55;
	v56 =	vor.u32 v19, v27;
	v62 =	vld.idx.msk [tilespmem:v62+s4+$0x0], $0xffff;
	[tilespmem:v46+s14+$0x0] =	vst.idx.msk $0xffff, v59  }
0xa2: {  	v42 =	vor.u32 v24, v36;
	v36 =	vshll.u32 v30, $0x7;
	v46 =	vld.idx.msk [tilespmem:v57+s4+$0x0], $0xffff;
	v57 =	vor.u32 v7, v28  }
0xa3: {  	s25 =	sadd.s32 $0xA, s23;
	v45 =	vmul.f32 $8.000000000e+00, v53;
	v50 =	vor.u32 v24, v35;
	v48 =	vor.u32 v0, v36  }
0xa4: {  	v40 =	vld.idx.msk [tilespmem:v40+s4+$0x0], $0xffff;
	v61 =	vor.u32 v24, v29;
	v58 =	vadd.s32 s25, v0;
	[tilespmem:v60+s14+$0x0] =	vst.idx.msk $0xffff, v41;
	v60 =	vmul.f32 $8.000000000e+00, v63  }
0xa5: {  	[tilespmem:v31+s14+$0x0] =	vst.idx.msk $0xffff, v33;
	v38 =	vmul.f32 $8.000000000e+00, v38;
	v59 =	vor.u32 v16, v37;
	v29 =	vand.u32 $0x3F, v58  }
0xa6: {  	s28 =	sadd.s32 $0xC, s23;
	v35 =	vshll.u32 v29, $0x7;
	v49 =	vmul.f32 $8.000000000e+00, v39;
	v51 =	vmul.f32 $8.000000000e+00, v62;
	[tilespmem:v56+s14+$0x0] =	vst.idx.msk $0xffff, v60  }
0xa7: {  	s29 =	sadd.s32 $0xD, s23;
	v62 =	vor.u32 v21, v25;
	v63 =	vor.u32 v0, v35;
	v39 =	vld.idx.msk [tilespmem:v57+s4+$0x0], $0xffff;
	v57 =	vadd.s32 s28, v0  }
0xa8: {  	v58 =	vadd.s32 s29, v0;
	[tilespmem:v32+s14+$0x0] =	vst.idx.msk $0xffff, v38;
	v56 =	vor.u32 v11, v26;
	v31 =	vand.u32 $0x3F, v57  }
0xa9: {  	s30 =	sadd.s32 $0xE, s23;
	v40 =	vmul.f32 $8.000000000e+00, v40;
	v32 =	vand.u32 $0x3F, v58;
	[tilespmem:v52+s14+$0x0] =	vst.idx.msk $0xffff, v51;
	v37 =	vshll.u32 v31, $0x7  }
0xaa: {  	[tilespmem:v61+s14+$0x0] =	vst.idx.msk $0xffff, v45;
	v61 =	vmul.f32 $8.000000000e+00, v46;
	v41 =	vld.idx.msk [tilespmem:v59+s4+$0x0], $0xffff;
	v59 =	vadd.s32 s30, v0;
	v51 =	vor.u32 v0, v37  }
0xab: {  	v48 =	vld.idx.msk [tilespmem:v48+s4+$0x0], $0xffff;
	v38 =	vshll.u32 v32, $0x7;
	v52 =	vor.u32 v9, v28;
	v33 =	vand.u32 $0x3F, v59  }
0xac: {  	s31 =	sadd.s32 $0xF, s23;
	[tilespmem:v62+s14+$0x0] =	vst.idx.msk $0xffff, v61;
	v61 =	vor.u32 v0, v38;
	v46 =	vld.idx.msk [tilespmem:v63+s4+$0x0], $0xffff;
	v60 =	vmul.f32 $8.000000000e+00, v39;
	v39 =	vshll.u32 v33, $0x7  }
0xad: {  	v43 =	vld.idx.msk [tilespmem:v56+s4+$0x0], $0xffff;
	v56 =	vadd.s32 s31, v0;
	v63 =	vor.u32 v0, v39  }
0xae: {  	v58 =	vor.u32 v22, v25;
	[tilespmem:v34+s14+$0x0] =	vst.idx.msk $0xffff, v40;
	v62 =	vor.u32 v12, v29;
	v34 =	vand.u32 $0x3F, v56  }
0xaf: {  	v57 =	vor.u32 v3, v35;
	v41 =	vmul.f32 $8.000000000e+00, v41;
	v40 =	vshll.u32 v34, $0x7;
	[tilespmem:v47+s14+$0x0] =	vst.idx.msk $0xffff, v60;
	v59 =	vld.idx.msk [tilespmem:v51+s4+$0x0], $0xffff  }
0xb0: {  	v54 =	vor.u32 v0, v40;
	v51 =	vld.idx.msk [tilespmem:v52+s4+$0x0], $0xffff;
	v52 =	vor.u32 v12, v30  }
0xb1: {  	[tilespmem:v42+s14+$0x0] =	vst.idx.msk $0xffff, v41;
	v41 =	vor.u32 v3, v36;
	v44 =	vld.idx.msk [tilespmem:v61+s4+$0x0], $0xffff;
	v46 =	vmul.f32 $8.000000000e+00, v46  }
0xb2: {  	[tilespmem:v50+s14+$0x0] =	vst.idx.msk $0xffff, v49;
	v42 =	vor.u32 v12, v31;
	v43 =	vmul.f32 $8.000000000e+00, v43;
	v60 =	vld.idx.msk [tilespmem:v63+s4+$0x0], $0xffff  }
0xb3: {  	v48 =	vmul.f32 $8.000000000e+00, v48;
	v45 =	vor.u32 v3, v37;
	v61 =	vor.u32 v12, v32;
	[tilespmem:v62+s14+$0x0] =	vst.idx.msk $0xffff, v46  }
0xb4: {  	v53 =	vor.u32 v14, v26;
	v47 =	vor.u32 v3, v38;
	v49 =	vld.idx.msk [tilespmem:v57+s4+$0x0], $0xffff;
	[tilespmem:v58+s14+$0x0] =	vst.idx.msk $0xffff, v43  }
0xb5: {  	v63 =	vor.u32 v12, v33;
	v62 =	vmul.f32 $8.000000000e+00, v59;
	[tilespmem:v52+s14+$0x0] =	vst.idx.msk $0xffff, v48;
	v52 =	vld.idx.msk [tilespmem:v54+s4+$0x0], $0xffff  }
0xb6: {  	v58 =	vmul.f32 $8.000000000e+00, v44;
	v48 =	vor.u32 v3, v39;
	v54 =	vor.u32 v18, v29;
	v41 =	vld.idx.msk [tilespmem:v41+s4+$0x0], $0xffff  }
0xb7: {  	v43 =	vor.u32 v5, v35;
	[tilespmem:v42+s14+$0x0] =	vst.idx.msk $0xffff, v62;
	v59 =	vmul.f32 $8.000000000e+00, v60;
	v60 =	vor.u32 v12, v34  }
0xb8: {  	v56 =	vor.u32 v21, v27;
	[tilespmem:v61+s14+$0x0] =	vst.idx.msk $0xffff, v58;
	v61 =	vor.u32 v18, v30;
	v44 =	vld.idx.msk [tilespmem:v45+s4+$0x0], $0xffff  }
0xb9: {  	v57 =	vor.u32 v18, v31;
	v53 =	vld.idx.msk [tilespmem:v53+s4+$0x0], $0xffff;
	v49 =	vmul.f32 $8.000000000e+00, v49;
	v62 =	vor.u32 v3, v40  }
0xba: {  	v47 =	vld.idx.msk [tilespmem:v47+s4+$0x0], $0xffff;
	[tilespmem:v63+s14+$0x0] =	vst.idx.msk $0xffff, v59;
	v63 =	vor.u32 v5, v36;
	v52 =	vmul.f32 $8.000000000e+00, v52  }
0xbb: {  	v58 =	vor.u32 v5, v37;
	[tilespmem:v54+s14+$0x0] =	vst.idx.msk $0xffff, v49;
	v48 =	vld.idx.msk [tilespmem:v48+s4+$0x0], $0xffff;
	v41 =	vmul.f32 $8.000000000e+00, v41  }
0xbc: {  	v59 =	vor.u32 v18, v32;
	v43 =	vld.idx.msk [tilespmem:v43+s4+$0x0], $0xffff;
	[tilespmem:v60+s14+$0x0] =	vst.idx.msk $0xffff, v52  }
0xbd: {  	v54 =	vor.u32 v18, v33;
	v44 =	vmul.f32 $8.000000000e+00, v44;
	[tilespmem:v61+s14+$0x0] =	vst.idx.msk $0xffff, v41;
	v41 =	vor.u32 v5, v38  }
0xbe: {  	v46 =	vor.u32 v19, v29;
	v51 =	vmul.f32 $8.000000000e+00, v51;
	v61 =	vor.u32 v5, v39;
	v42 =	vld.idx.msk [tilespmem:v62+s4+$0x0], $0xffff  }
0xbf: {  	v60 =	vmul.f32 $8.000000000e+00, v47;
	v62 =	vor.u32 v7, v35;
	v45 =	vld.idx.msk [tilespmem:v63+s4+$0x0], $0xffff;
	[tilespmem:v57+s14+$0x0] =	vst.idx.msk $0xffff, v44  }
0xc0: {  	[tilespmem:v56+s14+$0x0] =	vst.idx.msk $0xffff, v51;
	v52 =	vor.u32 v18, v34;
	v51 =	vld.idx.msk [tilespmem:v58+s4+$0x0], $0xffff;
	v48 =	vmul.f32 $8.000000000e+00, v48  }
0xc1: {  	v63 =	vor.u32 v19, v30;
	[tilespmem:v59+s14+$0x0] =	vst.idx.msk $0xffff, v60;
	v44 =	vor.u32 v5, v40;
	v43 =	vmul.f32 $8.000000000e+00, v43  }
0xc2: {  	v56 =	vor.u32 v19, v31;
	v49 =	vor.u32 v11, v28;
	[tilespmem:v54+s14+$0x0] =	vst.idx.msk $0xffff, v48;
	v41 =	vld.idx.msk [tilespmem:v41+s4+$0x0], $0xffff  }
0xc3: {  	v59 =	vor.u32 v7, v36;
	[tilespmem:v46+s14+$0x0] =	vst.idx.msk $0xffff, v43;
	v42 =	vmul.f32 $8.000000000e+00, v42;
	v46 =	vld.idx.msk [tilespmem:v61+s4+$0x0], $0xffff  }
0xc4: {  	v47 =	vor.u32 v7, v40;
	v48 =	vor.u32 v23, v25;
	v50 =	vld.idx.msk [tilespmem:v62+s4+$0x0], $0xffff;
	v60 =	vmul.f32 $8.000000000e+00, v45  }
0xc5: {  	v62 =	vor.u32 v19, v32;
	v45 =	vor.u32 v7, v37;
	v51 =	vmul.f32 $8.000000000e+00, v51;
	[tilespmem:v52+s14+$0x0] =	vst.idx.msk $0xffff, v42  }
0xc6: {  	v42 =	vor.u32 v7, v38;
	[tilespmem:v63+s14+$0x0] =	vst.idx.msk $0xffff, v60;
	v63 =	vor.u32 v19, v33;
	v44 =	vld.idx.msk [tilespmem:v44+s4+$0x0], $0xffff  }
0xc7: {  	v61 =	vmul.f32 $8.000000000e+00, v53;
	v52 =	vor.u32 v20, v29;
	[tilespmem:v56+s14+$0x0] =	vst.idx.msk $0xffff, v51;
	v51 =	vor.u32 v7, v39  }
0xc8: {  	v60 =	vor.u32 v9, v35;
	v54 =	vld.idx.msk [tilespmem:v59+s4+$0x0], $0xffff;
	v41 =	vmul.f32 $8.000000000e+00, v41;
	v56 =	vor.u32 v19, v34  }
0xc9: {  	v49 =	vld.idx.msk [tilespmem:v49+s4+$0x0], $0xffff;
	v57 =	vor.u32 v22, v27;
	[tilespmem:v48+s14+$0x0] =	vst.idx.msk $0xffff, v61;
	v46 =	vmul.f32 $8.000000000e+00, v46  }
0xca: {  	v61 =	vmul.f32 $8.000000000e+00, v50;
	v45 =	vld.idx.msk [tilespmem:v45+s4+$0x0], $0xffff;
	[tilespmem:v62+s14+$0x0] =	vst.idx.msk $0xffff, v41;
	v62 =	vor.u32 v20, v30  }
0xcb: {  	v58 =	vor.u32 v9, v37;
	v42 =	vld.idx.msk [tilespmem:v42+s4+$0x0], $0xffff;
	[tilespmem:v63+s14+$0x0] =	vst.idx.msk $0xffff, v46;
	v44 =	vmul.f32 $8.000000000e+00, v44  }
0xcc: {  	v50 =	vor.u32 v9, v36;
	[tilespmem:v52+s14+$0x0] =	vst.idx.msk $0xffff, v61;
	v63 =	vor.u32 v20, v31;
	v51 =	vld.idx.msk [tilespmem:v51+s4+$0x0], $0xffff  }
0xcd: {  	v52 =	vld.idx.msk [tilespmem:v60+s4+$0x0], $0xffff;
	v60 =	vor.u32 v20, v32;
	v59 =	vmul.f32 $8.000000000e+00, v54;
	[tilespmem:v56+s14+$0x0] =	vst.idx.msk $0xffff, v44  }
0xce: {  	v55 =	vor.u32 v20, v33;
	v49 =	vmul.f32 $8.000000000e+00, v49;
	v47 =	vld.idx.msk [tilespmem:v47+s4+$0x0], $0xffff  }
0xcf: {  	v61 =	vmul.f32 $8.000000000e+00, v45;
	v45 =	vor.u32 v9, v38;
	[tilespmem:v62+s14+$0x0] =	vst.idx.msk $0xffff, v59;
	v62 =	vor.u32 v21, v29  }
0xd0: {  	v53 =	vor.u32 v9, v39;
	[tilespmem:v57+s14+$0x0] =	vst.idx.msk $0xffff, v49;
	v44 =	vor.u32 v20, v34;
	v42 =	vmul.f32 $8.000000000e+00, v42  }
0xd1: {  	v49 =	vor.u32 v9, v40;
	[tilespmem:v63+s14+$0x0] =	vst.idx.msk $0xffff, v61;
	v63 =	vld.idx.msk [tilespmem:v50+s4+$0x0], $0xffff;
	v57 =	vmul.f32 $8.000000000e+00, v51  }
0xd2: {  	v56 =	vld.idx.msk [tilespmem:v58+s4+$0x0], $0xffff;
	v58 =	vmul.f32 $8.000000000e+00, v52;
	[tilespmem:v60+s14+$0x0] =	vst.idx.msk $0xffff, v42  }
0xd3: {  	v59 =	vor.u32 v11, v35;
	v60 =	vor.u32 v21, v30;
	[tilespmem:v55+s14+$0x0] =	vst.idx.msk $0xffff, v57;
	v47 =	vmul.f32 $8.000000000e+00, v47  }
0xd4: {  	v45 =	vld.idx.msk [tilespmem:v45+s4+$0x0], $0xffff;
	[tilespmem:v62+s14+$0x0] =	vst.idx.msk $0xffff, v58;
	v62 =	vor.u32 v11, v36  }
0xd5: {  	v26 =	vor.u32 v16, v26;
	v61 =	vor.u32 v21, v31;
	v48 =	vld.idx.msk [tilespmem:v53+s4+$0x0], $0xffff;
	[tilespmem:v44+s14+$0x0] =	vst.idx.msk $0xffff, v47  }
0xd6: {  	v57 =	vor.u32 v11, v37;
	v43 =	vmul.f32 $8.000000000e+00, v63;
	v63 =	vor.u32 v21, v32;
	v49 =	vld.idx.msk [tilespmem:v49+s4+$0x0], $0xffff  }
0xd7: {  	v50 =	vor.u32 v14, v28;
	v42 =	vor.u32 v11, v38;
	v58 =	vor.u32 v21, v33  }
0xd8: {  	v51 =	vld.idx.msk [tilespmem:v59+s4+$0x0], $0xffff;
	v56 =	vmul.f32 $8.000000000e+00, v56;
	[tilespmem:v60+s14+$0x0] =	vst.idx.msk $0xffff, v43;
	v60 =	vor.u32 v21, v34  }
0xd9: {  	v25 =	vor.u32 v24, v25;
	v44 =	vor.u32 v11, v39;
	v59 =	vmul.f32 $8.000000000e+00, v45;
	v41 =	vld.idx.msk [tilespmem:v62+s4+$0x0], $0xffff  }
0xda: {  	[tilespmem:v61+s14+$0x0] =	vst.idx.msk $0xffff, v56;
	v61 =	vor.u32 v22, v29;
	v62 =	vor.u32 v11, v40;
	v48 =	vmul.f32 $8.000000000e+00, v48  }
0xdb: {  	v46 =	vld.idx.msk [tilespmem:v57+s4+$0x0], $0xffff;
	[tilespmem:v63+s14+$0x0] =	vst.idx.msk $0xffff, v59;
	v63 =	vor.u32 v22, v30;
	v56 =	vmul.f32 $8.000000000e+00, v49  }
0xdc: {  	v54 =	vor.u32 v22, v33;
	v50 =	vld.idx.msk [tilespmem:v50+s4+$0x0], $0xffff;
	v43 =	vor.u32 v14, v35;
	[tilespmem:v58+s14+$0x0] =	vst.idx.msk $0xffff, v48  }
0xdd: {  	v58 =	vmul.f32 $8.000000000e+00, v51;
	v42 =	vld.idx.msk [tilespmem:v42+s4+$0x0], $0xffff;
	[tilespmem:v60+s14+$0x0] =	vst.idx.msk $0xffff, v56;
	v60 =	vor.u32 v22, v31  }
0xde: {  	v57 =	vor.u32 v23, v27;
	v59 =	vor.u32 v14, v36;
	v44 =	vld.idx.msk [tilespmem:v44+s4+$0x0], $0xffff;
	v41 =	vmul.f32 $8.000000000e+00, v41  }
0xdf: {  	v52 =	vor.u32 v14, v37;
	[tilespmem:v61+s14+$0x0] =	vst.idx.msk $0xffff, v58;
	v61 =	vor.u32 v22, v32;
	v62 =	vld.idx.msk [tilespmem:v62+s4+$0x0], $0xffff  }
0xe0: {  	v28 =	vor.u32 v16, v28;
	[tilespmem:v63+s14+$0x0] =	vst.idx.msk $0xffff, v41;
	v63 =	vmul.f32 $8.000000000e+00, v46;
	v46 =	vor.u32 v14, v38  }
0xe1: {  	v50 =	vmul.f32 $8.000000000e+00, v50;
	v56 =	vor.u32 v22, v34;
	v58 =	vor.u32 v14, v39  }
0xe2: {  	v43 =	vld.idx.msk [tilespmem:v43+s4+$0x0], $0xffff;
	v42 =	vmul.f32 $8.000000000e+00, v42;
	[tilespmem:v60+s14+$0x0] =	vst.idx.msk $0xffff, v63;
	v60 =	vor.u32 v14, v40  }
0xe3: {  	v37 =	vor.u32 v16, v37;
	[tilespmem:v57+s14+$0x0] =	vst.idx.msk $0xffff, v50;
	v57 =	vld.idx.msk [tilespmem:v59+s4+$0x0], $0xffff;
	v44 =	vmul.f32 $8.000000000e+00, v44  }
0xe4: {  	v59 =	vor.u32 v23, v29;
	[tilespmem:v61+s14+$0x0] =	vst.idx.msk $0xffff, v42;
	v62 =	vmul.f32 $8.000000000e+00, v62;
	v63 =	vld.idx.msk [tilespmem:v52+s4+$0x0], $0xffff  }
0xe5: {  	v35 =	vor.u32 v16, v35;
	v61 =	vor.u32 v23, v30;
	[tilespmem:v54+s14+$0x0] =	vst.idx.msk $0xffff, v44;
	v46 =	vld.idx.msk [tilespmem:v46+s4+$0x0], $0xffff  }
0xe6: {  	v53 =	vor.u32 v23, v31;
	v36 =	vor.u32 v16, v36;
	v54 =	vld.idx.msk [tilespmem:v58+s4+$0x0], $0xffff;
	[tilespmem:v56+s14+$0x0] =	vst.idx.msk $0xffff, v62  }
0xe7: {  	v55 =	vor.u32 v23, v32;
	v39 =	vor.u32 v16, v39;
	v43 =	vmul.f32 $8.000000000e+00, v43;
	v56 =	vld.idx.msk [tilespmem:v60+s4+$0x0], $0xffff  }
0xe8: {  	v26 =	vld.idx.msk [tilespmem:v26+s4+$0x0], $0xffff;
	v38 =	vor.u32 v16, v38;
	v52 =	vmul.f32 $8.000000000e+00, v57;
	v57 =	vor.u32 v23, v33  }
0xe9: {  	v28 =	vld.idx.msk [tilespmem:v28+s4+$0x0], $0xffff;
	v58 =	vor.u32 v23, v34;
	[tilespmem:v59+s14+$0x0] =	vst.idx.msk $0xffff, v43;
	v44 =	vmul.f32 $8.000000000e+00, v63  }
0xea: {  	v40 =	vor.u32 v16, v40;
	v35 =	vld.idx.msk [tilespmem:v35+s4+$0x0], $0xffff;
	[tilespmem:v61+s14+$0x0] =	vst.idx.msk $0xffff, v52;
	v46 =	vmul.f32 $8.000000000e+00, v46  }
0xeb: {  	v27 =	vor.u32 v24, v27;
	v36 =	vld.idx.msk [tilespmem:v36+s4+$0x0], $0xffff;
	v59 =	vmul.f32 $8.000000000e+00, v54;
	[tilespmem:v53+s14+$0x0] =	vst.idx.msk $0xffff, v44  }
0xec: {  	v29 =	vor.u32 v24, v29;
	[tilespmem:v55+s14+$0x0] =	vst.idx.msk $0xffff, v46;
	v37 =	vld.idx.msk [tilespmem:v37+s4+$0x0], $0xffff;
	v60 =	vmul.f32 $8.000000000e+00, v56  }
0xed: {  	v26 =	vmul.f32 $8.000000000e+00, v26;
	v30 =	vor.u32 v24, v30;
	[tilespmem:v57+s14+$0x0] =	vst.idx.msk $0xffff, v59;
	v38 =	vld.idx.msk [tilespmem:v38+s4+$0x0], $0xffff  }
0xee: {  	v31 =	vor.u32 v24, v31;
	v28 =	vmul.f32 $8.000000000e+00, v28;
	v39 =	vld.idx.msk [tilespmem:v39+s4+$0x0], $0xffff;
	[tilespmem:v58+s14+$0x0] =	vst.idx.msk $0xffff, v60  }
0xef: {  	[tilespmem:v25+s14+$0x0] =	vst.idx.msk $0xffff, v26;
	v26 =	vor.u32 v24, v32;
	v25 =	vmul.f32 $8.000000000e+00, v35;
	v61 =	vld.idx.msk [tilespmem:v40+s4+$0x0], $0xffff  }
0xf0: {  	v62 =	vor.u32 v24, v33;
	[tilespmem:v27+s14+$0x0] =	vst.idx.msk $0xffff, v28;
	v27 =	vmul.f32 $8.000000000e+00, v36  }
0xf1: {  	p1 =	slt.u32 s23, $0x30;
	v63 =	vor.u32 v24, v34;
	[tilespmem:v29+s14+$0x0] =	vst.idx.msk $0xffff, v25;
	v25 =	vmul.f32 $8.000000000e+00, v37  }
.Ltmp5:
0xf2: {  	[tilespmem:v30+s14+$0x0] =	vst.idx.msk $0xffff, v27;
	v27 =	vmul.f32 $8.000000000e+00, v38;
	(pc) =	sbr.rel @p1 .LBB2_4-.Ltmp5, $4  }
0xf3: {  	[tilespmem:v31+s14+$0x0] =	vst.idx.msk $0xffff, v25;
	v25 =	vmul.f32 $8.000000000e+00, v39  }
0xf4: {  	[tilespmem:v26+s14+$0x0] =	vst.idx.msk $0xffff, v27;
	v26 =	vmul.f32 $8.000000000e+00, v61  }
0xf5: {  	[tilespmem:v62+s14+$0x0] =	vst.idx.msk $0xffff, v25  }
0xf6: {  	s23 =	sadd.s32 $0x10, s23;
	[tilespmem:v63+s14+$0x0] =	vst.idx.msk $0xffff, v26  }
0xf7: {  	s23 =	sshll.u32 s21, $0x5  }
0xf8: {  	s23 =	sor.u32 s6, s23  }
0xf9: {  	p1 =	seq.s32 s23, $0x1E84;
	s23 =	sshll.u32 s23, $0xA  }
0xfa: {  	s23 =	simm.s32 @p1 $0x7A0E00  }
0xfb: {  	s23 =	sadd.s32 s5, s23  }
0xfc: {  	[hbm4b:s23+s4] =	stream.linear.scatter [tilespmem:s14], [sflag:$0x3], $0x2000, $0x38;
	[tilespmem:$0x8000] =	vst v63  }
.LBB2_6:
0xfd: {  	p1 =	seq.s32 s22, $0x1  }
0xfe: {  	p0 =	por p0, !p1  }
.Ltmp6:
0xff: {  	_ = 	snop;
	(pc) =	sbr.rel @p0 .LBB2_10-.Ltmp6, $2  }
0x100: {  	_ =	sdelay $0x2  }
0x101: {  	s22 =	sadd.s32 $0x1, s21  }
0x102: {  	p0 =	sge.u32 s22, s7  }
0x103: {  	s23 =	sshll.u32 @!p0 s22, $0x5  }
0x104: {  	s23 =	sor.u32 @!p0 s6, s23  }
0x105: {  	p1 =	sne.s32 @!p0 s23, $0x1E84  }
0x106: {  	p2 =	por !p1, p0  }
0x107: {  	p0 =	por p1, p0;
	s23 =	sshll.u32 @!p2 s23, $0x7;
	s24 =	simm.s32 @!p2 $0x400  }
0x108: {  	s25 =	simm.s32 @!p2 $0x7A1400;
	s26 =	simm.s32 @!p2 $0x0;
	s23 =	sadd.s32 @!p2 s1, s23  }
0x109: {  	[tilespmem:s26], [sflag:$0x1] =	stream.strided.gather @!p2 [hbm4b:s23+s24], $0x2000, s25, s24, $0x38;
	[tilespmem:$0x8000] =	vst v63  }
0x10a: {  	s23 =	simm.s32 @!p0 $0x0  }
0x10b: {  	[tilespmem:s23], [sflag:$0x1] =	stream.linear.gather @!p0 [hbm4b:s2+s23], $0x2000, $0x38;
	[tilespmem:$0x8000] =	vst v63  }
0x10c: {  	p0 =	slt.u32 s21, $0x2  }
0x10d: {  	s23 =	simm.s32 @!p0 $0x4  }
0x10e: {  	_ =	swait.ge @!p0 [sflag:s23], $0x2000  }
0x10f: {  	[sflag:s23] =	ssyncset.done @!p0 $0x0  }
0x110: {  	[sflag:s23] =	ssyncadd.s32 @!p0 $0xFFFFE000  }
0x111: {  	_ =	swait.ge [sflag:s15], $0x2000  }
0x112: {  	[sflag:s15] =	ssyncset.done $0x0  }
0x113: {  	s23 =	simm.s32 $0x0;
	[sflag:s15] =	ssyncadd.s32 $0xFFFFE000  }
.LBB2_8:
0x114: {  	v25 =	vmov s23  }
0x115: {  	v25 =	vshll.u32 v25, $0x7  }
0x116: {  	v25 =	vor.u32 v2, v25  }
0x117: {  	v26 =	vor.u32 v0, v25;
	_ =	sdelay $0x4  }
0x118: {  	v26 =	vld.idx.msk [tilespmem:v26+s16+$0x0], $0xffff;
	_ =	sdelay $0x1  }
0x119: {  	v27 =	vor.u32 s23, v1  }
0x11a: {  	v28 =	vor.u32 v3, v25;
	_ =	sdelay $0x1  }
0x11b: {  	v26 =	vmul.f32 $8.000000000e+00, v26;
	_ =	sdelay $0x1  }
0x11c: {  	s24 =	sadd.s32 $0x1, s23;
	[tilespmem:v27+s17+$0x0] =	vst.idx.msk $0xffff, v26  }
0x11d: {  	v26 =	vadd.s32 s24, v0;
	v27 =	vld.idx.msk [tilespmem:v28+s16+$0x0], $0xffff  }
0x11e: {  	v29 =	vand.u32 $0x3F, v26  }
0x11f: {  	v60 =	vor.u32 s23, v4;
	v26 =	vshll.u32 v29, $0x7  }
0x120: {  	v32 =	vor.u32 v0, v26  }
0x121: {  	s30 =	sadd.s32 $0x2, s23  }
0x122: {  	v30 =	vadd.s32 s30, v0;
	v31 =	vor.u32 v5, v25;
	v27 =	vmul.f32 $8.000000000e+00, v27  }
0x123: {  	v30 =	vand.u32 $0x3F, v30  }
0x124: {  	[tilespmem:v60+s17+$0x0] =	vst.idx.msk $0xffff, v27;
	v27 =	vshll.u32 v30, $0x7  }
0x125: {  	v61 =	vld.idx.msk [tilespmem:v32+s16+$0x0], $0xffff;
	v62 =	vor.u32 v0, v27;
	_ =	sdelay $0x1  }
0x126: {  	v35 =	vor.u32 v12, v29;
	v28 =	vld.idx.msk [tilespmem:v31+s16+$0x0], $0xffff  }
0x127: {  	v36 =	vor.u32 v3, v26  }
0x128: {  	v33 =	vor.u32 s23, v6  }
0x129: {  	v31 =	vmul.f32 $8.000000000e+00, v61;
	v32 =	vld.idx.msk [tilespmem:v62+s16+$0x0], $0xffff  }
0x12a: {  	s31 =	sadd.s32 $0x3, s23;
	v34 =	vor.u32 v7, v25  }
0x12b: {  	v45 =	vadd.s32 s31, v0;
	v63 =	vor.u32 v12, v30;
	v28 =	vmul.f32 $8.000000000e+00, v28;
	[tilespmem:v35+s17+$0x0] =	vst.idx.msk $0xffff, v31  }
0x12c: {  	v43 =	vor.u32 v3, v27;
	v31 =	vand.u32 $0x3F, v45;
	v42 =	vld.idx.msk [tilespmem:v36+s16+$0x0], $0xffff  }
0x12d: {  	[tilespmem:v33+s17+$0x0] =	vst.idx.msk $0xffff, v28;
	v33 =	vshll.u32 v31, $0x7  }
0x12e: {  	v38 =	vor.u32 v18, v29;
	v48 =	vor.u32 v0, v33;
	v32 =	vmul.f32 $8.000000000e+00, v32  }
0x12f: {  	v39 =	vor.u32 v5, v26;
	v28 =	vld.idx.msk [tilespmem:v34+s16+$0x0], $0xffff  }
0x130: {  	[tilespmem:v63+s17+$0x0] =	vst.idx.msk $0xffff, v32  }
0x131: {  	v44 =	vor.u32 s23, v8;
	v46 =	vmul.f32 $8.000000000e+00, v42;
	v47 =	vld.idx.msk [tilespmem:v43+s16+$0x0], $0xffff  }
0x132: {  	v37 =	vor.u32 v9, v25  }
0x133: {  	v49 =	vor.u32 v18, v30;
	v35 =	vld.idx.msk [tilespmem:v48+s16+$0x0], $0xffff;
	[tilespmem:v38+s17+$0x0] =	vst.idx.msk $0xffff, v46  }
0x134: {  	v51 =	vor.u32 v5, v27;
	v28 =	vmul.f32 $8.000000000e+00, v28;
	v50 =	vld.idx.msk [tilespmem:v39+s16+$0x0], $0xffff  }
0x135: {  	v54 =	vor.u32 v12, v31  }
0x136: {  	v40 =	vor.u32 v19, v29;
	v57 =	vor.u32 v3, v33;
	[tilespmem:v44+s17+$0x0] =	vst.idx.msk $0xffff, v28;
	v34 =	vmul.f32 $8.000000000e+00, v47  }
0x137: {  	s25 =	sadd.s32 $0x4, s23;
	v41 =	vor.u32 v7, v26;
	v28 =	vld.idx.msk [tilespmem:v37+s16+$0x0], $0xffff  }
0x138: {  	v42 =	vadd.s32 s25, v0;
	v35 =	vmul.f32 $8.000000000e+00, v35;
	[tilespmem:v49+s17+$0x0] =	vst.idx.msk $0xffff, v34  }
0x139: {  	v52 =	vor.u32 s23, v10;
	v32 =	vand.u32 $0x3F, v42;
	v55 =	vmul.f32 $8.000000000e+00, v50;
	v56 =	vld.idx.msk [tilespmem:v51+s16+$0x0], $0xffff  }
0x13a: {  	v53 =	vor.u32 v11, v25;
	v38 =	vshll.u32 v32, $0x7;
	[tilespmem:v54+s17+$0x0] =	vst.idx.msk $0xffff, v35  }
0x13b: {  	v58 =	vor.u32 v19, v30;
	v45 =	vor.u32 v0, v38;
	v48 =	vld.idx.msk [tilespmem:v57+s16+$0x0], $0xffff;
	[tilespmem:v40+s17+$0x0] =	vst.idx.msk $0xffff, v55  }
0x13c: {  	v60 =	vor.u32 v7, v27;
	v28 =	vmul.f32 $8.000000000e+00, v28;
	v59 =	vld.idx.msk [tilespmem:v41+s16+$0x0], $0xffff  }
0x13d: {  	v61 =	vor.u32 s23, v13;
	v43 =	vor.u32 v18, v31  }
0x13e: {  	v63 =	vor.u32 v20, v29;
	v44 =	vor.u32 v5, v33;
	[tilespmem:v52+s17+$0x0] =	vst.idx.msk $0xffff, v28;
	v47 =	vmul.f32 $8.000000000e+00, v56  }
0x13f: {  	s26 =	sadd.s32 $0x5, s23;
	s28 =	sadd.s32 $0x6, s23;
	v62 =	vor.u32 v14, v25;
	v25 =	vor.u32 v16, v25;
	v49 =	vor.u32 v9, v26;
	v28 =	vld.idx.msk [tilespmem:v53+s16+$0x0], $0xffff  }
0x140: {  	v54 =	vadd.s32 s28, v0;
	v45 =	vld.idx.msk [tilespmem:v45+s16+$0x0], $0xffff;
	v53 =	vadd.s32 s26, v0;
	v36 =	vmul.f32 $8.000000000e+00, v48;
	[tilespmem:v58+s17+$0x0] =	vst.idx.msk $0xffff, v47  }
0x141: {  	v35 =	vand.u32 $0x3F, v54;
	v34 =	vand.u32 $0x3F, v53;
	v50 =	vmul.f32 $8.000000000e+00, v59;
	v51 =	vld.idx.msk [tilespmem:v60+s16+$0x0], $0xffff  }
0x142: {  	v54 =	vor.u32 v7, v33;
	v39 =	vshll.u32 v35, $0x7;
	v40 =	vshll.u32 v34, $0x7;
	[tilespmem:v43+s17+$0x0] =	vst.idx.msk $0xffff, v36  }
0x143: {  	v52 =	vor.u32 v20, v30;
	v56 =	vor.u32 v0, v40;
	v43 =	vld.idx.msk [tilespmem:v44+s16+$0x0], $0xffff;
	[tilespmem:v63+s17+$0x0] =	vst.idx.msk $0xffff, v50  }
0x144: {  	v55 =	vor.u32 v9, v27;
	v57 =	vor.u32 v0, v39;
	v28 =	vmul.f32 $8.000000000e+00, v28;
	v37 =	vld.idx.msk [tilespmem:v49+s16+$0x0], $0xffff  }
0x145: {  	v53 =	vor.u32 v11, v27;
	v45 =	vmul.f32 $8.000000000e+00, v45;
	v60 =	vor.u32 v12, v32  }
0x146: {  	s29 =	sadd.s32 $0x7, s23;
	v48 =	vor.u32 v21, v29;
	v50 =	vor.u32 v19, v31;
	[tilespmem:v61+s17+$0x0] =	vst.idx.msk $0xffff, v28;
	v42 =	vmul.f32 $8.000000000e+00, v51  }
0x147: {  	v59 =	vor.u32 v11, v26;
	v63 =	vor.u32 v3, v40;
	v46 =	vld.idx.msk [tilespmem:v62+s16+$0x0], $0xffff;
	v62 =	vadd.s32 s29, v0  }
0x148: {  	v47 =	vor.u32 s23, v15;
	v36 =	vand.u32 $0x3F, v62;
	v51 =	vor.u32 v3, v38;
	[tilespmem:v52+s17+$0x0] =	vst.idx.msk $0xffff, v42;
	v52 =	vld.idx.msk [tilespmem:v56+s16+$0x0], $0xffff  }
0x149: {  	v44 =	vld.idx.msk [tilespmem:v57+s16+$0x0], $0xffff;
	v43 =	vmul.f32 $8.000000000e+00, v43;
	v58 =	vmul.f32 $8.000000000e+00, v37;
	v37 =	vshll.u32 v36, $0x7  }
0x14a: {  	v61 =	vor.u32 v12, v34;
	[tilespmem:v60+s17+$0x0] =	vst.idx.msk $0xffff, v45;
	v57 =	vor.u32 v0, v37  }
0x14b: {  	v49 =	vor.u32 v21, v30;
	[tilespmem:v50+s17+$0x0] =	vst.idx.msk $0xffff, v43;
	v41 =	vld.idx.msk [tilespmem:v55+s16+$0x0], $0xffff;
	v55 =	vor.u32 v12, v35  }
0x14c: {  	v42 =	vor.u32 v3, v39;
	v46 =	vmul.f32 $8.000000000e+00, v46;
	[tilespmem:v48+s17+$0x0] =	vst.idx.msk $0xffff, v58;
	v58 =	vld.idx.msk [tilespmem:v54+s16+$0x0], $0xffff  }
0x14d: {  	v62 =	vor.u32 v22, v29;
	v45 =	vor.u32 v20, v31;
	v43 =	vld.idx.msk [tilespmem:v51+s16+$0x0], $0xffff;
	v56 =	vmul.f32 $8.000000000e+00, v52  }
0x14e: {  	v60 =	vor.u32 v5, v38;
	[tilespmem:v47+s17+$0x0] =	vst.idx.msk $0xffff, v46;
	v48 =	vld.idx.msk [tilespmem:v59+s16+$0x0], $0xffff;
	v59 =	vmul.f32 $8.000000000e+00, v44  }
0x14f: {  	v54 =	vor.u32 v22, v30;
	v51 =	vor.u32 v18, v32;
	v50 =	vld.idx.msk [tilespmem:v57+s16+$0x0], $0xffff;
	[tilespmem:v61+s17+$0x0] =	vst.idx.msk $0xffff, v56  }
0x150: {  	v47 =	vor.u32 v7, v40;
	v41 =	vmul.f32 $8.000000000e+00, v41;
	[tilespmem:v55+s17+$0x0] =	vst.idx.msk $0xffff, v59;
	v28 =	vld.idx.msk [tilespmem:v63+s16+$0x0], $0xffff  }
0x151: {  	v55 =	vor.u32 v18, v34;
	v57 =	vor.u32 v21, v31;
	v61 =	vor.u32 v9, v33;
	v42 =	vld.idx.msk [tilespmem:v42+s16+$0x0], $0xffff  }
0x152: {  	[tilespmem:v49+s17+$0x0] =	vst.idx.msk $0xffff, v41;
	v63 =	vor.u32 v14, v26;
	v43 =	vmul.f32 $8.000000000e+00, v43;
	v41 =	vld.idx.msk [tilespmem:v25+s16+$0x0], $0xffff  }
0x153: {  	v56 =	vor.u32 v18, v35;
	v25 =	vmul.f32 $8.000000000e+00, v58;
	v49 =	vor.u32 v5, v40;
	v44 =	vld.idx.msk [tilespmem:v53+s16+$0x0], $0xffff  }
0x154: {  	v48 =	vmul.f32 $8.000000000e+00, v48;
	[tilespmem:v51+s17+$0x0] =	vst.idx.msk $0xffff, v43;
	v43 =	vor.u32 v5, v39;
	v51 =	vor.u32 v12, v36  }
0x155: {  	[tilespmem:v45+s17+$0x0] =	vst.idx.msk $0xffff, v25;
	v45 =	vor.u32 v3, v37;
	v25 =	vld.idx.msk [tilespmem:v60+s16+$0x0], $0xffff;
	v28 =	vmul.f32 $8.000000000e+00, v28  }
0x156: {  	[tilespmem:v62+s17+$0x0] =	vst.idx.msk $0xffff, v48;
	v62 =	vor.u32 v14, v27;
	v60 =	vld.idx.msk [tilespmem:v61+s16+$0x0], $0xffff;
	v42 =	vmul.f32 $8.000000000e+00, v42  }
0x157: {  	v61 =	vor.u32 v19, v32;
	v48 =	vld.idx.msk [tilespmem:v63+s16+$0x0], $0xffff;
	v63 =	vmul.f32 $8.000000000e+00, v50;
	[tilespmem:v55+s17+$0x0] =	vst.idx.msk $0xffff, v28  }
0x158: {  	v58 =	vor.u32 v7, v38;
	v44 =	vmul.f32 $8.000000000e+00, v44;
	[tilespmem:v56+s17+$0x0] =	vst.idx.msk $0xffff, v42;
	v49 =	vld.idx.msk [tilespmem:v49+s16+$0x0], $0xffff  }
0x159: {  	v46 =	vor.u32 v20, v34;
	v59 =	vor.u32 v11, v33;
	v43 =	vld.idx.msk [tilespmem:v43+s16+$0x0], $0xffff;
	[tilespmem:v51+s17+$0x0] =	vst.idx.msk $0xffff, v63  }
0x15a: {  	v28 =	vor.u32 v19, v34;
	[tilespmem:v54+s17+$0x0] =	vst.idx.msk $0xffff, v44;
	v25 =	vmul.f32 $8.000000000e+00, v25;
	v44 =	vld.idx.msk [tilespmem:v45+s16+$0x0], $0xffff  }
0x15b: {  	s30 =	sadd.s32 $0x8, s23;
	v52 =	vor.u32 v7, v39;
	v63 =	vor.u32 v19, v35;
	v45 =	vld.idx.msk [tilespmem:v62+s16+$0x0], $0xffff;
	v62 =	vmul.f32 $8.000000000e+00, v60  }
0x15c: {  	v53 =	vor.u32 v16, v26;
	v54 =	vor.u32 v18, v36;
	[tilespmem:v61+s17+$0x0] =	vst.idx.msk $0xffff, v25;
	v25 =	vadd.s32 s30, v0  }
0x15d: {  	v61 =	vor.u32 v5, v37;
	[tilespmem:v57+s17+$0x0] =	vst.idx.msk $0xffff, v62;
	v60 =	vld.idx.msk [tilespmem:v58+s16+$0x0], $0xffff;
	v25 =	vand.u32 $0x3F, v25;
	v49 =	vmul.f32 $8.000000000e+00, v49  }
0x15e: {  	v42 =	vor.u32 v23, v29;
	v55 =	vld.idx.msk [tilespmem:v59+s16+$0x0], $0xffff;
	v43 =	vmul.f32 $8.000000000e+00, v43;
	v26 =	vshll.u32 v25, $0x7  }
0x15f: {  	v56 =	vor.u32 v20, v32;
	v62 =	vmul.f32 $8.000000000e+00, v44;
	v44 =	vor.u32 v0, v26;
	[tilespmem:v28+s17+$0x0] =	vst.idx.msk $0xffff, v49  }
0x160: {  	[tilespmem:v63+s17+$0x0] =	vst.idx.msk $0xffff, v43;
	v63 =	vmul.f32 $8.000000000e+00, v48;
	v48 =	vor.u32 v22, v31;
	v47 =	vld.idx.msk [tilespmem:v47+s16+$0x0], $0xffff  }
0x161: {  	v57 =	vor.u32 v9, v38;
	v49 =	vor.u32 v23, v30;
	v51 =	vld.idx.msk [tilespmem:v52+s16+$0x0], $0xffff;
	[tilespmem:v54+s17+$0x0] =	vst.idx.msk $0xffff, v62  }
0x162: {  	v27 =	vor.u32 v16, v27;
	v45 =	vmul.f32 $8.000000000e+00, v45;
	v58 =	vmul.f32 $8.000000000e+00, v60;
	v50 =	vld.idx.msk [tilespmem:v61+s16+$0x0], $0xffff  }
0x163: {  	[tilespmem:v42+s17+$0x0] =	vst.idx.msk $0xffff, v63;
	v60 =	vor.u32 v9, v40;
	v61 =	vor.u32 v20, v35;
	v59 =	vmul.f32 $8.000000000e+00, v55  }
0x164: {  	v62 =	vor.u32 v9, v39;
	v63 =	vor.u32 v19, v36;
	[tilespmem:v56+s17+$0x0] =	vst.idx.msk $0xffff, v58;
	v44 =	vld.idx.msk [tilespmem:v44+s16+$0x0], $0xffff  }
0x165: {  	[tilespmem:v48+s17+$0x0] =	vst.idx.msk $0xffff, v59;
	v47 =	vmul.f32 $8.000000000e+00, v47  }
0x166: {  	v56 =	vld.idx.msk [tilespmem:v57+s16+$0x0], $0xffff;
	v59 =	vor.u32 v12, v25;
	[tilespmem:v49+s17+$0x0] =	vst.idx.msk $0xffff, v45;
	v58 =	vmul.f32 $8.000000000e+00, v51  }
0x167: {  	v57 =	vor.u32 v7, v37;
	v51 =	vld.idx.msk [tilespmem:v27+s16+$0x0], $0xffff;
	v27 =	vmul.f32 $8.000000000e+00, v50;
	[tilespmem:v46+s17+$0x0] =	vst.idx.msk $0xffff, v47  }
0x168: {  	v42 =	vor.u32 v21, v32;
	[tilespmem:v61+s17+$0x0] =	vst.idx.msk $0xffff, v58;
	v46 =	vor.u32 v3, v26;
	v43 =	vld.idx.msk [tilespmem:v60+s16+$0x0], $0xffff  }
0x169: {  	v47 =	vor.u32 v14, v33;
	v50 =	vld.idx.msk [tilespmem:v62+s16+$0x0], $0xffff;
	[tilespmem:v63+s17+$0x0] =	vst.idx.msk $0xffff, v27;
	v27 =	vmul.f32 $8.000000000e+00, v44  }
0x16a: {  	s31 =	sadd.s32 $0x9, s23;
	v45 =	vor.u32 v11, v38;
	v61 =	vor.u32 v21, v34  }
0x16b: {  	v54 =	vor.u32 v11, v40;
	v55 =	vor.u32 v21, v35;
	[tilespmem:v59+s17+$0x0] =	vst.idx.msk $0xffff, v27;
	v27 =	vadd.s32 s31, v0  }
0x16c: {  	v62 =	vor.u32 v11, v39;
	v60 =	vmul.f32 $8.000000000e+00, v56;
	v49 =	vld.idx.msk [tilespmem:v57+s16+$0x0], $0xffff;
	v27 =	vand.u32 $0x3F, v27  }
0x16d: {  	v63 =	vor.u32 v20, v36;
	v28 =	vshll.u32 v27, $0x7;
	v46 =	vld.idx.msk [tilespmem:v46+s16+$0x0], $0xffff;
	v43 =	vmul.f32 $8.000000000e+00, v43  }
0x16e: {  	[tilespmem:v42+s17+$0x0] =	vst.idx.msk $0xffff, v60;
	v47 =	vld.idx.msk [tilespmem:v47+s16+$0x0], $0xffff;
	v60 =	vmul.f32 $8.000000000e+00, v50;
	v50 =	vor.u32 v0, v28  }
0x16f: {  	v44 =	vor.u32 v18, v25;
	v57 =	vor.u32 v9, v37;
	v45 =	vld.idx.msk [tilespmem:v45+s16+$0x0], $0xffff;
	[tilespmem:v61+s17+$0x0] =	vst.idx.msk $0xffff, v43  }
0x170: {  	v52 =	vor.u32 v23, v31;
	[tilespmem:v55+s17+$0x0] =	vst.idx.msk $0xffff, v60;
	v54 =	vld.idx.msk [tilespmem:v54+s16+$0x0], $0xffff  }
0x171: {  	v58 =	vor.u32 v22, v35;
	v61 =	vmul.f32 $8.000000000e+00, v49;
	v49 =	vor.u32 v5, v26;
	v48 =	vld.idx.msk [tilespmem:v62+s16+$0x0], $0xffff  }
0x172: {  	v42 =	vor.u32 v22, v32;
	v60 =	vor.u32 v14, v38;
	v62 =	vmul.f32 $8.000000000e+00, v46  }
0x173: {  	[tilespmem:v63+s17+$0x0] =	vst.idx.msk $0xffff, v61;
	v63 =	vmul.f32 $8.000000000e+00, v47;
	v61 =	vor.u32 v22, v34;
	v43 =	vld.idx.msk [tilespmem:v50+s16+$0x0], $0xffff  }
0x174: {  	v56 =	vld.idx.msk [tilespmem:v57+s16+$0x0], $0xffff;
	[tilespmem:v44+s17+$0x0] =	vst.idx.msk $0xffff, v62;
	v62 =	vmul.f32 $8.000000000e+00, v45;
	v45 =	vor.u32 v14, v39  }
0x175: {  	v57 =	vor.u32 v14, v40;
	[tilespmem:v52+s17+$0x0] =	vst.idx.msk $0xffff, v63;
	v63 =	vmul.f32 $8.000000000e+00, v54;
	v54 =	vor.u32 v12, v27  }
0x176: {  	v50 =	vor.u32 v21, v36;
	v49 =	vld.idx.msk [tilespmem:v49+s16+$0x0], $0xffff;
	v59 =	vmul.f32 $8.000000000e+00, v48;
	v48 =	vor.u32 v3, v28  }
0x177: {  	v53 =	vld.idx.msk [tilespmem:v53+s16+$0x0], $0xffff;
	v52 =	vor.u32 v11, v37;
	[tilespmem:v42+s17+$0x0] =	vst.idx.msk $0xffff, v62  }
0x178: {  	v44 =	vor.u32 v19, v25;
	v46 =	vld.idx.msk [tilespmem:v60+s16+$0x0], $0xffff;
	[tilespmem:v58+s17+$0x0] =	vst.idx.msk $0xffff, v59;
	v43 =	vmul.f32 $8.000000000e+00, v43  }
0x179: {  	[tilespmem:v61+s17+$0x0] =	vst.idx.msk $0xffff, v63;
	v60 =	vmul.f32 $8.000000000e+00, v56;
	v61 =	vor.u32 v7, v26;
	v45 =	vld.idx.msk [tilespmem:v45+s16+$0x0], $0xffff  }
0x17a: {  	v33 =	vor.u32 v16, v33;
	v56 =	vor.u32 v23, v32;
	v62 =	vld.idx.msk [tilespmem:v57+s16+$0x0], $0xffff;
	[tilespmem:v54+s17+$0x0] =	vst.idx.msk $0xffff, v43  }
0x17b: {  	v58 =	vor.u32 v23, v35;
	[tilespmem:v50+s17+$0x0] =	vst.idx.msk $0xffff, v60;
	v63 =	vmul.f32 $8.000000000e+00, v49;
	v59 =	vld.idx.msk [tilespmem:v48+s16+$0x0], $0xffff  }
0x17c: {  	v30 =	vor.u32 v24, v30;
	v31 =	vor.u32 v24, v31;
	v57 =	vor.u32 v23, v34;
	v50 =	vld.idx.msk [tilespmem:v52+s16+$0x0], $0xffff  }
0x17d: {  	v38 =	vor.u32 v16, v38;
	v54 =	vor.u32 v18, v27;
	[tilespmem:v44+s17+$0x0] =	vst.idx.msk $0xffff, v63;
	v46 =	vmul.f32 $8.000000000e+00, v46  }
0x17e: {  	v60 =	vor.u32 v22, v36;
	v63 =	vor.u32 v5, v28;
	v61 =	vld.idx.msk [tilespmem:v61+s16+$0x0], $0xffff;
	v45 =	vmul.f32 $8.000000000e+00, v45  }
0x17f: {  	v41 =	vmul.f32 $8.000000000e+00, v41;
	v39 =	vor.u32 v16, v39;
	v33 =	vld.idx.msk [tilespmem:v33+s16+$0x0], $0xffff;
	v42 =	vmul.f32 $8.000000000e+00, v62;
	[tilespmem:v56+s17+$0x0] =	vst.idx.msk $0xffff, v46  }
0x180: {  	v62 =	vor.u32 v14, v37;
	v46 =	vor.u32 v20, v25;
	[tilespmem:v58+s17+$0x0] =	vst.idx.msk $0xffff, v45;
	v58 =	vmul.f32 $8.000000000e+00, v59  }
0x181: {  	s26 =	sadd.s32 $0xB, s23;
	v47 =	vor.u32 v20, v27;
	[tilespmem:v57+s17+$0x0] =	vst.idx.msk $0xffff, v42;
	v56 =	vmul.f32 $8.000000000e+00, v50;
	v57 =	vor.u32 v9, v26  }
0x182: {  	v55 =	vadd.s32 s26, v0;
	v40 =	vor.u32 v16, v40;
	v43 =	vmul.f32 $8.000000000e+00, v51;
	v38 =	vld.idx.msk [tilespmem:v38+s16+$0x0], $0xffff;
	[tilespmem:v54+s17+$0x0] =	vst.idx.msk $0xffff, v58  }
0x183: {  	v32 =	vor.u32 v24, v32;
	[tilespmem:v60+s17+$0x0] =	vst.idx.msk $0xffff, v56;
	v59 =	vmul.f32 $8.000000000e+00, v61;
	v60 =	vor.u32 s23, v17;
	v63 =	vld.idx.msk [tilespmem:v63+s16+$0x0], $0xffff  }
0x184: {  	v34 =	vor.u32 v24, v34;
	v52 =	vor.u32 v23, v36;
	[tilespmem:v30+s17+$0x0] =	vst.idx.msk $0xffff, v43;
	v39 =	vld.idx.msk [tilespmem:v39+s16+$0x0], $0xffff  }
0x185: {  	v33 =	vmul.f32 $8.000000000e+00, v33;
	v30 =	vand.u32 $0x3F, v55;
	v56 =	vor.u32 v19, v27;
	v62 =	vld.idx.msk [tilespmem:v62+s16+$0x0], $0xffff;
	[tilespmem:v46+s17+$0x0] =	vst.idx.msk $0xffff, v59  }
0x186: {  	v42 =	vor.u32 v24, v36;
	v36 =	vshll.u32 v30, $0x7;
	v46 =	vld.idx.msk [tilespmem:v57+s16+$0x0], $0xffff;
	v57 =	vor.u32 v7, v28  }
0x187: {  	s25 =	sadd.s32 $0xA, s23;
	v45 =	vmul.f32 $8.000000000e+00, v53;
	v50 =	vor.u32 v24, v35;
	v48 =	vor.u32 v0, v36  }
0x188: {  	v40 =	vld.idx.msk [tilespmem:v40+s16+$0x0], $0xffff;
	v61 =	vor.u32 v24, v29;
	v58 =	vadd.s32 s25, v0;
	[tilespmem:v60+s17+$0x0] =	vst.idx.msk $0xffff, v41;
	v60 =	vmul.f32 $8.000000000e+00, v63  }
0x189: {  	[tilespmem:v31+s17+$0x0] =	vst.idx.msk $0xffff, v33;
	v38 =	vmul.f32 $8.000000000e+00, v38;
	v59 =	vor.u32 v16, v37;
	v29 =	vand.u32 $0x3F, v58  }
0x18a: {  	s28 =	sadd.s32 $0xC, s23;
	v35 =	vshll.u32 v29, $0x7;
	v49 =	vmul.f32 $8.000000000e+00, v39;
	v51 =	vmul.f32 $8.000000000e+00, v62;
	[tilespmem:v56+s17+$0x0] =	vst.idx.msk $0xffff, v60  }
0x18b: {  	s29 =	sadd.s32 $0xD, s23;
	v62 =	vor.u32 v21, v25;
	v63 =	vor.u32 v0, v35;
	v39 =	vld.idx.msk [tilespmem:v57+s16+$0x0], $0xffff;
	v57 =	vadd.s32 s28, v0  }
0x18c: {  	v58 =	vadd.s32 s29, v0;
	[tilespmem:v32+s17+$0x0] =	vst.idx.msk $0xffff, v38;
	v56 =	vor.u32 v11, v26;
	v31 =	vand.u32 $0x3F, v57  }
0x18d: {  	s30 =	sadd.s32 $0xE, s23;
	v40 =	vmul.f32 $8.000000000e+00, v40;
	v32 =	vand.u32 $0x3F, v58;
	[tilespmem:v52+s17+$0x0] =	vst.idx.msk $0xffff, v51;
	v37 =	vshll.u32 v31, $0x7  }
0x18e: {  	[tilespmem:v61+s17+$0x0] =	vst.idx.msk $0xffff, v45;
	v61 =	vmul.f32 $8.000000000e+00, v46;
	v41 =	vld.idx.msk [tilespmem:v59+s16+$0x0], $0xffff;
	v59 =	vadd.s32 s30, v0;
	v51 =	vor.u32 v0, v37  }
0x18f: {  	v48 =	vld.idx.msk [tilespmem:v48+s16+$0x0], $0xffff;
	v38 =	vshll.u32 v32, $0x7;
	v52 =	vor.u32 v9, v28;
	v33 =	vand.u32 $0x3F, v59  }
0x190: {  	s31 =	sadd.s32 $0xF, s23;
	[tilespmem:v62+s17+$0x0] =	vst.idx.msk $0xffff, v61;
	v61 =	vor.u32 v0, v38;
	v46 =	vld.idx.msk [tilespmem:v63+s16+$0x0], $0xffff;
	v60 =	vmul.f32 $8.000000000e+00, v39;
	v39 =	vshll.u32 v33, $0x7  }
0x191: {  	v43 =	vld.idx.msk [tilespmem:v56+s16+$0x0], $0xffff;
	v56 =	vadd.s32 s31, v0;
	v63 =	vor.u32 v0, v39  }
0x192: {  	v58 =	vor.u32 v22, v25;
	[tilespmem:v34+s17+$0x0] =	vst.idx.msk $0xffff, v40;
	v62 =	vor.u32 v12, v29;
	v34 =	vand.u32 $0x3F, v56  }
0x193: {  	v57 =	vor.u32 v3, v35;
	v41 =	vmul.f32 $8.000000000e+00, v41;
	v40 =	vshll.u32 v34, $0x7;
	[tilespmem:v47+s17+$0x0] =	vst.idx.msk $0xffff, v60;
	v59 =	vld.idx.msk [tilespmem:v51+s16+$0x0], $0xffff  }
0x194: {  	v54 =	vor.u32 v0, v40;
	v51 =	vld.idx.msk [tilespmem:v52+s16+$0x0], $0xffff;
	v52 =	vor.u32 v12, v30  }
0x195: {  	[tilespmem:v42+s17+$0x0] =	vst.idx.msk $0xffff, v41;
	v41 =	vor.u32 v3, v36;
	v44 =	vld.idx.msk [tilespmem:v61+s16+$0x0], $0xffff;
	v46 =	vmul.f32 $8.000000000e+00, v46  }
0x196: {  	[tilespmem:v50+s17+$0x0] =	vst.idx.msk $0xffff, v49;
	v42 =	vor.u32 v12, v31;
	v43 =	vmul.f32 $8.000000000e+00, v43;
	v60 =	vld.idx.msk [tilespmem:v63+s16+$0x0], $0xffff  }
0x197: {  	v48 =	vmul.f32 $8.000000000e+00, v48;
	v45 =	vor.u32 v3, v37;
	v61 =	vor.u32 v12, v32;
	[tilespmem:v62+s17+$0x0] =	vst.idx.msk $0xffff, v46  }
0x198: {  	v53 =	vor.u32 v14, v26;
	v47 =	vor.u32 v3, v38;
	v49 =	vld.idx.msk [tilespmem:v57+s16+$0x0], $0xffff;
	[tilespmem:v58+s17+$0x0] =	vst.idx.msk $0xffff, v43  }
0x199: {  	v63 =	vor.u32 v12, v33;
	v62 =	vmul.f32 $8.000000000e+00, v59;
	[tilespmem:v52+s17+$0x0] =	vst.idx.msk $0xffff, v48;
	v52 =	vld.idx.msk [tilespmem:v54+s16+$0x0], $0xffff  }
0x19a: {  	v58 =	vmul.f32 $8.000000000e+00, v44;
	v48 =	vor.u32 v3, v39;
	v54 =	vor.u32 v18, v29;
	v41 =	vld.idx.msk [tilespmem:v41+s16+$0x0], $0xffff  }
0x19b: {  	v43 =	vor.u32 v5, v35;
	[tilespmem:v42+s17+$0x0] =	vst.idx.msk $0xffff, v62;
	v59 =	vmul.f32 $8.000000000e+00, v60;
	v60 =	vor.u32 v12, v34  }
0x19c: {  	v56 =	vor.u32 v21, v27;
	[tilespmem:v61+s17+$0x0] =	vst.idx.msk $0xffff, v58;
	v61 =	vor.u32 v18, v30;
	v44 =	vld.idx.msk [tilespmem:v45+s16+$0x0], $0xffff  }
0x19d: {  	v57 =	vor.u32 v18, v31;
	v53 =	vld.idx.msk [tilespmem:v53+s16+$0x0], $0xffff;
	v49 =	vmul.f32 $8.000000000e+00, v49;
	v62 =	vor.u32 v3, v40  }
0x19e: {  	v47 =	vld.idx.msk [tilespmem:v47+s16+$0x0], $0xffff;
	[tilespmem:v63+s17+$0x0] =	vst.idx.msk $0xffff, v59;
	v63 =	vor.u32 v5, v36;
	v52 =	vmul.f32 $8.000000000e+00, v52  }
0x19f: {  	v58 =	vor.u32 v5, v37;
	[tilespmem:v54+s17+$0x0] =	vst.idx.msk $0xffff, v49;
	v48 =	vld.idx.msk [tilespmem:v48+s16+$0x0], $0xffff;
	v41 =	vmul.f32 $8.000000000e+00, v41  }
0x1a0: {  	v59 =	vor.u32 v18, v32;
	v43 =	vld.idx.msk [tilespmem:v43+s16+$0x0], $0xffff;
	[tilespmem:v60+s17+$0x0] =	vst.idx.msk $0xffff, v52  }
0x1a1: {  	v54 =	vor.u32 v18, v33;
	v44 =	vmul.f32 $8.000000000e+00, v44;
	[tilespmem:v61+s17+$0x0] =	vst.idx.msk $0xffff, v41;
	v41 =	vor.u32 v5, v38  }
0x1a2: {  	v46 =	vor.u32 v19, v29;
	v51 =	vmul.f32 $8.000000000e+00, v51;
	v61 =	vor.u32 v5, v39;
	v42 =	vld.idx.msk [tilespmem:v62+s16+$0x0], $0xffff  }
0x1a3: {  	v60 =	vmul.f32 $8.000000000e+00, v47;
	v62 =	vor.u32 v7, v35;
	v45 =	vld.idx.msk [tilespmem:v63+s16+$0x0], $0xffff;
	[tilespmem:v57+s17+$0x0] =	vst.idx.msk $0xffff, v44  }
0x1a4: {  	[tilespmem:v56+s17+$0x0] =	vst.idx.msk $0xffff, v51;
	v52 =	vor.u32 v18, v34;
	v51 =	vld.idx.msk [tilespmem:v58+s16+$0x0], $0xffff;
	v48 =	vmul.f32 $8.000000000e+00, v48  }
0x1a5: {  	v63 =	vor.u32 v19, v30;
	[tilespmem:v59+s17+$0x0] =	vst.idx.msk $0xffff, v60;
	v44 =	vor.u32 v5, v40;
	v43 =	vmul.f32 $8.000000000e+00, v43  }
0x1a6: {  	v56 =	vor.u32 v19, v31;
	v49 =	vor.u32 v11, v28;
	[tilespmem:v54+s17+$0x0] =	vst.idx.msk $0xffff, v48;
	v41 =	vld.idx.msk [tilespmem:v41+s16+$0x0], $0xffff  }
0x1a7: {  	v59 =	vor.u32 v7, v36;
	[tilespmem:v46+s17+$0x0] =	vst.idx.msk $0xffff, v43;
	v42 =	vmul.f32 $8.000000000e+00, v42;
	v46 =	vld.idx.msk [tilespmem:v61+s16+$0x0], $0xffff  }
0x1a8: {  	v47 =	vor.u32 v7, v40;
	v48 =	vor.u32 v23, v25;
	v50 =	vld.idx.msk [tilespmem:v62+s16+$0x0], $0xffff;
	v60 =	vmul.f32 $8.000000000e+00, v45  }
0x1a9: {  	v62 =	vor.u32 v19, v32;
	v45 =	vor.u32 v7, v37;
	v51 =	vmul.f32 $8.000000000e+00, v51;
	[tilespmem:v52+s17+$0x0] =	vst.idx.msk $0xffff, v42  }
0x1aa: {  	v42 =	vor.u32 v7, v38;
	[tilespmem:v63+s17+$0x0] =	vst.idx.msk $0xffff, v60;
	v63 =	vor.u32 v19, v33;
	v44 =	vld.idx.msk [tilespmem:v44+s16+$0x0], $0xffff  }
0x1ab: {  	v61 =	vmul.f32 $8.000000000e+00, v53;
	v52 =	vor.u32 v20, v29;
	[tilespmem:v56+s17+$0x0] =	vst.idx.msk $0xffff, v51;
	v51 =	vor.u32 v7, v39  }
0x1ac: {  	v60 =	vor.u32 v9, v35;
	v54 =	vld.idx.msk [tilespmem:v59+s16+$0x0], $0xffff;
	v41 =	vmul.f32 $8.000000000e+00, v41;
	v56 =	vor.u32 v19, v34  }
0x1ad: {  	v49 =	vld.idx.msk [tilespmem:v49+s16+$0x0], $0xffff;
	v57 =	vor.u32 v22, v27;
	[tilespmem:v48+s17+$0x0] =	vst.idx.msk $0xffff, v61;
	v46 =	vmul.f32 $8.000000000e+00, v46  }
0x1ae: {  	v61 =	vmul.f32 $8.000000000e+00, v50;
	v45 =	vld.idx.msk [tilespmem:v45+s16+$0x0], $0xffff;
	[tilespmem:v62+s17+$0x0] =	vst.idx.msk $0xffff, v41;
	v62 =	vor.u32 v20, v30  }
0x1af: {  	v58 =	vor.u32 v9, v37;
	v42 =	vld.idx.msk [tilespmem:v42+s16+$0x0], $0xffff;
	[tilespmem:v63+s17+$0x0] =	vst.idx.msk $0xffff, v46;
	v44 =	vmul.f32 $8.000000000e+00, v44  }
0x1b0: {  	v50 =	vor.u32 v9, v36;
	[tilespmem:v52+s17+$0x0] =	vst.idx.msk $0xffff, v61;
	v63 =	vor.u32 v20, v31;
	v51 =	vld.idx.msk [tilespmem:v51+s16+$0x0], $0xffff  }
0x1b1: {  	v52 =	vld.idx.msk [tilespmem:v60+s16+$0x0], $0xffff;
	v60 =	vor.u32 v20, v32;
	v59 =	vmul.f32 $8.000000000e+00, v54;
	[tilespmem:v56+s17+$0x0] =	vst.idx.msk $0xffff, v44  }
0x1b2: {  	v55 =	vor.u32 v20, v33;
	v49 =	vmul.f32 $8.000000000e+00, v49;
	v47 =	vld.idx.msk [tilespmem:v47+s16+$0x0], $0xffff  }
0x1b3: {  	v61 =	vmul.f32 $8.000000000e+00, v45;
	v45 =	vor.u32 v9, v38;
	[tilespmem:v62+s17+$0x0] =	vst.idx.msk $0xffff, v59;
	v62 =	vor.u32 v21, v29  }
0x1b4: {  	v53 =	vor.u32 v9, v39;
	[tilespmem:v57+s17+$0x0] =	vst.idx.msk $0xffff, v49;
	v44 =	vor.u32 v20, v34;
	v42 =	vmul.f32 $8.000000000e+00, v42  }
0x1b5: {  	v49 =	vor.u32 v9, v40;
	[tilespmem:v63+s17+$0x0] =	vst.idx.msk $0xffff, v61;
	v63 =	vld.idx.msk [tilespmem:v50+s16+$0x0], $0xffff;
	v57 =	vmul.f32 $8.000000000e+00, v51  }
0x1b6: {  	v56 =	vld.idx.msk [tilespmem:v58+s16+$0x0], $0xffff;
	v58 =	vmul.f32 $8.000000000e+00, v52;
	[tilespmem:v60+s17+$0x0] =	vst.idx.msk $0xffff, v42  }
0x1b7: {  	v59 =	vor.u32 v11, v35;
	v60 =	vor.u32 v21, v30;
	[tilespmem:v55+s17+$0x0] =	vst.idx.msk $0xffff, v57;
	v47 =	vmul.f32 $8.000000000e+00, v47  }
0x1b8: {  	v45 =	vld.idx.msk [tilespmem:v45+s16+$0x0], $0xffff;
	[tilespmem:v62+s17+$0x0] =	vst.idx.msk $0xffff, v58;
	v62 =	vor.u32 v11, v36  }
0x1b9: {  	v26 =	vor.u32 v16, v26;
	v61 =	vor.u32 v21, v31;
	v48 =	vld.idx.msk [tilespmem:v53+s16+$0x0], $0xffff;
	[tilespmem:v44+s17+$0x0] =	vst.idx.msk $0xffff, v47  }
0x1ba: {  	v57 =	vor.u32 v11, v37;
	v43 =	vmul.f32 $8.000000000e+00, v63;
	v63 =	vor.u32 v21, v32;
	v49 =	vld.idx.msk [tilespmem:v49+s16+$0x0], $0xffff  }
0x1bb: {  	v50 =	vor.u32 v14, v28;
	v42 =	vor.u32 v11, v38;
	v58 =	vor.u32 v21, v33  }
0x1bc: {  	v51 =	vld.idx.msk [tilespmem:v59+s16+$0x0], $0xffff;
	v56 =	vmul.f32 $8.000000000e+00, v56;
	[tilespmem:v60+s17+$0x0] =	vst.idx.msk $0xffff, v43;
	v60 =	vor.u32 v21, v34  }
0x1bd: {  	v25 =	vor.u32 v24, v25;
	v44 =	vor.u32 v11, v39;
	v59 =	vmul.f32 $8.000000000e+00, v45;
	v41 =	vld.idx.msk [tilespmem:v62+s16+$0x0], $0xffff  }
0x1be: {  	[tilespmem:v61+s17+$0x0] =	vst.idx.msk $0xffff, v56;
	v61 =	vor.u32 v22, v29;
	v62 =	vor.u32 v11, v40;
	v48 =	vmul.f32 $8.000000000e+00, v48  }
0x1bf: {  	v46 =	vld.idx.msk [tilespmem:v57+s16+$0x0], $0xffff;
	[tilespmem:v63+s17+$0x0] =	vst.idx.msk $0xffff, v59;
	v63 =	vor.u32 v22, v30;
	v56 =	vmul.f32 $8.000000000e+00, v49  }
0x1c0: {  	v54 =	vor.u32 v22, v33;
	v50 =	vld.idx.msk [tilespmem:v50+s16+$0x0], $0xffff;
	v43 =	vor.u32 v14, v35;
	[tilespmem:v58+s17+$0x0] =	vst.idx.msk $0xffff, v48  }
0x1c1: {  	v58 =	vmul.f32 $8.000000000e+00, v51;
	v42 =	vld.idx.msk [tilespmem:v42+s16+$0x0], $0xffff;
	[tilespmem:v60+s17+$0x0] =	vst.idx.msk $0xffff, v56;
	v60 =	vor.u32 v22, v31  }
0x1c2: {  	v57 =	vor.u32 v23, v27;
	v59 =	vor.u32 v14, v36;
	v44 =	vld.idx.msk [tilespmem:v44+s16+$0x0], $0xffff;
	v41 =	vmul.f32 $8.000000000e+00, v41  }
0x1c3: {  	v52 =	vor.u32 v14, v37;
	[tilespmem:v61+s17+$0x0] =	vst.idx.msk $0xffff, v58;
	v61 =	vor.u32 v22, v32;
	v62 =	vld.idx.msk [tilespmem:v62+s16+$0x0], $0xffff  }
0x1c4: {  	v28 =	vor.u32 v16, v28;
	[tilespmem:v63+s17+$0x0] =	vst.idx.msk $0xffff, v41;
	v63 =	vmul.f32 $8.000000000e+00, v46;
	v46 =	vor.u32 v14, v38  }
0x1c5: {  	v50 =	vmul.f32 $8.000000000e+00, v50;
	v56 =	vor.u32 v22, v34;
	v58 =	vor.u32 v14, v39  }
0x1c6: {  	v43 =	vld.idx.msk [tilespmem:v43+s16+$0x0], $0xffff;
	v42 =	vmul.f32 $8.000000000e+00, v42;
	[tilespmem:v60+s17+$0x0] =	vst.idx.msk $0xffff, v63;
	v60 =	vor.u32 v14, v40  }
0x1c7: {  	v37 =	vor.u32 v16, v37;
	[tilespmem:v57+s17+$0x0] =	vst.idx.msk $0xffff, v50;
	v57 =	vld.idx.msk [tilespmem:v59+s16+$0x0], $0xffff;
	v44 =	vmul.f32 $8.000000000e+00, v44  }
0x1c8: {  	v59 =	vor.u32 v23, v29;
	[tilespmem:v61+s17+$0x0] =	vst.idx.msk $0xffff, v42;
	v62 =	vmul.f32 $8.000000000e+00, v62;
	v63 =	vld.idx.msk [tilespmem:v52+s16+$0x0], $0xffff  }
0x1c9: {  	v35 =	vor.u32 v16, v35;
	v61 =	vor.u32 v23, v30;
	[tilespmem:v54+s17+$0x0] =	vst.idx.msk $0xffff, v44;
	v46 =	vld.idx.msk [tilespmem:v46+s16+$0x0], $0xffff  }
0x1ca: {  	v53 =	vor.u32 v23, v31;
	v36 =	vor.u32 v16, v36;
	v54 =	vld.idx.msk [tilespmem:v58+s16+$0x0], $0xffff;
	[tilespmem:v56+s17+$0x0] =	vst.idx.msk $0xffff, v62  }
0x1cb: {  	v55 =	vor.u32 v23, v32;
	v39 =	vor.u32 v16, v39;
	v43 =	vmul.f32 $8.000000000e+00, v43;
	v56 =	vld.idx.msk [tilespmem:v60+s16+$0x0], $0xffff  }
0x1cc: {  	v26 =	vld.idx.msk [tilespmem:v26+s16+$0x0], $0xffff;
	v38 =	vor.u32 v16, v38;
	v52 =	vmul.f32 $8.000000000e+00, v57;
	v57 =	vor.u32 v23, v33  }
0x1cd: {  	v28 =	vld.idx.msk [tilespmem:v28+s16+$0x0], $0xffff;
	v58 =	vor.u32 v23, v34;
	[tilespmem:v59+s17+$0x0] =	vst.idx.msk $0xffff, v43;
	v44 =	vmul.f32 $8.000000000e+00, v63  }
0x1ce: {  	v40 =	vor.u32 v16, v40;
	v35 =	vld.idx.msk [tilespmem:v35+s16+$0x0], $0xffff;
	[tilespmem:v61+s17+$0x0] =	vst.idx.msk $0xffff, v52;
	v46 =	vmul.f32 $8.000000000e+00, v46  }
0x1cf: {  	v27 =	vor.u32 v24, v27;
	v36 =	vld.idx.msk [tilespmem:v36+s16+$0x0], $0xffff;
	v59 =	vmul.f32 $8.000000000e+00, v54;
	[tilespmem:v53+s17+$0x0] =	vst.idx.msk $0xffff, v44  }
0x1d0: {  	v29 =	vor.u32 v24, v29;
	[tilespmem:v55+s17+$0x0] =	vst.idx.msk $0xffff, v46;
	v37 =	vld.idx.msk [tilespmem:v37+s16+$0x0], $0xffff;
	v60 =	vmul.f32 $8.000000000e+00, v56  }
0x1d1: {  	v26 =	vmul.f32 $8.000000000e+00, v26;
	v30 =	vor.u32 v24, v30;
	[tilespmem:v57+s17+$0x0] =	vst.idx.msk $0xffff, v59;
	v38 =	vld.idx.msk [tilespmem:v38+s16+$0x0], $0xffff  }
0x1d2: {  	v31 =	vor.u32 v24, v31;
	v28 =	vmul.f32 $8.000000000e+00, v28;
	v39 =	vld.idx.msk [tilespmem:v39+s16+$0x0], $0xffff;
	[tilespmem:v58+s17+$0x0] =	vst.idx.msk $0xffff, v60  }
0x1d3: {  	[tilespmem:v25+s17+$0x0] =	vst.idx.msk $0xffff, v26;
	v26 =	vor.u32 v24, v32;
	v25 =	vmul.f32 $8.000000000e+00, v35;
	v61 =	vld.idx.msk [tilespmem:v40+s16+$0x0], $0xffff  }
0x1d4: {  	v62 =	vor.u32 v24, v33;
	[tilespmem:v27+s17+$0x0] =	vst.idx.msk $0xffff, v28;
	v27 =	vmul.f32 $8.000000000e+00, v36  }
0x1d5: {  	p0 =	slt.u32 s23, $0x30;
	v63 =	vor.u32 v24, v34;
	[tilespmem:v29+s17+$0x0] =	vst.idx.msk $0xffff, v25;
	v25 =	vmul.f32 $8.000000000e+00, v37  }
.Ltmp7:
0x1d6: {  	[tilespmem:v30+s17+$0x0] =	vst.idx.msk $0xffff, v27;
	v27 =	vmul.f32 $8.000000000e+00, v38;
	(pc) =	sbr.rel @p0 .LBB2_8-.Ltmp7, $4  }
0x1d7: {  	[tilespmem:v31+s17+$0x0] =	vst.idx.msk $0xffff, v25;
	v25 =	vmul.f32 $8.000000000e+00, v39  }
0x1d8: {  	[tilespmem:v26+s17+$0x0] =	vst.idx.msk $0xffff, v27;
	v26 =	vmul.f32 $8.000000000e+00, v61  }
0x1d9: {  	[tilespmem:v62+s17+$0x0] =	vst.idx.msk $0xffff, v25  }
0x1da: {  	s23 =	sadd.s32 $0x10, s23;
	[tilespmem:v63+s17+$0x0] =	vst.idx.msk $0xffff, v26  }
.Ltmp8:
0x1db: {  	(pc) =	sbr.rel .LBB2_10-.Ltmp8, $4  }
0x1dc: {  	_ = 	snop  }
0x1dd: {  	s21 =	sshll.u32 s21, $0xF  }
0x1de: {  	s21 =	sadd.s32 s21, s9  }
0x1df: {  	[hbm4b:s21+s4] =	stream.linear.scatter [tilespmem:s17], [sflag:$0x4], $0x2000, $0x38;
	[tilespmem:$0x8000] =	vst v63  }
.LBB2_12:
0x1e0: {  	_ =	sfence.sel $0x180000  }
0x1e1: {  	[bflag:$0x0] =	sbarrier.arrive $0xFFFF  }
0x1e2: {  	p0 =	sne.s32 s3, $0x0;
	_ =	strace $0x90000047  }
0x1e3: {  	s0 =	sadd.s32 @!p0 $0x100000, s0;
	[bflag:$0x2] =	sbarrier.arrive $0xFFFF  }
0x1e4: {  	[sflag:s0] =	ssyncadd.tile.s32 @!p0 $0x1;
	_ =	shalt  }
.Lfunc_end2:
_tile_overlayer_lowered:
.L_overlay_start_2:
0x1e5: {  	(tag) =	ssettag $0x2  }
0x1e6: {  	s0 =	rddreg [dreg:$0x0];
	s2 =	stileid.u32  }
0x1e7: {  	s1 =	rddreg [dreg:$0x1];
	p0 =	sne.s32 s2, $0x0  }
0x1e8: {  	s3 =	rddreg [dreg:$0x2];
	[bflag:$0x3] =	sbarrier.arrive $0xFFFF;
	s2 =	simm.s32 @!p0 $0x1C05  }
0x1e9: {  	[timem:s3], [sflag:s2] =	dma.local @!p0 [hbm:s0], s1  }
0x1ea: {  	s0 =	simm.s32 @!p0 $0x5  }
0x1eb: {  	_ =	swait.ge @!p0 [sflag:s0], s1  }
0x1ec: {  	s1 =	ssub.s32 @!p0 $0x0, s1;
	[sflag:s0] =	ssyncset.done @!p0 $0x0  }
0x1ed: {  	[sflag:s0] =	ssyncadd.s32 @!p0 s1  }
0x1ee: {  	[bflag:$0x3] =	sbarrier.arrive $0xFFFF  }
0x1ef: {  	_ =	shalt  }

// kernel: kernel.7.cloned.1.call-start
scs
__scs_entry_jumppad:
0x0: {  	(pc) =	sbr.rel $0x88, $3  }
0x1: {  	(tag) =	ssettag $0x0;
	lr =	simm.s32 $0x1  }
0x2: {  	[smem:$0x3F9F] =	sst lr;
	_ =	strace $0xD0000000  }
0x3: {  	_ = 	snop  }
0x4: {  	_ = 	snop  }
0x5: {  	_ = 	snop  }
0x6: {  	_ = 	snop  }
0x7: {  	_ = 	snop  }
__scs_overlays_trampoline_lowered:
0x8: {  	[smem:$0x3FAE] =	sst s0  }
0x9: {  	[smem:$0x3FAF] =	sst s1  }
0xa: {  	[smem:$0x3FB0] =	sst s2  }
0xb: {  	[smem:$0x3FB1] =	sst s3  }
0xc: {  	[smem:$0x3FB2] =	sst s4  }
0xd: {  	[smem:$0x3FB3] =	sst s5  }
0xe: {  	[smem:$0x3FB4] =	sst s6  }
0xf: {  	[smem:$0x3FB5] =	sst s7  }
0x10: {  	[smem:$0x3FB6] =	sst s8  }
0x11: {  	[smem:$0x3FB7] =	sst s9;
	s0 =	simm.s32 @!p0 $0x0  }
0x12: {  	s1 =	sld [smem:$0x3F9D];
	s0 =	simm.s32 @p0 $0x1  }
0x13: {  	[smem:$0x3FB8] =	sst s0;
	s0 =	simm.s32 @!p1 $0x0  }
0x14: {  	s2 =	sld [smem:$0x3F9C];
	s0 =	simm.s32 @p1 $0x1  }
0x15: {  	[smem:$0x3FB9] =	sst s0;
	s0 =	simm.s32 @!p2 $0x0  }
0x16: {  	s3 =	sld [smem:$0x3FDB];
	s0 =	simm.s32 @p2 $0x1  }
0x17: {  	s4 =	simm.s32 $0x1BF5;
	[smem:$0x3FBB] =	sst s0  }
0x18: {  	s0 =	sld [smem:$0x3F9E];
	_ =	swait.ge [sflag:s4], $0x0  }
0x19: {  	s7 =	sld [smem:$0x3F9F]  }
0x1a: {  	s8 =	sadd.s32 $0xFFFFE003, lr  }
0x1b: {  	s9 =	sadd.s32 $0xFFFFFEF7, lr;
	s5 =	simm.s32 $0xFFFFFFFF;
	p2 =	slt.u32 s8, $0xFFFFF086  }
0x1c: {  	p1 =	slt.u32 s9, $0xF7A;
	s5 =	simm.s32 @!p2 $0x0  }
0x1d: {  	s5 =	simm.s32 @p1 $0x1;
	p0 =	seq.s32 s7, s2  }
0x1e: {  	s7 =	smul.u32 @!p0 $0xF7A, s2;
	p2 =	seq.s32 @!p0 s5, $0x0  }
0x1f: {  	s9 =	smul.u32 $0xF7A, s1;
	s8 =	simm.s32 @!p0 $0x1BF5;
	p2 =	por !p2, p0  }
0x20: {  	[sflag:s8] =	ssyncset.s32 @!p0 $0xFFFFF086;
	s6 =	sadd.s32 @!p0 s3, s7;
	s7 =	simm.s32 @!p0 $0x108  }
0x21: {  	s3 =	sadd.s32 s3, s9;
	s6 =	sadd.s32 @!p0 $0x88, s6;
	s7 =	simm.s32 @p2 $0x1082  }
0x22: {  	[simem:s7], [sflag:s8] =	dma.local @!p0 [hbm:s6], $0xF7A  }
0x23: {  	s9 =	sor.u32 $0xD0000000, s2;
	s6 =	simm.s32 $0x108;
	_ =	swait.ge @!p0 [sflag:s8], $0x0  }
0x24: {  	s3 =	sadd.s32 $0x88, s3;
	s6 =	simm.s32 @!p1 $0x1082;
	[sflag:s4] =	ssyncset.s32 $0xFFFFF086  }
0x25: {  	[simem:s6], [sflag:s4] =	dma.local [hbm:s3], $0xF7A  }
0x26: {  	[smem:$0x3F9F] =	sst s1;
	(tag) =	ssettag s2;
	_ =	strace s9  }
0x27: {  	s1 =	sld [smem:$0x3FAF]  }
0x28: {  	s2 =	sld [smem:$0x3FB0]  }
0x29: {  	s4 =	sld [smem:$0x3FB2]  }
0x2a: {  	p0 =	seq.s32 s5, $0x0;
	s5 =	sld [smem:$0x3FB3]  }
0x2b: {  	s6 =	sld [smem:$0x3FB4]  }
0x2c: {  	s7 =	sld [smem:$0x3FB5]  }
0x2d: {  	s3 =	simm.s32 $0x108;
	s8 =	sld [smem:$0x3FB6]  }
0x2e: {  	s3 =	simm.s32 @!p0 $0x1082;
	s9 =	sld [smem:$0x3FB7]  }
0x2f: {  	lr =	sadd.s32 s0, s3;
	s0 =	sld [smem:$0x3FAE]  }
0x30: {  	s3 =	sld [smem:$0x3FB1]  }
0x31: {  	[smem:$0x3FBA] =	sst s10  }
0x32: {  	s10 =	sld [smem:$0x3FB8];
	_ =	sdelay $0x3  }
0x33: {  	p0 =	seq.s32 s10, $0x1;
	s10 =	sld [smem:$0x3FBA];
	_ =	sdelay $0x3  }
0x34: {  	[smem:$0x3FBA] =	sst s10  }
0x35: {  	s10 =	sld [smem:$0x3FB9];
	_ =	sdelay $0x3  }
0x36: {  	p1 =	seq.s32 s10, $0x1;
	s10 =	sld [smem:$0x3FBA];
	_ =	sdelay $0x3  }
0x37: {  	[smem:$0x3FBA] =	sst s10  }
0x38: {  	s10 =	sld [smem:$0x3FBB]  }
0x39: {  	_ = 	snop;
	(pc) =	sbr.ind lr, $3  }
0x3a: {  	_ = 	snop  }
0x3b: {  	_ = 	snop  }
0x3c: {  	p2 =	seq.s32 s10, $0x1;
	s10 =	sld [smem:$0x3FBA]  }
0x3d: {  	_ =	shalt  }
0x3e: {  	_ =	shalt  }
0x3f: {  	_ =	shalt  }
0x40: {  	_ =	shalt  }
0x41: {  	_ =	shalt  }
0x42: {  	_ =	shalt  }
0x43: {  	_ =	shalt  }
0x44: {  	_ =	shalt  }
0x45: {  	_ =	shalt  }
0x46: {  	_ =	shalt  }
0x47: {  	_ =	shalt  }
0x48: {  	_ =	shalt  }
0x49: {  	_ =	shalt  }
0x4a: {  	_ =	shalt  }
0x4b: {  	_ =	shalt  }
0x4c: {  	_ =	shalt  }
0x4d: {  	_ =	shalt  }
0x4e: {  	_ =	shalt  }
0x4f: {  	_ =	shalt  }
0x50: {  	_ =	shalt  }
0x51: {  	_ =	shalt  }
0x52: {  	_ =	shalt  }
0x53: {  	_ =	shalt  }
0x54: {  	_ =	shalt  }
0x55: {  	_ =	shalt  }
0x56: {  	_ =	shalt  }
0x57: {  	_ =	shalt  }
0x58: {  	_ =	shalt  }
0x59: {  	_ =	shalt  }
0x5a: {  	_ =	shalt  }
0x5b: {  	_ =	shalt  }
0x5c: {  	_ =	shalt  }
0x5d: {  	_ =	shalt  }
0x5e: {  	_ =	shalt  }
0x5f: {  	_ =	shalt  }
0x60: {  	_ =	shalt  }
0x61: {  	_ =	shalt  }
0x62: {  	_ =	shalt  }
0x63: {  	_ =	shalt  }
0x64: {  	_ =	shalt  }
0x65: {  	_ =	shalt  }
0x66: {  	_ =	shalt  }
0x67: {  	_ =	shalt  }
0x68: {  	_ =	shalt  }
0x69: {  	_ =	shalt  }
0x6a: {  	_ =	shalt  }
0x6b: {  	_ =	shalt  }
0x6c: {  	_ =	shalt  }
0x6d: {  	_ =	shalt  }
0x6e: {  	_ =	shalt  }
0x6f: {  	_ =	shalt  }
0x70: {  	_ =	shalt  }
0x71: {  	_ =	shalt  }
0x72: {  	_ =	shalt  }
0x73: {  	_ =	shalt  }
0x74: {  	_ =	shalt  }
0x75: {  	_ =	shalt  }
0x76: {  	_ =	shalt  }
0x77: {  	_ =	shalt  }
0x78: {  	_ =	shalt  }
0x79: {  	_ =	shalt  }
0x7a: {  	_ =	shalt  }
0x7b: {  	_ =	shalt  }
0x7c: {  	_ =	shalt  }
0x7d: {  	_ =	shalt  }
0x7e: {  	_ =	shalt  }
0x7f: {  	_ =	shalt  }
0x80: {  	_ =	shalt  }
0x81: {  	_ =	shalt  }
0x82: {  	_ =	shalt  }
0x83: {  	_ =	shalt  }
0x84: {  	_ =	shalt  }
0x85: {  	_ =	shalt  }
0x86: {  	_ =	shalt  }
0x87: {  	_ =	shalt  }
.Lfunc_end0:
.L_simem_size_0:
called_computation.1_lowered:
.L_overlay_start_0:
0x88: {  	s2 =	sld [smem:$0x3FD9]  }
0x89: {  	s3 =	sld [smem:$0x3FFE];
	_ =	sdelay $0x1  }
0x8a: {  	s1 =	srdreg.scid  }
0x8b: {  	s0 =	sand.u32 $0x1, s1  }
0x8c: {  	s17 =	sshll.u32 s0, $0xA;
	s2 =	sadd.s32 s3, s2  }
0x8d: {  	s2 =	sadd.s32 s2, s17  }
0x8e: {  	[smem:$0x3FC6] =	sst s2  }
0x8f: {  	_ = 	snop  }
0x90: {  	s2 =	sld [smem:$0x3FC9]  }
0x91: {  	s18 =	sld [smem:$0x3FD0];
	(tm) =	ssettm $0x1  }
0x92: {  	s4 =	sld [smem:$0x3FFB];
	_ =	sdelay $0x3  }
0x93: {  	_ =	strace s4  }
0x94: {  	s4 =	sld [smem:$0x3FFC];
	_ =	sdelay $0x3  }
0x95: {  	_ =	strace s4  }
0x96: {  	s4 =	sld [smem:$0x3FFD];
	_ =	sdelay $0x3  }
0x97: {  	_ =	strace s4  }
0x98: {  	_ =	strace $0x8FFFFFFF  }
0x99: {  	s19 =	sld [smem:$0x3FDB];
	_ =	sdelay $0x1  }
0x9a: {  	s5 =	simm.s32 $_scs_section_size  }
0x9b: {  	s6 =	simm.s32 $_size__tile_overlayer_lowered;
	s7 =	simm.s32 $_tile_overlayer_lowered  }
0x9c: {  	s22 =	simm.s32 $0x1BFF;
	s21 =	sshll.u32 s7, $0x1;
	s4 =	sadd.s32 s5, s19  }
0x9d: {  	s8 =	simm.s32 $0x0;
	s20 =	sshll.u32 s6, $0x1;
	s6 =	sadd.s32 s21, s4  }
0x9e: {  	[timem:s8], [sflag:s22] =	dma.local [hbm:s6], s20  }
0x9f: {  	_ =	swait.ge [sflag:s22], s20  }
0xa0: {  	s5 =	ssub.s32 $0x0, s20;
	[sflag:s22] =	ssyncset.done $0x0  }
0xa1: {  	[sflag:s22] =	ssyncadd.s32 s5;
	_ =	sdelay $0x1  }
0xa2: {  	s23 =	simm.s32 $0x1B8B  }
0xa3: {  	_ =	swait.ge [sflag:s23], $0x1  }
0xa4: {  	[sflag:s23] =	ssyncset.done $0x0  }
0xa5: {  	s25 =	simm.s32 $0x1B8E;
	s24 =	sld [smem:$0x3FFE];
	[sflag:s23] =	ssyncadd.s32 $0xFFFFFFFF  }
0xa6: {  	s26 =	simm.s32 $execute0_lowered;
	[smem:$0x3FD2] =	sst s25  }
0xa7: {  	s6 =	sshll.u32 s26, $0x1;
	_ =	strace $0x80000049;
	[dreg:$0x1] =	wrdreg $0xFFFFFFFF  }
0xa8: {  	s28 =	simm.s32 $_size_execute0_lowered;
	s4 =	sadd.s32 s4, s6;
	[dreg:$0x0] =	wrdreg $0x0  }
0xa9: {  	s6 =	sshll.u32 s28, $0x1;
	[dreg:$0x2] =	wrdreg s4  }
0xaa: {  	[dreg:$0x3] =	wrdreg s6  }
0xab: {  	[dreg:$0x4] =	wrdreg $0xC0  }
0xac: {  	_ =	task [dreg:s8], $0x5FFFF  }
0xad: {  	[dreg:$0x1] =	wrdreg $0xFFFFFFFF  }
0xae: {  	[dreg:$0x0] =	wrdreg $0x60  }
0xaf: {  	[dreg:$0x2] =	wrdreg s2  }
0xb0: {  	[dreg:$0x3] =	wrdreg s24  }
0xb1: {  	[dreg:$0x4] =	wrdreg s18  }
0xb2: {  	[dreg:$0x5] =	wrdreg $0x9  }
0xb3: {  	_ =	task.clear_ibuf [dreg:s8], $0x6FFFF;
	_ =	strace $0x90000049  }
0xb4: {  	s29 =	simm.s32 $0x9;
	_ =	strace $0x8000004B  }
0xb5: {  	_ =	swait.ge [sflag:s29], $0x1  }
0xb6: {  	[sflag:s29] =	ssyncadd.s32 $0xFFFFFFFF  }
0xb7: {  	_ =	strace $0x9000004B  }
0xb8: {  	_ =	sfence  }
0xb9: {  	s30 =	sld [smem:$0x0];
	_ =	sdelay $0x2  }
0xba: {  	s31 =	sshll.u32 s1, $0xD;
	s1 =	sshrl.u32 s1, $0x2  }
0xbb: {  	s3 =	sand.u32 $0x4000, s31;
	s1 =	sadd.s32 s1, s30  }
0xbc: {  	s0 =	sor.u32 s3, s0;
	s1 =	sshll.u32 s1, $0x11  }
0xbd: {  	s0 =	sor.u32 s1, s0  }
0xbe: {  	s0 =	sadd.s32 $0x8F2B, s0  }
0xbf: {  	[sflag:s0] =	ssyncadd.remote.s32 $0x1  }
0xc0: {  	_ =	sfence.sel $0xFFFF  }
0xc1: {  	[dreg:$0x0] =	wrdreg $0xFFFFFFFF;
	(pc) =	sbr.abs _section_cstart, $3  }
0xc2: {  	[dreg:$0x1] =	wrdreg $0xFFFFFFFF  }
0xc3: {  	_ =	task.clear_ibuf [dreg:s8], $0x2FFFF;
	_ =	strace $0x9FFFFFFF  }
0xc4: {  	(tm) =	ssettm $0x7FFFFFFF  }
0xc5: {  	_ =	shalt  }
tec
execute0_lowered:
.L_overlay_start_1:
0x0: {  	(tag) =	ssettag $0x1  }
0x1: {  	s0 =	rddreg [dreg:$0x0]  }
0x2: {  	s2 =	rddreg [dreg:$0x1]  }
0x3: {  	s1 =	rddreg [dreg:$0x2];
	s4 =	simm.s32 $0x0  }
0x4: {  	s3 =	srdreg.scid;
	s29 =	stileid.u32;
	s8 =	simm.s32 $0x400  }
0x5: {  	s9 =	simm.s32 $0x8000;
	s11 =	simm.s32 $0x80;
	s13 =	simm.s32 $0x6600  }
0x6: {  	s15 =	simm.s32 $0xA600;
	s16 =	simm.s32 $0x6500;
	s17 =	simm.s32 $0xE600  }
0x7: {  	s18 =	simm.s32 $0x1;
	s19 =	simm.s32 $0x16600;
	s20 =	simm.s32 $0x6580  }
0x8: {  	s21 =	simm.s32 $0x12600;
	s22 =	simm.s32 $0x2;
	s23 =	simm.s32 $0x18600  }
0x9: {  	s24 =	simm.s32 $0x3;
	[smem:$0x7FF] =	sst s4;
	s3 =	sand.u32 $0x1, s3  }
0xa: {  	v0 =	vlaneseq.u32;
	s4 =	sshll.u32 s29, $0xB;
	s6 =	ssub.s32 $0x2, s3;
	s3 =	sshll.u32 s3, $0xA  }
0xb: {  	s25 =	simm.s32 $0x1A600;
	s26 =	simm.s32 $0x4;
	v1 =	vmul.u32 $0x80, v0;
	v9 =	vor.u32 $0x10, v0;
	v10 =	vor.u32 $0x20, v0;
	s4 =	sor.u32 s3, s4  }
0xc: {  	s28 =	simm.s32 $0x1C600;
	v11 =	vor.u32 $0x30, v0;
	v12 =	vor.u32 $0x40, v0;
	v13 =	vor.u32 $0x50, v0;
	s7 =	sshrl.u32 s6, $0x1;
	s3 =	sshrl.u32 s4, $0x3  }
0xd: {  	s5 =	sadd.s32 $0x800, s2;
	v14 =	vor.u32 $0x60, v0;
	v15 =	vor.u32 $0x70, v0;
	v2 =	vor.u32 $0x800, v1;
	s30 =	ssub.s32 s6, s7;
	s0 =	sadd.s32 s0, s3  }
0xe: {  	_ =	strace $0x8000004A;
	v3 =	vor.u32 $0x1000, v1;
	v4 =	vor.u32 $0x1800, v1;
	v5 =	vor.u32 $0x2000, v1;
	s31 =	smax.u32 s30, $0x1;
	[dreg:$0x4] =	wrdreg s0  }
0xf: {  	s2 =	simm.s32 $0x0;
	v6 =	vor.u32 $0x2800, v1;
	v7 =	vor.u32 $0x3000, v1;
	v8 =	vor.u32 $0x3800, v1;
	[dreg:$0x5] =	wrdreg s31;
	s0 =	simm.s32 $0x8  }
.LBB2_1:
0x10: {  	s3 =	simm.s32 $0x0;
	s6 =	rddreg [dreg:$0x4];
	s29 =	simm.s32 $0x9  }
0x11: {  	[tilespmem:s3], [sflag:$0x9] =	stream.strided.gather [hbm4b:s6+s8], $0x6400, s9, s8, $0x38;
	[tilespmem:$0x1E600] =	vst v63  }
0x12: {  	_ =	swait.ge [sflag:s29], $0x6400  }
0x13: {  	[sflag:s29] =	ssyncset.done $0x0  }
0x14: {  	[sflag:s29] =	ssyncadd.s32 $0xFFFF9C00  }
0x15: {  	v16 =	vld [tilespmem:$0x0]  }
0x16: {  	v17 =	vld [tilespmem:$0x10]  }
0x17: {  	v18 =	vld [tilespmem:$0x20]  }
0x18: {  	v19 =	vld [tilespmem:$0x30]  }
0x19: {  	v20 =	vld [tilespmem:$0x40]  }
0x1a: {  	v21 =	vld [tilespmem:$0x50];
	v16 =	vshrl.u32 v16, $0x1  }
0x1b: {  	[tilespmem:$0x6400] =	vst v16;
	v16 =	vshrl.u32 v17, $0x1;
	v17 =	vld [tilespmem:$0x60]  }
0x1c: {  	v58 =	vld [tilespmem:$0x70];
	[tilespmem:$0x6410] =	vst v16;
	v16 =	vshrl.u32 v18, $0x1  }
0x1d: {  	[tilespmem:$0x6420] =	vst v16;
	v16 =	vshrl.u32 v19, $0x1  }
0x1e: {  	[tilespmem:$0x6430] =	vst v16;
	v16 =	vshrl.u32 v20, $0x1  }
0x1f: {  	[tilespmem:$0x6440] =	vst v16;
	v16 =	vshrl.u32 v21, $0x1  }
0x20: {  	[tilespmem:$0x6450] =	vst v16;
	v16 =	vshrl.u32 v17, $0x1  }
0x21: {  	[tilespmem:$0x6460] =	vst v16;
	v16 =	vshrl.u32 v58, $0x1  }
0x22: {  	s30 =	simm.s32 $0x6400;
	[tilespmem:$0x6470] =	vst v16  }
0x23: {  	[tilespmem:s13], [sflag:$0x1] =	stream.indirect.gather [hbm4b:s5+s11], $0x80, s30, s11, $0xb8;
	[tilespmem:$0x1E600] =	vst v63  }
0x24: {  	v16 =	vld [tilespmem:$0x80]  }
0x25: {  	v17 =	vld [tilespmem:$0x90]  }
0x26: {  	v59 =	vld [tilespmem:$0xA0]  }
0x27: {  	v60 =	vld [tilespmem:$0xB0]  }
0x28: {  	v61 =	vld [tilespmem:$0xC0]  }
0x29: {  	v62 =	vld [tilespmem:$0xD0];
	v16 =	vshrl.u32 v16, $0x1  }
0x2a: {  	[tilespmem:$0x6480] =	vst v16;
	v16 =	vshrl.u32 v17, $0x1;
	v17 =	vld [tilespmem:$0xE0]  }
0x2b: {  	v63 =	vld [tilespmem:$0xF0];
	[tilespmem:$0x6490] =	vst v16;
	v16 =	vshrl.u32 v59, $0x1  }
0x2c: {  	[tilespmem:$0x64A0] =	vst v16;
	v16 =	vshrl.u32 v60, $0x1  }
0x2d: {  	[tilespmem:$0x64B0] =	vst v16;
	v16 =	vshrl.u32 v61, $0x1  }
0x2e: {  	[tilespmem:$0x64C0] =	vst v16;
	v16 =	vshrl.u32 v62, $0x1  }
0x2f: {  	[tilespmem:$0x64D0] =	vst v16;
	v16 =	vshrl.u32 v17, $0x1  }
0x30: {  	[tilespmem:$0x64E0] =	vst v16;
	v16 =	vshrl.u32 v63, $0x1  }
0x31: {  	s31 =	simm.s32 $0x6480;
	s12 =	simm.s32 $0x0;
	[tilespmem:$0x64F0] =	vst v16  }
0x32: {  	[tilespmem:s15], [sflag:$0x2] =	stream.indirect.gather [hbm4b:s5+s11], $0x80, s31, s11, $0xb8;
	[tilespmem:$0x1E600] =	vst v63  }
.LBB2_2:
0x33: {  	s29 =	sshll.u32 s12, $0x2  }
0x34: {  	s3 =	sadd.s32 $0xFFFFFFFC, s29  }
0x35: {  	p0 =	sgt.u32 s3, $0xC3  }
0x36: {  	s3 =	simm.s32 @!p0 $0x7  }
0x37: {  	s14 =	sor.u32 $0x2, s29;
	_ =	swait.ge @!p0 [sflag:s3], $0x2000  }
0x38: {  	s6 =	sshll.u32 s14, $0x7;
	[sflag:s3] =	ssyncset.done @!p0 $0x0  }
0x39: {  	s7 =	sand.u32 $0x3FFFFF80, s6;
	[sflag:s3] =	ssyncadd.s32 @!p0 $0xFFFFE000  }
0x3a: {  	v16 =	vld [tilespmem:s7+$0x0];
	_ =	sdelay $0x4  }
0x3b: {  	v16 =	vshrl.u32 v16, $0x1  }
0x3c: {  	[tilespmem:$0x6500] =	vst v16  }
0x3d: {  	v16 =	vld [tilespmem:s7+$0x10];
	_ =	sdelay $0x4  }
0x3e: {  	v16 =	vshrl.u32 v16, $0x1  }
0x3f: {  	[tilespmem:$0x6510] =	vst v16  }
0x40: {  	v16 =	vld [tilespmem:s7+$0x20];
	_ =	sdelay $0x4  }
0x41: {  	v16 =	vshrl.u32 v16, $0x1  }
0x42: {  	[tilespmem:$0x6520] =	vst v16  }
0x43: {  	v16 =	vld [tilespmem:s7+$0x30];
	_ =	sdelay $0x4  }
0x44: {  	v16 =	vshrl.u32 v16, $0x1  }
0x45: {  	[tilespmem:$0x6530] =	vst v16  }
0x46: {  	v16 =	vld [tilespmem:s7+$0x40];
	_ =	sdelay $0x4  }
0x47: {  	v16 =	vshrl.u32 v16, $0x1  }
0x48: {  	[tilespmem:$0x6540] =	vst v16  }
0x49: {  	v16 =	vld [tilespmem:s7+$0x50];
	_ =	sdelay $0x4  }
0x4a: {  	v16 =	vshrl.u32 v16, $0x1  }
0x4b: {  	[tilespmem:$0x6550] =	vst v16  }
0x4c: {  	v16 =	vld [tilespmem:s7+$0x60];
	_ =	sdelay $0x4  }
0x4d: {  	v16 =	vshrl.u32 v16, $0x1  }
0x4e: {  	[tilespmem:$0x6560] =	vst v16  }
0x4f: {  	v16 =	vld [tilespmem:s7+$0x70];
	_ =	sdelay $0x4  }
0x50: {  	v16 =	vshrl.u32 v16, $0x1  }
0x51: {  	[tilespmem:$0x6570] =	vst v16  }
0x52: {  	[tilespmem:s17], [sflag:$0x3] =	stream.indirect.gather [hbm4b:s5+s11], $0x80, s16, s11, $0xb8;
	[tilespmem:$0x1E600] =	vst v63  }
0x53: {  	_ =	swait.ge [sflag:s18], $0x4000  }
0x54: {  	s31 =	sshll.u32 s12, $0xB;
	[sflag:s18] =	ssyncset.done $0x0  }
0x55: {  	s6 =	sshra.s32 s31, $0x2;
	[sflag:s18] =	ssyncadd.s32 $0xFFFFC000  }
0x56: {  	v16 =	vld [tilespmem:s6+$0x0]  }
0x57: {  	v17 =	vld [tilespmem:s6+$0x10]  }
0x58: {  	v18 =	vld [tilespmem:s6+$0x20]  }
0x59: {  	v19 =	vld [tilespmem:s6+$0x30]  }
0x5a: {  	v20 =	vld [tilespmem:s6+$0x40]  }
0x5b: {  	v21 =	vld [tilespmem:s6+$0x50]  }
0x5c: {  	v22 =	vld [tilespmem:s6+$0x60]  }
0x5d: {  	v23 =	vld [tilespmem:s6+$0x70];
	_ =	sdelay $0x2  }
0x5e: {  	v16 =	vshll.u32 v16, $0x6;
	v17 =	vshll.u32 v17, $0x6;
	v18 =	vshll.u32 v18, $0x6  }
0x5f: {  	v19 =	vshll.u32 v19, $0x6;
	v20 =	vshll.u32 v20, $0x6;
	v21 =	vshll.u32 v21, $0x6  }
0x60: {  	v22 =	vshll.u32 v22, $0x6;
	v23 =	vshll.u32 v23, $0x6;
	v16 =	vand.u32 $0x40, v16  }
0x61: {  	v17 =	vand.u32 $0x40, v17;
	v18 =	vand.u32 $0x40, v18;
	v19 =	vand.u32 $0x40, v19  }
0x62: {  	v20 =	vand.u32 $0x40, v20;
	v21 =	vand.u32 $0x40, v21;
	v22 =	vand.u32 $0x40, v22  }
0x63: {  	v23 =	vand.u32 $0x40, v23;
	v16 =	vor.u32 v1, v16;
	v17 =	vor.u32 v2, v17  }
0x64: {  	v18 =	vor.u32 v3, v18;
	v19 =	vor.u32 v4, v19;
	v20 =	vor.u32 v5, v20  }
0x65: {  	s3 =	simm.s32 $0x0;
	v21 =	vor.u32 v6, v21;
	v22 =	vor.u32 v7, v22;
	v23 =	vor.u32 v8, v23  }
.LBB2_3:
0x66: {  	s10 =	sadd.s32 $0x1, s3;
	v24 =	vor.u32 s3, v0  }
0x67: {  	s31 =	sadd.s32 $0x3, s3;
	v25 =	vadd.s32 s10, v0;
	v26 =	vor.u32 v24, v16  }
0x68: {  	s30 =	sadd.s32 $0x2, s3;
	v29 =	vadd.s32 s31, v0;
	v25 =	vand.u32 $0x3F, v25  }
0x69: {  	v27 =	vadd.s32 s30, v0;
	v29 =	vand.u32 $0x3F, v29;
	v28 =	vor.u32 v25, v16  }
0x6a: {  	v27 =	vand.u32 $0x3F, v27;
	v31 =	vor.u32 v29, v16  }
0x6b: {  	v32 =	vshll.u32 v24, $0x7;
	v30 =	vor.u32 v27, v16  }
0x6c: {  	v33 =	vor.u32 v0, v32;
	v26 =	vld.idx.msk [tilespmem:v26+s13+$0x0], $0xffff  }
0x6d: {  	v35 =	vor.u32 v24, v17;
	v34 =	vshll.u32 v25, $0x7  }
0x6e: {  	v40 =	vshll.u32 v29, $0x7;
	v36 =	vor.u32 v0, v34;
	v28 =	vld.idx.msk [tilespmem:v28+s13+$0x0], $0xffff  }
0x6f: {  	v37 =	vshll.u32 v27, $0x7;
	v38 =	vor.u32 v25, v17;
	v42 =	vor.u32 v0, v40;
	v31 =	vld.idx.msk [tilespmem:v31+s13+$0x0], $0xffff  }
0x70: {  	v43 =	vor.u32 v29, v17;
	v39 =	vor.u32 v0, v37;
	v30 =	vld.idx.msk [tilespmem:v30+s13+$0x0], $0xffff  }
0x71: {  	v41 =	vor.u32 v27, v17;
	[tilespmem:v33+s19+$0x0] =	vst.idx.msk $0xffff, v26  }
0x72: {  	v48 =	vor.u32 v9, v32;
	v26 =	vld.idx.msk [tilespmem:v35+s13+$0x0], $0xffff  }
0x73: {  	v49 =	vor.u32 v24, v18;
	[tilespmem:v36+s19+$0x0] =	vst.idx.msk $0xffff, v28  }
0x74: {  	v51 =	vor.u32 v9, v34;
	[tilespmem:v42+s19+$0x0] =	vst.idx.msk $0xffff, v31;
	v50 =	vld.idx.msk [tilespmem:v38+s13+$0x0], $0xffff  }
0x75: {  	v52 =	vor.u32 v25, v18;
	v57 =	vor.u32 v9, v40;
	[tilespmem:v39+s19+$0x0] =	vst.idx.msk $0xffff, v30;
	v56 =	vld.idx.msk [tilespmem:v43+s13+$0x0], $0xffff  }
0x76: {  	v58 =	vor.u32 v29, v18;
	v54 =	vor.u32 v9, v37;
	v53 =	vld.idx.msk [tilespmem:v41+s13+$0x0], $0xffff  }
0x77: {  	v55 =	vor.u32 v27, v18;
	[tilespmem:v48+s19+$0x0] =	vst.idx.msk $0xffff, v26  }
0x78: {  	v59 =	vor.u32 v10, v32;
	v26 =	vld.idx.msk [tilespmem:v49+s13+$0x0], $0xffff  }
0x79: {  	v60 =	vor.u32 v24, v19;
	[tilespmem:v51+s19+$0x0] =	vst.idx.msk $0xffff, v50  }
0x7a: {  	v61 =	vor.u32 v10, v34;
	[tilespmem:v57+s19+$0x0] =	vst.idx.msk $0xffff, v56;
	v30 =	vld.idx.msk [tilespmem:v52+s13+$0x0], $0xffff  }
0x7b: {  	v62 =	vor.u32 v25, v19;
	v46 =	vor.u32 v10, v40;
	[tilespmem:v54+s19+$0x0] =	vst.idx.msk $0xffff, v53;
	v41 =	vld.idx.msk [tilespmem:v58+s13+$0x0], $0xffff  }
0x7c: {  	v47 =	vor.u32 v29, v19;
	v63 =	vor.u32 v10, v37;
	v31 =	vld.idx.msk [tilespmem:v55+s13+$0x0], $0xffff  }
0x7d: {  	v45 =	vor.u32 v27, v19;
	[tilespmem:v59+s19+$0x0] =	vst.idx.msk $0xffff, v26  }
0x7e: {  	v48 =	vor.u32 v11, v32;
	v26 =	vld.idx.msk [tilespmem:v60+s13+$0x0], $0xffff  }
0x7f: {  	v49 =	vor.u32 v24, v20;
	[tilespmem:v61+s19+$0x0] =	vst.idx.msk $0xffff, v30  }
0x80: {  	v51 =	vor.u32 v11, v34;
	[tilespmem:v46+s19+$0x0] =	vst.idx.msk $0xffff, v41;
	v50 =	vld.idx.msk [tilespmem:v62+s13+$0x0], $0xffff  }
0x81: {  	v56 =	vor.u32 v11, v40;
	v52 =	vor.u32 v25, v20;
	[tilespmem:v63+s19+$0x0] =	vst.idx.msk $0xffff, v31;
	v41 =	vld.idx.msk [tilespmem:v47+s13+$0x0], $0xffff  }
0x82: {  	v54 =	vor.u32 v11, v37;
	v57 =	vor.u32 v29, v20;
	v53 =	vld.idx.msk [tilespmem:v45+s13+$0x0], $0xffff  }
0x83: {  	v55 =	vor.u32 v27, v20;
	[tilespmem:v48+s19+$0x0] =	vst.idx.msk $0xffff, v26  }
0x84: {  	v58 =	vor.u32 v12, v32;
	v26 =	vld.idx.msk [tilespmem:v49+s13+$0x0], $0xffff  }
0x85: {  	v59 =	vor.u32 v24, v21;
	[tilespmem:v51+s19+$0x0] =	vst.idx.msk $0xffff, v50  }
0x86: {  	v60 =	vor.u32 v12, v34;
	[tilespmem:v56+s19+$0x0] =	vst.idx.msk $0xffff, v41;
	v31 =	vld.idx.msk [tilespmem:v52+s13+$0x0], $0xffff  }
0x87: {  	v61 =	vor.u32 v25, v21;
	v45 =	vor.u32 v12, v40;
	[tilespmem:v54+s19+$0x0] =	vst.idx.msk $0xffff, v53;
	v41 =	vld.idx.msk [tilespmem:v57+s13+$0x0], $0xffff  }
0x88: {  	v46 =	vor.u32 v29, v21;
	v62 =	vor.u32 v12, v37;
	v36 =	vld.idx.msk [tilespmem:v55+s13+$0x0], $0xffff  }
0x89: {  	v63 =	vor.u32 v27, v21;
	[tilespmem:v58+s19+$0x0] =	vst.idx.msk $0xffff, v26  }
0x8a: {  	v47 =	vor.u32 v13, v32;
	v26 =	vld.idx.msk [tilespmem:v59+s13+$0x0], $0xffff  }
0x8b: {  	v48 =	vor.u32 v24, v22;
	[tilespmem:v60+s19+$0x0] =	vst.idx.msk $0xffff, v31  }
0x8c: {  	v49 =	vor.u32 v13, v34;
	[tilespmem:v45+s19+$0x0] =	vst.idx.msk $0xffff, v41;
	v31 =	vld.idx.msk [tilespmem:v61+s13+$0x0], $0xffff  }
0x8d: {  	v50 =	vor.u32 v25, v22;
	v53 =	vor.u32 v13, v40;
	[tilespmem:v62+s19+$0x0] =	vst.idx.msk $0xffff, v36;
	v41 =	vld.idx.msk [tilespmem:v46+s13+$0x0], $0xffff  }
0x8e: {  	v51 =	vor.u32 v13, v37;
	v54 =	vor.u32 v29, v22;
	v36 =	vld.idx.msk [tilespmem:v63+s13+$0x0], $0xffff  }
0x8f: {  	v52 =	vor.u32 v27, v22;
	[tilespmem:v47+s19+$0x0] =	vst.idx.msk $0xffff, v26  }
0x90: {  	v55 =	vor.u32 v14, v32;
	v26 =	vld.idx.msk [tilespmem:v48+s13+$0x0], $0xffff  }
0x91: {  	v24 =	vor.u32 v24, v23;
	[tilespmem:v49+s19+$0x0] =	vst.idx.msk $0xffff, v31  }
0x92: {  	v57 =	vor.u32 v14, v34;
	[tilespmem:v53+s19+$0x0] =	vst.idx.msk $0xffff, v41;
	v56 =	vld.idx.msk [tilespmem:v50+s13+$0x0], $0xffff  }
0x93: {  	v25 =	vor.u32 v25, v23;
	v61 =	vor.u32 v14, v40;
	[tilespmem:v51+s19+$0x0] =	vst.idx.msk $0xffff, v36;
	v60 =	vld.idx.msk [tilespmem:v54+s13+$0x0], $0xffff  }
0x94: {  	s30 =	sadd.s32 $0x4, s3;
	v29 =	vor.u32 v29, v23;
	v59 =	vor.u32 v14, v37;
	v58 =	vld.idx.msk [tilespmem:v52+s13+$0x0], $0xffff  }
0x95: {  	v43 =	vadd.s32 s30, v0;
	s30 =	sadd.s32 $0x6, s3;
	v27 =	vor.u32 v27, v23;
	[tilespmem:v55+s19+$0x0] =	vst.idx.msk $0xffff, v26  }
0x96: {  	v62 =	vor.u32 v15, v32;
	v47 =	vadd.s32 s30, v0;
	s30 =	sadd.s32 $0x8, s3;
	v26 =	vld.idx.msk [tilespmem:v24+s13+$0x0], $0xffff;
	v24 =	vand.u32 $0x3F, v43  }
0x97: {  	s31 =	sadd.s32 $0x5, s3;
	v44 =	vor.u32 v15, v40;
	v51 =	vadd.s32 s30, v0;
	[tilespmem:v57+s19+$0x0] =	vst.idx.msk $0xffff, v56;
	v46 =	vor.u32 v24, v16  }
0x98: {  	v45 =	vadd.s32 s31, v0;
	s31 =	sadd.s32 $0x7, s3;
	v63 =	vor.u32 v15, v34;
	v31 =	vand.u32 $0x3F, v51;
	[tilespmem:v61+s19+$0x0] =	vst.idx.msk $0xffff, v60;
	v30 =	vld.idx.msk [tilespmem:v25+s13+$0x0], $0xffff  }
0x99: {  	v49 =	vadd.s32 s31, v0;
	s31 =	sadd.s32 $0x9, s3;
	v54 =	vor.u32 v31, v16;
	[tilespmem:v59+s19+$0x0] =	vst.idx.msk $0xffff, v58;
	v29 =	vld.idx.msk [tilespmem:v29+s13+$0x0], $0xffff;
	v25 =	vand.u32 $0x3F, v45  }
0x9a: {  	v53 =	vadd.s32 s31, v0;
	v41 =	vld.idx.msk [tilespmem:v27+s13+$0x0], $0xffff;
	v27 =	vand.u32 $0x3F, v47;
	v48 =	vor.u32 v25, v16  }
0x9b: {  	v28 =	vand.u32 $0x3F, v53;
	v50 =	vor.u32 v27, v16;
	[tilespmem:v62+s19+$0x0] =	vst.idx.msk $0xffff, v26;
	v26 =	vshll.u32 v24, $0x7  }
0x9c: {  	v57 =	vor.u32 v28, v16;
	v55 =	vld.idx.msk [tilespmem:v46+s13+$0x0], $0xffff;
	v56 =	vor.u32 v0, v26  }
0x9d: {  	v42 =	vor.u32 v15, v37;
	v58 =	vor.u32 v24, v17;
	[tilespmem:v63+s19+$0x0] =	vst.idx.msk $0xffff, v30;
	v30 =	vand.u32 $0x3F, v49  }
0x9e: {  	v38 =	vld.idx.msk [tilespmem:v54+s13+$0x0], $0xffff;
	[tilespmem:v44+s19+$0x0] =	vst.idx.msk $0xffff, v29;
	v29 =	vshll.u32 v25, $0x7;
	v52 =	vor.u32 v30, v16  }
0x9f: {  	v35 =	vshll.u32 v31, $0x7;
	v33 =	vshll.u32 v27, $0x7;
	v36 =	vld.idx.msk [tilespmem:v48+s13+$0x0], $0xffff;
	v59 =	vor.u32 v0, v29  }
0xa0: {  	v32 =	vshll.u32 v28, $0x7;
	v45 =	vor.u32 v0, v33;
	v44 =	vor.u32 v25, v17;
	v37 =	vld.idx.msk [tilespmem:v50+s13+$0x0], $0xffff  }
0xa1: {  	v46 =	vor.u32 v27, v17;
	v61 =	vld.idx.msk [tilespmem:v57+s13+$0x0], $0xffff;
	v50 =	vor.u32 v0, v35;
	[tilespmem:v56+s19+$0x0] =	vst.idx.msk $0xffff, v55  }
0xa2: {  	v60 =	vor.u32 v31, v17;
	v62 =	vor.u32 v0, v32;
	[tilespmem:v42+s19+$0x0] =	vst.idx.msk $0xffff, v41;
	v42 =	vld.idx.msk [tilespmem:v58+s13+$0x0], $0xffff  }
0xa3: {  	v63 =	vor.u32 v9, v26;
	v34 =	vshll.u32 v30, $0x7;
	v47 =	vld.idx.msk [tilespmem:v52+s13+$0x0], $0xffff;
	v52 =	vor.u32 v28, v17  }
0xa4: {  	v53 =	vor.u32 v24, v18;
	v48 =	vor.u32 v0, v34;
	[tilespmem:v59+s19+$0x0] =	vst.idx.msk $0xffff, v36  }
0xa5: {  	v49 =	vor.u32 v30, v17;
	v54 =	vor.u32 v9, v29;
	[tilespmem:v45+s19+$0x0] =	vst.idx.msk $0xffff, v37;
	v44 =	vld.idx.msk [tilespmem:v44+s13+$0x0], $0xffff  }
0xa6: {  	v56 =	vor.u32 v9, v33;
	[tilespmem:v50+s19+$0x0] =	vst.idx.msk $0xffff, v38;
	v46 =	vld.idx.msk [tilespmem:v46+s13+$0x0], $0xffff  }
0xa7: {  	v55 =	vor.u32 v25, v18;
	[tilespmem:v62+s19+$0x0] =	vst.idx.msk $0xffff, v61;
	v39 =	vld.idx.msk [tilespmem:v60+s13+$0x0], $0xffff;
	v60 =	vor.u32 v9, v35  }
0xa8: {  	v61 =	vor.u32 v31, v18;
	[tilespmem:v63+s19+$0x0] =	vst.idx.msk $0xffff, v42;
	v63 =	vor.u32 v9, v32;
	v62 =	vld.idx.msk [tilespmem:v52+s13+$0x0], $0xffff  }
0xa9: {  	v57 =	vor.u32 v27, v18;
	[tilespmem:v48+s19+$0x0] =	vst.idx.msk $0xffff, v47;
	v37 =	vld.idx.msk [tilespmem:v53+s13+$0x0], $0xffff;
	v52 =	vor.u32 v10, v26  }
0xaa: {  	v58 =	vor.u32 v9, v34;
	v53 =	vor.u32 v28, v18;
	v49 =	vld.idx.msk [tilespmem:v49+s13+$0x0], $0xffff;
	[tilespmem:v54+s19+$0x0] =	vst.idx.msk $0xffff, v44  }
0xab: {  	[tilespmem:v56+s19+$0x0] =	vst.idx.msk $0xffff, v46;
	v54 =	vor.u32 v24, v19  }
0xac: {  	v59 =	vor.u32 v30, v18;
	[tilespmem:v60+s19+$0x0] =	vst.idx.msk $0xffff, v39;
	v47 =	vld.idx.msk [tilespmem:v55+s13+$0x0], $0xffff;
	v55 =	vor.u32 v10, v29  }
0xad: {  	v56 =	vor.u32 v25, v19;
	v36 =	vld.idx.msk [tilespmem:v61+s13+$0x0], $0xffff;
	v61 =	vor.u32 v10, v35;
	[tilespmem:v63+s19+$0x0] =	vst.idx.msk $0xffff, v62  }
0xae: {  	v38 =	vld.idx.msk [tilespmem:v57+s13+$0x0], $0xffff;
	v57 =	vor.u32 v10, v33;
	[tilespmem:v52+s19+$0x0] =	vst.idx.msk $0xffff, v37;
	v62 =	vor.u32 v31, v19  }
0xaf: {  	v52 =	vor.u32 v10, v32;
	[tilespmem:v58+s19+$0x0] =	vst.idx.msk $0xffff, v49;
	v58 =	vor.u32 v27, v19;
	v63 =	vld.idx.msk [tilespmem:v53+s13+$0x0], $0xffff  }
0xb0: {  	v46 =	vld.idx.msk [tilespmem:v54+s13+$0x0], $0xffff;
	v53 =	vor.u32 v11, v26;
	v54 =	vor.u32 v28, v19  }
0xb1: {  	v40 =	vld.idx.msk [tilespmem:v59+s13+$0x0], $0xffff;
	v59 =	vor.u32 v10, v34;
	[tilespmem:v55+s19+$0x0] =	vst.idx.msk $0xffff, v47;
	v55 =	vor.u32 v24, v20  }
0xb2: {  	v60 =	vor.u32 v30, v19;
	[tilespmem:v61+s19+$0x0] =	vst.idx.msk $0xffff, v36;
	v49 =	vld.idx.msk [tilespmem:v56+s13+$0x0], $0xffff;
	v56 =	vor.u32 v11, v29  }
0xb3: {  	[tilespmem:v57+s19+$0x0] =	vst.idx.msk $0xffff, v38;
	v37 =	vld.idx.msk [tilespmem:v62+s13+$0x0], $0xffff;
	v62 =	vor.u32 v11, v35  }
0xb4: {  	v57 =	vor.u32 v25, v20;
	v39 =	vld.idx.msk [tilespmem:v58+s13+$0x0], $0xffff;
	v58 =	vor.u32 v11, v33;
	[tilespmem:v52+s19+$0x0] =	vst.idx.msk $0xffff, v63  }
0xb5: {  	[tilespmem:v53+s19+$0x0] =	vst.idx.msk $0xffff, v46;
	v63 =	vor.u32 v31, v20;
	v53 =	vor.u32 v11, v32;
	v52 =	vld.idx.msk [tilespmem:v54+s13+$0x0], $0xffff  }
0xb6: {  	[tilespmem:v59+s19+$0x0] =	vst.idx.msk $0xffff, v40;
	v59 =	vor.u32 v27, v20;
	v38 =	vld.idx.msk [tilespmem:v55+s13+$0x0], $0xffff;
	v54 =	vor.u32 v12, v26  }
0xb7: {  	v55 =	vor.u32 v28, v20;
	v42 =	vld.idx.msk [tilespmem:v60+s13+$0x0], $0xffff;
	v60 =	vor.u32 v11, v34;
	[tilespmem:v56+s19+$0x0] =	vst.idx.msk $0xffff, v49  }
0xb8: {  	v61 =	vor.u32 v30, v20;
	[tilespmem:v62+s19+$0x0] =	vst.idx.msk $0xffff, v37  }
0xb9: {  	v56 =	vor.u32 v24, v21;
	v40 =	vld.idx.msk [tilespmem:v57+s13+$0x0], $0xffff;
	v57 =	vor.u32 v12, v29;
	[tilespmem:v58+s19+$0x0] =	vst.idx.msk $0xffff, v39  }
0xba: {  	v46 =	vld.idx.msk [tilespmem:v63+s13+$0x0], $0xffff;
	v63 =	vor.u32 v12, v35;
	[tilespmem:v53+s19+$0x0] =	vst.idx.msk $0xffff, v52  }
0xbb: {  	v58 =	vor.u32 v25, v21;
	v36 =	vld.idx.msk [tilespmem:v59+s13+$0x0], $0xffff;
	v59 =	vor.u32 v12, v33;
	[tilespmem:v54+s19+$0x0] =	vst.idx.msk $0xffff, v38  }
0xbc: {  	v54 =	vor.u32 v12, v32;
	[tilespmem:v60+s19+$0x0] =	vst.idx.msk $0xffff, v42;
	v60 =	vor.u32 v27, v21;
	v53 =	vld.idx.msk [tilespmem:v55+s13+$0x0], $0xffff  }
0xbd: {  	v52 =	vor.u32 v31, v21;
	v44 =	vld.idx.msk [tilespmem:v61+s13+$0x0], $0xffff;
	v61 =	vor.u32 v12, v34  }
0xbe: {  	v39 =	vld.idx.msk [tilespmem:v56+s13+$0x0], $0xffff;
	v56 =	vor.u32 v28, v21;
	[tilespmem:v57+s19+$0x0] =	vst.idx.msk $0xffff, v40  }
0xbf: {  	v62 =	vor.u32 v30, v21;
	v55 =	vor.u32 v13, v26;
	[tilespmem:v63+s19+$0x0] =	vst.idx.msk $0xffff, v46  }
0xc0: {  	v57 =	vor.u32 v24, v22;
	v42 =	vld.idx.msk [tilespmem:v58+s13+$0x0], $0xffff;
	v58 =	vor.u32 v13, v29;
	[tilespmem:v59+s19+$0x0] =	vst.idx.msk $0xffff, v36  }
0xc1: {  	v59 =	vor.u32 v25, v22;
	v37 =	vld.idx.msk [tilespmem:v60+s13+$0x0], $0xffff;
	v60 =	vor.u32 v13, v33;
	[tilespmem:v54+s19+$0x0] =	vst.idx.msk $0xffff, v53  }
0xc2: {  	v38 =	vld.idx.msk [tilespmem:v52+s13+$0x0], $0xffff;
	[tilespmem:v61+s19+$0x0] =	vst.idx.msk $0xffff, v44;
	v61 =	vor.u32 v27, v22  }
0xc3: {  	v52 =	vor.u32 v13, v35;
	v54 =	vld.idx.msk [tilespmem:v56+s13+$0x0], $0xffff  }
0xc4: {  	[tilespmem:v55+s19+$0x0] =	vst.idx.msk $0xffff, v39;
	v53 =	vor.u32 v31, v22;
	v47 =	vld.idx.msk [tilespmem:v62+s13+$0x0], $0xffff;
	v62 =	vor.u32 v13, v34  }
0xc5: {  	v63 =	vor.u32 v30, v22;
	v36 =	vld.idx.msk [tilespmem:v57+s13+$0x0], $0xffff;
	v56 =	vor.u32 v14, v26;
	[tilespmem:v58+s19+$0x0] =	vst.idx.msk $0xffff, v42  }
0xc6: {  	v24 =	vor.u32 v24, v23;
	v58 =	vor.u32 v14, v29;
	v44 =	vld.idx.msk [tilespmem:v59+s13+$0x0], $0xffff;
	[tilespmem:v60+s19+$0x0] =	vst.idx.msk $0xffff, v37  }
0xc7: {  	v25 =	vor.u32 v25, v23;
	v59 =	vor.u32 v14, v33;
	v45 =	vld.idx.msk [tilespmem:v61+s13+$0x0], $0xffff  }
0xc8: {  	v55 =	vor.u32 v13, v32;
	v27 =	vor.u32 v27, v23;
	[tilespmem:v52+s19+$0x0] =	vst.idx.msk $0xffff, v38  }
0xc9: {  	v57 =	vor.u32 v28, v22;
	v38 =	vld.idx.msk [tilespmem:v53+s13+$0x0], $0xffff;
	v61 =	vor.u32 v14, v35;
	[tilespmem:v62+s19+$0x0] =	vst.idx.msk $0xffff, v47  }
0xca: {  	v31 =	vor.u32 v31, v23;
	v60 =	vor.u32 v14, v34;
	[tilespmem:v56+s19+$0x0] =	vst.idx.msk $0xffff, v36;
	v47 =	vld.idx.msk [tilespmem:v63+s13+$0x0], $0xffff  }
0xcb: {  	v30 =	vor.u32 v30, v23;
	v26 =	vor.u32 v15, v26;
	v24 =	vld.idx.msk [tilespmem:v24+s13+$0x0], $0xffff;
	[tilespmem:v58+s19+$0x0] =	vst.idx.msk $0xffff, v44  }
0xcc: {  	v29 =	vor.u32 v15, v29;
	v25 =	vld.idx.msk [tilespmem:v25+s13+$0x0], $0xffff;
	[tilespmem:v59+s19+$0x0] =	vst.idx.msk $0xffff, v45  }
0xcd: {  	v51 =	vor.u32 v15, v32;
	v33 =	vor.u32 v15, v33;
	[tilespmem:v55+s19+$0x0] =	vst.idx.msk $0xffff, v54;
	v27 =	vld.idx.msk [tilespmem:v27+s13+$0x0], $0xffff  }
0xce: {  	s30 =	sadd.s32 $0xA, s3;
	s31 =	sadd.s32 $0xB, s3;
	v28 =	vor.u32 v28, v23;
	v62 =	vld.idx.msk [tilespmem:v57+s13+$0x0], $0xffff;
	v63 =	vor.u32 v14, v32;
	[tilespmem:v61+s19+$0x0] =	vst.idx.msk $0xffff, v38  }
0xcf: {  	v49 =	vadd.s32 s30, v0;
	s30 =	sadd.s32 $0xC, s3;
	v52 =	vadd.s32 s31, v0;
	v35 =	vor.u32 v15, v35;
	v31 =	vld.idx.msk [tilespmem:v31+s13+$0x0], $0xffff;
	[tilespmem:v60+s19+$0x0] =	vst.idx.msk $0xffff, v47  }
0xd0: {  	s31 =	sadd.s32 $0xD, s3;
	v34 =	vor.u32 v15, v34;
	v53 =	vadd.s32 s30, v0;
	[tilespmem:v26+s19+$0x0] =	vst.idx.msk $0xffff, v24;
	v24 =	vand.u32 $0x3F, v49;
	v30 =	vld.idx.msk [tilespmem:v30+s13+$0x0], $0xffff  }
0xd1: {  	s30 =	sadd.s32 $0xE, s3;
	v54 =	vadd.s32 s31, v0;
	v36 =	vor.u32 v24, v16;
	[tilespmem:v29+s19+$0x0] =	vst.idx.msk $0xffff, v25;
	v25 =	vand.u32 $0x3F, v52  }
0xd2: {  	v56 =	vadd.s32 s30, v0;
	s31 =	sadd.s32 $0xF, s3;
	v32 =	vor.u32 v25, v16;
	[tilespmem:v33+s19+$0x0] =	vst.idx.msk $0xffff, v27;
	v27 =	vand.u32 $0x3F, v53  }
0xd3: {  	v58 =	vadd.s32 s31, v0;
	[tilespmem:v63+s19+$0x0] =	vst.idx.msk $0xffff, v62;
	v29 =	vand.u32 $0x3F, v54;
	v55 =	vor.u32 v27, v16  }
0xd4: {  	v62 =	vor.u32 v24, v17;
	v57 =	vor.u32 v29, v16;
	[tilespmem:v35+s19+$0x0] =	vst.idx.msk $0xffff, v31;
	v31 =	vand.u32 $0x3F, v56  }
0xd5: {  	v26 =	vshll.u32 v24, $0x7;
	v50 =	vld.idx.msk [tilespmem:v28+s13+$0x0], $0xffff;
	v59 =	vor.u32 v31, v16;
	[tilespmem:v34+s19+$0x0] =	vst.idx.msk $0xffff, v30;
	v30 =	vand.u32 $0x3F, v58  }
0xd6: {  	v60 =	vor.u32 v0, v26;
	v28 =	vshll.u32 v25, $0x7;
	v36 =	vld.idx.msk [tilespmem:v36+s13+$0x0], $0xffff;
	v61 =	vor.u32 v30, v16  }
0xd7: {  	v42 =	vor.u32 v25, v17;
	v52 =	vor.u32 v0, v28;
	v63 =	vld.idx.msk [tilespmem:v32+s13+$0x0], $0xffff;
	v32 =	vshll.u32 v27, $0x7  }
0xd8: {  	v48 =	vor.u32 v29, v17;
	v33 =	vshll.u32 v29, $0x7;
	v54 =	vor.u32 v0, v32;
	v53 =	vld.idx.msk [tilespmem:v55+s13+$0x0], $0xffff  }
0xd9: {  	v45 =	vor.u32 v27, v17;
	v56 =	vor.u32 v0, v33;
	v34 =	vshll.u32 v31, $0x7;
	v55 =	vld.idx.msk [tilespmem:v57+s13+$0x0], $0xffff  }
0xda: {  	[tilespmem:v51+s19+$0x0] =	vst.idx.msk $0xffff, v50;
	v58 =	vor.u32 v0, v34;
	v35 =	vshll.u32 v30, $0x7;
	v57 =	vld.idx.msk [tilespmem:v59+s13+$0x0], $0xffff  }
0xdb: {  	[tilespmem:v60+s19+$0x0] =	vst.idx.msk $0xffff, v36;
	v59 =	vor.u32 v31, v17;
	v60 =	vld.idx.msk [tilespmem:v61+s13+$0x0], $0xffff;
	v61 =	vor.u32 v0, v35  }
0xdc: {  	v39 =	vld.idx.msk [tilespmem:v62+s13+$0x0], $0xffff;
	v62 =	vor.u32 v9, v26;
	[tilespmem:v52+s19+$0x0] =	vst.idx.msk $0xffff, v63;
	v63 =	vor.u32 v30, v17  }
0xdd: {  	v52 =	vor.u32 v24, v18;
	v42 =	vld.idx.msk [tilespmem:v42+s13+$0x0], $0xffff;
	[tilespmem:v54+s19+$0x0] =	vst.idx.msk $0xffff, v53;
	v53 =	vor.u32 v9, v28  }
0xde: {  	[tilespmem:v56+s19+$0x0] =	vst.idx.msk $0xffff, v55;
	v54 =	vor.u32 v25, v18;
	v55 =	vor.u32 v9, v32;
	v45 =	vld.idx.msk [tilespmem:v45+s13+$0x0], $0xffff  }
0xdf: {  	[tilespmem:v58+s19+$0x0] =	vst.idx.msk $0xffff, v57;
	v56 =	vor.u32 v27, v18;
	v57 =	vor.u32 v9, v33;
	v48 =	vld.idx.msk [tilespmem:v48+s13+$0x0], $0xffff  }
0xe0: {  	v58 =	vor.u32 v29, v18;
	v36 =	vld.idx.msk [tilespmem:v59+s13+$0x0], $0xffff;
	v59 =	vor.u32 v9, v34;
	[tilespmem:v61+s19+$0x0] =	vst.idx.msk $0xffff, v60  }
0xe1: {  	[tilespmem:v62+s19+$0x0] =	vst.idx.msk $0xffff, v39;
	v62 =	vor.u32 v9, v35;
	v60 =	vor.u32 v31, v18;
	v61 =	vld.idx.msk [tilespmem:v63+s13+$0x0], $0xffff  }
0xe2: {  	v43 =	vld.idx.msk [tilespmem:v52+s13+$0x0], $0xffff;
	v63 =	vor.u32 v10, v26;
	v52 =	vor.u32 v30, v18;
	[tilespmem:v53+s19+$0x0] =	vst.idx.msk $0xffff, v42  }
0xe3: {  	v53 =	vor.u32 v24, v19;
	[tilespmem:v55+s19+$0x0] =	vst.idx.msk $0xffff, v45;
	v46 =	vld.idx.msk [tilespmem:v54+s13+$0x0], $0xffff;
	v54 =	vor.u32 v10, v28  }
0xe4: {  	[tilespmem:v57+s19+$0x0] =	vst.idx.msk $0xffff, v48;
	v55 =	vor.u32 v25, v19;
	v49 =	vld.idx.msk [tilespmem:v56+s13+$0x0], $0xffff;
	v56 =	vor.u32 v10, v32  }
0xe5: {  	[tilespmem:v59+s19+$0x0] =	vst.idx.msk $0xffff, v36;
	v57 =	vor.u32 v27, v19;
	v37 =	vld.idx.msk [tilespmem:v58+s13+$0x0], $0xffff;
	v58 =	vor.u32 v10, v33  }
0xe6: {  	v59 =	vor.u32 v29, v19;
	v39 =	vld.idx.msk [tilespmem:v60+s13+$0x0], $0xffff;
	v60 =	vor.u32 v10, v34;
	[tilespmem:v62+s19+$0x0] =	vst.idx.msk $0xffff, v61  }
0xe7: {  	[tilespmem:v63+s19+$0x0] =	vst.idx.msk $0xffff, v43;
	v61 =	vor.u32 v31, v19;
	v63 =	vor.u32 v10, v35;
	v62 =	vld.idx.msk [tilespmem:v52+s13+$0x0], $0xffff  }
0xe8: {  	v52 =	vor.u32 v11, v26;
	v45 =	vld.idx.msk [tilespmem:v53+s13+$0x0], $0xffff;
	v53 =	vor.u32 v30, v19;
	[tilespmem:v54+s19+$0x0] =	vst.idx.msk $0xffff, v46  }
0xe9: {  	v54 =	vor.u32 v24, v20;
	[tilespmem:v56+s19+$0x0] =	vst.idx.msk $0xffff, v49;
	v48 =	vld.idx.msk [tilespmem:v55+s13+$0x0], $0xffff;
	v55 =	vor.u32 v11, v28  }
0xea: {  	[tilespmem:v58+s19+$0x0] =	vst.idx.msk $0xffff, v37;
	v56 =	vor.u32 v25, v20;
	v36 =	vld.idx.msk [tilespmem:v57+s13+$0x0], $0xffff;
	v57 =	vor.u32 v11, v32  }
0xeb: {  	[tilespmem:v60+s19+$0x0] =	vst.idx.msk $0xffff, v39;
	v58 =	vor.u32 v27, v20;
	v40 =	vld.idx.msk [tilespmem:v59+s13+$0x0], $0xffff;
	v59 =	vor.u32 v11, v33  }
0xec: {  	v60 =	vor.u32 v29, v20;
	v42 =	vld.idx.msk [tilespmem:v61+s13+$0x0], $0xffff;
	v61 =	vor.u32 v11, v34;
	[tilespmem:v63+s19+$0x0] =	vst.idx.msk $0xffff, v62  }
0xed: {  	v62 =	vor.u32 v31, v20;
	[tilespmem:v52+s19+$0x0] =	vst.idx.msk $0xffff, v45;
	v63 =	vld.idx.msk [tilespmem:v53+s13+$0x0], $0xffff;
	v52 =	vor.u32 v11, v35  }
0xee: {  	v53 =	vor.u32 v12, v26;
	v49 =	vld.idx.msk [tilespmem:v54+s13+$0x0], $0xffff;
	v54 =	vor.u32 v30, v20;
	[tilespmem:v55+s19+$0x0] =	vst.idx.msk $0xffff, v48  }
0xef: {  	v55 =	vor.u32 v24, v21;
	[tilespmem:v57+s19+$0x0] =	vst.idx.msk $0xffff, v36;
	v37 =	vld.idx.msk [tilespmem:v56+s13+$0x0], $0xffff;
	v56 =	vor.u32 v12, v28  }
0xf0: {  	[tilespmem:v59+s19+$0x0] =	vst.idx.msk $0xffff, v40;
	v57 =	vor.u32 v25, v21;
	v39 =	vld.idx.msk [tilespmem:v58+s13+$0x0], $0xffff;
	v58 =	vor.u32 v12, v32  }
0xf1: {  	[tilespmem:v61+s19+$0x0] =	vst.idx.msk $0xffff, v42;
	v59 =	vor.u32 v27, v21;
	v43 =	vld.idx.msk [tilespmem:v60+s13+$0x0], $0xffff;
	v60 =	vor.u32 v12, v33  }
0xf2: {  	v61 =	vor.u32 v29, v21;
	v45 =	vld.idx.msk [tilespmem:v62+s13+$0x0], $0xffff;
	v62 =	vor.u32 v12, v34;
	[tilespmem:v52+s19+$0x0] =	vst.idx.msk $0xffff, v63  }
0xf3: {  	v63 =	vor.u32 v31, v21;
	[tilespmem:v53+s19+$0x0] =	vst.idx.msk $0xffff, v49;
	v52 =	vld.idx.msk [tilespmem:v54+s13+$0x0], $0xffff;
	v53 =	vor.u32 v12, v35  }
0xf4: {  	v54 =	vor.u32 v13, v26;
	v36 =	vld.idx.msk [tilespmem:v55+s13+$0x0], $0xffff;
	v55 =	vor.u32 v30, v21;
	[tilespmem:v56+s19+$0x0] =	vst.idx.msk $0xffff, v37  }
0xf5: {  	v56 =	vor.u32 v24, v22;
	[tilespmem:v58+s19+$0x0] =	vst.idx.msk $0xffff, v39;
	v40 =	vld.idx.msk [tilespmem:v57+s13+$0x0], $0xffff;
	v57 =	vor.u32 v13, v28  }
0xf6: {  	[tilespmem:v60+s19+$0x0] =	vst.idx.msk $0xffff, v43;
	v58 =	vor.u32 v25, v22;
	v42 =	vld.idx.msk [tilespmem:v59+s13+$0x0], $0xffff;
	v59 =	vor.u32 v13, v32  }
0xf7: {  	[tilespmem:v62+s19+$0x0] =	vst.idx.msk $0xffff, v45;
	v60 =	vor.u32 v27, v22;
	v46 =	vld.idx.msk [tilespmem:v61+s13+$0x0], $0xffff;
	v61 =	vor.u32 v13, v33  }
0xf8: {  	v62 =	vor.u32 v29, v22;
	v48 =	vld.idx.msk [tilespmem:v63+s13+$0x0], $0xffff;
	v63 =	vor.u32 v13, v34;
	[tilespmem:v53+s19+$0x0] =	vst.idx.msk $0xffff, v52  }
0xf9: {  	v51 =	vor.u32 v31, v22;
	v53 =	vor.u32 v13, v35;
	[tilespmem:v54+s19+$0x0] =	vst.idx.msk $0xffff, v36;
	v52 =	vld.idx.msk [tilespmem:v55+s13+$0x0], $0xffff  }
0xfa: {  	v54 =	vor.u32 v14, v26;
	v55 =	vor.u32 v30, v22;
	v39 =	vld.idx.msk [tilespmem:v56+s13+$0x0], $0xffff;
	[tilespmem:v57+s19+$0x0] =	vst.idx.msk $0xffff, v40  }
0xfb: {  	v24 =	vor.u32 v24, v23;
	v57 =	vor.u32 v14, v28;
	[tilespmem:v59+s19+$0x0] =	vst.idx.msk $0xffff, v42;
	v56 =	vld.idx.msk [tilespmem:v58+s13+$0x0], $0xffff  }
0xfc: {  	v25 =	vor.u32 v25, v23;
	[tilespmem:v61+s19+$0x0] =	vst.idx.msk $0xffff, v46;
	v58 =	vor.u32 v14, v32;
	v44 =	vld.idx.msk [tilespmem:v60+s13+$0x0], $0xffff  }
0xfd: {  	v27 =	vor.u32 v27, v23;
	[tilespmem:v63+s19+$0x0] =	vst.idx.msk $0xffff, v48;
	v59 =	vor.u32 v14, v33;
	v46 =	vld.idx.msk [tilespmem:v62+s13+$0x0], $0xffff  }
0xfe: {  	v29 =	vor.u32 v29, v23;
	v36 =	vld.idx.msk [tilespmem:v51+s13+$0x0], $0xffff;
	v60 =	vor.u32 v14, v34;
	[tilespmem:v53+s19+$0x0] =	vst.idx.msk $0xffff, v52  }
0xff: {  	v31 =	vor.u32 v31, v23;
	v61 =	vor.u32 v14, v35;
	[tilespmem:v54+s19+$0x0] =	vst.idx.msk $0xffff, v39;
	v38 =	vld.idx.msk [tilespmem:v55+s13+$0x0], $0xffff  }
0x100: {  	v26 =	vor.u32 v15, v26;
	v30 =	vor.u32 v30, v23;
	v24 =	vld.idx.msk [tilespmem:v24+s13+$0x0], $0xffff;
	[tilespmem:v57+s19+$0x0] =	vst.idx.msk $0xffff, v56  }
0x101: {  	v28 =	vor.u32 v15, v28;
	[tilespmem:v58+s19+$0x0] =	vst.idx.msk $0xffff, v44;
	v25 =	vld.idx.msk [tilespmem:v25+s13+$0x0], $0xffff  }
0x102: {  	v32 =	vor.u32 v15, v32;
	[tilespmem:v59+s19+$0x0] =	vst.idx.msk $0xffff, v46;
	v27 =	vld.idx.msk [tilespmem:v27+s13+$0x0], $0xffff  }
0x103: {  	v33 =	vor.u32 v15, v33;
	[tilespmem:v60+s19+$0x0] =	vst.idx.msk $0xffff, v36;
	v29 =	vld.idx.msk [tilespmem:v29+s13+$0x0], $0xffff  }
0x104: {  	v34 =	vor.u32 v15, v34;
	v31 =	vld.idx.msk [tilespmem:v31+s13+$0x0], $0xffff;
	[tilespmem:v61+s19+$0x0] =	vst.idx.msk $0xffff, v38  }
0x105: {  	p0 =	slt.u32 s3, $0x30;
	v63 =	vor.u32 v15, v35;
	[tilespmem:v26+s19+$0x0] =	vst.idx.msk $0xffff, v24;
	v62 =	vld.idx.msk [tilespmem:v30+s13+$0x0], $0xffff  }
.Ltmp0:
0x106: {  	[tilespmem:v28+s19+$0x0] =	vst.idx.msk $0xffff, v25;
	(pc) =	sbr.rel @p0 .LBB2_3-.Ltmp0, $4  }
0x107: {  	[tilespmem:v32+s19+$0x0] =	vst.idx.msk $0xffff, v27  }
0x108: {  	[tilespmem:v33+s19+$0x0] =	vst.idx.msk $0xffff, v29  }
0x109: {  	[tilespmem:v34+s19+$0x0] =	vst.idx.msk $0xffff, v31  }
0x10a: {  	s3 =	sadd.s32 $0x10, s3;
	[tilespmem:v63+s19+$0x0] =	vst.idx.msk $0xffff, v62  }
0x10b: {  	s3 =	sshll.u32 s12, $0x14  }
0x10c: {  	s3 =	sor.u32 s4, s3  }
0x10d: {  	p0 =	seq.s32 s12, $0x0;
	s3 =	sshrl.u32 s3, $0x3  }
0x10e: {  	s10 =	simm.s32 @!p0 $0x8;
	s3 =	sadd.s32 s1, s3  }
0x10f: {  	[hbm4b:s3+s8] =	stream.strided.scatter [tilespmem:s19], [sflag:$0x5], $0x2000, s9, s8, $0x38;
	[tilespmem:$0x1E600] =	vst v63  }
0x110: {  	s3 =	sor.u32 $0x3, s29;
	_ =	swait.ge @!p0 [sflag:s10], $0x2000  }
0x111: {  	s30 =	sshll.u32 s3, $0x7;
	[sflag:s10] =	ssyncset.done @!p0 $0x0  }
0x112: {  	[sflag:s10] =	ssyncadd.s32 @!p0 $0xFFFFE000;
	s10 =	sand.u32 $0x3FFFFF80, s30  }
0x113: {  	v16 =	vld [tilespmem:s10+$0x0];
	_ =	sdelay $0x4  }
0x114: {  	v16 =	vshrl.u32 v16, $0x1  }
0x115: {  	[tilespmem:$0x6580] =	vst v16  }
0x116: {  	v16 =	vld [tilespmem:s10+$0x10];
	_ =	sdelay $0x4  }
0x117: {  	v16 =	vshrl.u32 v16, $0x1  }
0x118: {  	[tilespmem:$0x6590] =	vst v16  }
0x119: {  	v16 =	vld [tilespmem:s10+$0x20];
	_ =	sdelay $0x4  }
0x11a: {  	v16 =	vshrl.u32 v16, $0x1  }
0x11b: {  	[tilespmem:$0x65A0] =	vst v16  }
0x11c: {  	v16 =	vld [tilespmem:s10+$0x30];
	_ =	sdelay $0x4  }
0x11d: {  	v16 =	vshrl.u32 v16, $0x1  }
0x11e: {  	[tilespmem:$0x65B0] =	vst v16  }
0x11f: {  	v16 =	vld [tilespmem:s10+$0x40];
	_ =	sdelay $0x4  }
0x120: {  	v16 =	vshrl.u32 v16, $0x1  }
0x121: {  	[tilespmem:$0x65C0] =	vst v16  }
0x122: {  	v16 =	vld [tilespmem:s10+$0x50];
	_ =	sdelay $0x4  }
0x123: {  	v16 =	vshrl.u32 v16, $0x1  }
0x124: {  	[tilespmem:$0x65D0] =	vst v16  }
0x125: {  	v16 =	vld [tilespmem:s10+$0x60];
	_ =	sdelay $0x4  }
0x126: {  	v16 =	vshrl.u32 v16, $0x1  }
0x127: {  	[tilespmem:$0x65E0] =	vst v16  }
0x128: {  	v16 =	vld [tilespmem:s10+$0x70];
	_ =	sdelay $0x4  }
0x129: {  	v16 =	vshrl.u32 v16, $0x1  }
0x12a: {  	[tilespmem:$0x65F0] =	vst v16  }
0x12b: {  	[tilespmem:s21], [sflag:$0x4] =	stream.indirect.gather [hbm4b:s5+s11], $0x80, s20, s11, $0xb8;
	[tilespmem:$0x1E600] =	vst v63  }
0x12c: {  	s29 =	sor.u32 $0x1, s29;
	_ =	swait.ge [sflag:s22], $0x4000  }
0x12d: {  	s30 =	sshll.u32 s29, $0x7;
	[sflag:s22] =	ssyncset.done $0x0  }
0x12e: {  	s30 =	sand.u32 $0x3FFFFF80, s30;
	[sflag:s22] =	ssyncadd.s32 $0xFFFFC000  }
0x12f: {  	v16 =	vld [tilespmem:s30+$0x0]  }
0x130: {  	v17 =	vld [tilespmem:s30+$0x10]  }
0x131: {  	v18 =	vld [tilespmem:s30+$0x20]  }
0x132: {  	v19 =	vld [tilespmem:s30+$0x30]  }
0x133: {  	v20 =	vld [tilespmem:s30+$0x40]  }
0x134: {  	v21 =	vld [tilespmem:s30+$0x50]  }
0x135: {  	v22 =	vld [tilespmem:s30+$0x60]  }
0x136: {  	v23 =	vld [tilespmem:s30+$0x70];
	_ =	sdelay $0x2  }
0x137: {  	v16 =	vshll.u32 v16, $0x6;
	v17 =	vshll.u32 v17, $0x6;
	v18 =	vshll.u32 v18, $0x6  }
0x138: {  	v19 =	vshll.u32 v19, $0x6;
	v20 =	vshll.u32 v20, $0x6;
	v21 =	vshll.u32 v21, $0x6  }
0x139: {  	v22 =	vshll.u32 v22, $0x6;
	v23 =	vshll.u32 v23, $0x6;
	v16 =	vand.u32 $0x40, v16  }
0x13a: {  	v17 =	vand.u32 $0x40, v17;
	v18 =	vand.u32 $0x40, v18;
	v19 =	vand.u32 $0x40, v19  }
0x13b: {  	v20 =	vand.u32 $0x40, v20;
	v21 =	vand.u32 $0x40, v21;
	v22 =	vand.u32 $0x40, v22  }
0x13c: {  	v23 =	vand.u32 $0x40, v23;
	v16 =	vor.u32 v1, v16;
	v17 =	vor.u32 v2, v17  }
0x13d: {  	v18 =	vor.u32 v3, v18;
	v19 =	vor.u32 v4, v19;
	v20 =	vor.u32 v5, v20  }
0x13e: {  	s30 =	simm.s32 $0x0;
	v21 =	vor.u32 v6, v21;
	v22 =	vor.u32 v7, v22;
	v23 =	vor.u32 v8, v23  }
.LBB2_5:
0x13f: {  	s31 =	sadd.s32 $0x1, s30  }
0x140: {  	v25 =	vadd.s32 s31, v0;
	s31 =	sadd.s32 $0x2, s30  }
0x141: {  	v25 =	vand.u32 $0x3F, v25;
	v27 =	vadd.s32 s31, v0;
	s31 =	sadd.s32 $0x3, s30  }
0x142: {  	v24 =	vor.u32 s30, v0;
	v28 =	vor.u32 v25, v16;
	v29 =	vadd.s32 s31, v0  }
0x143: {  	v26 =	vor.u32 v24, v16;
	v29 =	vand.u32 $0x3F, v29  }
0x144: {  	v27 =	vand.u32 $0x3F, v27;
	v31 =	vor.u32 v29, v16  }
0x145: {  	v30 =	vor.u32 v27, v16  }
0x146: {  	v34 =	vshll.u32 v25, $0x7  }
0x147: {  	v32 =	vshll.u32 v24, $0x7;
	v36 =	vor.u32 v0, v34;
	v28 =	vld.idx.msk [tilespmem:v28+s15+$0x0], $0xffff  }
0x148: {  	v33 =	vor.u32 v0, v32;
	v38 =	vor.u32 v25, v17;
	v40 =	vshll.u32 v29, $0x7;
	v26 =	vld.idx.msk [tilespmem:v26+s15+$0x0], $0xffff  }
0x149: {  	v35 =	vor.u32 v24, v17;
	v37 =	vshll.u32 v27, $0x7;
	v42 =	vor.u32 v0, v40;
	v31 =	vld.idx.msk [tilespmem:v31+s15+$0x0], $0xffff  }
0x14a: {  	v39 =	vor.u32 v0, v37;
	v43 =	vor.u32 v29, v17;
	v30 =	vld.idx.msk [tilespmem:v30+s15+$0x0], $0xffff  }
0x14b: {  	v41 =	vor.u32 v27, v17  }
0x14c: {  	[tilespmem:v36+s23+$0x0] =	vst.idx.msk $0xffff, v28  }
0x14d: {  	v51 =	vor.u32 v9, v34;
	[tilespmem:v33+s23+$0x0] =	vst.idx.msk $0xffff, v26;
	v50 =	vld.idx.msk [tilespmem:v38+s15+$0x0], $0xffff  }
0x14e: {  	v48 =	vor.u32 v9, v32;
	v52 =	vor.u32 v25, v18;
	v26 =	vld.idx.msk [tilespmem:v35+s15+$0x0], $0xffff;
	[tilespmem:v42+s23+$0x0] =	vst.idx.msk $0xffff, v31  }
0x14f: {  	v49 =	vor.u32 v24, v18;
	v57 =	vor.u32 v9, v40;
	[tilespmem:v39+s23+$0x0] =	vst.idx.msk $0xffff, v30;
	v56 =	vld.idx.msk [tilespmem:v43+s15+$0x0], $0xffff  }
0x150: {  	v54 =	vor.u32 v9, v37;
	v58 =	vor.u32 v29, v18;
	v53 =	vld.idx.msk [tilespmem:v41+s15+$0x0], $0xffff  }
0x151: {  	v55 =	vor.u32 v27, v18  }
0x152: {  	[tilespmem:v51+s23+$0x0] =	vst.idx.msk $0xffff, v50  }
0x153: {  	v61 =	vor.u32 v10, v34;
	[tilespmem:v48+s23+$0x0] =	vst.idx.msk $0xffff, v26;
	v30 =	vld.idx.msk [tilespmem:v52+s15+$0x0], $0xffff  }
0x154: {  	v59 =	vor.u32 v10, v32;
	v62 =	vor.u32 v25, v19;
	v26 =	vld.idx.msk [tilespmem:v49+s15+$0x0], $0xffff;
	[tilespmem:v57+s23+$0x0] =	vst.idx.msk $0xffff, v56  }
0x155: {  	v60 =	vor.u32 v24, v19;
	v46 =	vor.u32 v10, v40;
	[tilespmem:v54+s23+$0x0] =	vst.idx.msk $0xffff, v53;
	v41 =	vld.idx.msk [tilespmem:v58+s15+$0x0], $0xffff  }
0x156: {  	v63 =	vor.u32 v10, v37;
	v47 =	vor.u32 v29, v19;
	v31 =	vld.idx.msk [tilespmem:v55+s15+$0x0], $0xffff  }
0x157: {  	v45 =	vor.u32 v27, v19  }
0x158: {  	[tilespmem:v61+s23+$0x0] =	vst.idx.msk $0xffff, v30  }
0x159: {  	v51 =	vor.u32 v11, v34;
	[tilespmem:v59+s23+$0x0] =	vst.idx.msk $0xffff, v26;
	v50 =	vld.idx.msk [tilespmem:v62+s15+$0x0], $0xffff  }
0x15a: {  	v48 =	vor.u32 v11, v32;
	v52 =	vor.u32 v25, v20;
	v26 =	vld.idx.msk [tilespmem:v60+s15+$0x0], $0xffff;
	[tilespmem:v46+s23+$0x0] =	vst.idx.msk $0xffff, v41  }
0x15b: {  	v49 =	vor.u32 v24, v20;
	v56 =	vor.u32 v11, v40;
	[tilespmem:v63+s23+$0x0] =	vst.idx.msk $0xffff, v31;
	v41 =	vld.idx.msk [tilespmem:v47+s15+$0x0], $0xffff  }
0x15c: {  	v54 =	vor.u32 v11, v37;
	v57 =	vor.u32 v29, v20;
	v53 =	vld.idx.msk [tilespmem:v45+s15+$0x0], $0xffff  }
0x15d: {  	v55 =	vor.u32 v27, v20  }
0x15e: {  	[tilespmem:v51+s23+$0x0] =	vst.idx.msk $0xffff, v50  }
0x15f: {  	v60 =	vor.u32 v12, v34;
	[tilespmem:v48+s23+$0x0] =	vst.idx.msk $0xffff, v26;
	v31 =	vld.idx.msk [tilespmem:v52+s15+$0x0], $0xffff  }
0x160: {  	v58 =	vor.u32 v12, v32;
	v61 =	vor.u32 v25, v21;
	v26 =	vld.idx.msk [tilespmem:v49+s15+$0x0], $0xffff;
	[tilespmem:v56+s23+$0x0] =	vst.idx.msk $0xffff, v41  }
0x161: {  	v59 =	vor.u32 v24, v21;
	v45 =	vor.u32 v12, v40;
	[tilespmem:v54+s23+$0x0] =	vst.idx.msk $0xffff, v53;
	v41 =	vld.idx.msk [tilespmem:v57+s15+$0x0], $0xffff  }
0x162: {  	v62 =	vor.u32 v12, v37;
	v46 =	vor.u32 v29, v21;
	v36 =	vld.idx.msk [tilespmem:v55+s15+$0x0], $0xffff  }
0x163: {  	v63 =	vor.u32 v27, v21  }
0x164: {  	[tilespmem:v60+s23+$0x0] =	vst.idx.msk $0xffff, v31  }
0x165: {  	v49 =	vor.u32 v13, v34;
	[tilespmem:v58+s23+$0x0] =	vst.idx.msk $0xffff, v26;
	v31 =	vld.idx.msk [tilespmem:v61+s15+$0x0], $0xffff  }
0x166: {  	v47 =	vor.u32 v13, v32;
	v50 =	vor.u32 v25, v22;
	v26 =	vld.idx.msk [tilespmem:v59+s15+$0x0], $0xffff;
	[tilespmem:v45+s23+$0x0] =	vst.idx.msk $0xffff, v41  }
0x167: {  	v48 =	vor.u32 v24, v22;
	v53 =	vor.u32 v13, v40;
	[tilespmem:v62+s23+$0x0] =	vst.idx.msk $0xffff, v36;
	v41 =	vld.idx.msk [tilespmem:v46+s15+$0x0], $0xffff  }
0x168: {  	v51 =	vor.u32 v13, v37;
	v54 =	vor.u32 v29, v22;
	v36 =	vld.idx.msk [tilespmem:v63+s15+$0x0], $0xffff  }
0x169: {  	v52 =	vor.u32 v27, v22  }
0x16a: {  	[tilespmem:v49+s23+$0x0] =	vst.idx.msk $0xffff, v31  }
0x16b: {  	v57 =	vor.u32 v14, v34;
	[tilespmem:v47+s23+$0x0] =	vst.idx.msk $0xffff, v26;
	v56 =	vld.idx.msk [tilespmem:v50+s15+$0x0], $0xffff  }
0x16c: {  	v25 =	vor.u32 v25, v23;
	v55 =	vor.u32 v14, v32;
	v26 =	vld.idx.msk [tilespmem:v48+s15+$0x0], $0xffff;
	[tilespmem:v53+s23+$0x0] =	vst.idx.msk $0xffff, v41  }
0x16d: {  	v24 =	vor.u32 v24, v23;
	v61 =	vor.u32 v14, v40;
	[tilespmem:v51+s23+$0x0] =	vst.idx.msk $0xffff, v36;
	v60 =	vld.idx.msk [tilespmem:v54+s15+$0x0], $0xffff  }
0x16e: {  	v29 =	vor.u32 v29, v23;
	v59 =	vor.u32 v14, v37;
	v58 =	vld.idx.msk [tilespmem:v52+s15+$0x0], $0xffff  }
0x16f: {  	s31 =	sadd.s32 $0x4, s30;
	v27 =	vor.u32 v27, v23  }
0x170: {  	v44 =	vor.u32 v15, v40;
	v42 =	vor.u32 v15, v37;
	v43 =	vadd.s32 s31, v0;
	s31 =	sadd.s32 $0x5, s30;
	[tilespmem:v57+s23+$0x0] =	vst.idx.msk $0xffff, v56  }
0x171: {  	v63 =	vor.u32 v15, v34;
	v45 =	vadd.s32 s31, v0;
	s31 =	sadd.s32 $0x6, s30;
	[tilespmem:v55+s23+$0x0] =	vst.idx.msk $0xffff, v26;
	v30 =	vld.idx.msk [tilespmem:v25+s15+$0x0], $0xffff  }
0x172: {  	v62 =	vor.u32 v15, v32;
	v47 =	vadd.s32 s31, v0;
	s31 =	sadd.s32 $0x7, s30;
	v26 =	vld.idx.msk [tilespmem:v24+s15+$0x0], $0xffff;
	v24 =	vand.u32 $0x3F, v43;
	[tilespmem:v61+s23+$0x0] =	vst.idx.msk $0xffff, v60  }
0x173: {  	v49 =	vadd.s32 s31, v0;
	s31 =	sadd.s32 $0x8, s30;
	v46 =	vor.u32 v24, v16;
	[tilespmem:v59+s23+$0x0] =	vst.idx.msk $0xffff, v58;
	v25 =	vand.u32 $0x3F, v45;
	v29 =	vld.idx.msk [tilespmem:v29+s15+$0x0], $0xffff  }
0x174: {  	v51 =	vadd.s32 s31, v0;
	s31 =	sadd.s32 $0x9, s30;
	v41 =	vld.idx.msk [tilespmem:v27+s15+$0x0], $0xffff;
	v48 =	vor.u32 v25, v16;
	v27 =	vand.u32 $0x3F, v47  }
0x175: {  	v31 =	vand.u32 $0x3F, v51;
	v53 =	vadd.s32 s31, v0;
	v50 =	vor.u32 v27, v16  }
0x176: {  	v54 =	vor.u32 v31, v16;
	v28 =	vand.u32 $0x3F, v53;
	[tilespmem:v63+s23+$0x0] =	vst.idx.msk $0xffff, v30;
	v30 =	vand.u32 $0x3F, v49  }
0x177: {  	v57 =	vor.u32 v28, v16;
	[tilespmem:v62+s23+$0x0] =	vst.idx.msk $0xffff, v26;
	v26 =	vshll.u32 v24, $0x7;
	v52 =	vor.u32 v30, v16  }
0x178: {  	v35 =	vshll.u32 v31, $0x7;
	v55 =	vld.idx.msk [tilespmem:v46+s15+$0x0], $0xffff;
	v56 =	vor.u32 v0, v26;
	[tilespmem:v44+s23+$0x0] =	vst.idx.msk $0xffff, v29;
	v29 =	vshll.u32 v25, $0x7  }
0x179: {  	v58 =	vor.u32 v24, v17;
	v33 =	vshll.u32 v27, $0x7;
	v36 =	vld.idx.msk [tilespmem:v48+s15+$0x0], $0xffff;
	v59 =	vor.u32 v0, v29  }
0x17a: {  	v32 =	vshll.u32 v28, $0x7;
	v45 =	vor.u32 v0, v33;
	v44 =	vor.u32 v25, v17;
	v37 =	vld.idx.msk [tilespmem:v50+s15+$0x0], $0xffff  }
0x17b: {  	v38 =	vld.idx.msk [tilespmem:v54+s15+$0x0], $0xffff;
	v46 =	vor.u32 v27, v17;
	v34 =	vshll.u32 v30, $0x7;
	v50 =	vor.u32 v0, v35  }
0x17c: {  	v60 =	vor.u32 v31, v17;
	[tilespmem:v42+s23+$0x0] =	vst.idx.msk $0xffff, v41;
	v48 =	vor.u32 v0, v34;
	v47 =	vld.idx.msk [tilespmem:v52+s15+$0x0], $0xffff  }
0x17d: {  	v62 =	vor.u32 v0, v32;
	v61 =	vld.idx.msk [tilespmem:v57+s15+$0x0], $0xffff;
	v49 =	vor.u32 v30, v17;
	[tilespmem:v56+s23+$0x0] =	vst.idx.msk $0xffff, v55  }
0x17e: {  	v63 =	vor.u32 v9, v26;
	v42 =	vld.idx.msk [tilespmem:v58+s15+$0x0], $0xffff;
	v52 =	vor.u32 v28, v17;
	[tilespmem:v59+s23+$0x0] =	vst.idx.msk $0xffff, v36  }
0x17f: {  	v53 =	vor.u32 v24, v18;
	v54 =	vor.u32 v9, v29;
	[tilespmem:v45+s23+$0x0] =	vst.idx.msk $0xffff, v37;
	v44 =	vld.idx.msk [tilespmem:v44+s15+$0x0], $0xffff  }
0x180: {  	v55 =	vor.u32 v25, v18;
	v56 =	vor.u32 v9, v33;
	[tilespmem:v50+s23+$0x0] =	vst.idx.msk $0xffff, v38;
	v46 =	vld.idx.msk [tilespmem:v46+s15+$0x0], $0xffff  }
0x181: {  	v57 =	vor.u32 v27, v18;
	v39 =	vld.idx.msk [tilespmem:v60+s15+$0x0], $0xffff;
	v60 =	vor.u32 v9, v35;
	[tilespmem:v48+s23+$0x0] =	vst.idx.msk $0xffff, v47  }
0x182: {  	[tilespmem:v62+s23+$0x0] =	vst.idx.msk $0xffff, v61;
	v61 =	vor.u32 v31, v18;
	v58 =	vor.u32 v9, v34;
	v49 =	vld.idx.msk [tilespmem:v49+s15+$0x0], $0xffff  }
0x183: {  	v59 =	vor.u32 v30, v18;
	[tilespmem:v63+s23+$0x0] =	vst.idx.msk $0xffff, v42;
	v63 =	vor.u32 v9, v32;
	v62 =	vld.idx.msk [tilespmem:v52+s15+$0x0], $0xffff  }
0x184: {  	v37 =	vld.idx.msk [tilespmem:v53+s15+$0x0], $0xffff;
	v52 =	vor.u32 v10, v26;
	v53 =	vor.u32 v28, v18;
	[tilespmem:v54+s23+$0x0] =	vst.idx.msk $0xffff, v44  }
0x185: {  	[tilespmem:v56+s23+$0x0] =	vst.idx.msk $0xffff, v46;
	v54 =	vor.u32 v24, v19;
	v47 =	vld.idx.msk [tilespmem:v55+s15+$0x0], $0xffff;
	v55 =	vor.u32 v10, v29  }
0x186: {  	v56 =	vor.u32 v25, v19;
	[tilespmem:v60+s23+$0x0] =	vst.idx.msk $0xffff, v39;
	v38 =	vld.idx.msk [tilespmem:v57+s15+$0x0], $0xffff;
	v57 =	vor.u32 v10, v33  }
0x187: {  	v36 =	vld.idx.msk [tilespmem:v61+s15+$0x0], $0xffff;
	v61 =	vor.u32 v10, v35;
	[tilespmem:v58+s23+$0x0] =	vst.idx.msk $0xffff, v49;
	v58 =	vor.u32 v27, v19  }
0x188: {  	[tilespmem:v63+s23+$0x0] =	vst.idx.msk $0xffff, v62;
	v62 =	vor.u32 v31, v19;
	v40 =	vld.idx.msk [tilespmem:v59+s15+$0x0], $0xffff;
	v59 =	vor.u32 v10, v34  }
0x189: {  	v60 =	vor.u32 v30, v19;
	[tilespmem:v52+s23+$0x0] =	vst.idx.msk $0xffff, v37;
	v52 =	vor.u32 v10, v32;
	v63 =	vld.idx.msk [tilespmem:v53+s15+$0x0], $0xffff  }
0x18a: {  	v53 =	vor.u32 v11, v26;
	v46 =	vld.idx.msk [tilespmem:v54+s15+$0x0], $0xffff;
	v54 =	vor.u32 v28, v19;
	[tilespmem:v55+s23+$0x0] =	vst.idx.msk $0xffff, v47  }
0x18b: {  	[tilespmem:v57+s23+$0x0] =	vst.idx.msk $0xffff, v38;
	v55 =	vor.u32 v24, v20;
	v49 =	vld.idx.msk [tilespmem:v56+s15+$0x0], $0xffff;
	v56 =	vor.u32 v11, v29  }
0x18c: {  	v57 =	vor.u32 v25, v20;
	[tilespmem:v61+s23+$0x0] =	vst.idx.msk $0xffff, v36;
	v39 =	vld.idx.msk [tilespmem:v58+s15+$0x0], $0xffff;
	v58 =	vor.u32 v11, v33  }
0x18d: {  	v37 =	vld.idx.msk [tilespmem:v62+s15+$0x0], $0xffff;
	v62 =	vor.u32 v11, v35;
	[tilespmem:v59+s23+$0x0] =	vst.idx.msk $0xffff, v40;
	v59 =	vor.u32 v27, v20  }
0x18e: {  	[tilespmem:v52+s23+$0x0] =	vst.idx.msk $0xffff, v63;
	v63 =	vor.u32 v31, v20;
	v42 =	vld.idx.msk [tilespmem:v60+s15+$0x0], $0xffff;
	v60 =	vor.u32 v11, v34  }
0x18f: {  	v61 =	vor.u32 v30, v20;
	[tilespmem:v53+s23+$0x0] =	vst.idx.msk $0xffff, v46;
	v52 =	vld.idx.msk [tilespmem:v54+s15+$0x0], $0xffff;
	v53 =	vor.u32 v11, v32  }
0x190: {  	v54 =	vor.u32 v12, v26;
	v38 =	vld.idx.msk [tilespmem:v55+s15+$0x0], $0xffff;
	v55 =	vor.u32 v28, v20;
	[tilespmem:v56+s23+$0x0] =	vst.idx.msk $0xffff, v49  }
0x191: {  	v56 =	vor.u32 v24, v21;
	[tilespmem:v58+s23+$0x0] =	vst.idx.msk $0xffff, v39;
	v40 =	vld.idx.msk [tilespmem:v57+s15+$0x0], $0xffff;
	v57 =	vor.u32 v12, v29  }
0x192: {  	[tilespmem:v62+s23+$0x0] =	vst.idx.msk $0xffff, v37;
	v58 =	vor.u32 v25, v21;
	v36 =	vld.idx.msk [tilespmem:v59+s15+$0x0], $0xffff;
	v59 =	vor.u32 v12, v33  }
0x193: {  	v46 =	vld.idx.msk [tilespmem:v63+s15+$0x0], $0xffff;
	v63 =	vor.u32 v12, v35;
	[tilespmem:v60+s23+$0x0] =	vst.idx.msk $0xffff, v42;
	v60 =	vor.u32 v27, v21  }
0x194: {  	[tilespmem:v53+s23+$0x0] =	vst.idx.msk $0xffff, v52;
	v52 =	vor.u32 v31, v21;
	v44 =	vld.idx.msk [tilespmem:v61+s15+$0x0], $0xffff;
	v61 =	vor.u32 v12, v34  }
0x195: {  	v62 =	vor.u32 v30, v21;
	[tilespmem:v54+s23+$0x0] =	vst.idx.msk $0xffff, v38;
	v53 =	vld.idx.msk [tilespmem:v55+s15+$0x0], $0xffff;
	v54 =	vor.u32 v12, v32  }
0x196: {  	v55 =	vor.u32 v13, v26;
	v39 =	vld.idx.msk [tilespmem:v56+s15+$0x0], $0xffff;
	v56 =	vor.u32 v28, v21;
	[tilespmem:v57+s23+$0x0] =	vst.idx.msk $0xffff, v40  }
0x197: {  	v57 =	vor.u32 v24, v22;
	[tilespmem:v59+s23+$0x0] =	vst.idx.msk $0xffff, v36;
	v42 =	vld.idx.msk [tilespmem:v58+s15+$0x0], $0xffff;
	v58 =	vor.u32 v13, v29  }
0x198: {  	[tilespmem:v63+s23+$0x0] =	vst.idx.msk $0xffff, v46;
	v59 =	vor.u32 v25, v22;
	v37 =	vld.idx.msk [tilespmem:v60+s15+$0x0], $0xffff;
	v60 =	vor.u32 v13, v33  }
0x199: {  	v38 =	vld.idx.msk [tilespmem:v52+s15+$0x0], $0xffff;
	[tilespmem:v61+s23+$0x0] =	vst.idx.msk $0xffff, v44;
	v61 =	vor.u32 v27, v22  }
0x19a: {  	v52 =	vor.u32 v13, v35;
	[tilespmem:v54+s23+$0x0] =	vst.idx.msk $0xffff, v53;
	v47 =	vld.idx.msk [tilespmem:v62+s15+$0x0], $0xffff  }
0x19b: {  	v53 =	vor.u32 v31, v22;
	v62 =	vor.u32 v13, v34;
	[tilespmem:v55+s23+$0x0] =	vst.idx.msk $0xffff, v39;
	v54 =	vld.idx.msk [tilespmem:v56+s15+$0x0], $0xffff  }
0x19c: {  	v63 =	vor.u32 v30, v22;
	v56 =	vor.u32 v14, v26;
	v36 =	vld.idx.msk [tilespmem:v57+s15+$0x0], $0xffff;
	[tilespmem:v58+s23+$0x0] =	vst.idx.msk $0xffff, v42  }
0x19d: {  	v24 =	vor.u32 v24, v23;
	v58 =	vor.u32 v14, v29;
	v44 =	vld.idx.msk [tilespmem:v59+s15+$0x0], $0xffff;
	[tilespmem:v60+s23+$0x0] =	vst.idx.msk $0xffff, v37  }
0x19e: {  	v25 =	vor.u32 v25, v23;
	v59 =	vor.u32 v14, v33;
	v45 =	vld.idx.msk [tilespmem:v61+s15+$0x0], $0xffff  }
0x19f: {  	v27 =	vor.u32 v27, v23;
	v55 =	vor.u32 v13, v32;
	[tilespmem:v52+s23+$0x0] =	vst.idx.msk $0xffff, v38  }
0x1a0: {  	v57 =	vor.u32 v28, v22;
	v38 =	vld.idx.msk [tilespmem:v53+s15+$0x0], $0xffff;
	v61 =	vor.u32 v14, v35;
	[tilespmem:v62+s23+$0x0] =	vst.idx.msk $0xffff, v47  }
0x1a1: {  	v31 =	vor.u32 v31, v23;
	v60 =	vor.u32 v14, v34;
	v47 =	vld.idx.msk [tilespmem:v63+s15+$0x0], $0xffff;
	[tilespmem:v56+s23+$0x0] =	vst.idx.msk $0xffff, v36  }
0x1a2: {  	v30 =	vor.u32 v30, v23;
	v26 =	vor.u32 v15, v26;
	v24 =	vld.idx.msk [tilespmem:v24+s15+$0x0], $0xffff;
	[tilespmem:v58+s23+$0x0] =	vst.idx.msk $0xffff, v44  }
0x1a3: {  	s31 =	sadd.s32 $0xA, s30;
	v51 =	vor.u32 v15, v32;
	v29 =	vor.u32 v15, v29;
	v25 =	vld.idx.msk [tilespmem:v25+s15+$0x0], $0xffff;
	[tilespmem:v59+s23+$0x0] =	vst.idx.msk $0xffff, v45  }
0x1a4: {  	v49 =	vadd.s32 s31, v0;
	v33 =	vor.u32 v15, v33;
	[tilespmem:v55+s23+$0x0] =	vst.idx.msk $0xffff, v54;
	v27 =	vld.idx.msk [tilespmem:v27+s15+$0x0], $0xffff  }
0x1a5: {  	s31 =	sadd.s32 $0xB, s30;
	v28 =	vor.u32 v28, v23;
	v62 =	vld.idx.msk [tilespmem:v57+s15+$0x0], $0xffff;
	v63 =	vor.u32 v14, v32;
	[tilespmem:v61+s23+$0x0] =	vst.idx.msk $0xffff, v38  }
0x1a6: {  	v52 =	vadd.s32 s31, v0;
	s31 =	sadd.s32 $0xC, s30;
	v35 =	vor.u32 v15, v35;
	v31 =	vld.idx.msk [tilespmem:v31+s15+$0x0], $0xffff;
	[tilespmem:v60+s23+$0x0] =	vst.idx.msk $0xffff, v47  }
0x1a7: {  	v34 =	vor.u32 v15, v34;
	v53 =	vadd.s32 s31, v0;
	s31 =	sadd.s32 $0xD, s30;
	v30 =	vld.idx.msk [tilespmem:v30+s15+$0x0], $0xffff;
	[tilespmem:v26+s23+$0x0] =	vst.idx.msk $0xffff, v24;
	v24 =	vand.u32 $0x3F, v49  }
0x1a8: {  	v54 =	vadd.s32 s31, v0;
	s31 =	sadd.s32 $0xE, s30;
	v36 =	vor.u32 v24, v16;
	[tilespmem:v29+s23+$0x0] =	vst.idx.msk $0xffff, v25;
	v25 =	vand.u32 $0x3F, v52  }
0x1a9: {  	v56 =	vadd.s32 s31, v0;
	s31 =	sadd.s32 $0xF, s30;
	[tilespmem:v33+s23+$0x0] =	vst.idx.msk $0xffff, v27;
	v32 =	vor.u32 v25, v16;
	v27 =	vand.u32 $0x3F, v53  }
0x1aa: {  	v58 =	vadd.s32 s31, v0;
	[tilespmem:v63+s23+$0x0] =	vst.idx.msk $0xffff, v62;
	v29 =	vand.u32 $0x3F, v54;
	v55 =	vor.u32 v27, v16  }
0x1ab: {  	v50 =	vld.idx.msk [tilespmem:v28+s15+$0x0], $0xffff;
	v26 =	vshll.u32 v24, $0x7;
	[tilespmem:v35+s23+$0x0] =	vst.idx.msk $0xffff, v31;
	v57 =	vor.u32 v29, v16;
	v31 =	vand.u32 $0x3F, v56  }
0x1ac: {  	v62 =	vor.u32 v24, v17;
	v59 =	vor.u32 v31, v16;
	[tilespmem:v34+s23+$0x0] =	vst.idx.msk $0xffff, v30;
	v30 =	vand.u32 $0x3F, v58  }
0x1ad: {  	v60 =	vor.u32 v0, v26;
	v28 =	vshll.u32 v25, $0x7;
	v36 =	vld.idx.msk [tilespmem:v36+s15+$0x0], $0xffff;
	v61 =	vor.u32 v30, v16  }
0x1ae: {  	v42 =	vor.u32 v25, v17;
	v52 =	vor.u32 v0, v28;
	v63 =	vld.idx.msk [tilespmem:v32+s15+$0x0], $0xffff;
	v32 =	vshll.u32 v27, $0x7  }
0x1af: {  	v33 =	vshll.u32 v29, $0x7;
	v48 =	vor.u32 v29, v17;
	v53 =	vld.idx.msk [tilespmem:v55+s15+$0x0], $0xffff;
	v54 =	vor.u32 v0, v32  }
0x1b0: {  	v45 =	vor.u32 v27, v17;
	v56 =	vor.u32 v0, v33;
	v34 =	vshll.u32 v31, $0x7;
	v55 =	vld.idx.msk [tilespmem:v57+s15+$0x0], $0xffff  }
0x1b1: {  	[tilespmem:v51+s23+$0x0] =	vst.idx.msk $0xffff, v50;
	v58 =	vor.u32 v0, v34;
	v35 =	vshll.u32 v30, $0x7;
	v57 =	vld.idx.msk [tilespmem:v59+s15+$0x0], $0xffff  }
0x1b2: {  	v59 =	vor.u32 v31, v17;
	[tilespmem:v60+s23+$0x0] =	vst.idx.msk $0xffff, v36;
	v60 =	vld.idx.msk [tilespmem:v61+s15+$0x0], $0xffff;
	v61 =	vor.u32 v0, v35  }
0x1b3: {  	v39 =	vld.idx.msk [tilespmem:v62+s15+$0x0], $0xffff;
	v62 =	vor.u32 v9, v26;
	[tilespmem:v52+s23+$0x0] =	vst.idx.msk $0xffff, v63;
	v63 =	vor.u32 v30, v17  }
0x1b4: {  	v52 =	vor.u32 v24, v18;
	[tilespmem:v54+s23+$0x0] =	vst.idx.msk $0xffff, v53;
	v42 =	vld.idx.msk [tilespmem:v42+s15+$0x0], $0xffff;
	v53 =	vor.u32 v9, v28  }
0x1b5: {  	[tilespmem:v56+s23+$0x0] =	vst.idx.msk $0xffff, v55;
	v54 =	vor.u32 v25, v18;
	v55 =	vor.u32 v9, v32;
	v45 =	vld.idx.msk [tilespmem:v45+s15+$0x0], $0xffff  }
0x1b6: {  	[tilespmem:v58+s23+$0x0] =	vst.idx.msk $0xffff, v57;
	v56 =	vor.u32 v27, v18;
	v57 =	vor.u32 v9, v33;
	v48 =	vld.idx.msk [tilespmem:v48+s15+$0x0], $0xffff  }
0x1b7: {  	v58 =	vor.u32 v29, v18;
	v36 =	vld.idx.msk [tilespmem:v59+s15+$0x0], $0xffff;
	v59 =	vor.u32 v9, v34;
	[tilespmem:v61+s23+$0x0] =	vst.idx.msk $0xffff, v60  }
0x1b8: {  	v60 =	vor.u32 v31, v18;
	[tilespmem:v62+s23+$0x0] =	vst.idx.msk $0xffff, v39;
	v62 =	vor.u32 v9, v35;
	v61 =	vld.idx.msk [tilespmem:v63+s15+$0x0], $0xffff  }
0x1b9: {  	v43 =	vld.idx.msk [tilespmem:v52+s15+$0x0], $0xffff;
	v63 =	vor.u32 v10, v26;
	v52 =	vor.u32 v30, v18;
	[tilespmem:v53+s23+$0x0] =	vst.idx.msk $0xffff, v42  }
0x1ba: {  	v53 =	vor.u32 v24, v19;
	[tilespmem:v55+s23+$0x0] =	vst.idx.msk $0xffff, v45;
	v46 =	vld.idx.msk [tilespmem:v54+s15+$0x0], $0xffff;
	v54 =	vor.u32 v10, v28  }
0x1bb: {  	[tilespmem:v57+s23+$0x0] =	vst.idx.msk $0xffff, v48;
	v55 =	vor.u32 v25, v19;
	v49 =	vld.idx.msk [tilespmem:v56+s15+$0x0], $0xffff;
	v56 =	vor.u32 v10, v32  }
0x1bc: {  	[tilespmem:v59+s23+$0x0] =	vst.idx.msk $0xffff, v36;
	v57 =	vor.u32 v27, v19;
	v37 =	vld.idx.msk [tilespmem:v58+s15+$0x0], $0xffff;
	v58 =	vor.u32 v10, v33  }
0x1bd: {  	v59 =	vor.u32 v29, v19;
	v39 =	vld.idx.msk [tilespmem:v60+s15+$0x0], $0xffff;
	v60 =	vor.u32 v10, v34;
	[tilespmem:v62+s23+$0x0] =	vst.idx.msk $0xffff, v61  }
0x1be: {  	[tilespmem:v63+s23+$0x0] =	vst.idx.msk $0xffff, v43;
	v61 =	vor.u32 v31, v19;
	v63 =	vor.u32 v10, v35;
	v62 =	vld.idx.msk [tilespmem:v52+s15+$0x0], $0xffff  }
0x1bf: {  	v45 =	vld.idx.msk [tilespmem:v53+s15+$0x0], $0xffff;
	v52 =	vor.u32 v11, v26;
	v53 =	vor.u32 v30, v19;
	[tilespmem:v54+s23+$0x0] =	vst.idx.msk $0xffff, v46  }
0x1c0: {  	v54 =	vor.u32 v24, v20;
	[tilespmem:v56+s23+$0x0] =	vst.idx.msk $0xffff, v49;
	v48 =	vld.idx.msk [tilespmem:v55+s15+$0x0], $0xffff;
	v55 =	vor.u32 v11, v28  }
0x1c1: {  	[tilespmem:v58+s23+$0x0] =	vst.idx.msk $0xffff, v37;
	v56 =	vor.u32 v25, v20;
	v36 =	vld.idx.msk [tilespmem:v57+s15+$0x0], $0xffff;
	v57 =	vor.u32 v11, v32  }
0x1c2: {  	[tilespmem:v60+s23+$0x0] =	vst.idx.msk $0xffff, v39;
	v58 =	vor.u32 v27, v20;
	v40 =	vld.idx.msk [tilespmem:v59+s15+$0x0], $0xffff;
	v59 =	vor.u32 v11, v33  }
0x1c3: {  	v60 =	vor.u32 v29, v20;
	v42 =	vld.idx.msk [tilespmem:v61+s15+$0x0], $0xffff;
	v61 =	vor.u32 v11, v34;
	[tilespmem:v63+s23+$0x0] =	vst.idx.msk $0xffff, v62  }
0x1c4: {  	[tilespmem:v52+s23+$0x0] =	vst.idx.msk $0xffff, v45;
	v62 =	vor.u32 v31, v20;
	v52 =	vor.u32 v11, v35;
	v63 =	vld.idx.msk [tilespmem:v53+s15+$0x0], $0xffff  }
0x1c5: {  	v49 =	vld.idx.msk [tilespmem:v54+s15+$0x0], $0xffff;
	v53 =	vor.u32 v12, v26;
	v54 =	vor.u32 v30, v20;
	[tilespmem:v55+s23+$0x0] =	vst.idx.msk $0xffff, v48  }
0x1c6: {  	v55 =	vor.u32 v24, v21;
	[tilespmem:v57+s23+$0x0] =	vst.idx.msk $0xffff, v36;
	v37 =	vld.idx.msk [tilespmem:v56+s15+$0x0], $0xffff;
	v56 =	vor.u32 v12, v28  }
0x1c7: {  	[tilespmem:v59+s23+$0x0] =	vst.idx.msk $0xffff, v40;
	v57 =	vor.u32 v25, v21;
	v39 =	vld.idx.msk [tilespmem:v58+s15+$0x0], $0xffff;
	v58 =	vor.u32 v12, v32  }
0x1c8: {  	v59 =	vor.u32 v27, v21;
	[tilespmem:v61+s23+$0x0] =	vst.idx.msk $0xffff, v42;
	v43 =	vld.idx.msk [tilespmem:v60+s15+$0x0], $0xffff;
	v60 =	vor.u32 v12, v33  }
0x1c9: {  	v61 =	vor.u32 v29, v21;
	v45 =	vld.idx.msk [tilespmem:v62+s15+$0x0], $0xffff;
	v62 =	vor.u32 v12, v34;
	[tilespmem:v52+s23+$0x0] =	vst.idx.msk $0xffff, v63  }
0x1ca: {  	[tilespmem:v53+s23+$0x0] =	vst.idx.msk $0xffff, v49;
	v63 =	vor.u32 v31, v21;
	v53 =	vor.u32 v12, v35;
	v52 =	vld.idx.msk [tilespmem:v54+s15+$0x0], $0xffff  }
0x1cb: {  	v36 =	vld.idx.msk [tilespmem:v55+s15+$0x0], $0xffff;
	v54 =	vor.u32 v13, v26;
	v55 =	vor.u32 v30, v21;
	[tilespmem:v56+s23+$0x0] =	vst.idx.msk $0xffff, v37  }
0x1cc: {  	v56 =	vor.u32 v24, v22;
	[tilespmem:v58+s23+$0x0] =	vst.idx.msk $0xffff, v39;
	v40 =	vld.idx.msk [tilespmem:v57+s15+$0x0], $0xffff;
	v57 =	vor.u32 v13, v28  }
0x1cd: {  	[tilespmem:v60+s23+$0x0] =	vst.idx.msk $0xffff, v43;
	v58 =	vor.u32 v25, v22;
	v42 =	vld.idx.msk [tilespmem:v59+s15+$0x0], $0xffff;
	v59 =	vor.u32 v13, v32  }
0x1ce: {  	v60 =	vor.u32 v27, v22;
	[tilespmem:v62+s23+$0x0] =	vst.idx.msk $0xffff, v45;
	v46 =	vld.idx.msk [tilespmem:v61+s15+$0x0], $0xffff;
	v61 =	vor.u32 v13, v33  }
0x1cf: {  	v62 =	vor.u32 v29, v22;
	v48 =	vld.idx.msk [tilespmem:v63+s15+$0x0], $0xffff;
	v63 =	vor.u32 v13, v34;
	[tilespmem:v53+s23+$0x0] =	vst.idx.msk $0xffff, v52  }
0x1d0: {  	v51 =	vor.u32 v31, v22;
	[tilespmem:v54+s23+$0x0] =	vst.idx.msk $0xffff, v36;
	v53 =	vor.u32 v13, v35;
	v52 =	vld.idx.msk [tilespmem:v55+s15+$0x0], $0xffff  }
0x1d1: {  	v54 =	vor.u32 v14, v26;
	v39 =	vld.idx.msk [tilespmem:v56+s15+$0x0], $0xffff;
	v55 =	vor.u32 v30, v22;
	[tilespmem:v57+s23+$0x0] =	vst.idx.msk $0xffff, v40  }
0x1d2: {  	v24 =	vor.u32 v24, v23;
	v57 =	vor.u32 v14, v28;
	[tilespmem:v59+s23+$0x0] =	vst.idx.msk $0xffff, v42;
	v56 =	vld.idx.msk [tilespmem:v58+s15+$0x0], $0xffff  }
0x1d3: {  	v25 =	vor.u32 v25, v23;
	[tilespmem:v61+s23+$0x0] =	vst.idx.msk $0xffff, v46;
	v58 =	vor.u32 v14, v32;
	v44 =	vld.idx.msk [tilespmem:v60+s15+$0x0], $0xffff  }
0x1d4: {  	v27 =	vor.u32 v27, v23;
	v59 =	vor.u32 v14, v33;
	[tilespmem:v63+s23+$0x0] =	vst.idx.msk $0xffff, v48;
	v46 =	vld.idx.msk [tilespmem:v62+s15+$0x0], $0xffff  }
0x1d5: {  	v29 =	vor.u32 v29, v23;
	v60 =	vor.u32 v14, v34;
	v36 =	vld.idx.msk [tilespmem:v51+s15+$0x0], $0xffff;
	[tilespmem:v53+s23+$0x0] =	vst.idx.msk $0xffff, v52  }
0x1d6: {  	v31 =	vor.u32 v31, v23;
	v61 =	vor.u32 v14, v35;
	[tilespmem:v54+s23+$0x0] =	vst.idx.msk $0xffff, v39;
	v38 =	vld.idx.msk [tilespmem:v55+s15+$0x0], $0xffff  }
0x1d7: {  	v26 =	vor.u32 v15, v26;
	v30 =	vor.u32 v30, v23;
	v24 =	vld.idx.msk [tilespmem:v24+s15+$0x0], $0xffff;
	[tilespmem:v57+s23+$0x0] =	vst.idx.msk $0xffff, v56  }
0x1d8: {  	v28 =	vor.u32 v15, v28;
	[tilespmem:v58+s23+$0x0] =	vst.idx.msk $0xffff, v44;
	v25 =	vld.idx.msk [tilespmem:v25+s15+$0x0], $0xffff  }
0x1d9: {  	v32 =	vor.u32 v15, v32;
	[tilespmem:v59+s23+$0x0] =	vst.idx.msk $0xffff, v46;
	v27 =	vld.idx.msk [tilespmem:v27+s15+$0x0], $0xffff  }
0x1da: {  	v33 =	vor.u32 v15, v33;
	[tilespmem:v60+s23+$0x0] =	vst.idx.msk $0xffff, v36;
	v29 =	vld.idx.msk [tilespmem:v29+s15+$0x0], $0xffff  }
0x1db: {  	v34 =	vor.u32 v15, v34;
	v31 =	vld.idx.msk [tilespmem:v31+s15+$0x0], $0xffff;
	[tilespmem:v61+s23+$0x0] =	vst.idx.msk $0xffff, v38  }
0x1dc: {  	p0 =	slt.u32 s30, $0x30;
	v63 =	vor.u32 v15, v35;
	[tilespmem:v26+s23+$0x0] =	vst.idx.msk $0xffff, v24;
	v62 =	vld.idx.msk [tilespmem:v30+s15+$0x0], $0xffff  }
.Ltmp1:
0x1dd: {  	[tilespmem:v28+s23+$0x0] =	vst.idx.msk $0xffff, v25;
	(pc) =	sbr.rel @p0 .LBB2_5-.Ltmp1, $4  }
0x1de: {  	[tilespmem:v32+s23+$0x0] =	vst.idx.msk $0xffff, v27  }
0x1df: {  	[tilespmem:v33+s23+$0x0] =	vst.idx.msk $0xffff, v29  }
0x1e0: {  	[tilespmem:v34+s23+$0x0] =	vst.idx.msk $0xffff, v31  }
0x1e1: {  	s30 =	sadd.s32 $0x10, s30;
	[tilespmem:v63+s23+$0x0] =	vst.idx.msk $0xffff, v62  }
0x1e2: {  	s29 =	sshll.u32 s29, $0x12  }
0x1e3: {  	s29 =	sor.u32 s4, s29  }
0x1e4: {  	s29 =	sshrl.u32 s29, $0x3  }
0x1e5: {  	p0 =	seq.s32 s12, $0x31;
	s29 =	sadd.s32 s1, s29  }
0x1e6: {  	[hbm4b:s29+s8] =	stream.strided.scatter [tilespmem:s23], [sflag:$0x6], $0x2000, s9, s8, $0x38;
	[tilespmem:$0x1E600] =	vst v63  }
0x1e7: {  	s29 =	simm.s32 @!p0 $0x5  }
0x1e8: {  	_ =	swait.ge @!p0 [sflag:s29], $0x2000  }
0x1e9: {  	[sflag:s29] =	ssyncset.done @!p0 $0x0  }
0x1ea: {  	[sflag:s29] =	ssyncadd.s32 @!p0 $0xFFFFE000  }
0x1eb: {  	v16 =	vld @!p0 [tilespmem:s6+$0x200];
	_ =	sdelay $0x4  }
0x1ec: {  	v16 =	vshrl.u32 @!p0 v16, $0x1  }
0x1ed: {  	[tilespmem:$0x6400] =	vst @!p0 v16  }
0x1ee: {  	v16 =	vld @!p0 [tilespmem:s6+$0x210];
	_ =	sdelay $0x4  }
0x1ef: {  	v16 =	vshrl.u32 @!p0 v16, $0x1  }
0x1f0: {  	[tilespmem:$0x6410] =	vst @!p0 v16  }
0x1f1: {  	v16 =	vld @!p0 [tilespmem:s6+$0x220];
	_ =	sdelay $0x4  }
0x1f2: {  	v16 =	vshrl.u32 @!p0 v16, $0x1  }
0x1f3: {  	[tilespmem:$0x6420] =	vst @!p0 v16  }
0x1f4: {  	v16 =	vld @!p0 [tilespmem:s6+$0x230];
	_ =	sdelay $0x4  }
0x1f5: {  	v16 =	vshrl.u32 @!p0 v16, $0x1  }
0x1f6: {  	[tilespmem:$0x6430] =	vst @!p0 v16  }
0x1f7: {  	v16 =	vld @!p0 [tilespmem:s6+$0x240];
	_ =	sdelay $0x4  }
0x1f8: {  	v16 =	vshrl.u32 @!p0 v16, $0x1  }
0x1f9: {  	[tilespmem:$0x6440] =	vst @!p0 v16  }
0x1fa: {  	v16 =	vld @!p0 [tilespmem:s6+$0x250];
	_ =	sdelay $0x4  }
0x1fb: {  	v16 =	vshrl.u32 @!p0 v16, $0x1  }
0x1fc: {  	[tilespmem:$0x6450] =	vst @!p0 v16  }
0x1fd: {  	v16 =	vld @!p0 [tilespmem:s6+$0x260];
	_ =	sdelay $0x4  }
0x1fe: {  	v16 =	vshrl.u32 @!p0 v16, $0x1  }
0x1ff: {  	[tilespmem:$0x6460] =	vst @!p0 v16  }
0x200: {  	v16 =	vld @!p0 [tilespmem:s6+$0x270];
	_ =	sdelay $0x4  }
0x201: {  	v16 =	vshrl.u32 @!p0 v16, $0x1  }
0x202: {  	s30 =	simm.s32 @!p0 $0x6400;
	s31 =	simm.s32 @!p0 $0x6600;
	s29 =	simm.s32 @!p0 $0x80;
	[tilespmem:$0x6470] =	vst @!p0 v16  }
0x203: {  	[tilespmem:s31], [sflag:$0x1] =	stream.indirect.gather @!p0 [hbm4b:s5+s29], $0x80, s30, s29, $0xb8;
	[tilespmem:$0x1E600] =	vst v63  }
0x204: {  	_ =	swait.ge [sflag:s24], $0x4000  }
0x205: {  	[sflag:s24] =	ssyncset.done $0x0  }
0x206: {  	[sflag:s24] =	ssyncadd.s32 $0xFFFFC000  }
0x207: {  	v16 =	vld [tilespmem:s7+$0x0]  }
0x208: {  	v17 =	vld [tilespmem:s7+$0x10]  }
0x209: {  	v18 =	vld [tilespmem:s7+$0x20]  }
0x20a: {  	v19 =	vld [tilespmem:s7+$0x30]  }
0x20b: {  	v20 =	vld [tilespmem:s7+$0x40]  }
0x20c: {  	v21 =	vld [tilespmem:s7+$0x50]  }
0x20d: {  	v22 =	vld [tilespmem:s7+$0x60]  }
0x20e: {  	v23 =	vld [tilespmem:s7+$0x70];
	_ =	sdelay $0x2  }
0x20f: {  	v16 =	vshll.u32 v16, $0x6;
	v17 =	vshll.u32 v17, $0x6;
	v18 =	vshll.u32 v18, $0x6  }
0x210: {  	v19 =	vshll.u32 v19, $0x6;
	v20 =	vshll.u32 v20, $0x6;
	v21 =	vshll.u32 v21, $0x6  }
0x211: {  	v22 =	vshll.u32 v22, $0x6;
	v23 =	vshll.u32 v23, $0x6;
	v16 =	vand.u32 $0x40, v16  }
0x212: {  	v17 =	vand.u32 $0x40, v17;
	v18 =	vand.u32 $0x40, v18;
	v19 =	vand.u32 $0x40, v19  }
0x213: {  	v20 =	vand.u32 $0x40, v20;
	v21 =	vand.u32 $0x40, v21;
	v22 =	vand.u32 $0x40, v22  }
0x214: {  	v23 =	vand.u32 $0x40, v23;
	v16 =	vor.u32 v1, v16;
	v17 =	vor.u32 v2, v17  }
0x215: {  	v18 =	vor.u32 v3, v18;
	v19 =	vor.u32 v4, v19;
	v20 =	vor.u32 v5, v20  }
0x216: {  	s7 =	simm.s32 $0x0;
	v21 =	vor.u32 v6, v21;
	v22 =	vor.u32 v7, v22;
	v23 =	vor.u32 v8, v23  }
.LBB2_7:
0x217: {  	s29 =	sadd.s32 $0x1, s7;
	v24 =	vor.u32 s7, v0  }
0x218: {  	s31 =	sadd.s32 $0x3, s7;
	v25 =	vadd.s32 s29, v0;
	v26 =	vor.u32 v24, v16  }
0x219: {  	s30 =	sadd.s32 $0x2, s7;
	v29 =	vadd.s32 s31, v0;
	v25 =	vand.u32 $0x3F, v25  }
0x21a: {  	v27 =	vadd.s32 s30, v0;
	v29 =	vand.u32 $0x3F, v29;
	v28 =	vor.u32 v25, v16  }
0x21b: {  	v27 =	vand.u32 $0x3F, v27;
	v31 =	vor.u32 v29, v16  }
0x21c: {  	v32 =	vshll.u32 v24, $0x7;
	v30 =	vor.u32 v27, v16  }
0x21d: {  	v33 =	vor.u32 v0, v32;
	v26 =	vld.idx.msk [tilespmem:v26+s17+$0x0], $0xffff  }
0x21e: {  	v35 =	vor.u32 v24, v17;
	v34 =	vshll.u32 v25, $0x7  }
0x21f: {  	v40 =	vshll.u32 v29, $0x7;
	v36 =	vor.u32 v0, v34;
	v28 =	vld.idx.msk [tilespmem:v28+s17+$0x0], $0xffff  }
0x220: {  	v37 =	vshll.u32 v27, $0x7;
	v38 =	vor.u32 v25, v17;
	v42 =	vor.u32 v0, v40;
	v31 =	vld.idx.msk [tilespmem:v31+s17+$0x0], $0xffff  }
0x221: {  	v43 =	vor.u32 v29, v17;
	v39 =	vor.u32 v0, v37;
	v30 =	vld.idx.msk [tilespmem:v30+s17+$0x0], $0xffff  }
0x222: {  	v41 =	vor.u32 v27, v17;
	[tilespmem:v33+s25+$0x0] =	vst.idx.msk $0xffff, v26  }
0x223: {  	v48 =	vor.u32 v9, v32;
	v26 =	vld.idx.msk [tilespmem:v35+s17+$0x0], $0xffff  }
0x224: {  	v49 =	vor.u32 v24, v18;
	[tilespmem:v36+s25+$0x0] =	vst.idx.msk $0xffff, v28  }
0x225: {  	v51 =	vor.u32 v9, v34;
	[tilespmem:v42+s25+$0x0] =	vst.idx.msk $0xffff, v31;
	v50 =	vld.idx.msk [tilespmem:v38+s17+$0x0], $0xffff  }
0x226: {  	v52 =	vor.u32 v25, v18;
	v57 =	vor.u32 v9, v40;
	[tilespmem:v39+s25+$0x0] =	vst.idx.msk $0xffff, v30;
	v56 =	vld.idx.msk [tilespmem:v43+s17+$0x0], $0xffff  }
0x227: {  	v58 =	vor.u32 v29, v18;
	v54 =	vor.u32 v9, v37;
	v53 =	vld.idx.msk [tilespmem:v41+s17+$0x0], $0xffff  }
0x228: {  	v55 =	vor.u32 v27, v18;
	[tilespmem:v48+s25+$0x0] =	vst.idx.msk $0xffff, v26  }
0x229: {  	v59 =	vor.u32 v10, v32;
	v26 =	vld.idx.msk [tilespmem:v49+s17+$0x0], $0xffff  }
0x22a: {  	v60 =	vor.u32 v24, v19;
	[tilespmem:v51+s25+$0x0] =	vst.idx.msk $0xffff, v50  }
0x22b: {  	v61 =	vor.u32 v10, v34;
	[tilespmem:v57+s25+$0x0] =	vst.idx.msk $0xffff, v56;
	v30 =	vld.idx.msk [tilespmem:v52+s17+$0x0], $0xffff  }
0x22c: {  	v62 =	vor.u32 v25, v19;
	v46 =	vor.u32 v10, v40;
	[tilespmem:v54+s25+$0x0] =	vst.idx.msk $0xffff, v53;
	v41 =	vld.idx.msk [tilespmem:v58+s17+$0x0], $0xffff  }
0x22d: {  	v47 =	vor.u32 v29, v19;
	v63 =	vor.u32 v10, v37;
	v31 =	vld.idx.msk [tilespmem:v55+s17+$0x0], $0xffff  }
0x22e: {  	v45 =	vor.u32 v27, v19;
	[tilespmem:v59+s25+$0x0] =	vst.idx.msk $0xffff, v26  }
0x22f: {  	v48 =	vor.u32 v11, v32;
	v26 =	vld.idx.msk [tilespmem:v60+s17+$0x0], $0xffff  }
0x230: {  	v49 =	vor.u32 v24, v20;
	[tilespmem:v61+s25+$0x0] =	vst.idx.msk $0xffff, v30  }
0x231: {  	v51 =	vor.u32 v11, v34;
	[tilespmem:v46+s25+$0x0] =	vst.idx.msk $0xffff, v41;
	v50 =	vld.idx.msk [tilespmem:v62+s17+$0x0], $0xffff  }
0x232: {  	v56 =	vor.u32 v11, v40;
	v52 =	vor.u32 v25, v20;
	[tilespmem:v63+s25+$0x0] =	vst.idx.msk $0xffff, v31;
	v41 =	vld.idx.msk [tilespmem:v47+s17+$0x0], $0xffff  }
0x233: {  	v54 =	vor.u32 v11, v37;
	v57 =	vor.u32 v29, v20;
	v53 =	vld.idx.msk [tilespmem:v45+s17+$0x0], $0xffff  }
0x234: {  	v55 =	vor.u32 v27, v20;
	[tilespmem:v48+s25+$0x0] =	vst.idx.msk $0xffff, v26  }
0x235: {  	v58 =	vor.u32 v12, v32;
	v26 =	vld.idx.msk [tilespmem:v49+s17+$0x0], $0xffff  }
0x236: {  	v59 =	vor.u32 v24, v21;
	[tilespmem:v51+s25+$0x0] =	vst.idx.msk $0xffff, v50  }
0x237: {  	v60 =	vor.u32 v12, v34;
	[tilespmem:v56+s25+$0x0] =	vst.idx.msk $0xffff, v41;
	v31 =	vld.idx.msk [tilespmem:v52+s17+$0x0], $0xffff  }
0x238: {  	v61 =	vor.u32 v25, v21;
	v45 =	vor.u32 v12, v40;
	[tilespmem:v54+s25+$0x0] =	vst.idx.msk $0xffff, v53;
	v41 =	vld.idx.msk [tilespmem:v57+s17+$0x0], $0xffff  }
0x239: {  	v46 =	vor.u32 v29, v21;
	v62 =	vor.u32 v12, v37;
	v36 =	vld.idx.msk [tilespmem:v55+s17+$0x0], $0xffff  }
0x23a: {  	v63 =	vor.u32 v27, v21;
	[tilespmem:v58+s25+$0x0] =	vst.idx.msk $0xffff, v26  }
0x23b: {  	v47 =	vor.u32 v13, v32;
	v26 =	vld.idx.msk [tilespmem:v59+s17+$0x0], $0xffff  }
0x23c: {  	v48 =	vor.u32 v24, v22;
	[tilespmem:v60+s25+$0x0] =	vst.idx.msk $0xffff, v31  }
0x23d: {  	v49 =	vor.u32 v13, v34;
	[tilespmem:v45+s25+$0x0] =	vst.idx.msk $0xffff, v41;
	v31 =	vld.idx.msk [tilespmem:v61+s17+$0x0], $0xffff  }
0x23e: {  	v50 =	vor.u32 v25, v22;
	v53 =	vor.u32 v13, v40;
	[tilespmem:v62+s25+$0x0] =	vst.idx.msk $0xffff, v36;
	v41 =	vld.idx.msk [tilespmem:v46+s17+$0x0], $0xffff  }
0x23f: {  	v51 =	vor.u32 v13, v37;
	v54 =	vor.u32 v29, v22;
	v36 =	vld.idx.msk [tilespmem:v63+s17+$0x0], $0xffff  }
0x240: {  	v52 =	vor.u32 v27, v22;
	[tilespmem:v47+s25+$0x0] =	vst.idx.msk $0xffff, v26  }
0x241: {  	v55 =	vor.u32 v14, v32;
	v26 =	vld.idx.msk [tilespmem:v48+s17+$0x0], $0xffff  }
0x242: {  	v24 =	vor.u32 v24, v23;
	[tilespmem:v49+s25+$0x0] =	vst.idx.msk $0xffff, v31  }
0x243: {  	v57 =	vor.u32 v14, v34;
	[tilespmem:v53+s25+$0x0] =	vst.idx.msk $0xffff, v41;
	v56 =	vld.idx.msk [tilespmem:v50+s17+$0x0], $0xffff  }
0x244: {  	v25 =	vor.u32 v25, v23;
	v61 =	vor.u32 v14, v40;
	[tilespmem:v51+s25+$0x0] =	vst.idx.msk $0xffff, v36;
	v60 =	vld.idx.msk [tilespmem:v54+s17+$0x0], $0xffff  }
0x245: {  	s30 =	sadd.s32 $0x4, s7;
	v29 =	vor.u32 v29, v23;
	v59 =	vor.u32 v14, v37;
	v58 =	vld.idx.msk [tilespmem:v52+s17+$0x0], $0xffff  }
0x246: {  	v43 =	vadd.s32 s30, v0;
	s30 =	sadd.s32 $0x6, s7;
	v27 =	vor.u32 v27, v23;
	[tilespmem:v55+s25+$0x0] =	vst.idx.msk $0xffff, v26  }
0x247: {  	v62 =	vor.u32 v15, v32;
	v47 =	vadd.s32 s30, v0;
	s30 =	sadd.s32 $0x8, s7;
	v26 =	vld.idx.msk [tilespmem:v24+s17+$0x0], $0xffff;
	v24 =	vand.u32 $0x3F, v43  }
0x248: {  	s31 =	sadd.s32 $0x5, s7;
	v44 =	vor.u32 v15, v40;
	v51 =	vadd.s32 s30, v0;
	[tilespmem:v57+s25+$0x0] =	vst.idx.msk $0xffff, v56;
	v46 =	vor.u32 v24, v16  }
0x249: {  	v45 =	vadd.s32 s31, v0;
	s31 =	sadd.s32 $0x7, s7;
	v63 =	vor.u32 v15, v34;
	v31 =	vand.u32 $0x3F, v51;
	[tilespmem:v61+s25+$0x0] =	vst.idx.msk $0xffff, v60;
	v30 =	vld.idx.msk [tilespmem:v25+s17+$0x0], $0xffff  }
0x24a: {  	v49 =	vadd.s32 s31, v0;
	s31 =	sadd.s32 $0x9, s7;
	v54 =	vor.u32 v31, v16;
	[tilespmem:v59+s25+$0x0] =	vst.idx.msk $0xffff, v58;
	v29 =	vld.idx.msk [tilespmem:v29+s17+$0x0], $0xffff;
	v25 =	vand.u32 $0x3F, v45  }
0x24b: {  	v53 =	vadd.s32 s31, v0;
	v41 =	vld.idx.msk [tilespmem:v27+s17+$0x0], $0xffff;
	v27 =	vand.u32 $0x3F, v47;
	v48 =	vor.u32 v25, v16  }
0x24c: {  	v28 =	vand.u32 $0x3F, v53;
	v50 =	vor.u32 v27, v16;
	[tilespmem:v62+s25+$0x0] =	vst.idx.msk $0xffff, v26;
	v26 =	vshll.u32 v24, $0x7  }
0x24d: {  	v57 =	vor.u32 v28, v16;
	v55 =	vld.idx.msk [tilespmem:v46+s17+$0x0], $0xffff;
	v56 =	vor.u32 v0, v26  }
0x24e: {  	v42 =	vor.u32 v15, v37;
	v58 =	vor.u32 v24, v17;
	[tilespmem:v63+s25+$0x0] =	vst.idx.msk $0xffff, v30;
	v30 =	vand.u32 $0x3F, v49  }
0x24f: {  	v38 =	vld.idx.msk [tilespmem:v54+s17+$0x0], $0xffff;
	[tilespmem:v44+s25+$0x0] =	vst.idx.msk $0xffff, v29;
	v29 =	vshll.u32 v25, $0x7;
	v52 =	vor.u32 v30, v16  }
0x250: {  	v35 =	vshll.u32 v31, $0x7;
	v33 =	vshll.u32 v27, $0x7;
	v36 =	vld.idx.msk [tilespmem:v48+s17+$0x0], $0xffff;
	v59 =	vor.u32 v0, v29  }
0x251: {  	v32 =	vshll.u32 v28, $0x7;
	v45 =	vor.u32 v0, v33;
	v44 =	vor.u32 v25, v17;
	v37 =	vld.idx.msk [tilespmem:v50+s17+$0x0], $0xffff  }
0x252: {  	v46 =	vor.u32 v27, v17;
	v61 =	vld.idx.msk [tilespmem:v57+s17+$0x0], $0xffff;
	v50 =	vor.u32 v0, v35;
	[tilespmem:v56+s25+$0x0] =	vst.idx.msk $0xffff, v55  }
0x253: {  	v60 =	vor.u32 v31, v17;
	v62 =	vor.u32 v0, v32;
	[tilespmem:v42+s25+$0x0] =	vst.idx.msk $0xffff, v41;
	v42 =	vld.idx.msk [tilespmem:v58+s17+$0x0], $0xffff  }
0x254: {  	v63 =	vor.u32 v9, v26;
	v34 =	vshll.u32 v30, $0x7;
	v47 =	vld.idx.msk [tilespmem:v52+s17+$0x0], $0xffff;
	v52 =	vor.u32 v28, v17  }
0x255: {  	v53 =	vor.u32 v24, v18;
	v48 =	vor.u32 v0, v34;
	[tilespmem:v59+s25+$0x0] =	vst.idx.msk $0xffff, v36  }
0x256: {  	v49 =	vor.u32 v30, v17;
	v54 =	vor.u32 v9, v29;
	[tilespmem:v45+s25+$0x0] =	vst.idx.msk $0xffff, v37;
	v44 =	vld.idx.msk [tilespmem:v44+s17+$0x0], $0xffff  }
0x257: {  	v56 =	vor.u32 v9, v33;
	[tilespmem:v50+s25+$0x0] =	vst.idx.msk $0xffff, v38;
	v46 =	vld.idx.msk [tilespmem:v46+s17+$0x0], $0xffff  }
0x258: {  	v55 =	vor.u32 v25, v18;
	[tilespmem:v62+s25+$0x0] =	vst.idx.msk $0xffff, v61;
	v39 =	vld.idx.msk [tilespmem:v60+s17+$0x0], $0xffff;
	v60 =	vor.u32 v9, v35  }
0x259: {  	v61 =	vor.u32 v31, v18;
	[tilespmem:v63+s25+$0x0] =	vst.idx.msk $0xffff, v42;
	v63 =	vor.u32 v9, v32;
	v62 =	vld.idx.msk [tilespmem:v52+s17+$0x0], $0xffff  }
0x25a: {  	v57 =	vor.u32 v27, v18;
	[tilespmem:v48+s25+$0x0] =	vst.idx.msk $0xffff, v47;
	v37 =	vld.idx.msk [tilespmem:v53+s17+$0x0], $0xffff;
	v52 =	vor.u32 v10, v26  }
0x25b: {  	v58 =	vor.u32 v9, v34;
	v53 =	vor.u32 v28, v18;
	v49 =	vld.idx.msk [tilespmem:v49+s17+$0x0], $0xffff;
	[tilespmem:v54+s25+$0x0] =	vst.idx.msk $0xffff, v44  }
0x25c: {  	[tilespmem:v56+s25+$0x0] =	vst.idx.msk $0xffff, v46;
	v54 =	vor.u32 v24, v19  }
0x25d: {  	v59 =	vor.u32 v30, v18;
	[tilespmem:v60+s25+$0x0] =	vst.idx.msk $0xffff, v39;
	v47 =	vld.idx.msk [tilespmem:v55+s17+$0x0], $0xffff;
	v55 =	vor.u32 v10, v29  }
0x25e: {  	v56 =	vor.u32 v25, v19;
	v36 =	vld.idx.msk [tilespmem:v61+s17+$0x0], $0xffff;
	v61 =	vor.u32 v10, v35;
	[tilespmem:v63+s25+$0x0] =	vst.idx.msk $0xffff, v62  }
0x25f: {  	v38 =	vld.idx.msk [tilespmem:v57+s17+$0x0], $0xffff;
	v57 =	vor.u32 v10, v33;
	[tilespmem:v52+s25+$0x0] =	vst.idx.msk $0xffff, v37;
	v62 =	vor.u32 v31, v19  }
0x260: {  	v52 =	vor.u32 v10, v32;
	[tilespmem:v58+s25+$0x0] =	vst.idx.msk $0xffff, v49;
	v58 =	vor.u32 v27, v19;
	v63 =	vld.idx.msk [tilespmem:v53+s17+$0x0], $0xffff  }
0x261: {  	v46 =	vld.idx.msk [tilespmem:v54+s17+$0x0], $0xffff;
	v53 =	vor.u32 v11, v26;
	v54 =	vor.u32 v28, v19  }
0x262: {  	v40 =	vld.idx.msk [tilespmem:v59+s17+$0x0], $0xffff;
	v59 =	vor.u32 v10, v34;
	[tilespmem:v55+s25+$0x0] =	vst.idx.msk $0xffff, v47;
	v55 =	vor.u32 v24, v20  }
0x263: {  	v60 =	vor.u32 v30, v19;
	[tilespmem:v61+s25+$0x0] =	vst.idx.msk $0xffff, v36;
	v49 =	vld.idx.msk [tilespmem:v56+s17+$0x0], $0xffff;
	v56 =	vor.u32 v11, v29  }
0x264: {  	[tilespmem:v57+s25+$0x0] =	vst.idx.msk $0xffff, v38;
	v37 =	vld.idx.msk [tilespmem:v62+s17+$0x0], $0xffff;
	v62 =	vor.u32 v11, v35  }
0x265: {  	v57 =	vor.u32 v25, v20;
	v39 =	vld.idx.msk [tilespmem:v58+s17+$0x0], $0xffff;
	v58 =	vor.u32 v11, v33;
	[tilespmem:v52+s25+$0x0] =	vst.idx.msk $0xffff, v63  }
0x266: {  	[tilespmem:v53+s25+$0x0] =	vst.idx.msk $0xffff, v46;
	v63 =	vor.u32 v31, v20;
	v53 =	vor.u32 v11, v32;
	v52 =	vld.idx.msk [tilespmem:v54+s17+$0x0], $0xffff  }
0x267: {  	[tilespmem:v59+s25+$0x0] =	vst.idx.msk $0xffff, v40;
	v59 =	vor.u32 v27, v20;
	v38 =	vld.idx.msk [tilespmem:v55+s17+$0x0], $0xffff;
	v54 =	vor.u32 v12, v26  }
0x268: {  	v55 =	vor.u32 v28, v20;
	v42 =	vld.idx.msk [tilespmem:v60+s17+$0x0], $0xffff;
	v60 =	vor.u32 v11, v34;
	[tilespmem:v56+s25+$0x0] =	vst.idx.msk $0xffff, v49  }
0x269: {  	v61 =	vor.u32 v30, v20;
	[tilespmem:v62+s25+$0x0] =	vst.idx.msk $0xffff, v37  }
0x26a: {  	v56 =	vor.u32 v24, v21;
	v40 =	vld.idx.msk [tilespmem:v57+s17+$0x0], $0xffff;
	v57 =	vor.u32 v12, v29;
	[tilespmem:v58+s25+$0x0] =	vst.idx.msk $0xffff, v39  }
0x26b: {  	v46 =	vld.idx.msk [tilespmem:v63+s17+$0x0], $0xffff;
	v63 =	vor.u32 v12, v35;
	[tilespmem:v53+s25+$0x0] =	vst.idx.msk $0xffff, v52  }
0x26c: {  	v58 =	vor.u32 v25, v21;
	v36 =	vld.idx.msk [tilespmem:v59+s17+$0x0], $0xffff;
	v59 =	vor.u32 v12, v33;
	[tilespmem:v54+s25+$0x0] =	vst.idx.msk $0xffff, v38  }
0x26d: {  	v54 =	vor.u32 v12, v32;
	[tilespmem:v60+s25+$0x0] =	vst.idx.msk $0xffff, v42;
	v60 =	vor.u32 v27, v21;
	v53 =	vld.idx.msk [tilespmem:v55+s17+$0x0], $0xffff  }
0x26e: {  	v52 =	vor.u32 v31, v21;
	v44 =	vld.idx.msk [tilespmem:v61+s17+$0x0], $0xffff;
	v61 =	vor.u32 v12, v34  }
0x26f: {  	v39 =	vld.idx.msk [tilespmem:v56+s17+$0x0], $0xffff;
	v56 =	vor.u32 v28, v21;
	[tilespmem:v57+s25+$0x0] =	vst.idx.msk $0xffff, v40  }
0x270: {  	v62 =	vor.u32 v30, v21;
	v55 =	vor.u32 v13, v26;
	[tilespmem:v63+s25+$0x0] =	vst.idx.msk $0xffff, v46  }
0x271: {  	v57 =	vor.u32 v24, v22;
	v42 =	vld.idx.msk [tilespmem:v58+s17+$0x0], $0xffff;
	v58 =	vor.u32 v13, v29;
	[tilespmem:v59+s25+$0x0] =	vst.idx.msk $0xffff, v36  }
0x272: {  	v59 =	vor.u32 v25, v22;
	v37 =	vld.idx.msk [tilespmem:v60+s17+$0x0], $0xffff;
	v60 =	vor.u32 v13, v33;
	[tilespmem:v54+s25+$0x0] =	vst.idx.msk $0xffff, v53  }
0x273: {  	v38 =	vld.idx.msk [tilespmem:v52+s17+$0x0], $0xffff;
	[tilespmem:v61+s25+$0x0] =	vst.idx.msk $0xffff, v44;
	v61 =	vor.u32 v27, v22  }
0x274: {  	v52 =	vor.u32 v13, v35;
	v54 =	vld.idx.msk [tilespmem:v56+s17+$0x0], $0xffff  }
0x275: {  	[tilespmem:v55+s25+$0x0] =	vst.idx.msk $0xffff, v39;
	v53 =	vor.u32 v31, v22;
	v47 =	vld.idx.msk [tilespmem:v62+s17+$0x0], $0xffff;
	v62 =	vor.u32 v13, v34  }
0x276: {  	v63 =	vor.u32 v30, v22;
	v36 =	vld.idx.msk [tilespmem:v57+s17+$0x0], $0xffff;
	v56 =	vor.u32 v14, v26;
	[tilespmem:v58+s25+$0x0] =	vst.idx.msk $0xffff, v42  }
0x277: {  	v24 =	vor.u32 v24, v23;
	v58 =	vor.u32 v14, v29;
	v44 =	vld.idx.msk [tilespmem:v59+s17+$0x0], $0xffff;
	[tilespmem:v60+s25+$0x0] =	vst.idx.msk $0xffff, v37  }
0x278: {  	v25 =	vor.u32 v25, v23;
	v59 =	vor.u32 v14, v33;
	v45 =	vld.idx.msk [tilespmem:v61+s17+$0x0], $0xffff  }
0x279: {  	v55 =	vor.u32 v13, v32;
	v27 =	vor.u32 v27, v23;
	[tilespmem:v52+s25+$0x0] =	vst.idx.msk $0xffff, v38  }
0x27a: {  	v57 =	vor.u32 v28, v22;
	v38 =	vld.idx.msk [tilespmem:v53+s17+$0x0], $0xffff;
	v61 =	vor.u32 v14, v35;
	[tilespmem:v62+s25+$0x0] =	vst.idx.msk $0xffff, v47  }
0x27b: {  	v31 =	vor.u32 v31, v23;
	v60 =	vor.u32 v14, v34;
	[tilespmem:v56+s25+$0x0] =	vst.idx.msk $0xffff, v36;
	v47 =	vld.idx.msk [tilespmem:v63+s17+$0x0], $0xffff  }
0x27c: {  	v30 =	vor.u32 v30, v23;
	v26 =	vor.u32 v15, v26;
	v24 =	vld.idx.msk [tilespmem:v24+s17+$0x0], $0xffff;
	[tilespmem:v58+s25+$0x0] =	vst.idx.msk $0xffff, v44  }
0x27d: {  	v29 =	vor.u32 v15, v29;
	v25 =	vld.idx.msk [tilespmem:v25+s17+$0x0], $0xffff;
	[tilespmem:v59+s25+$0x0] =	vst.idx.msk $0xffff, v45  }
0x27e: {  	v51 =	vor.u32 v15, v32;
	v33 =	vor.u32 v15, v33;
	[tilespmem:v55+s25+$0x0] =	vst.idx.msk $0xffff, v54;
	v27 =	vld.idx.msk [tilespmem:v27+s17+$0x0], $0xffff  }
0x27f: {  	s30 =	sadd.s32 $0xA, s7;
	s31 =	sadd.s32 $0xB, s7;
	v28 =	vor.u32 v28, v23;
	v62 =	vld.idx.msk [tilespmem:v57+s17+$0x0], $0xffff;
	v63 =	vor.u32 v14, v32;
	[tilespmem:v61+s25+$0x0] =	vst.idx.msk $0xffff, v38  }
0x280: {  	v49 =	vadd.s32 s30, v0;
	s30 =	sadd.s32 $0xC, s7;
	v52 =	vadd.s32 s31, v0;
	v35 =	vor.u32 v15, v35;
	v31 =	vld.idx.msk [tilespmem:v31+s17+$0x0], $0xffff;
	[tilespmem:v60+s25+$0x0] =	vst.idx.msk $0xffff, v47  }
0x281: {  	s31 =	sadd.s32 $0xD, s7;
	v34 =	vor.u32 v15, v34;
	v53 =	vadd.s32 s30, v0;
	[tilespmem:v26+s25+$0x0] =	vst.idx.msk $0xffff, v24;
	v24 =	vand.u32 $0x3F, v49;
	v30 =	vld.idx.msk [tilespmem:v30+s17+$0x0], $0xffff  }
0x282: {  	s30 =	sadd.s32 $0xE, s7;
	v54 =	vadd.s32 s31, v0;
	v36 =	vor.u32 v24, v16;
	[tilespmem:v29+s25+$0x0] =	vst.idx.msk $0xffff, v25;
	v25 =	vand.u32 $0x3F, v52  }
0x283: {  	v56 =	vadd.s32 s30, v0;
	s31 =	sadd.s32 $0xF, s7;
	v32 =	vor.u32 v25, v16;
	[tilespmem:v33+s25+$0x0] =	vst.idx.msk $0xffff, v27;
	v27 =	vand.u32 $0x3F, v53  }
0x284: {  	v58 =	vadd.s32 s31, v0;
	[tilespmem:v63+s25+$0x0] =	vst.idx.msk $0xffff, v62;
	v29 =	vand.u32 $0x3F, v54;
	v55 =	vor.u32 v27, v16  }
0x285: {  	v62 =	vor.u32 v24, v17;
	v57 =	vor.u32 v29, v16;
	[tilespmem:v35+s25+$0x0] =	vst.idx.msk $0xffff, v31;
	v31 =	vand.u32 $0x3F, v56  }
0x286: {  	v26 =	vshll.u32 v24, $0x7;
	v50 =	vld.idx.msk [tilespmem:v28+s17+$0x0], $0xffff;
	v59 =	vor.u32 v31, v16;
	[tilespmem:v34+s25+$0x0] =	vst.idx.msk $0xffff, v30;
	v30 =	vand.u32 $0x3F, v58  }
0x287: {  	v60 =	vor.u32 v0, v26;
	v28 =	vshll.u32 v25, $0x7;
	v36 =	vld.idx.msk [tilespmem:v36+s17+$0x0], $0xffff;
	v61 =	vor.u32 v30, v16  }
0x288: {  	v42 =	vor.u32 v25, v17;
	v52 =	vor.u32 v0, v28;
	v63 =	vld.idx.msk [tilespmem:v32+s17+$0x0], $0xffff;
	v32 =	vshll.u32 v27, $0x7  }
0x289: {  	v48 =	vor.u32 v29, v17;
	v33 =	vshll.u32 v29, $0x7;
	v54 =	vor.u32 v0, v32;
	v53 =	vld.idx.msk [tilespmem:v55+s17+$0x0], $0xffff  }
0x28a: {  	v45 =	vor.u32 v27, v17;
	v56 =	vor.u32 v0, v33;
	v34 =	vshll.u32 v31, $0x7;
	v55 =	vld.idx.msk [tilespmem:v57+s17+$0x0], $0xffff  }
0x28b: {  	[tilespmem:v51+s25+$0x0] =	vst.idx.msk $0xffff, v50;
	v58 =	vor.u32 v0, v34;
	v35 =	vshll.u32 v30, $0x7;
	v57 =	vld.idx.msk [tilespmem:v59+s17+$0x0], $0xffff  }
0x28c: {  	[tilespmem:v60+s25+$0x0] =	vst.idx.msk $0xffff, v36;
	v59 =	vor.u32 v31, v17;
	v60 =	vld.idx.msk [tilespmem:v61+s17+$0x0], $0xffff;
	v61 =	vor.u32 v0, v35  }
0x28d: {  	v39 =	vld.idx.msk [tilespmem:v62+s17+$0x0], $0xffff;
	v62 =	vor.u32 v9, v26;
	[tilespmem:v52+s25+$0x0] =	vst.idx.msk $0xffff, v63;
	v63 =	vor.u32 v30, v17  }
0x28e: {  	v52 =	vor.u32 v24, v18;
	v42 =	vld.idx.msk [tilespmem:v42+s17+$0x0], $0xffff;
	[tilespmem:v54+s25+$0x0] =	vst.idx.msk $0xffff, v53;
	v53 =	vor.u32 v9, v28  }
0x28f: {  	[tilespmem:v56+s25+$0x0] =	vst.idx.msk $0xffff, v55;
	v54 =	vor.u32 v25, v18;
	v55 =	vor.u32 v9, v32;
	v45 =	vld.idx.msk [tilespmem:v45+s17+$0x0], $0xffff  }
0x290: {  	[tilespmem:v58+s25+$0x0] =	vst.idx.msk $0xffff, v57;
	v56 =	vor.u32 v27, v18;
	v57 =	vor.u32 v9, v33;
	v48 =	vld.idx.msk [tilespmem:v48+s17+$0x0], $0xffff  }
0x291: {  	v58 =	vor.u32 v29, v18;
	v36 =	vld.idx.msk [tilespmem:v59+s17+$0x0], $0xffff;
	v59 =	vor.u32 v9, v34;
	[tilespmem:v61+s25+$0x0] =	vst.idx.msk $0xffff, v60  }
0x292: {  	[tilespmem:v62+s25+$0x0] =	vst.idx.msk $0xffff, v39;
	v62 =	vor.u32 v9, v35;
	v60 =	vor.u32 v31, v18;
	v61 =	vld.idx.msk [tilespmem:v63+s17+$0x0], $0xffff  }
0x293: {  	v43 =	vld.idx.msk [tilespmem:v52+s17+$0x0], $0xffff;
	v63 =	vor.u32 v10, v26;
	v52 =	vor.u32 v30, v18;
	[tilespmem:v53+s25+$0x0] =	vst.idx.msk $0xffff, v42  }
0x294: {  	v53 =	vor.u32 v24, v19;
	[tilespmem:v55+s25+$0x0] =	vst.idx.msk $0xffff, v45;
	v46 =	vld.idx.msk [tilespmem:v54+s17+$0x0], $0xffff;
	v54 =	vor.u32 v10, v28  }
0x295: {  	[tilespmem:v57+s25+$0x0] =	vst.idx.msk $0xffff, v48;
	v55 =	vor.u32 v25, v19;
	v49 =	vld.idx.msk [tilespmem:v56+s17+$0x0], $0xffff;
	v56 =	vor.u32 v10, v32  }
0x296: {  	[tilespmem:v59+s25+$0x0] =	vst.idx.msk $0xffff, v36;
	v57 =	vor.u32 v27, v19;
	v37 =	vld.idx.msk [tilespmem:v58+s17+$0x0], $0xffff;
	v58 =	vor.u32 v10, v33  }
0x297: {  	v59 =	vor.u32 v29, v19;
	v39 =	vld.idx.msk [tilespmem:v60+s17+$0x0], $0xffff;
	v60 =	vor.u32 v10, v34;
	[tilespmem:v62+s25+$0x0] =	vst.idx.msk $0xffff, v61  }
0x298: {  	[tilespmem:v63+s25+$0x0] =	vst.idx.msk $0xffff, v43;
	v61 =	vor.u32 v31, v19;
	v63 =	vor.u32 v10, v35;
	v62 =	vld.idx.msk [tilespmem:v52+s17+$0x0], $0xffff  }
0x299: {  	v52 =	vor.u32 v11, v26;
	v45 =	vld.idx.msk [tilespmem:v53+s17+$0x0], $0xffff;
	v53 =	vor.u32 v30, v19;
	[tilespmem:v54+s25+$0x0] =	vst.idx.msk $0xffff, v46  }
0x29a: {  	v54 =	vor.u32 v24, v20;
	[tilespmem:v56+s25+$0x0] =	vst.idx.msk $0xffff, v49;
	v48 =	vld.idx.msk [tilespmem:v55+s17+$0x0], $0xffff;
	v55 =	vor.u32 v11, v28  }
0x29b: {  	[tilespmem:v58+s25+$0x0] =	vst.idx.msk $0xffff, v37;
	v56 =	vor.u32 v25, v20;
	v36 =	vld.idx.msk [tilespmem:v57+s17+$0x0], $0xffff;
	v57 =	vor.u32 v11, v32  }
0x29c: {  	[tilespmem:v60+s25+$0x0] =	vst.idx.msk $0xffff, v39;
	v58 =	vor.u32 v27, v20;
	v40 =	vld.idx.msk [tilespmem:v59+s17+$0x0], $0xffff;
	v59 =	vor.u32 v11, v33  }
0x29d: {  	v60 =	vor.u32 v29, v20;
	v42 =	vld.idx.msk [tilespmem:v61+s17+$0x0], $0xffff;
	v61 =	vor.u32 v11, v34;
	[tilespmem:v63+s25+$0x0] =	vst.idx.msk $0xffff, v62  }
0x29e: {  	v62 =	vor.u32 v31, v20;
	[tilespmem:v52+s25+$0x0] =	vst.idx.msk $0xffff, v45;
	v63 =	vld.idx.msk [tilespmem:v53+s17+$0x0], $0xffff;
	v52 =	vor.u32 v11, v35  }
0x29f: {  	v53 =	vor.u32 v12, v26;
	v49 =	vld.idx.msk [tilespmem:v54+s17+$0x0], $0xffff;
	v54 =	vor.u32 v30, v20;
	[tilespmem:v55+s25+$0x0] =	vst.idx.msk $0xffff, v48  }
0x2a0: {  	v55 =	vor.u32 v24, v21;
	[tilespmem:v57+s25+$0x0] =	vst.idx.msk $0xffff, v36;
	v37 =	vld.idx.msk [tilespmem:v56+s17+$0x0], $0xffff;
	v56 =	vor.u32 v12, v28  }
0x2a1: {  	[tilespmem:v59+s25+$0x0] =	vst.idx.msk $0xffff, v40;
	v57 =	vor.u32 v25, v21;
	v39 =	vld.idx.msk [tilespmem:v58+s17+$0x0], $0xffff;
	v58 =	vor.u32 v12, v32  }
0x2a2: {  	[tilespmem:v61+s25+$0x0] =	vst.idx.msk $0xffff, v42;
	v59 =	vor.u32 v27, v21;
	v43 =	vld.idx.msk [tilespmem:v60+s17+$0x0], $0xffff;
	v60 =	vor.u32 v12, v33  }
0x2a3: {  	v61 =	vor.u32 v29, v21;
	v45 =	vld.idx.msk [tilespmem:v62+s17+$0x0], $0xffff;
	v62 =	vor.u32 v12, v34;
	[tilespmem:v52+s25+$0x0] =	vst.idx.msk $0xffff, v63  }
0x2a4: {  	v63 =	vor.u32 v31, v21;
	[tilespmem:v53+s25+$0x0] =	vst.idx.msk $0xffff, v49;
	v52 =	vld.idx.msk [tilespmem:v54+s17+$0x0], $0xffff;
	v53 =	vor.u32 v12, v35  }
0x2a5: {  	v54 =	vor.u32 v13, v26;
	v36 =	vld.idx.msk [tilespmem:v55+s17+$0x0], $0xffff;
	v55 =	vor.u32 v30, v21;
	[tilespmem:v56+s25+$0x0] =	vst.idx.msk $0xffff, v37  }
0x2a6: {  	v56 =	vor.u32 v24, v22;
	[tilespmem:v58+s25+$0x0] =	vst.idx.msk $0xffff, v39;
	v40 =	vld.idx.msk [tilespmem:v57+s17+$0x0], $0xffff;
	v57 =	vor.u32 v13, v28  }
0x2a7: {  	[tilespmem:v60+s25+$0x0] =	vst.idx.msk $0xffff, v43;
	v58 =	vor.u32 v25, v22;
	v42 =	vld.idx.msk [tilespmem:v59+s17+$0x0], $0xffff;
	v59 =	vor.u32 v13, v32  }
0x2a8: {  	[tilespmem:v62+s25+$0x0] =	vst.idx.msk $0xffff, v45;
	v60 =	vor.u32 v27, v22;
	v46 =	vld.idx.msk [tilespmem:v61+s17+$0x0], $0xffff;
	v61 =	vor.u32 v13, v33  }
0x2a9: {  	v62 =	vor.u32 v29, v22;
	v48 =	vld.idx.msk [tilespmem:v63+s17+$0x0], $0xffff;
	v63 =	vor.u32 v13, v34;
	[tilespmem:v53+s25+$0x0] =	vst.idx.msk $0xffff, v52  }
0x2aa: {  	v51 =	vor.u32 v31, v22;
	v53 =	vor.u32 v13, v35;
	[tilespmem:v54+s25+$0x0] =	vst.idx.msk $0xffff, v36;
	v52 =	vld.idx.msk [tilespmem:v55+s17+$0x0], $0xffff  }
0x2ab: {  	v54 =	vor.u32 v14, v26;
	v55 =	vor.u32 v30, v22;
	v39 =	vld.idx.msk [tilespmem:v56+s17+$0x0], $0xffff;
	[tilespmem:v57+s25+$0x0] =	vst.idx.msk $0xffff, v40  }
0x2ac: {  	v24 =	vor.u32 v24, v23;
	v57 =	vor.u32 v14, v28;
	[tilespmem:v59+s25+$0x0] =	vst.idx.msk $0xffff, v42;
	v56 =	vld.idx.msk [tilespmem:v58+s17+$0x0], $0xffff  }
0x2ad: {  	v25 =	vor.u32 v25, v23;
	[tilespmem:v61+s25+$0x0] =	vst.idx.msk $0xffff, v46;
	v58 =	vor.u32 v14, v32;
	v44 =	vld.idx.msk [tilespmem:v60+s17+$0x0], $0xffff  }
0x2ae: {  	v27 =	vor.u32 v27, v23;
	[tilespmem:v63+s25+$0x0] =	vst.idx.msk $0xffff, v48;
	v59 =	vor.u32 v14, v33;
	v46 =	vld.idx.msk [tilespmem:v62+s17+$0x0], $0xffff  }
0x2af: {  	v29 =	vor.u32 v29, v23;
	v36 =	vld.idx.msk [tilespmem:v51+s17+$0x0], $0xffff;
	v60 =	vor.u32 v14, v34;
	[tilespmem:v53+s25+$0x0] =	vst.idx.msk $0xffff, v52  }
0x2b0: {  	v31 =	vor.u32 v31, v23;
	v61 =	vor.u32 v14, v35;
	[tilespmem:v54+s25+$0x0] =	vst.idx.msk $0xffff, v39;
	v38 =	vld.idx.msk [tilespmem:v55+s17+$0x0], $0xffff  }
0x2b1: {  	v26 =	vor.u32 v15, v26;
	v30 =	vor.u32 v30, v23;
	v24 =	vld.idx.msk [tilespmem:v24+s17+$0x0], $0xffff;
	[tilespmem:v57+s25+$0x0] =	vst.idx.msk $0xffff, v56  }
0x2b2: {  	v28 =	vor.u32 v15, v28;
	[tilespmem:v58+s25+$0x0] =	vst.idx.msk $0xffff, v44;
	v25 =	vld.idx.msk [tilespmem:v25+s17+$0x0], $0xffff  }
0x2b3: {  	v32 =	vor.u32 v15, v32;
	[tilespmem:v59+s25+$0x0] =	vst.idx.msk $0xffff, v46;
	v27 =	vld.idx.msk [tilespmem:v27+s17+$0x0], $0xffff  }
0x2b4: {  	v33 =	vor.u32 v15, v33;
	[tilespmem:v60+s25+$0x0] =	vst.idx.msk $0xffff, v36;
	v29 =	vld.idx.msk [tilespmem:v29+s17+$0x0], $0xffff  }
0x2b5: {  	v34 =	vor.u32 v15, v34;
	v31 =	vld.idx.msk [tilespmem:v31+s17+$0x0], $0xffff;
	[tilespmem:v61+s25+$0x0] =	vst.idx.msk $0xffff, v38  }
0x2b6: {  	p1 =	slt.u32 s7, $0x30;
	v63 =	vor.u32 v15, v35;
	[tilespmem:v26+s25+$0x0] =	vst.idx.msk $0xffff, v24;
	v62 =	vld.idx.msk [tilespmem:v30+s17+$0x0], $0xffff  }
.Ltmp2:
0x2b7: {  	[tilespmem:v28+s25+$0x0] =	vst.idx.msk $0xffff, v25;
	(pc) =	sbr.rel @p1 .LBB2_7-.Ltmp2, $4  }
0x2b8: {  	[tilespmem:v32+s25+$0x0] =	vst.idx.msk $0xffff, v27  }
0x2b9: {  	[tilespmem:v33+s25+$0x0] =	vst.idx.msk $0xffff, v29  }
0x2ba: {  	[tilespmem:v34+s25+$0x0] =	vst.idx.msk $0xffff, v31  }
0x2bb: {  	s7 =	sadd.s32 $0x10, s7;
	[tilespmem:v63+s25+$0x0] =	vst.idx.msk $0xffff, v62  }
0x2bc: {  	s7 =	sshll.u32 s14, $0x12  }
0x2bd: {  	s7 =	sor.u32 s4, s7  }
0x2be: {  	s7 =	sshrl.u32 s7, $0x3  }
0x2bf: {  	s7 =	sadd.s32 s1, s7  }
0x2c0: {  	[hbm4b:s7+s8] =	stream.strided.scatter [tilespmem:s25], [sflag:$0x7], $0x2000, s9, s8, $0x38;
	[tilespmem:$0x1E600] =	vst v63  }
0x2c1: {  	s7 =	simm.s32 @!p0 $0x6  }
0x2c2: {  	_ =	swait.ge @!p0 [sflag:s7], $0x2000  }
0x2c3: {  	[sflag:s7] =	ssyncset.done @!p0 $0x0  }
0x2c4: {  	[sflag:s7] =	ssyncadd.s32 @!p0 $0xFFFFE000  }
0x2c5: {  	v16 =	vld @!p0 [tilespmem:s6+$0x280];
	_ =	sdelay $0x4  }
0x2c6: {  	v16 =	vshrl.u32 @!p0 v16, $0x1  }
0x2c7: {  	[tilespmem:$0x6480] =	vst @!p0 v16  }
0x2c8: {  	v16 =	vld @!p0 [tilespmem:s6+$0x290];
	_ =	sdelay $0x4  }
0x2c9: {  	v16 =	vshrl.u32 @!p0 v16, $0x1  }
0x2ca: {  	[tilespmem:$0x6490] =	vst @!p0 v16  }
0x2cb: {  	v16 =	vld @!p0 [tilespmem:s6+$0x2A0];
	_ =	sdelay $0x4  }
0x2cc: {  	v16 =	vshrl.u32 @!p0 v16, $0x1  }
0x2cd: {  	[tilespmem:$0x64A0] =	vst @!p0 v16  }
0x2ce: {  	v16 =	vld @!p0 [tilespmem:s6+$0x2B0];
	_ =	sdelay $0x4  }
0x2cf: {  	v16 =	vshrl.u32 @!p0 v16, $0x1  }
0x2d0: {  	[tilespmem:$0x64B0] =	vst @!p0 v16  }
0x2d1: {  	v16 =	vld @!p0 [tilespmem:s6+$0x2C0];
	_ =	sdelay $0x4  }
0x2d2: {  	v16 =	vshrl.u32 @!p0 v16, $0x1  }
0x2d3: {  	[tilespmem:$0x64C0] =	vst @!p0 v16  }
0x2d4: {  	v16 =	vld @!p0 [tilespmem:s6+$0x2D0];
	_ =	sdelay $0x4  }
0x2d5: {  	v16 =	vshrl.u32 @!p0 v16, $0x1  }
0x2d6: {  	[tilespmem:$0x64D0] =	vst @!p0 v16  }
0x2d7: {  	v16 =	vld @!p0 [tilespmem:s6+$0x2E0];
	_ =	sdelay $0x4  }
0x2d8: {  	v16 =	vshrl.u32 @!p0 v16, $0x1  }
0x2d9: {  	[tilespmem:$0x64E0] =	vst @!p0 v16  }
0x2da: {  	v16 =	vld @!p0 [tilespmem:s6+$0x2F0];
	_ =	sdelay $0x4  }
0x2db: {  	v16 =	vshrl.u32 @!p0 v16, $0x1  }
0x2dc: {  	s14 =	simm.s32 @!p0 $0xA600;
	s7 =	simm.s32 @!p0 $0x6480;
	s6 =	simm.s32 @!p0 $0x80;
	[tilespmem:$0x64F0] =	vst @!p0 v16  }
0x2dd: {  	[tilespmem:s14], [sflag:$0x2] =	stream.indirect.gather @!p0 [hbm4b:s5+s6], $0x80, s7, s6, $0xb8;
	[tilespmem:$0x1E600] =	vst v63  }
0x2de: {  	_ =	swait.ge [sflag:s26], $0x4000  }
0x2df: {  	[sflag:s26] =	ssyncset.done $0x0  }
0x2e0: {  	[sflag:s26] =	ssyncadd.s32 $0xFFFFC000  }
0x2e1: {  	v16 =	vld [tilespmem:s10+$0x0]  }
0x2e2: {  	v17 =	vld [tilespmem:s10+$0x10]  }
0x2e3: {  	v18 =	vld [tilespmem:s10+$0x20]  }
0x2e4: {  	v19 =	vld [tilespmem:s10+$0x30]  }
0x2e5: {  	v20 =	vld [tilespmem:s10+$0x40]  }
0x2e6: {  	v21 =	vld [tilespmem:s10+$0x50]  }
0x2e7: {  	v22 =	vld [tilespmem:s10+$0x60]  }
0x2e8: {  	v23 =	vld [tilespmem:s10+$0x70];
	_ =	sdelay $0x2  }
0x2e9: {  	v16 =	vshll.u32 v16, $0x6;
	v17 =	vshll.u32 v17, $0x6;
	v18 =	vshll.u32 v18, $0x6  }
0x2ea: {  	v19 =	vshll.u32 v19, $0x6;
	v20 =	vshll.u32 v20, $0x6;
	v21 =	vshll.u32 v21, $0x6  }
0x2eb: {  	v22 =	vshll.u32 v22, $0x6;
	v23 =	vshll.u32 v23, $0x6;
	v16 =	vand.u32 $0x40, v16  }
0x2ec: {  	v17 =	vand.u32 $0x40, v17;
	v18 =	vand.u32 $0x40, v18;
	v19 =	vand.u32 $0x40, v19  }
0x2ed: {  	v20 =	vand.u32 $0x40, v20;
	v21 =	vand.u32 $0x40, v21;
	v22 =	vand.u32 $0x40, v22  }
0x2ee: {  	v23 =	vand.u32 $0x40, v23;
	v16 =	vor.u32 v1, v16;
	v17 =	vor.u32 v2, v17  }
0x2ef: {  	v18 =	vor.u32 v3, v18;
	v19 =	vor.u32 v4, v19;
	v20 =	vor.u32 v5, v20  }
0x2f0: {  	s6 =	simm.s32 $0x0;
	v21 =	vor.u32 v6, v21;
	v22 =	vor.u32 v7, v22;
	v23 =	vor.u32 v8, v23  }
.LBB2_9:
0x2f1: {  	s7 =	sadd.s32 $0x1, s6;
	v24 =	vor.u32 s6, v0  }
0x2f2: {  	s29 =	sadd.s32 $0x3, s6;
	v25 =	vadd.s32 s7, v0;
	v26 =	vor.u32 v24, v16  }
0x2f3: {  	s14 =	sadd.s32 $0x2, s6;
	v29 =	vadd.s32 s29, v0;
	v25 =	vand.u32 $0x3F, v25  }
0x2f4: {  	v27 =	vadd.s32 s14, v0;
	v29 =	vand.u32 $0x3F, v29;
	v28 =	vor.u32 v25, v16  }
0x2f5: {  	v27 =	vand.u32 $0x3F, v27;
	v31 =	vor.u32 v29, v16  }
0x2f6: {  	v32 =	vshll.u32 v24, $0x7;
	v30 =	vor.u32 v27, v16  }
0x2f7: {  	v33 =	vor.u32 v0, v32;
	v26 =	vld.idx.msk [tilespmem:v26+s21+$0x0], $0xffff  }
0x2f8: {  	v35 =	vor.u32 v24, v17;
	v34 =	vshll.u32 v25, $0x7  }
0x2f9: {  	v40 =	vshll.u32 v29, $0x7;
	v36 =	vor.u32 v0, v34;
	v28 =	vld.idx.msk [tilespmem:v28+s21+$0x0], $0xffff  }
0x2fa: {  	v37 =	vshll.u32 v27, $0x7;
	v38 =	vor.u32 v25, v17;
	v42 =	vor.u32 v0, v40;
	v31 =	vld.idx.msk [tilespmem:v31+s21+$0x0], $0xffff  }
0x2fb: {  	v43 =	vor.u32 v29, v17;
	v39 =	vor.u32 v0, v37;
	v30 =	vld.idx.msk [tilespmem:v30+s21+$0x0], $0xffff  }
0x2fc: {  	v41 =	vor.u32 v27, v17;
	[tilespmem:v33+s28+$0x0] =	vst.idx.msk $0xffff, v26  }
0x2fd: {  	v48 =	vor.u32 v9, v32;
	v26 =	vld.idx.msk [tilespmem:v35+s21+$0x0], $0xffff  }
0x2fe: {  	v49 =	vor.u32 v24, v18;
	[tilespmem:v36+s28+$0x0] =	vst.idx.msk $0xffff, v28  }
0x2ff: {  	v51 =	vor.u32 v9, v34;
	[tilespmem:v42+s28+$0x0] =	vst.idx.msk $0xffff, v31;
	v50 =	vld.idx.msk [tilespmem:v38+s21+$0x0], $0xffff  }
0x300: {  	v52 =	vor.u32 v25, v18;
	v57 =	vor.u32 v9, v40;
	[tilespmem:v39+s28+$0x0] =	vst.idx.msk $0xffff, v30;
	v56 =	vld.idx.msk [tilespmem:v43+s21+$0x0], $0xffff  }
0x301: {  	v58 =	vor.u32 v29, v18;
	v54 =	vor.u32 v9, v37;
	v53 =	vld.idx.msk [tilespmem:v41+s21+$0x0], $0xffff  }
0x302: {  	v55 =	vor.u32 v27, v18;
	[tilespmem:v48+s28+$0x0] =	vst.idx.msk $0xffff, v26  }
0x303: {  	v59 =	vor.u32 v10, v32;
	v26 =	vld.idx.msk [tilespmem:v49+s21+$0x0], $0xffff  }
0x304: {  	v60 =	vor.u32 v24, v19;
	[tilespmem:v51+s28+$0x0] =	vst.idx.msk $0xffff, v50  }
0x305: {  	v61 =	vor.u32 v10, v34;
	[tilespmem:v57+s28+$0x0] =	vst.idx.msk $0xffff, v56;
	v30 =	vld.idx.msk [tilespmem:v52+s21+$0x0], $0xffff  }
0x306: {  	v62 =	vor.u32 v25, v19;
	v46 =	vor.u32 v10, v40;
	[tilespmem:v54+s28+$0x0] =	vst.idx.msk $0xffff, v53;
	v41 =	vld.idx.msk [tilespmem:v58+s21+$0x0], $0xffff  }
0x307: {  	v47 =	vor.u32 v29, v19;
	v63 =	vor.u32 v10, v37;
	v31 =	vld.idx.msk [tilespmem:v55+s21+$0x0], $0xffff  }
0x308: {  	v45 =	vor.u32 v27, v19;
	[tilespmem:v59+s28+$0x0] =	vst.idx.msk $0xffff, v26  }
0x309: {  	v48 =	vor.u32 v11, v32;
	v26 =	vld.idx.msk [tilespmem:v60+s21+$0x0], $0xffff  }
0x30a: {  	v49 =	vor.u32 v24, v20;
	[tilespmem:v61+s28+$0x0] =	vst.idx.msk $0xffff, v30  }
0x30b: {  	v51 =	vor.u32 v11, v34;
	[tilespmem:v46+s28+$0x0] =	vst.idx.msk $0xffff, v41;
	v50 =	vld.idx.msk [tilespmem:v62+s21+$0x0], $0xffff  }
0x30c: {  	v56 =	vor.u32 v11, v40;
	v52 =	vor.u32 v25, v20;
	[tilespmem:v63+s28+$0x0] =	vst.idx.msk $0xffff, v31;
	v41 =	vld.idx.msk [tilespmem:v47+s21+$0x0], $0xffff  }
0x30d: {  	v54 =	vor.u32 v11, v37;
	v57 =	vor.u32 v29, v20;
	v53 =	vld.idx.msk [tilespmem:v45+s21+$0x0], $0xffff  }
0x30e: {  	v55 =	vor.u32 v27, v20;
	[tilespmem:v48+s28+$0x0] =	vst.idx.msk $0xffff, v26  }
0x30f: {  	v58 =	vor.u32 v12, v32;
	v26 =	vld.idx.msk [tilespmem:v49+s21+$0x0], $0xffff  }
0x310: {  	v59 =	vor.u32 v24, v21;
	[tilespmem:v51+s28+$0x0] =	vst.idx.msk $0xffff, v50  }
0x311: {  	v60 =	vor.u32 v12, v34;
	[tilespmem:v56+s28+$0x0] =	vst.idx.msk $0xffff, v41;
	v31 =	vld.idx.msk [tilespmem:v52+s21+$0x0], $0xffff  }
0x312: {  	v61 =	vor.u32 v25, v21;
	v45 =	vor.u32 v12, v40;
	[tilespmem:v54+s28+$0x0] =	vst.idx.msk $0xffff, v53;
	v41 =	vld.idx.msk [tilespmem:v57+s21+$0x0], $0xffff  }
0x313: {  	v46 =	vor.u32 v29, v21;
	v62 =	vor.u32 v12, v37;
	v36 =	vld.idx.msk [tilespmem:v55+s21+$0x0], $0xffff  }
0x314: {  	v63 =	vor.u32 v27, v21;
	[tilespmem:v58+s28+$0x0] =	vst.idx.msk $0xffff, v26  }
0x315: {  	v47 =	vor.u32 v13, v32;
	v26 =	vld.idx.msk [tilespmem:v59+s21+$0x0], $0xffff  }
0x316: {  	v48 =	vor.u32 v24, v22;
	[tilespmem:v60+s28+$0x0] =	vst.idx.msk $0xffff, v31  }
0x317: {  	v49 =	vor.u32 v13, v34;
	[tilespmem:v45+s28+$0x0] =	vst.idx.msk $0xffff, v41;
	v31 =	vld.idx.msk [tilespmem:v61+s21+$0x0], $0xffff  }
0x318: {  	v50 =	vor.u32 v25, v22;
	v53 =	vor.u32 v13, v40;
	[tilespmem:v62+s28+$0x0] =	vst.idx.msk $0xffff, v36;
	v41 =	vld.idx.msk [tilespmem:v46+s21+$0x0], $0xffff  }
0x319: {  	v51 =	vor.u32 v13, v37;
	v54 =	vor.u32 v29, v22;
	v36 =	vld.idx.msk [tilespmem:v63+s21+$0x0], $0xffff  }
0x31a: {  	v52 =	vor.u32 v27, v22;
	[tilespmem:v47+s28+$0x0] =	vst.idx.msk $0xffff, v26  }
0x31b: {  	v55 =	vor.u32 v14, v32;
	v26 =	vld.idx.msk [tilespmem:v48+s21+$0x0], $0xffff  }
0x31c: {  	v24 =	vor.u32 v24, v23;
	[tilespmem:v49+s28+$0x0] =	vst.idx.msk $0xffff, v31  }
0x31d: {  	v57 =	vor.u32 v14, v34;
	[tilespmem:v53+s28+$0x0] =	vst.idx.msk $0xffff, v41;
	v56 =	vld.idx.msk [tilespmem:v50+s21+$0x0], $0xffff  }
0x31e: {  	v25 =	vor.u32 v25, v23;
	v61 =	vor.u32 v14, v40;
	[tilespmem:v51+s28+$0x0] =	vst.idx.msk $0xffff, v36;
	v60 =	vld.idx.msk [tilespmem:v54+s21+$0x0], $0xffff  }
0x31f: {  	s30 =	sadd.s32 $0x4, s6;
	v29 =	vor.u32 v29, v23;
	v59 =	vor.u32 v14, v37;
	v58 =	vld.idx.msk [tilespmem:v52+s21+$0x0], $0xffff  }
0x320: {  	v43 =	vadd.s32 s30, v0;
	v27 =	vor.u32 v27, v23;
	[tilespmem:v55+s28+$0x0] =	vst.idx.msk $0xffff, v26  }
0x321: {  	s29 =	sadd.s32 $0x8, s6;
	v62 =	vor.u32 v15, v32;
	v26 =	vld.idx.msk [tilespmem:v24+s21+$0x0], $0xffff;
	v24 =	vand.u32 $0x3F, v43  }
0x322: {  	s31 =	sadd.s32 $0x5, s6;
	v44 =	vor.u32 v15, v40;
	v51 =	vadd.s32 s29, v0;
	[tilespmem:v57+s28+$0x0] =	vst.idx.msk $0xffff, v56;
	v46 =	vor.u32 v24, v16  }
0x323: {  	s10 =	sadd.s32 $0x6, s6;
	v45 =	vadd.s32 s31, v0;
	v63 =	vor.u32 v15, v34;
	v31 =	vand.u32 $0x3F, v51;
	[tilespmem:v61+s28+$0x0] =	vst.idx.msk $0xffff, v60;
	v30 =	vld.idx.msk [tilespmem:v25+s21+$0x0], $0xffff  }
0x324: {  	s30 =	sadd.s32 $0x9, s6;
	v47 =	vadd.s32 s10, v0;
	v54 =	vor.u32 v31, v16;
	[tilespmem:v59+s28+$0x0] =	vst.idx.msk $0xffff, v58;
	v29 =	vld.idx.msk [tilespmem:v29+s21+$0x0], $0xffff;
	v25 =	vand.u32 $0x3F, v45  }
0x325: {  	v53 =	vadd.s32 s30, v0;
	v41 =	vld.idx.msk [tilespmem:v27+s21+$0x0], $0xffff;
	v27 =	vand.u32 $0x3F, v47;
	v48 =	vor.u32 v25, v16  }
0x326: {  	s14 =	sadd.s32 $0x7, s6;
	v28 =	vand.u32 $0x3F, v53;
	v50 =	vor.u32 v27, v16;
	[tilespmem:v62+s28+$0x0] =	vst.idx.msk $0xffff, v26;
	v26 =	vshll.u32 v24, $0x7  }
0x327: {  	v49 =	vadd.s32 s14, v0;
	v57 =	vor.u32 v28, v16;
	v55 =	vld.idx.msk [tilespmem:v46+s21+$0x0], $0xffff;
	v56 =	vor.u32 v0, v26  }
0x328: {  	v42 =	vor.u32 v15, v37;
	v58 =	vor.u32 v24, v17;
	[tilespmem:v63+s28+$0x0] =	vst.idx.msk $0xffff, v30;
	v30 =	vand.u32 $0x3F, v49  }
0x329: {  	v38 =	vld.idx.msk [tilespmem:v54+s21+$0x0], $0xffff;
	[tilespmem:v44+s28+$0x0] =	vst.idx.msk $0xffff, v29;
	v29 =	vshll.u32 v25, $0x7;
	v52 =	vor.u32 v30, v16  }
0x32a: {  	v35 =	vshll.u32 v31, $0x7;
	v33 =	vshll.u32 v27, $0x7;
	v36 =	vld.idx.msk [tilespmem:v48+s21+$0x0], $0xffff;
	v59 =	vor.u32 v0, v29  }
0x32b: {  	v32 =	vshll.u32 v28, $0x7;
	v45 =	vor.u32 v0, v33;
	v44 =	vor.u32 v25, v17;
	v37 =	vld.idx.msk [tilespmem:v50+s21+$0x0], $0xffff  }
0x32c: {  	v46 =	vor.u32 v27, v17;
	v61 =	vld.idx.msk [tilespmem:v57+s21+$0x0], $0xffff;
	v50 =	vor.u32 v0, v35;
	[tilespmem:v56+s28+$0x0] =	vst.idx.msk $0xffff, v55  }
0x32d: {  	v60 =	vor.u32 v31, v17;
	v62 =	vor.u32 v0, v32;
	[tilespmem:v42+s28+$0x0] =	vst.idx.msk $0xffff, v41;
	v42 =	vld.idx.msk [tilespmem:v58+s21+$0x0], $0xffff  }
0x32e: {  	v63 =	vor.u32 v9, v26;
	v34 =	vshll.u32 v30, $0x7;
	v47 =	vld.idx.msk [tilespmem:v52+s21+$0x0], $0xffff;
	v52 =	vor.u32 v28, v17  }
0x32f: {  	v53 =	vor.u32 v24, v18;
	v48 =	vor.u32 v0, v34;
	[tilespmem:v59+s28+$0x0] =	vst.idx.msk $0xffff, v36  }
0x330: {  	v49 =	vor.u32 v30, v17;
	v54 =	vor.u32 v9, v29;
	[tilespmem:v45+s28+$0x0] =	vst.idx.msk $0xffff, v37;
	v44 =	vld.idx.msk [tilespmem:v44+s21+$0x0], $0xffff  }
0x331: {  	v56 =	vor.u32 v9, v33;
	[tilespmem:v50+s28+$0x0] =	vst.idx.msk $0xffff, v38;
	v46 =	vld.idx.msk [tilespmem:v46+s21+$0x0], $0xffff  }
0x332: {  	v55 =	vor.u32 v25, v18;
	[tilespmem:v62+s28+$0x0] =	vst.idx.msk $0xffff, v61;
	v39 =	vld.idx.msk [tilespmem:v60+s21+$0x0], $0xffff;
	v60 =	vor.u32 v9, v35  }
0x333: {  	v61 =	vor.u32 v31, v18;
	[tilespmem:v63+s28+$0x0] =	vst.idx.msk $0xffff, v42;
	v63 =	vor.u32 v9, v32;
	v62 =	vld.idx.msk [tilespmem:v52+s21+$0x0], $0xffff  }
0x334: {  	v57 =	vor.u32 v27, v18;
	[tilespmem:v48+s28+$0x0] =	vst.idx.msk $0xffff, v47;
	v37 =	vld.idx.msk [tilespmem:v53+s21+$0x0], $0xffff;
	v52 =	vor.u32 v10, v26  }
0x335: {  	v58 =	vor.u32 v9, v34;
	v53 =	vor.u32 v28, v18;
	v49 =	vld.idx.msk [tilespmem:v49+s21+$0x0], $0xffff;
	[tilespmem:v54+s28+$0x0] =	vst.idx.msk $0xffff, v44  }
0x336: {  	[tilespmem:v56+s28+$0x0] =	vst.idx.msk $0xffff, v46;
	v54 =	vor.u32 v24, v19  }
0x337: {  	v59 =	vor.u32 v30, v18;
	[tilespmem:v60+s28+$0x0] =	vst.idx.msk $0xffff, v39;
	v47 =	vld.idx.msk [tilespmem:v55+s21+$0x0], $0xffff;
	v55 =	vor.u32 v10, v29  }
0x338: {  	v56 =	vor.u32 v25, v19;
	v36 =	vld.idx.msk [tilespmem:v61+s21+$0x0], $0xffff;
	v61 =	vor.u32 v10, v35;
	[tilespmem:v63+s28+$0x0] =	vst.idx.msk $0xffff, v62  }
0x339: {  	v38 =	vld.idx.msk [tilespmem:v57+s21+$0x0], $0xffff;
	v57 =	vor.u32 v10, v33;
	[tilespmem:v52+s28+$0x0] =	vst.idx.msk $0xffff, v37;
	v62 =	vor.u32 v31, v19  }
0x33a: {  	v52 =	vor.u32 v10, v32;
	[tilespmem:v58+s28+$0x0] =	vst.idx.msk $0xffff, v49;
	v58 =	vor.u32 v27, v19;
	v63 =	vld.idx.msk [tilespmem:v53+s21+$0x0], $0xffff  }
0x33b: {  	v46 =	vld.idx.msk [tilespmem:v54+s21+$0x0], $0xffff;
	v53 =	vor.u32 v11, v26;
	v54 =	vor.u32 v28, v19  }
0x33c: {  	v40 =	vld.idx.msk [tilespmem:v59+s21+$0x0], $0xffff;
	v59 =	vor.u32 v10, v34;
	[tilespmem:v55+s28+$0x0] =	vst.idx.msk $0xffff, v47;
	v55 =	vor.u32 v24, v20  }
0x33d: {  	v60 =	vor.u32 v30, v19;
	[tilespmem:v61+s28+$0x0] =	vst.idx.msk $0xffff, v36;
	v49 =	vld.idx.msk [tilespmem:v56+s21+$0x0], $0xffff;
	v56 =	vor.u32 v11, v29  }
0x33e: {  	[tilespmem:v57+s28+$0x0] =	vst.idx.msk $0xffff, v38;
	v37 =	vld.idx.msk [tilespmem:v62+s21+$0x0], $0xffff;
	v62 =	vor.u32 v11, v35  }
0x33f: {  	v57 =	vor.u32 v25, v20;
	v39 =	vld.idx.msk [tilespmem:v58+s21+$0x0], $0xffff;
	v58 =	vor.u32 v11, v33;
	[tilespmem:v52+s28+$0x0] =	vst.idx.msk $0xffff, v63  }
0x340: {  	[tilespmem:v53+s28+$0x0] =	vst.idx.msk $0xffff, v46;
	v63 =	vor.u32 v31, v20;
	v53 =	vor.u32 v11, v32;
	v52 =	vld.idx.msk [tilespmem:v54+s21+$0x0], $0xffff  }
0x341: {  	[tilespmem:v59+s28+$0x0] =	vst.idx.msk $0xffff, v40;
	v59 =	vor.u32 v27, v20;
	v38 =	vld.idx.msk [tilespmem:v55+s21+$0x0], $0xffff;
	v54 =	vor.u32 v12, v26  }
0x342: {  	v55 =	vor.u32 v28, v20;
	v42 =	vld.idx.msk [tilespmem:v60+s21+$0x0], $0xffff;
	v60 =	vor.u32 v11, v34;
	[tilespmem:v56+s28+$0x0] =	vst.idx.msk $0xffff, v49  }
0x343: {  	v61 =	vor.u32 v30, v20;
	[tilespmem:v62+s28+$0x0] =	vst.idx.msk $0xffff, v37  }
0x344: {  	v56 =	vor.u32 v24, v21;
	v40 =	vld.idx.msk [tilespmem:v57+s21+$0x0], $0xffff;
	v57 =	vor.u32 v12, v29;
	[tilespmem:v58+s28+$0x0] =	vst.idx.msk $0xffff, v39  }
0x345: {  	v46 =	vld.idx.msk [tilespmem:v63+s21+$0x0], $0xffff;
	v63 =	vor.u32 v12, v35;
	[tilespmem:v53+s28+$0x0] =	vst.idx.msk $0xffff, v52  }
0x346: {  	v58 =	vor.u32 v25, v21;
	v36 =	vld.idx.msk [tilespmem:v59+s21+$0x0], $0xffff;
	v59 =	vor.u32 v12, v33;
	[tilespmem:v54+s28+$0x0] =	vst.idx.msk $0xffff, v38  }
0x347: {  	v54 =	vor.u32 v12, v32;
	[tilespmem:v60+s28+$0x0] =	vst.idx.msk $0xffff, v42;
	v60 =	vor.u32 v27, v21;
	v53 =	vld.idx.msk [tilespmem:v55+s21+$0x0], $0xffff  }
0x348: {  	v52 =	vor.u32 v31, v21;
	v44 =	vld.idx.msk [tilespmem:v61+s21+$0x0], $0xffff;
	v61 =	vor.u32 v12, v34  }
0x349: {  	v39 =	vld.idx.msk [tilespmem:v56+s21+$0x0], $0xffff;
	v56 =	vor.u32 v28, v21;
	[tilespmem:v57+s28+$0x0] =	vst.idx.msk $0xffff, v40  }
0x34a: {  	v62 =	vor.u32 v30, v21;
	v55 =	vor.u32 v13, v26;
	[tilespmem:v63+s28+$0x0] =	vst.idx.msk $0xffff, v46  }
0x34b: {  	v57 =	vor.u32 v24, v22;
	v42 =	vld.idx.msk [tilespmem:v58+s21+$0x0], $0xffff;
	v58 =	vor.u32 v13, v29;
	[tilespmem:v59+s28+$0x0] =	vst.idx.msk $0xffff, v36  }
0x34c: {  	v59 =	vor.u32 v25, v22;
	v37 =	vld.idx.msk [tilespmem:v60+s21+$0x0], $0xffff;
	v60 =	vor.u32 v13, v33;
	[tilespmem:v54+s28+$0x0] =	vst.idx.msk $0xffff, v53  }
0x34d: {  	v38 =	vld.idx.msk [tilespmem:v52+s21+$0x0], $0xffff;
	[tilespmem:v61+s28+$0x0] =	vst.idx.msk $0xffff, v44;
	v61 =	vor.u32 v27, v22  }
0x34e: {  	v52 =	vor.u32 v13, v35;
	v54 =	vld.idx.msk [tilespmem:v56+s21+$0x0], $0xffff  }
0x34f: {  	[tilespmem:v55+s28+$0x0] =	vst.idx.msk $0xffff, v39;
	v53 =	vor.u32 v31, v22;
	v47 =	vld.idx.msk [tilespmem:v62+s21+$0x0], $0xffff;
	v62 =	vor.u32 v13, v34  }
0x350: {  	v63 =	vor.u32 v30, v22;
	v36 =	vld.idx.msk [tilespmem:v57+s21+$0x0], $0xffff;
	v56 =	vor.u32 v14, v26;
	[tilespmem:v58+s28+$0x0] =	vst.idx.msk $0xffff, v42  }
0x351: {  	v24 =	vor.u32 v24, v23;
	v58 =	vor.u32 v14, v29;
	v44 =	vld.idx.msk [tilespmem:v59+s21+$0x0], $0xffff;
	[tilespmem:v60+s28+$0x0] =	vst.idx.msk $0xffff, v37  }
0x352: {  	v25 =	vor.u32 v25, v23;
	v59 =	vor.u32 v14, v33;
	v45 =	vld.idx.msk [tilespmem:v61+s21+$0x0], $0xffff  }
0x353: {  	v55 =	vor.u32 v13, v32;
	v27 =	vor.u32 v27, v23;
	[tilespmem:v52+s28+$0x0] =	vst.idx.msk $0xffff, v38  }
0x354: {  	v57 =	vor.u32 v28, v22;
	v38 =	vld.idx.msk [tilespmem:v53+s21+$0x0], $0xffff;
	v61 =	vor.u32 v14, v35;
	[tilespmem:v62+s28+$0x0] =	vst.idx.msk $0xffff, v47  }
0x355: {  	v31 =	vor.u32 v31, v23;
	v60 =	vor.u32 v14, v34;
	[tilespmem:v56+s28+$0x0] =	vst.idx.msk $0xffff, v36;
	v47 =	vld.idx.msk [tilespmem:v63+s21+$0x0], $0xffff  }
0x356: {  	v30 =	vor.u32 v30, v23;
	v26 =	vor.u32 v15, v26;
	v24 =	vld.idx.msk [tilespmem:v24+s21+$0x0], $0xffff;
	[tilespmem:v58+s28+$0x0] =	vst.idx.msk $0xffff, v44  }
0x357: {  	v29 =	vor.u32 v15, v29;
	v25 =	vld.idx.msk [tilespmem:v25+s21+$0x0], $0xffff;
	[tilespmem:v59+s28+$0x0] =	vst.idx.msk $0xffff, v45  }
0x358: {  	v51 =	vor.u32 v15, v32;
	v33 =	vor.u32 v15, v33;
	[tilespmem:v55+s28+$0x0] =	vst.idx.msk $0xffff, v54;
	v27 =	vld.idx.msk [tilespmem:v27+s21+$0x0], $0xffff  }
0x359: {  	s31 =	sadd.s32 $0xA, s6;
	s10 =	sadd.s32 $0xB, s6;
	v28 =	vor.u32 v28, v23;
	v62 =	vld.idx.msk [tilespmem:v57+s21+$0x0], $0xffff;
	v63 =	vor.u32 v14, v32;
	[tilespmem:v61+s28+$0x0] =	vst.idx.msk $0xffff, v38  }
0x35a: {  	s14 =	sadd.s32 $0xC, s6;
	v49 =	vadd.s32 s31, v0;
	v52 =	vadd.s32 s10, v0;
	v35 =	vor.u32 v15, v35;
	v31 =	vld.idx.msk [tilespmem:v31+s21+$0x0], $0xffff;
	[tilespmem:v60+s28+$0x0] =	vst.idx.msk $0xffff, v47  }
0x35b: {  	s29 =	sadd.s32 $0xD, s6;
	v34 =	vor.u32 v15, v34;
	v53 =	vadd.s32 s14, v0;
	[tilespmem:v26+s28+$0x0] =	vst.idx.msk $0xffff, v24;
	v24 =	vand.u32 $0x3F, v49;
	v30 =	vld.idx.msk [tilespmem:v30+s21+$0x0], $0xffff  }
0x35c: {  	s30 =	sadd.s32 $0xE, s6;
	v54 =	vadd.s32 s29, v0;
	v36 =	vor.u32 v24, v16;
	[tilespmem:v29+s28+$0x0] =	vst.idx.msk $0xffff, v25;
	v25 =	vand.u32 $0x3F, v52  }
0x35d: {  	s31 =	sadd.s32 $0xF, s6;
	v56 =	vadd.s32 s30, v0;
	v32 =	vor.u32 v25, v16;
	[tilespmem:v33+s28+$0x0] =	vst.idx.msk $0xffff, v27;
	v27 =	vand.u32 $0x3F, v53  }
0x35e: {  	v58 =	vadd.s32 s31, v0;
	[tilespmem:v63+s28+$0x0] =	vst.idx.msk $0xffff, v62;
	v29 =	vand.u32 $0x3F, v54;
	v55 =	vor.u32 v27, v16  }
0x35f: {  	v62 =	vor.u32 v24, v17;
	v57 =	vor.u32 v29, v16;
	[tilespmem:v35+s28+$0x0] =	vst.idx.msk $0xffff, v31;
	v31 =	vand.u32 $0x3F, v56  }
0x360: {  	v26 =	vshll.u32 v24, $0x7;
	v50 =	vld.idx.msk [tilespmem:v28+s21+$0x0], $0xffff;
	v59 =	vor.u32 v31, v16;
	[tilespmem:v34+s28+$0x0] =	vst.idx.msk $0xffff, v30;
	v30 =	vand.u32 $0x3F, v58  }
0x361: {  	v60 =	vor.u32 v0, v26;
	v28 =	vshll.u32 v25, $0x7;
	v36 =	vld.idx.msk [tilespmem:v36+s21+$0x0], $0xffff;
	v61 =	vor.u32 v30, v16  }
0x362: {  	v42 =	vor.u32 v25, v17;
	v52 =	vor.u32 v0, v28;
	v63 =	vld.idx.msk [tilespmem:v32+s21+$0x0], $0xffff;
	v32 =	vshll.u32 v27, $0x7  }
0x363: {  	v48 =	vor.u32 v29, v17;
	v33 =	vshll.u32 v29, $0x7;
	v54 =	vor.u32 v0, v32;
	v53 =	vld.idx.msk [tilespmem:v55+s21+$0x0], $0xffff  }
0x364: {  	v45 =	vor.u32 v27, v17;
	v56 =	vor.u32 v0, v33;
	v34 =	vshll.u32 v31, $0x7;
	v55 =	vld.idx.msk [tilespmem:v57+s21+$0x0], $0xffff  }
0x365: {  	[tilespmem:v51+s28+$0x0] =	vst.idx.msk $0xffff, v50;
	v58 =	vor.u32 v0, v34;
	v35 =	vshll.u32 v30, $0x7;
	v57 =	vld.idx.msk [tilespmem:v59+s21+$0x0], $0xffff  }
0x366: {  	[tilespmem:v60+s28+$0x0] =	vst.idx.msk $0xffff, v36;
	v59 =	vor.u32 v31, v17;
	v60 =	vld.idx.msk [tilespmem:v61+s21+$0x0], $0xffff;
	v61 =	vor.u32 v0, v35  }
0x367: {  	v39 =	vld.idx.msk [tilespmem:v62+s21+$0x0], $0xffff;
	v62 =	vor.u32 v9, v26;
	[tilespmem:v52+s28+$0x0] =	vst.idx.msk $0xffff, v63;
	v63 =	vor.u32 v30, v17  }
0x368: {  	v52 =	vor.u32 v24, v18;
	v42 =	vld.idx.msk [tilespmem:v42+s21+$0x0], $0xffff;
	[tilespmem:v54+s28+$0x0] =	vst.idx.msk $0xffff, v53;
	v53 =	vor.u32 v9, v28  }
0x369: {  	[tilespmem:v56+s28+$0x0] =	vst.idx.msk $0xffff, v55;
	v54 =	vor.u32 v25, v18;
	v55 =	vor.u32 v9, v32;
	v45 =	vld.idx.msk [tilespmem:v45+s21+$0x0], $0xffff  }
0x36a: {  	[tilespmem:v58+s28+$0x0] =	vst.idx.msk $0xffff, v57;
	v56 =	vor.u32 v27, v18;
	v57 =	vor.u32 v9, v33;
	v48 =	vld.idx.msk [tilespmem:v48+s21+$0x0], $0xffff  }
0x36b: {  	v58 =	vor.u32 v29, v18;
	v36 =	vld.idx.msk [tilespmem:v59+s21+$0x0], $0xffff;
	v59 =	vor.u32 v9, v34;
	[tilespmem:v61+s28+$0x0] =	vst.idx.msk $0xffff, v60  }
0x36c: {  	[tilespmem:v62+s28+$0x0] =	vst.idx.msk $0xffff, v39;
	v62 =	vor.u32 v9, v35;
	v60 =	vor.u32 v31, v18;
	v61 =	vld.idx.msk [tilespmem:v63+s21+$0x0], $0xffff  }
0x36d: {  	v43 =	vld.idx.msk [tilespmem:v52+s21+$0x0], $0xffff;
	v63 =	vor.u32 v10, v26;
	v52 =	vor.u32 v30, v18;
	[tilespmem:v53+s28+$0x0] =	vst.idx.msk $0xffff, v42  }
0x36e: {  	v53 =	vor.u32 v24, v19;
	[tilespmem:v55+s28+$0x0] =	vst.idx.msk $0xffff, v45;
	v46 =	vld.idx.msk [tilespmem:v54+s21+$0x0], $0xffff;
	v54 =	vor.u32 v10, v28  }
0x36f: {  	[tilespmem:v57+s28+$0x0] =	vst.idx.msk $0xffff, v48;
	v55 =	vor.u32 v25, v19;
	v49 =	vld.idx.msk [tilespmem:v56+s21+$0x0], $0xffff;
	v56 =	vor.u32 v10, v32  }
0x370: {  	[tilespmem:v59+s28+$0x0] =	vst.idx.msk $0xffff, v36;
	v57 =	vor.u32 v27, v19;
	v37 =	vld.idx.msk [tilespmem:v58+s21+$0x0], $0xffff;
	v58 =	vor.u32 v10, v33  }
0x371: {  	v59 =	vor.u32 v29, v19;
	v39 =	vld.idx.msk [tilespmem:v60+s21+$0x0], $0xffff;
	v60 =	vor.u32 v10, v34;
	[tilespmem:v62+s28+$0x0] =	vst.idx.msk $0xffff, v61  }
0x372: {  	[tilespmem:v63+s28+$0x0] =	vst.idx.msk $0xffff, v43;
	v61 =	vor.u32 v31, v19;
	v63 =	vor.u32 v10, v35;
	v62 =	vld.idx.msk [tilespmem:v52+s21+$0x0], $0xffff  }
0x373: {  	v52 =	vor.u32 v11, v26;
	v45 =	vld.idx.msk [tilespmem:v53+s21+$0x0], $0xffff;
	v53 =	vor.u32 v30, v19;
	[tilespmem:v54+s28+$0x0] =	vst.idx.msk $0xffff, v46  }
0x374: {  	v54 =	vor.u32 v24, v20;
	[tilespmem:v56+s28+$0x0] =	vst.idx.msk $0xffff, v49;
	v48 =	vld.idx.msk [tilespmem:v55+s21+$0x0], $0xffff;
	v55 =	vor.u32 v11, v28  }
0x375: {  	[tilespmem:v58+s28+$0x0] =	vst.idx.msk $0xffff, v37;
	v56 =	vor.u32 v25, v20;
	v36 =	vld.idx.msk [tilespmem:v57+s21+$0x0], $0xffff;
	v57 =	vor.u32 v11, v32  }
0x376: {  	[tilespmem:v60+s28+$0x0] =	vst.idx.msk $0xffff, v39;
	v58 =	vor.u32 v27, v20;
	v40 =	vld.idx.msk [tilespmem:v59+s21+$0x0], $0xffff;
	v59 =	vor.u32 v11, v33  }
0x377: {  	v60 =	vor.u32 v29, v20;
	v42 =	vld.idx.msk [tilespmem:v61+s21+$0x0], $0xffff;
	v61 =	vor.u32 v11, v34;
	[tilespmem:v63+s28+$0x0] =	vst.idx.msk $0xffff, v62  }
0x378: {  	v62 =	vor.u32 v31, v20;
	[tilespmem:v52+s28+$0x0] =	vst.idx.msk $0xffff, v45;
	v63 =	vld.idx.msk [tilespmem:v53+s21+$0x0], $0xffff;
	v52 =	vor.u32 v11, v35  }
0x379: {  	v53 =	vor.u32 v12, v26;
	v49 =	vld.idx.msk [tilespmem:v54+s21+$0x0], $0xffff;
	v54 =	vor.u32 v30, v20;
	[tilespmem:v55+s28+$0x0] =	vst.idx.msk $0xffff, v48  }
0x37a: {  	v55 =	vor.u32 v24, v21;
	[tilespmem:v57+s28+$0x0] =	vst.idx.msk $0xffff, v36;
	v37 =	vld.idx.msk [tilespmem:v56+s21+$0x0], $0xffff;
	v56 =	vor.u32 v12, v28  }
0x37b: {  	[tilespmem:v59+s28+$0x0] =	vst.idx.msk $0xffff, v40;
	v57 =	vor.u32 v25, v21;
	v39 =	vld.idx.msk [tilespmem:v58+s21+$0x0], $0xffff;
	v58 =	vor.u32 v12, v32  }
0x37c: {  	[tilespmem:v61+s28+$0x0] =	vst.idx.msk $0xffff, v42;
	v59 =	vor.u32 v27, v21;
	v43 =	vld.idx.msk [tilespmem:v60+s21+$0x0], $0xffff;
	v60 =	vor.u32 v12, v33  }
0x37d: {  	v61 =	vor.u32 v29, v21;
	v45 =	vld.idx.msk [tilespmem:v62+s21+$0x0], $0xffff;
	v62 =	vor.u32 v12, v34;
	[tilespmem:v52+s28+$0x0] =	vst.idx.msk $0xffff, v63  }
0x37e: {  	v63 =	vor.u32 v31, v21;
	[tilespmem:v53+s28+$0x0] =	vst.idx.msk $0xffff, v49;
	v52 =	vld.idx.msk [tilespmem:v54+s21+$0x0], $0xffff;
	v53 =	vor.u32 v12, v35  }
0x37f: {  	v54 =	vor.u32 v13, v26;
	v36 =	vld.idx.msk [tilespmem:v55+s21+$0x0], $0xffff;
	v55 =	vor.u32 v30, v21;
	[tilespmem:v56+s28+$0x0] =	vst.idx.msk $0xffff, v37  }
0x380: {  	v56 =	vor.u32 v24, v22;
	[tilespmem:v58+s28+$0x0] =	vst.idx.msk $0xffff, v39;
	v40 =	vld.idx.msk [tilespmem:v57+s21+$0x0], $0xffff;
	v57 =	vor.u32 v13, v28  }
0x381: {  	[tilespmem:v60+s28+$0x0] =	vst.idx.msk $0xffff, v43;
	v58 =	vor.u32 v25, v22;
	v42 =	vld.idx.msk [tilespmem:v59+s21+$0x0], $0xffff;
	v59 =	vor.u32 v13, v32  }
0x382: {  	[tilespmem:v62+s28+$0x0] =	vst.idx.msk $0xffff, v45;
	v60 =	vor.u32 v27, v22;
	v46 =	vld.idx.msk [tilespmem:v61+s21+$0x0], $0xffff;
	v61 =	vor.u32 v13, v33  }
0x383: {  	v62 =	vor.u32 v29, v22;
	v48 =	vld.idx.msk [tilespmem:v63+s21+$0x0], $0xffff;
	v63 =	vor.u32 v13, v34;
	[tilespmem:v53+s28+$0x0] =	vst.idx.msk $0xffff, v52  }
0x384: {  	v51 =	vor.u32 v31, v22;
	v53 =	vor.u32 v13, v35;
	[tilespmem:v54+s28+$0x0] =	vst.idx.msk $0xffff, v36;
	v52 =	vld.idx.msk [tilespmem:v55+s21+$0x0], $0xffff  }
0x385: {  	v54 =	vor.u32 v14, v26;
	v55 =	vor.u32 v30, v22;
	v39 =	vld.idx.msk [tilespmem:v56+s21+$0x0], $0xffff;
	[tilespmem:v57+s28+$0x0] =	vst.idx.msk $0xffff, v40  }
0x386: {  	v24 =	vor.u32 v24, v23;
	v57 =	vor.u32 v14, v28;
	[tilespmem:v59+s28+$0x0] =	vst.idx.msk $0xffff, v42;
	v56 =	vld.idx.msk [tilespmem:v58+s21+$0x0], $0xffff  }
0x387: {  	v25 =	vor.u32 v25, v23;
	[tilespmem:v61+s28+$0x0] =	vst.idx.msk $0xffff, v46;
	v58 =	vor.u32 v14, v32;
	v44 =	vld.idx.msk [tilespmem:v60+s21+$0x0], $0xffff  }
0x388: {  	v27 =	vor.u32 v27, v23;
	[tilespmem:v63+s28+$0x0] =	vst.idx.msk $0xffff, v48;
	v59 =	vor.u32 v14, v33;
	v46 =	vld.idx.msk [tilespmem:v62+s21+$0x0], $0xffff  }
0x389: {  	v29 =	vor.u32 v29, v23;
	v36 =	vld.idx.msk [tilespmem:v51+s21+$0x0], $0xffff;
	v60 =	vor.u32 v14, v34;
	[tilespmem:v53+s28+$0x0] =	vst.idx.msk $0xffff, v52  }
0x38a: {  	v31 =	vor.u32 v31, v23;
	v61 =	vor.u32 v14, v35;
	[tilespmem:v54+s28+$0x0] =	vst.idx.msk $0xffff, v39;
	v38 =	vld.idx.msk [tilespmem:v55+s21+$0x0], $0xffff  }
0x38b: {  	v26 =	vor.u32 v15, v26;
	v30 =	vor.u32 v30, v23;
	v24 =	vld.idx.msk [tilespmem:v24+s21+$0x0], $0xffff;
	[tilespmem:v57+s28+$0x0] =	vst.idx.msk $0xffff, v56  }
0x38c: {  	v28 =	vor.u32 v15, v28;
	[tilespmem:v58+s28+$0x0] =	vst.idx.msk $0xffff, v44;
	v25 =	vld.idx.msk [tilespmem:v25+s21+$0x0], $0xffff  }
0x38d: {  	v32 =	vor.u32 v15, v32;
	[tilespmem:v59+s28+$0x0] =	vst.idx.msk $0xffff, v46;
	v27 =	vld.idx.msk [tilespmem:v27+s21+$0x0], $0xffff  }
0x38e: {  	v33 =	vor.u32 v15, v33;
	[tilespmem:v60+s28+$0x0] =	vst.idx.msk $0xffff, v36;
	v29 =	vld.idx.msk [tilespmem:v29+s21+$0x0], $0xffff  }
0x38f: {  	v34 =	vor.u32 v15, v34;
	v31 =	vld.idx.msk [tilespmem:v31+s21+$0x0], $0xffff;
	[tilespmem:v61+s28+$0x0] =	vst.idx.msk $0xffff, v38  }
0x390: {  	p0 =	slt.u32 s6, $0x30;
	v63 =	vor.u32 v15, v35;
	[tilespmem:v26+s28+$0x0] =	vst.idx.msk $0xffff, v24;
	v62 =	vld.idx.msk [tilespmem:v30+s21+$0x0], $0xffff  }
.Ltmp3:
0x391: {  	[tilespmem:v28+s28+$0x0] =	vst.idx.msk $0xffff, v25;
	(pc) =	sbr.rel @p0 .LBB2_9-.Ltmp3, $4  }
0x392: {  	[tilespmem:v32+s28+$0x0] =	vst.idx.msk $0xffff, v27  }
0x393: {  	[tilespmem:v33+s28+$0x0] =	vst.idx.msk $0xffff, v29  }
0x394: {  	[tilespmem:v34+s28+$0x0] =	vst.idx.msk $0xffff, v31  }
0x395: {  	s6 =	sadd.s32 $0x10, s6;
	[tilespmem:v63+s28+$0x0] =	vst.idx.msk $0xffff, v62  }
0x396: {  	s12 =	sadd.s32 $0x1, s12  }
0x397: {  	p0 =	sne.s32 s12, $0x32  }
.Ltmp4:
0x398: {  	s3 =	sshll.u32 s3, $0x12;
	(pc) =	sbr.rel @p0 .LBB2_2-.Ltmp4, $4  }
0x399: {  	s3 =	sor.u32 s4, s3  }
0x39a: {  	s3 =	sshrl.u32 s3, $0x3  }
0x39b: {  	s3 =	sadd.s32 s1, s3  }
0x39c: {  	[hbm4b:s3+s8] =	stream.strided.scatter [tilespmem:s28], [sflag:$0x8], $0x2000, s9, s8, $0x38;
	[tilespmem:$0x1E600] =	vst v63  }
0x39d: {  	s3 =	simm.s32 $0x5  }
0x39e: {  	_ =	swait.ge [sflag:s3], $0x2000  }
0x39f: {  	[sflag:s3] =	ssyncset.done $0x0  }
0x3a0: {  	s29 =	simm.s32 $0x6;
	[sflag:s3] =	ssyncadd.s32 $0xFFFFE000  }
0x3a1: {  	_ =	swait.ge [sflag:s29], $0x2000  }
0x3a2: {  	[sflag:s29] =	ssyncset.done $0x0  }
0x3a3: {  	s30 =	simm.s32 $0x7;
	[sflag:s29] =	ssyncadd.s32 $0xFFFFE000  }
0x3a4: {  	_ =	swait.ge [sflag:s30], $0x2000  }
0x3a5: {  	[sflag:s30] =	ssyncset.done $0x0  }
0x3a6: {  	[sflag:s30] =	ssyncadd.s32 $0xFFFFE000  }
0x3a7: {  	_ =	swait.ge [sflag:s0], $0x2000  }
0x3a8: {  	s2 =	sadd.s32 $0x1, s2;
	s31 =	rddreg [dreg:$0x5]  }
0x3a9: {  	p0 =	sne.s32 s2, s31  }
.Ltmp5:
0x3aa: {  	_ = 	snop;
	(pc) =	sbr.rel @p0 .LBB2_1-.Ltmp5, $3  }
0x3ab: {  	_ =	sdelay $0x1  }
0x3ac: {  	[sflag:s0] =	ssyncset.done $0x0  }
0x3ad: {  	[sflag:s0] =	ssyncadd.s32 $0xFFFFE000  }
0x3ae: {  	_ =	sfence.sel $0x180000  }
0x3af: {  	[bflag:$0x0] =	sbarrier.arrive $0xFFFF  }
0x3b0: {  	_ =	strace $0x9000004A  }
0x3b1: {  	s0 =	stileid.u32;
	[bflag:$0x2] =	sbarrier.arrive $0xFFFF  }
0x3b2: {  	p0 =	sne.s32 s0, $0x0;
	s0 =	rddreg [dreg:$0x3]  }
0x3b3: {  	s0 =	sadd.s32 @!p0 $0x100000, s0  }
0x3b4: {  	[sflag:s0] =	ssyncadd.tile.s32 @!p0 $0x1;
	_ =	shalt  }
.Lfunc_end2:
_tile_overlayer_lowered:
.L_overlay_start_2:
0x3b5: {  	(tag) =	ssettag $0x2  }
0x3b6: {  	s0 =	rddreg [dreg:$0x0];
	s2 =	stileid.u32  }
0x3b7: {  	s1 =	rddreg [dreg:$0x1];
	p0 =	sne.s32 s2, $0x0  }
0x3b8: {  	s3 =	rddreg [dreg:$0x2];
	[bflag:$0x3] =	sbarrier.arrive $0xFFFF;
	s2 =	simm.s32 @!p0 $0x1C09  }
0x3b9: {  	[timem:s3], [sflag:s2] =	dma.local @!p0 [hbm:s0], s1  }
0x3ba: {  	s0 =	simm.s32 @!p0 $0x9  }
0x3bb: {  	_ =	swait.ge @!p0 [sflag:s0], s1  }
0x3bc: {  	s1 =	ssub.s32 @!p0 $0x0, s1;
	[sflag:s0] =	ssyncset.done @!p0 $0x0  }
0x3bd: {  	[sflag:s0] =	ssyncadd.s32 @!p0 s1  }
0x3be: {  	[bflag:$0x3] =	sbarrier.arrive $0xFFFF  }
0x3bf: {  	_ =	shalt  }

</sc_bundles>
